<compile_context>
chip_gen: v7x
topology: tpu7x:2x2x1
jax: 0.10.2.dev20260603
libtpu: 0.0.44.dev20260713+nightly
codegen_flags: <defaults>
</compile_context>

<pallas_src>
import functools

import jax
import jax.numpy as jnp
from jax import lax
from jax.experimental import pallas as pl
from jax.experimental.pallas import tpu as pltpu
from jax.experimental.pallas import tpu_sc as plsc

PAD_ID_K = 0
D_K = 64
SCALE_K = float(D_K) ** 0.5

NC_K = 2
NS_K = 16
NW_K = NC_K * NS_K
NB_K = 4096
NJ_K = 200
V_K = 1000000
BW_K = NB_K // NW_K
NBUF_K = 5
PIT_K = 129
GS_K = 64


def _emb_body(ids_hbm, tab_hbm, out_hbm, ids_v, gbufs, obufs, sem_g, sem_o):
    wid = lax.axis_index("s") * NC_K + lax.axis_index("c")
    b0 = wid * BW_K
    pltpu.sync_copy(ids_hbm.at[:, pl.ds(b0, BW_K)], ids_v)

    iota = lax.iota(jnp.int32, 16)
    zero16 = jnp.zeros((16,), jnp.int32)
    chi = [lax.shift_right_logical(iota + (g * 16), 3) for g in range(4)]
    clo = [(iota + (g * 16)) & 7 for g in range(4)]

    def pre_body(j, c):
        for g in range(BW_K // 16):
            iv = ids_v[j, pl.ds(g * 16, 16)]
            ids_v[j, pl.ds(g * 16, 16)] = jnp.where(iv != PAD_ID_K, iv + iv, 1)
        return c

    lax.fori_loop(0, NJ_K, pre_body, 0)

    def gather_cps(j, bb):
        return [
            pltpu.make_async_copy(
                tab_hbm.at[ids_v.at[j, pl.ds(h * GS_K, GS_K)]],
                gbufs[bb].at[pl.ds(h * GS_K, GS_K)],
                sem_g.at[bb],
            )
            for h in range(BW_K // GS_K)
        ]

    def gather_start(j, bb):
        for cp in gather_cps(j, bb):
            cp.start()

    def gather_wait(j, bb):
        for cp in gather_cps(j, bb):
            cp.wait()

    def scatter_cp(j, bb):
        return pltpu.make_async_copy(
            obufs[bb].at[:, :, pl.ds(0, 128)], out_hbm.at[j, :, wid], sem_o.at[bb]
        )

    def compute(j, bb):
        gbuf, obuf = gbufs[bb], obufs[bb]

        def row_body(b, c):
            bs = zero16 + b
            for g in range(4):
                v = gbuf[b, pl.ds(g * 16, 16)] * jnp.float32(SCALE_K)
                plsc.store_scatter(obuf, [chi[g], clo[g], bs], v)
            return c

        lax.fori_loop(0, BW_K, row_body, 0)

    for bb in range(NBUF_K):
        gather_start(bb, bb)
    for bb in range(NBUF_K):
        gather_wait(bb, bb)
        compute(bb, bb)
        scatter_cp(bb, bb).start()
        gather_start(bb + NBUF_K, bb)

    def ring_body(p, carry):
        for bb in range(NBUF_K):
            j = p * NBUF_K + bb
            gather_wait(j, bb)
            scatter_cp(j - NBUF_K, bb).wait()
            compute(j, bb)
            scatter_cp(j, bb).start()
            gather_start(j + NBUF_K, bb)
        return carry

    lax.fori_loop(1, NJ_K // NBUF_K - 1, ring_body, 0)

    for bb in range(NBUF_K):
        j = NJ_K - NBUF_K + bb
        gather_wait(j, bb)
        scatter_cp(j - NBUF_K, bb).wait()
        compute(j, bb)
        scatter_cp(j, bb).start()
    for bb in range(NBUF_K):
        scatter_cp(NJ_K - NBUF_K + bb, bb).wait()


def _body_wrap(ids_hbm, tab_hbm, out_hbm, ids_v, g0, g1, g2, g3, g4,
               o0, o1, o2, o3, o4, sem_g, sem_o):
    _emb_body(ids_hbm, tab_hbm, out_hbm, ids_v,
              [g0, g1, g2, g3, g4], [o0, o1, o2, o3, o4], sem_g, sem_o)


_emb = functools.partial(
    pl.kernel,
    out_type=jax.ShapeDtypeStruct((NJ_K, 8, NW_K, 8, 128), jnp.float32),
    mesh=plsc.VectorSubcoreMesh(core_axis_name="c", subcore_axis_name="s"),
    scratch_types=[
        pltpu.VMEM((NJ_K, BW_K), jnp.int32),
    ] + [pltpu.VMEM((BW_K, D_K), jnp.float32) for _ in range(NBUF_K)]
      + [pltpu.VMEM((8, 8, PIT_K), jnp.float32) for _ in range(NBUF_K)]
      + [
        pltpu.SemaphoreType.DMA((NBUF_K,)),
        pltpu.SemaphoreType.DMA((NBUF_K,)),
    ],
    compiler_params=pltpu.CompilerParams(
        needs_layout_passes=False, use_tc_tiling_on_sc=False
    ),
)(_body_wrap)


@jax.jit
def kernel(input, lookup_table):
    ids_t = input.T.astype(jnp.int32)
    tabp = jnp.concatenate(
        [lookup_table, jnp.zeros_like(lookup_table)], axis=1
    )
    tab2 = tabp.reshape(2 * V_K, D_K)
    out5 = _emb(ids_t, tab2)
    return out5.transpose(2, 4, 0, 1, 3).reshape(NB_K, NJ_K, D_K)

# --- scband reference (transcript-rebuilt; emitter-appended) ---
"""Pipeline reference for scband-token-embedding-45629732552835 (READ-ONLY COPY).

The authoritative reference and input builder live on the scoring server;
editing this copy changes nothing except your own understanding.
"""

import jax, jax.numpy as jnp
import numpy as np

PAD_ID = 0
VOCAB_SIZE = 1000000
EMBEDDING_DIM = 64

def setup_inputs(seed: int = 0) -> dict:
    key = jax.random.key(seed)
    k1, k2 = jax.random.split(key)
    inp = jax.random.randint(k1, (4096, 200), 0, VOCAB_SIZE, dtype=jnp.int64 if jax.config.jax_enable_x64 else jnp.int32)
    lookup_table = jax.random.normal(k2, (VOCAB_SIZE, EMBEDDING_DIM), dtype=jnp.float32) * (EMBEDDING_DIM ** -0.5)
    return {"input": inp, "lookup_table": lookup_table}

def reference(input, lookup_table):
    mask = (input != PAD_ID).astype(jnp.float32)
    embedding = jnp.take(lookup_table, input, axis=0)
    embedding = embedding * mask[..., None]
    return embedding * (EMBEDDING_DIM ** 0.5)

if __name__ == "__main__":
    import jax
    _d = setup_inputs()
    print(jax.jit(kernel)(*tuple(_d.values())))

</pallas_src>

<mosaic_0001>
#map = affine_map<(d0, d1) -> (0, 0)>
#map1 = affine_map<(d0, d1) -> (0, 0, 0, 0, 0)>
module attributes {stable_mosaic.version = 14 : i64} {
  func.func @_body_wrap(%arg0: i32, %arg1: i32, %arg2: memref<200x4096xi32, #tpu.memory_space<hbm>>, %arg3: memref<2000000x64xf32, #tpu.memory_space<hbm>>, %arg4: memref<200x8x32x8x128xf32, #tpu.memory_space<hbm>>, %arg5: memref<200x128xi32, #tpu.memory_space<vmem>>, %arg6: memref<128x64xf32, #tpu.memory_space<vmem>>, %arg7: memref<128x64xf32, #tpu.memory_space<vmem>>, %arg8: memref<128x64xf32, #tpu.memory_space<vmem>>, %arg9: memref<128x64xf32, #tpu.memory_space<vmem>>, %arg10: memref<128x64xf32, #tpu.memory_space<vmem>>, %arg11: memref<8x8x129xf32, #tpu.memory_space<vmem>>, %arg12: memref<8x8x129xf32, #tpu.memory_space<vmem>>, %arg13: memref<8x8x129xf32, #tpu.memory_space<vmem>>, %arg14: memref<8x8x129xf32, #tpu.memory_space<vmem>>, %arg15: memref<8x8x129xf32, #tpu.memory_space<vmem>>, %arg16: memref<5x!tpu.dma_semaphore, #tpu.memory_space<semaphore_mem>>, %arg17: memref<5x!tpu.dma_semaphore, #tpu.memory_space<semaphore_mem>>) attributes {dimension_semantics = [#tpu.dimension_semantics<core_parallel>, #tpu.dimension_semantics<subcore_parallel>], iteration_bounds = array<i64: 2, 16>, scalar_prefetch = 0 : i64, scratch_operands = 13 : i64, tpu.core_type = #tpu.core_type<sc_vector_subcore>, window_params = [{transform_indices = #map}, {transform_indices = #map}, {transform_indices = #map1}]} {
    %mul3A = arith.constant 2 : i32
    %mul3A_0 = arith.muli %arg1, %mul3A : i32
    %add3A = arith.addi %mul3A_0, %arg0 : i32
    %mul3A_1 = arith.constant 128 : i32
    %mul3A_2 = arith.muli %add3A, %mul3A_1 : i32
    "tpu.region"() ({
      %run_scoped3A = tpu.sem_alloc : memref<!tpu.dma_semaphore, #tpu.memory_space<semaphore_mem>>
      %dma_start3A_1079 = arith.constant 0 : i32
      %dma_start3A_1080 = tpu.memref_slice %arg2[%dma_start3A_1079, %mul3A_2] : memref<200x4096xi32, #tpu.memory_space<hbm>> -> memref<200x128xi32, #tpu.memory_space<hbm>>
      %dma_start3A_1081 = arith.constant 0 : i32
      %dma_start3A_1082 = tpu.memref_slice %arg2[%dma_start3A_1081, %mul3A_2] : memref<200x4096xi32, #tpu.memory_space<hbm>> -> memref<200x128xi32, #tpu.memory_space<hbm>>
      tpu.enqueue_dma source(%dma_start3A_1082 : memref<200x128xi32, #tpu.memory_space<hbm>>) target(%arg5 : memref<200x128xi32, #tpu.memory_space<vmem>>) target_semaphore(%run_scoped3A : memref<!tpu.dma_semaphore, #tpu.memory_space<semaphore_mem>>)
      %dma_wait3A_1083 = arith.constant 0 : i32
      %dma_wait3A_1084 = tpu.memref_slice %arg2[%dma_wait3A_1083, %mul3A_2] : memref<200x4096xi32, #tpu.memory_space<hbm>> -> memref<200x128xi32, #tpu.memory_space<hbm>>
      %dma_wait3A_1085 = arith.constant 0 : i32
      %dma_wait3A_1086 = tpu.memref_slice %arg2[%dma_wait3A_1085, %mul3A_2] : memref<200x4096xi32, #tpu.memory_space<hbm>> -> memref<200x128xi32, #tpu.memory_space<hbm>>
      tpu.wait_dma2 semaphore(%run_scoped3A : memref<!tpu.dma_semaphore, #tpu.memory_space<semaphore_mem>>) src(%dma_wait3A_1086 : memref<200x128xi32, #tpu.memory_space<hbm>>) dst(%arg5 : memref<200x128xi32, #tpu.memory_space<vmem>>)
      tpu.yield
    }) : () -> ()
    %iota3A = tpu.iota {dimensions = array<i32: 0>} : vector<16xi32>
    %broadcast_in_dim3A = arith.constant 0 : i32
    %broadcast_in_dim3A_3 = vector.broadcast %broadcast_in_dim3A : i32 to vector<16xi32>
    %add3A_4 = arith.constant 0 : i32
    %add3A_5 = vector.broadcast %add3A_4 : i32 to vector<16xi32>
    %add3A_6 = arith.addi %iota3A, %add3A_5 : vector<16xi32>
    %shift_right_logical3A = arith.constant 3 : i32
    %shift_right_logical3A_7 = vector.broadcast %shift_right_logical3A : i32 to vector<16xi32>
    %shift_right_logical3A_8 = arith.shrui %add3A_6, %shift_right_logical3A_7 : vector<16xi32>
    %add3A_9 = arith.constant 16 : i32
    %add3A_10 = vector.broadcast %add3A_9 : i32 to vector<16xi32>
    %add3A_11 = arith.addi %iota3A, %add3A_10 : vector<16xi32>
    %shift_right_logical3A_12 = arith.constant 3 : i32
    %shift_right_logical3A_13 = vector.broadcast %shift_right_logical3A_12 : i32 to vector<16xi32>
    %shift_right_logical3A_14 = arith.shrui %add3A_11, %shift_right_logical3A_13 : vector<16xi32>
    %add3A_15 = arith.constant 32 : i32
    %add3A_16 = vector.broadcast %add3A_15 : i32 to vector<16xi32>
    %add3A_17 = arith.addi %iota3A, %add3A_16 : vector<16xi32>
    %shift_right_logical3A_18 = arith.constant 3 : i32
    %shift_right_logical3A_19 = vector.broadcast %shift_right_logical3A_18 : i32 to vector<16xi32>
    %shift_right_logical3A_20 = arith.shrui %add3A_17, %shift_right_logical3A_19 : vector<16xi32>
    %add3A_21 = arith.constant 48 : i32
    %add3A_22 = vector.broadcast %add3A_21 : i32 to vector<16xi32>
    %add3A_23 = arith.addi %iota3A, %add3A_22 : vector<16xi32>
    %shift_right_logical3A_24 = arith.constant 3 : i32
    %shift_right_logical3A_25 = vector.broadcast %shift_right_logical3A_24 : i32 to vector<16xi32>
    %shift_right_logical3A_26 = arith.shrui %add3A_23, %shift_right_logical3A_25 : vector<16xi32>
    %add3A_27 = arith.constant 0 : i32
    %add3A_28 = vector.broadcast %add3A_27 : i32 to vector<16xi32>
    %add3A_29 = arith.addi %iota3A, %add3A_28 : vector<16xi32>
    %and3A = arith.constant 7 : i32
    %and3A_30 = vector.broadcast %and3A : i32 to vector<16xi32>
    %and3A_31 = arith.andi %add3A_29, %and3A_30 : vector<16xi32>
    %add3A_32 = arith.constant 16 : i32
    %add3A_33 = vector.broadcast %add3A_32 : i32 to vector<16xi32>
    %add3A_34 = arith.addi %iota3A, %add3A_33 : vector<16xi32>
    %and3A_35 = arith.constant 7 : i32
    %and3A_36 = vector.broadcast %and3A_35 : i32 to vector<16xi32>
    %and3A_37 = arith.andi %add3A_34, %and3A_36 : vector<16xi32>
    %add3A_38 = arith.constant 32 : i32
    %add3A_39 = vector.broadcast %add3A_38 : i32 to vector<16xi32>
    %add3A_40 = arith.addi %iota3A, %add3A_39 : vector<16xi32>
    %and3A_41 = arith.constant 7 : i32
    %and3A_42 = vector.broadcast %and3A_41 : i32 to vector<16xi32>
    %and3A_43 = arith.andi %add3A_40, %and3A_42 : vector<16xi32>
    %add3A_44 = arith.constant 48 : i32
    %add3A_45 = vector.broadcast %add3A_44 : i32 to vector<16xi32>
    %add3A_46 = arith.addi %iota3A, %add3A_45 : vector<16xi32>
    %and3A_47 = arith.constant 7 : i32
    %and3A_48 = vector.broadcast %and3A_47 : i32 to vector<16xi32>
    %and3A_49 = arith.andi %add3A_46, %and3A_48 : vector<16xi32>
    %scan3A = arith.constant 0 : i32
    %scan3A_50 = arith.constant 0 : i32
    %scan3A_51 = arith.constant 200 : i32
    %scan3A_52 = arith.addi %scan3A_50, %scan3A_51 : i32
    %scan3A_53 = arith.constant 1 : i32
    scf.for %scan3A_1079 = %scan3A_50 to %scan3A_52 step %scan3A_53  : i32 {
      %get3A = arith.index_cast %scan3A_1079 : i32 to index
      %get3A_1080 = arith.constant 0 : index
      %get3A_1081 = tpu.vector_load %arg5[%get3A, %get3A_1080] {strides = array<i32>} : memref<200x128xi32, #tpu.memory_space<vmem>>, vector<16xi32>,
      %ne3A = arith.constant 0 : i32
      %ne3A_1082 = vector.broadcast %ne3A : i32 to vector<16xi32>
      %ne3A_1083 = arith.cmpi ne, %get3A_1081, %ne3A_1082 : vector<16xi32>
      %add3A_1084 = arith.addi %get3A_1081, %get3A_1081 : vector<16xi32>
      %jit3A = arith.constant 1 : i32
      %broadcast_in_dim3A_1085 = vector.broadcast %jit3A : i32 to vector<16xi32>
      %select_n3A = arith.select %ne3A_1083, %add3A_1084, %broadcast_in_dim3A_1085 : vector<16xi1>, vector<16xi32>
      %swap3A = arith.index_cast %scan3A_1079 : i32 to index
      %swap3A_1086 = arith.constant 0 : index
      %swap3A_1087 = tpu.vector_load %arg5[%swap3A, %swap3A_1086] {strides = array<i32>} : memref<200x128xi32, #tpu.memory_space<vmem>>, vector<16xi32>,
      tpu.vector_store %arg5[%swap3A, %swap3A_1086], %select_n3A {strides = array<i32>} : memref<200x128xi32, #tpu.memory_space<vmem>>, vector<16xi32>,
      %get3A_1088 = arith.index_cast %scan3A_1079 : i32 to index
      %get3A_1089 = arith.constant 16 : index
      %get3A_1090 = tpu.vector_load %arg5[%get3A_1088, %get3A_1089] {strides = array<i32>} : memref<200x128xi32, #tpu.memory_space<vmem>>, vector<16xi32>,
      %ne3A_1091 = arith.constant 0 : i32
      %ne3A_1092 = vector.broadcast %ne3A_1091 : i32 to vector<16xi32>
      %ne3A_1093 = arith.cmpi ne, %get3A_1090, %ne3A_1092 : vector<16xi32>
      %add3A_1094 = arith.addi %get3A_1090, %get3A_1090 : vector<16xi32>
      %jit3A_1095 = arith.constant 1 : i32
      %broadcast_in_dim3A_1096 = vector.broadcast %jit3A_1095 : i32 to vector<16xi32>
      %select_n3A_1097 = arith.select %ne3A_1093, %add3A_1094, %broadcast_in_dim3A_1096 : vector<16xi1>, vector<16xi32>
      %swap3A_1098 = arith.index_cast %scan3A_1079 : i32 to index
      %swap3A_1099 = arith.constant 16 : index
      %swap3A_1100 = tpu.vector_load %arg5[%swap3A_1098, %swap3A_1099] {strides = array<i32>} : memref<200x128xi32, #tpu.memory_space<vmem>>, vector<16xi32>,
      tpu.vector_store %arg5[%swap3A_1098, %swap3A_1099], %select_n3A_1097 {strides = array<i32>} : memref<200x128xi32, #tpu.memory_space<vmem>>, vector<16xi32>,
      %get3A_1101 = arith.index_cast %scan3A_1079 : i32 to index
      %get3A_1102 = arith.constant 32 : index
      %get3A_1103 = tpu.vector_load %arg5[%get3A_1101, %get3A_1102] {strides = array<i32>} : memref<200x128xi32, #tpu.memory_space<vmem>>, vector<16xi32>,
      %ne3A_1104 = arith.constant 0 : i32
      %ne3A_1105 = vector.broadcast %ne3A_1104 : i32 to vector<16xi32>
      %ne3A_1106 = arith.cmpi ne, %get3A_1103, %ne3A_1105 : vector<16xi32>
      %add3A_1107 = arith.addi %get3A_1103, %get3A_1103 : vector<16xi32>
      %jit3A_1108 = arith.constant 1 : i32
      %broadcast_in_dim3A_1109 = vector.broadcast %jit3A_1108 : i32 to vector<16xi32>
      %select_n3A_1110 = arith.select %ne3A_1106, %add3A_1107, %broadcast_in_dim3A_1109 : vector<16xi1>, vector<16xi32>
      %swap3A_1111 = arith.index_cast %scan3A_1079 : i32 to index
      %swap3A_1112 = arith.constant 32 : index
      %swap3A_1113 = tpu.vector_load %arg5[%swap3A_1111, %swap3A_1112] {strides = array<i32>} : memref<200x128xi32, #tpu.memory_space<vmem>>, vector<16xi32>,
      tpu.vector_store %arg5[%swap3A_1111, %swap3A_1112], %select_n3A_1110 {strides = array<i32>} : memref<200x128xi32, #tpu.memory_space<vmem>>, vector<16xi32>,
      %get3A_1114 = arith.index_cast %scan3A_1079 : i32 to index
      %get3A_1115 = arith.constant 48 : index
      %get3A_1116 = tpu.vector_load %arg5[%get3A_1114, %get3A_1115] {strides = array<i32>} : memref<200x128xi32, #tpu.memory_space<vmem>>, vector<16xi32>,
      %ne3A_1117 = arith.constant 0 : i32
      %ne3A_1118 = vector.broadcast %ne3A_1117 : i32 to vector<16xi32>
      %ne3A_1119 = arith.cmpi ne, %get3A_1116, %ne3A_1118 : vector<16xi32>
      %add3A_1120 = arith.addi %get3A_1116, %get3A_1116 : vector<16xi32>
      %jit3A_1121 = arith.constant 1 : i32
      %broadcast_in_dim3A_1122 = vector.broadcast %jit3A_1121 : i32 to vector<16xi32>
      %select_n3A_1123 = arith.select %ne3A_1119, %add3A_1120, %broadcast_in_dim3A_1122 : vector<16xi1>, vector<16xi32>
      %swap3A_1124 = arith.index_cast %scan3A_1079 : i32 to index
      %swap3A_1125 = arith.constant 48 : index
      %swap3A_1126 = tpu.vector_load %arg5[%swap3A_1124, %swap3A_1125] {strides = array<i32>} : memref<200x128xi32, #tpu.memory_space<vmem>>, vector<16xi32>,
      tpu.vector_store %arg5[%swap3A_1124, %swap3A_1125], %select_n3A_1123 {strides = array<i32>} : memref<200x128xi32, #tpu.memory_space<vmem>>, vector<16xi32>,
      %get3A_1127 = arith.index_cast %scan3A_1079 : i32 to index
      %get3A_1128 = arith.constant 64 : index
      %get3A_1129 = tpu.vector_load %arg5[%get3A_1127, %get3A_1128] {strides = array<i32>} : memref<200x128xi32, #tpu.memory_space<vmem>>, vector<16xi32>,
      %ne3A_1130 = arith.constant 0 : i32
      %ne3A_1131 = vector.broadcast %ne3A_1130 : i32 to vector<16xi32>
      %ne3A_1132 = arith.cmpi ne, %get3A_1129, %ne3A_1131 : vector<16xi32>
      %add3A_1133 = arith.addi %get3A_1129, %get3A_1129 : vector<16xi32>
      %jit3A_1134 = arith.constant 1 : i32
      %broadcast_in_dim3A_1135 = vector.broadcast %jit3A_1134 : i32 to vector<16xi32>
      %select_n3A_1136 = arith.select %ne3A_1132, %add3A_1133, %broadcast_in_dim3A_1135 : vector<16xi1>, vector<16xi32>
      %swap3A_1137 = arith.index_cast %scan3A_1079 : i32 to index
      %swap3A_1138 = arith.constant 64 : index
      %swap3A_1139 = tpu.vector_load %arg5[%swap3A_1137, %swap3A_1138] {strides = array<i32>} : memref<200x128xi32, #tpu.memory_space<vmem>>, vector<16xi32>,
      tpu.vector_store %arg5[%swap3A_1137, %swap3A_1138], %select_n3A_1136 {strides = array<i32>} : memref<200x128xi32, #tpu.memory_space<vmem>>, vector<16xi32>,
      %get3A_1140 = arith.index_cast %scan3A_1079 : i32 to index
      %get3A_1141 = arith.constant 80 : index
      %get3A_1142 = tpu.vector_load %arg5[%get3A_1140, %get3A_1141] {strides = array<i32>} : memref<200x128xi32, #tpu.memory_space<vmem>>, vector<16xi32>,
      %ne3A_1143 = arith.constant 0 : i32
      %ne3A_1144 = vector.broadcast %ne3A_1143 : i32 to vector<16xi32>
      %ne3A_1145 = arith.cmpi ne, %get3A_1142, %ne3A_1144 : vector<16xi32>
      %add3A_1146 = arith.addi %get3A_1142, %get3A_1142 : vector<16xi32>
      %jit3A_1147 = arith.constant 1 : i32
      %broadcast_in_dim3A_1148 = vector.broadcast %jit3A_1147 : i32 to vector<16xi32>
      %select_n3A_1149 = arith.select %ne3A_1145, %add3A_1146, %broadcast_in_dim3A_1148 : vector<16xi1>, vector<16xi32>
      %swap3A_1150 = arith.index_cast %scan3A_1079 : i32 to index
      %swap3A_1151 = arith.constant 80 : index
      %swap3A_1152 = tpu.vector_load %arg5[%swap3A_1150, %swap3A_1151] {strides = array<i32>} : memref<200x128xi32, #tpu.memory_space<vmem>>, vector<16xi32>,
      tpu.vector_store %arg5[%swap3A_1150, %swap3A_1151], %select_n3A_1149 {strides = array<i32>} : memref<200x128xi32, #tpu.memory_space<vmem>>, vector<16xi32>,
      %get3A_1153 = arith.index_cast %scan3A_1079 : i32 to index
      %get3A_1154 = arith.constant 96 : index
      %get3A_1155 = tpu.vector_load %arg5[%get3A_1153, %get3A_1154] {strides = array<i32>} : memref<200x128xi32, #tpu.memory_space<vmem>>, vector<16xi32>,
      %ne3A_1156 = arith.constant 0 : i32
      %ne3A_1157 = vector.broadcast %ne3A_1156 : i32 to vector<16xi32>
      %ne3A_1158 = arith.cmpi ne, %get3A_1155, %ne3A_1157 : vector<16xi32>
      %add3A_1159 = arith.addi %get3A_1155, %get3A_1155 : vector<16xi32>
      %jit3A_1160 = arith.constant 1 : i32
      %broadcast_in_dim3A_1161 = vector.broadcast %jit3A_1160 : i32 to vector<16xi32>
      %select_n3A_1162 = arith.select %ne3A_1158, %add3A_1159, %broadcast_in_dim3A_1161 : vector<16xi1>, vector<16xi32>
      %swap3A_1163 = arith.index_cast %scan3A_1079 : i32 to index
      %swap3A_1164 = arith.constant 96 : index
      %swap3A_1165 = tpu.vector_load %arg5[%swap3A_1163, %swap3A_1164] {strides = array<i32>} : memref<200x128xi32, #tpu.memory_space<vmem>>, vector<16xi32>,
      tpu.vector_store %arg5[%swap3A_1163, %swap3A_1164], %select_n3A_1162 {strides = array<i32>} : memref<200x128xi32, #tpu.memory_space<vmem>>, vector<16xi32>,
      %get3A_1166 = arith.index_cast %scan3A_1079 : i32 to index
      %get3A_1167 = arith.constant 112 : index
      %get3A_1168 = tpu.vector_load %arg5[%get3A_1166, %get3A_1167] {strides = array<i32>} : memref<200x128xi32, #tpu.memory_space<vmem>>, vector<16xi32>,
      %ne3A_1169 = arith.constant 0 : i32
      %ne3A_1170 = vector.broadcast %ne3A_1169 : i32 to vector<16xi32>
      %ne3A_1171 = arith.cmpi ne, %get3A_1168, %ne3A_1170 : vector<16xi32>
      %add3A_1172 = arith.addi %get3A_1168, %get3A_1168 : vector<16xi32>
      %jit3A_1173 = arith.constant 1 : i32
      %broadcast_in_dim3A_1174 = vector.broadcast %jit3A_1173 : i32 to vector<16xi32>
      %select_n3A_1175 = arith.select %ne3A_1171, %add3A_1172, %broadcast_in_dim3A_1174 : vector<16xi1>, vector<16xi32>
      %swap3A_1176 = arith.index_cast %scan3A_1079 : i32 to index
      %swap3A_1177 = arith.constant 112 : index
      %swap3A_1178 = tpu.vector_load %arg5[%swap3A_1176, %swap3A_1177] {strides = array<i32>} : memref<200x128xi32, #tpu.memory_space<vmem>>, vector<16xi32>,
      tpu.vector_store %arg5[%swap3A_1176, %swap3A_1177], %select_n3A_1175 {strides = array<i32>} : memref<200x128xi32, #tpu.memory_space<vmem>>, vector<16xi32>,
    }
    %scan3A_54 = arith.constant 200 : i32
    %dma_start3A = arith.constant 0 : i32
    %dma_start3A_55 = arith.constant 0 : i32
    %dma_start3A_56 = arith.constant 0 : i32
    %dma_start3A_57 = arith.constant 0 : i32
    %dma_start3A_58 = tpu.memref_slice %arg6[%dma_start3A_56, %dma_start3A_57] : memref<128x64xf32, #tpu.memory_space<vmem>> -> memref<64x64xf32, #tpu.memory_space<vmem>>
    %dma_start3A_59 = arith.constant 0 : i32
    %dma_start3A_60 = tpu.memref_slice %arg5[%dma_start3A, %dma_start3A_59] : memref<200x128xi32, #tpu.memory_space<vmem>> -> memref<1x64xi32, #tpu.memory_space<vmem>>
    %dma_start3A_61 = tpu.memref_squeeze %dma_start3A_60 : memref<1x64xi32, #tpu.memory_space<vmem>> -> memref<64xi32, #tpu.memory_space<vmem>>
    %dma_start3A_62 = arith.constant 0 : i32
    %dma_start3A_63 = arith.constant 0 : i32
    %dma_start3A_64 = tpu.memref_slice %arg3[%dma_start3A_62, %dma_start3A_63] : memref<2000000x64xf32, #tpu.memory_space<hbm>> -> memref<2000000x64xf32, #tpu.memory_space<hbm>>
    %dma_start3A_65 = tpu.memref_slice %arg16[%dma_start3A_55] : memref<5x!tpu.dma_semaphore, #tpu.memory_space<semaphore_mem>> -> memref<1x!tpu.dma_semaphore, #tpu.memory_space<semaphore_mem>>
    %dma_start3A_66 = tpu.memref_squeeze %dma_start3A_65 : memref<1x!tpu.dma_semaphore, #tpu.memory_space<semaphore_mem>> -> memref<!tpu.dma_semaphore, #tpu.memory_space<semaphore_mem>>
    tpu.enqueue_indirect_dma source(%dma_start3A_64 : memref<2000000x64xf32, #tpu.memory_space<hbm>>) target(%dma_start3A_58 : memref<64x64xf32, #tpu.memory_space<vmem>>) offsets(%dma_start3A_61 : memref<64xi32, #tpu.memory_space<vmem>>) semaphore(%dma_start3A_66 : memref<!tpu.dma_semaphore, #tpu.memory_space<semaphore_mem>>)
    %dma_start3A_67 = arith.constant 0 : i32
    %dma_start3A_68 = arith.constant 0 : i32
    %dma_start3A_69 = arith.constant 64 : i32
    %dma_start3A_70 = arith.constant 0 : i32
    %dma_start3A_71 = tpu.memref_slice %arg6[%dma_start3A_69, %dma_start3A_70] : memref<128x64xf32, #tpu.memory_space<vmem>> -> memref<64x64xf32, #tpu.memory_space<vmem>>
    %dma_start3A_72 = arith.constant 64 : i32
    %dma_start3A_73 = tpu.memref_slice %arg5[%dma_start3A_67, %dma_start3A_72] : memref<200x128xi32, #tpu.memory_space<vmem>> -> memref<1x64xi32, #tpu.memory_space<vmem>>
    %dma_start3A_74 = tpu.memref_squeeze %dma_start3A_73 : memref<1x64xi32, #tpu.memory_space<vmem>> -> memref<64xi32, #tpu.memory_space<vmem>>
    %dma_start3A_75 = arith.constant 0 : i32
    %dma_start3A_76 = arith.constant 0 : i32
    %dma_start3A_77 = tpu.memref_slice %arg3[%dma_start3A_75, %dma_start3A_76] : memref<2000000x64xf32, #tpu.memory_space<hbm>> -> memref<2000000x64xf32, #tpu.memory_space<hbm>>
    %dma_start3A_78 = tpu.memref_slice %arg16[%dma_start3A_68] : memref<5x!tpu.dma_semaphore, #tpu.memory_space<semaphore_mem>> -> memref<1x!tpu.dma_semaphore, #tpu.memory_space<semaphore_mem>>
    %dma_start3A_79 = tpu.memref_squeeze %dma_start3A_78 : memref<1x!tpu.dma_semaphore, #tpu.memory_space<semaphore_mem>> -> memref<!tpu.dma_semaphore, #tpu.memory_space<semaphore_mem>>
    tpu.enqueue_indirect_dma source(%dma_start3A_77 : memref<2000000x64xf32, #tpu.memory_space<hbm>>) target(%dma_start3A_71 : memref<64x64xf32, #tpu.memory_space<vmem>>) offsets(%dma_start3A_74 : memref<64xi32, #tpu.memory_space<vmem>>) semaphore(%dma_start3A_79 : memref<!tpu.dma_semaphore, #tpu.memory_space<semaphore_mem>>)
    %dma_start3A_80 = arith.constant 1 : i32
    %dma_start3A_81 = arith.constant 1 : i32
    %dma_start3A_82 = arith.constant 0 : i32
    %dma_start3A_83 = arith.constant 0 : i32
    %dma_start3A_84 = tpu.memref_slice %arg7[%dma_start3A_82, %dma_start3A_83] : memref<128x64xf32, #tpu.memory_space<vmem>> -> memref<64x64xf32, #tpu.memory_space<vmem>>
    %dma_start3A_85 = arith.constant 0 : i32
    %dma_start3A_86 = tpu.memref_slice %arg5[%dma_start3A_80, %dma_start3A_85] : memref<200x128xi32, #tpu.memory_space<vmem>> -> memref<1x64xi32, #tpu.memory_space<vmem>>
    %dma_start3A_87 = tpu.memref_squeeze %dma_start3A_86 : memref<1x64xi32, #tpu.memory_space<vmem>> -> memref<64xi32, #tpu.memory_space<vmem>>
    %dma_start3A_88 = arith.constant 0 : i32
    %dma_start3A_89 = arith.constant 0 : i32
    %dma_start3A_90 = tpu.memref_slice %arg3[%dma_start3A_88, %dma_start3A_89] : memref<2000000x64xf32, #tpu.memory_space<hbm>> -> memref<2000000x64xf32, #tpu.memory_space<hbm>>
    %dma_start3A_91 = tpu.memref_slice %arg16[%dma_start3A_81] : memref<5x!tpu.dma_semaphore, #tpu.memory_space<semaphore_mem>> -> memref<1x!tpu.dma_semaphore, #tpu.memory_space<semaphore_mem>>
    %dma_start3A_92 = tpu.memref_squeeze %dma_start3A_91 : memref<1x!tpu.dma_semaphore, #tpu.memory_space<semaphore_mem>> -> memref<!tpu.dma_semaphore, #tpu.memory_space<semaphore_mem>>
    tpu.enqueue_indirect_dma source(%dma_start3A_90 : memref<2000000x64xf32, #tpu.memory_space<hbm>>) target(%dma_start3A_84 : memref<64x64xf32, #tpu.memory_space<vmem>>) offsets(%dma_start3A_87 : memref<64xi32, #tpu.memory_space<vmem>>) semaphore(%dma_start3A_92 : memref<!tpu.dma_semaphore, #tpu.memory_space<semaphore_mem>>)
    %dma_start3A_93 = arith.constant 1 : i32
    %dma_start3A_94 = arith.constant 1 : i32
    %dma_start3A_95 = arith.constant 64 : i32
    %dma_start3A_96 = arith.constant 0 : i32
    %dma_start3A_97 = tpu.memref_slice %arg7[%dma_start3A_95, %dma_start3A_96] : memref<128x64xf32, #tpu.memory_space<vmem>> -> memref<64x64xf32, #tpu.memory_space<vmem>>
    %dma_start3A_98 = arith.constant 64 : i32
    %dma_start3A_99 = tpu.memref_slice %arg5[%dma_start3A_93, %dma_start3A_98] : memref<200x128xi32, #tpu.memory_space<vmem>> -> memref<1x64xi32, #tpu.memory_space<vmem>>
    %dma_start3A_100 = tpu.memref_squeeze %dma_start3A_99 : memref<1x64xi32, #tpu.memory_space<vmem>> -> memref<64xi32, #tpu.memory_space<vmem>>
    %dma_start3A_101 = arith.constant 0 : i32
    %dma_start3A_102 = arith.constant 0 : i32
    %dma_start3A_103 = tpu.memref_slice %arg3[%dma_start3A_101, %dma_start3A_102] : memref<2000000x64xf32, #tpu.memory_space<hbm>> -> memref<2000000x64xf32, #tpu.memory_space<hbm>>
    %dma_start3A_104 = tpu.memref_slice %arg16[%dma_start3A_94] : memref<5x!tpu.dma_semaphore, #tpu.memory_space<semaphore_mem>> -> memref<1x!tpu.dma_semaphore, #tpu.memory_space<semaphore_mem>>
    %dma_start3A_105 = tpu.memref_squeeze %dma_start3A_104 : memref<1x!tpu.dma_semaphore, #tpu.memory_space<semaphore_mem>> -> memref<!tpu.dma_semaphore, #tpu.memory_space<semaphore_mem>>
    tpu.enqueue_indirect_dma source(%dma_start3A_103 : memref<2000000x64xf32, #tpu.memory_space<hbm>>) target(%dma_start3A_97 : memref<64x64xf32, #tpu.memory_space<vmem>>) offsets(%dma_start3A_100 : memref<64xi32, #tpu.memory_space<vmem>>) semaphore(%dma_start3A_105 : memref<!tpu.dma_semaphore, #tpu.memory_space<semaphore_mem>>)
    %dma_start3A_106 = arith.constant 2 : i32
    %dma_start3A_107 = arith.constant 2 : i32
    %dma_start3A_108 = arith.constant 0 : i32
    %dma_start3A_109 = arith.constant 0 : i32
    %dma_start3A_110 = tpu.memref_slice %arg8[%dma_start3A_108, %dma_start3A_109] : memref<128x64xf32, #tpu.memory_space<vmem>> -> memref<64x64xf32, #tpu.memory_space<vmem>>
    %dma_start3A_111 = arith.constant 0 : i32
    %dma_start3A_112 = tpu.memref_slice %arg5[%dma_start3A_106, %dma_start3A_111] : memref<200x128xi32, #tpu.memory_space<vmem>> -> memref<1x64xi32, #tpu.memory_space<vmem>>
    %dma_start3A_113 = tpu.memref_squeeze %dma_start3A_112 : memref<1x64xi32, #tpu.memory_space<vmem>> -> memref<64xi32, #tpu.memory_space<vmem>>
    %dma_start3A_114 = arith.constant 0 : i32
    %dma_start3A_115 = arith.constant 0 : i32
    %dma_start3A_116 = tpu.memref_slice %arg3[%dma_start3A_114, %dma_start3A_115] : memref<2000000x64xf32, #tpu.memory_space<hbm>> -> memref<2000000x64xf32, #tpu.memory_space<hbm>>
    %dma_start3A_117 = tpu.memref_slice %arg16[%dma_start3A_107] : memref<5x!tpu.dma_semaphore, #tpu.memory_space<semaphore_mem>> -> memref<1x!tpu.dma_semaphore, #tpu.memory_space<semaphore_mem>>
    %dma_start3A_118 = tpu.memref_squeeze %dma_start3A_117 : memref<1x!tpu.dma_semaphore, #tpu.memory_space<semaphore_mem>> -> memref<!tpu.dma_semaphore, #tpu.memory_space<semaphore_mem>>
    tpu.enqueue_indirect_dma source(%dma_start3A_116 : memref<2000000x64xf32, #tpu.memory_space<hbm>>) target(%dma_start3A_110 : memref<64x64xf32, #tpu.memory_space<vmem>>) offsets(%dma_start3A_113 : memref<64xi32, #tpu.memory_space<vmem>>) semaphore(%dma_start3A_118 : memref<!tpu.dma_semaphore, #tpu.memory_space<semaphore_mem>>)
    %dma_start3A_119 = arith.constant 2 : i32
    %dma_start3A_120 = arith.constant 2 : i32
    %dma_start3A_121 = arith.constant 64 : i32
    %dma_start3A_122 = arith.constant 0 : i32
    %dma_start3A_123 = tpu.memref_slice %arg8[%dma_start3A_121, %dma_start3A_122] : memref<128x64xf32, #tpu.memory_space<vmem>> -> memref<64x64xf32, #tpu.memory_space<vmem>>
    %dma_start3A_124 = arith.constant 64 : i32
    %dma_start3A_125 = tpu.memref_slice %arg5[%dma_start3A_119, %dma_start3A_124] : memref<200x128xi32, #tpu.memory_space<vmem>> -> memref<1x64xi32, #tpu.memory_space<vmem>>
    %dma_start3A_126 = tpu.memref_squeeze %dma_start3A_125 : memref<1x64xi32, #tpu.memory_space<vmem>> -> memref<64xi32, #tpu.memory_space<vmem>>
    %dma_start3A_127 = arith.constant 0 : i32
    %dma_start3A_128 = arith.constant 0 : i32
    %dma_start3A_129 = tpu.memref_slice %arg3[%dma_start3A_127, %dma_start3A_128] : memref<2000000x64xf32, #tpu.memory_space<hbm>> -> memref<2000000x64xf32, #tpu.memory_space<hbm>>
    %dma_start3A_130 = tpu.memref_slice %arg16[%dma_start3A_120] : memref<5x!tpu.dma_semaphore, #tpu.memory_space<semaphore_mem>> -> memref<1x!tpu.dma_semaphore, #tpu.memory_space<semaphore_mem>>
    %dma_start3A_131 = tpu.memref_squeeze %dma_start3A_130 : memref<1x!tpu.dma_semaphore, #tpu.memory_space<semaphore_mem>> -> memref<!tpu.dma_semaphore, #tpu.memory_space<semaphore_mem>>
    tpu.enqueue_indirect_dma source(%dma_start3A_129 : memref<2000000x64xf32, #tpu.memory_space<hbm>>) target(%dma_start3A_123 : memref<64x64xf32, #tpu.memory_space<vmem>>) offsets(%dma_start3A_126 : memref<64xi32, #tpu.memory_space<vmem>>) semaphore(%dma_start3A_131 : memref<!tpu.dma_semaphore, #tpu.memory_space<semaphore_mem>>)
    %dma_start3A_132 = arith.constant 3 : i32
    %dma_start3A_133 = arith.constant 3 : i32
    %dma_start3A_134 = arith.constant 0 : i32
    %dma_start3A_135 = arith.constant 0 : i32
    %dma_start3A_136 = tpu.memref_slice %arg9[%dma_start3A_134, %dma_start3A_135] : memref<128x64xf32, #tpu.memory_space<vmem>> -> memref<64x64xf32, #tpu.memory_space<vmem>>
    %dma_start3A_137 = arith.constant 0 : i32
    %dma_start3A_138 = tpu.memref_slice %arg5[%dma_start3A_132, %dma_start3A_137] : memref<200x128xi32, #tpu.memory_space<vmem>> -> memref<1x64xi32, #tpu.memory_space<vmem>>
    %dma_start3A_139 = tpu.memref_squeeze %dma_start3A_138 : memref<1x64xi32, #tpu.memory_space<vmem>> -> memref<64xi32, #tpu.memory_space<vmem>>
    %dma_start3A_140 = arith.constant 0 : i32
    %dma_start3A_141 = arith.constant 0 : i32
    %dma_start3A_142 = tpu.memref_slice %arg3[%dma_start3A_140, %dma_start3A_141] : memref<2000000x64xf32, #tpu.memory_space<hbm>> -> memref<2000000x64xf32, #tpu.memory_space<hbm>>
    %dma_start3A_143 = tpu.memref_slice %arg16[%dma_start3A_133] : memref<5x!tpu.dma_semaphore, #tpu.memory_space<semaphore_mem>> -> memref<1x!tpu.dma_semaphore, #tpu.memory_space<semaphore_mem>>
    %dma_start3A_144 = tpu.memref_squeeze %dma_start3A_143 : memref<1x!tpu.dma_semaphore, #tpu.memory_space<semaphore_mem>> -> memref<!tpu.dma_semaphore, #tpu.memory_space<semaphore_mem>>
    tpu.enqueue_indirect_dma source(%dma_start3A_142 : memref<2000000x64xf32, #tpu.memory_space<hbm>>) target(%dma_start3A_136 : memref<64x64xf32, #tpu.memory_space<vmem>>) offsets(%dma_start3A_139 : memref<64xi32, #tpu.memory_space<vmem>>) semaphore(%dma_start3A_144 : memref<!tpu.dma_semaphore, #tpu.memory_space<semaphore_mem>>)
    %dma_start3A_145 = arith.constant 3 : i32
    %dma_start3A_146 = arith.constant 3 : i32
    %dma_start3A_147 = arith.constant 64 : i32
    %dma_start3A_148 = arith.constant 0 : i32
    %dma_start3A_149 = tpu.memref_slice %arg9[%dma_start3A_147, %dma_start3A_148] : memref<128x64xf32, #tpu.memory_space<vmem>> -> memref<64x64xf32, #tpu.memory_space<vmem>>
    %dma_start3A_150 = arith.constant 64 : i32
    %dma_start3A_151 = tpu.memref_slice %arg5[%dma_start3A_145, %dma_start3A_150] : memref<200x128xi32, #tpu.memory_space<vmem>> -> memref<1x64xi32, #tpu.memory_space<vmem>>
    %dma_start3A_152 = tpu.memref_squeeze %dma_start3A_151 : memref<1x64xi32, #tpu.memory_space<vmem>> -> memref<64xi32, #tpu.memory_space<vmem>>
    %dma_start3A_153 = arith.constant 0 : i32
    %dma_start3A_154 = arith.constant 0 : i32
    %dma_start3A_155 = tpu.memref_slice %arg3[%dma_start3A_153, %dma_start3A_154] : memref<2000000x64xf32, #tpu.memory_space<hbm>> -> memref<2000000x64xf32, #tpu.memory_space<hbm>>
    %dma_start3A_156 = tpu.memref_slice %arg16[%dma_start3A_146] : memref<5x!tpu.dma_semaphore, #tpu.memory_space<semaphore_mem>> -> memref<1x!tpu.dma_semaphore, #tpu.memory_space<semaphore_mem>>
    %dma_start3A_157 = tpu.memref_squeeze %dma_start3A_156 : memref<1x!tpu.dma_semaphore, #tpu.memory_space<semaphore_mem>> -> memref<!tpu.dma_semaphore, #tpu.memory_space<semaphore_mem>>
    tpu.enqueue_indirect_dma source(%dma_start3A_155 : memref<2000000x64xf32, #tpu.memory_space<hbm>>) target(%dma_start3A_149 : memref<64x64xf32, #tpu.memory_space<vmem>>) offsets(%dma_start3A_152 : memref<64xi32, #tpu.memory_space<vmem>>) semaphore(%dma_start3A_157 : memref<!tpu.dma_semaphore, #tpu.memory_space<semaphore_mem>>)
    %dma_start3A_158 = arith.constant 4 : i32
    %dma_start3A_159 = arith.constant 4 : i32
    %dma_start3A_160 = arith.constant 0 : i32
    %dma_start3A_161 = arith.constant 0 : i32
    %dma_start3A_162 = tpu.memref_slice %arg10[%dma_start3A_160, %dma_start3A_161] : memref<128x64xf32, #tpu.memory_space<vmem>> -> memref<64x64xf32, #tpu.memory_space<vmem>>
    %dma_start3A_163 = arith.constant 0 : i32
    %dma_start3A_164 = tpu.memref_slice %arg5[%dma_start3A_158, %dma_start3A_163] : memref<200x128xi32, #tpu.memory_space<vmem>> -> memref<1x64xi32, #tpu.memory_space<vmem>>
    %dma_start3A_165 = tpu.memref_squeeze %dma_start3A_164 : memref<1x64xi32, #tpu.memory_space<vmem>> -> memref<64xi32, #tpu.memory_space<vmem>>
    %dma_start3A_166 = arith.constant 0 : i32
    %dma_start3A_167 = arith.constant 0 : i32
    %dma_start3A_168 = tpu.memref_slice %arg3[%dma_start3A_166, %dma_start3A_167] : memref<2000000x64xf32, #tpu.memory_space<hbm>> -> memref<2000000x64xf32, #tpu.memory_space<hbm>>
    %dma_start3A_169 = tpu.memref_slice %arg16[%dma_start3A_159] : memref<5x!tpu.dma_semaphore, #tpu.memory_space<semaphore_mem>> -> memref<1x!tpu.dma_semaphore, #tpu.memory_space<semaphore_mem>>
    %dma_start3A_170 = tpu.memref_squeeze %dma_start3A_169 : memref<1x!tpu.dma_semaphore, #tpu.memory_space<semaphore_mem>> -> memref<!tpu.dma_semaphore, #tpu.memory_space<semaphore_mem>>
    tpu.enqueue_indirect_dma source(%dma_start3A_168 : memref<2000000x64xf32, #tpu.memory_space<hbm>>) target(%dma_start3A_162 : memref<64x64xf32, #tpu.memory_space<vmem>>) offsets(%dma_start3A_165 : memref<64xi32, #tpu.memory_space<vmem>>) semaphore(%dma_start3A_170 : memref<!tpu.dma_semaphore, #tpu.memory_space<semaphore_mem>>)
    %dma_start3A_171 = arith.constant 4 : i32
    %dma_start3A_172 = arith.constant 4 : i32
    %dma_start3A_173 = arith.constant 64 : i32
    %dma_start3A_174 = arith.constant 0 : i32
    %dma_start3A_175 = tpu.memref_slice %arg10[%dma_start3A_173, %dma_start3A_174] : memref<128x64xf32, #tpu.memory_space<vmem>> -> memref<64x64xf32, #tpu.memory_space<vmem>>
    %dma_start3A_176 = arith.constant 64 : i32
    %dma_start3A_177 = tpu.memref_slice %arg5[%dma_start3A_171, %dma_start3A_176] : memref<200x128xi32, #tpu.memory_space<vmem>> -> memref<1x64xi32, #tpu.memory_space<vmem>>
    %dma_start3A_178 = tpu.memref_squeeze %dma_start3A_177 : memref<1x64xi32, #tpu.memory_space<vmem>> -> memref<64xi32, #tpu.memory_space<vmem>>
    %dma_start3A_179 = arith.constant 0 : i32
    %dma_start3A_180 = arith.constant 0 : i32
    %dma_start3A_181 = tpu.memref_slice %arg3[%dma_start3A_179, %dma_start3A_180] : memref<2000000x64xf32, #tpu.memory_space<hbm>> -> memref<2000000x64xf32, #tpu.memory_space<hbm>>
    %dma_start3A_182 = tpu.memref_slice %arg16[%dma_start3A_172] : memref<5x!tpu.dma_semaphore, #tpu.memory_space<semaphore_mem>> -> memref<1x!tpu.dma_semaphore, #tpu.memory_space<semaphore_mem>>
    %dma_start3A_183 = tpu.memref_squeeze %dma_start3A_182 : memref<1x!tpu.dma_semaphore, #tpu.memory_space<semaphore_mem>> -> memref<!tpu.dma_semaphore, #tpu.memory_space<semaphore_mem>>
    tpu.enqueue_indirect_dma source(%dma_start3A_181 : memref<2000000x64xf32, #tpu.memory_space<hbm>>) target(%dma_start3A_175 : memref<64x64xf32, #tpu.memory_space<vmem>>) offsets(%dma_start3A_178 : memref<64xi32, #tpu.memory_space<vmem>>) semaphore(%dma_start3A_183 : memref<!tpu.dma_semaphore, #tpu.memory_space<semaphore_mem>>)
    %dma_wait3A = arith.constant 0 : i32
    %dma_wait3A_184 = arith.constant 0 : i32
    %dma_wait3A_185 = arith.constant 0 : i32
    %dma_wait3A_186 = arith.constant 0 : i32
    %dma_wait3A_187 = tpu.memref_slice %arg6[%dma_wait3A_185, %dma_wait3A_186] : memref<128x64xf32, #tpu.memory_space<vmem>> -> memref<64x64xf32, #tpu.memory_space<vmem>>
    %dma_wait3A_188 = arith.constant 0 : i32
    %dma_wait3A_189 = tpu.memref_slice %arg5[%dma_wait3A, %dma_wait3A_188] : memref<200x128xi32, #tpu.memory_space<vmem>> -> memref<1x64xi32, #tpu.memory_space<vmem>>
    %dma_wait3A_190 = tpu.memref_squeeze %dma_wait3A_189 : memref<1x64xi32, #tpu.memory_space<vmem>> -> memref<64xi32, #tpu.memory_space<vmem>>
    %dma_wait3A_191 = arith.constant 0 : i32
    %dma_wait3A_192 = arith.constant 0 : i32
    %dma_wait3A_193 = tpu.memref_slice %arg3[%dma_wait3A_191, %dma_wait3A_192] : memref<2000000x64xf32, #tpu.memory_space<hbm>> -> memref<2000000x64xf32, #tpu.memory_space<hbm>>
    %dma_wait3A_194 = tpu.memref_slice %arg16[%dma_wait3A_184] : memref<5x!tpu.dma_semaphore, #tpu.memory_space<semaphore_mem>> -> memref<1x!tpu.dma_semaphore, #tpu.memory_space<semaphore_mem>>
    %dma_wait3A_195 = tpu.memref_squeeze %dma_wait3A_194 : memref<1x!tpu.dma_semaphore, #tpu.memory_space<semaphore_mem>> -> memref<!tpu.dma_semaphore, #tpu.memory_space<semaphore_mem>>
    tpu.wait_indirect_dma semaphore(%dma_wait3A_195 : memref<!tpu.dma_semaphore, #tpu.memory_space<semaphore_mem>>) src(%dma_wait3A_193 : memref<2000000x64xf32, #tpu.memory_space<hbm>>) dst(%dma_wait3A_187 : memref<64x64xf32, #tpu.memory_space<vmem>>)
    %dma_wait3A_196 = arith.constant 0 : i32
    %dma_wait3A_197 = arith.constant 0 : i32
    %dma_wait3A_198 = arith.constant 64 : i32
    %dma_wait3A_199 = arith.constant 0 : i32
    %dma_wait3A_200 = tpu.memref_slice %arg6[%dma_wait3A_198, %dma_wait3A_199] : memref<128x64xf32, #tpu.memory_space<vmem>> -> memref<64x64xf32, #tpu.memory_space<vmem>>
    %dma_wait3A_201 = arith.constant 64 : i32
    %dma_wait3A_202 = tpu.memref_slice %arg5[%dma_wait3A_196, %dma_wait3A_201] : memref<200x128xi32, #tpu.memory_space<vmem>> -> memref<1x64xi32, #tpu.memory_space<vmem>>
    %dma_wait3A_203 = tpu.memref_squeeze %dma_wait3A_202 : memref<1x64xi32, #tpu.memory_space<vmem>> -> memref<64xi32, #tpu.memory_space<vmem>>
    %dma_wait3A_204 = arith.constant 0 : i32
    %dma_wait3A_205 = arith.constant 0 : i32
    %dma_wait3A_206 = tpu.memref_slice %arg3[%dma_wait3A_204, %dma_wait3A_205] : memref<2000000x64xf32, #tpu.memory_space<hbm>> -> memref<2000000x64xf32, #tpu.memory_space<hbm>>
    %dma_wait3A_207 = tpu.memref_slice %arg16[%dma_wait3A_197] : memref<5x!tpu.dma_semaphore, #tpu.memory_space<semaphore_mem>> -> memref<1x!tpu.dma_semaphore, #tpu.memory_space<semaphore_mem>>
    %dma_wait3A_208 = tpu.memref_squeeze %dma_wait3A_207 : memref<1x!tpu.dma_semaphore, #tpu.memory_space<semaphore_mem>> -> memref<!tpu.dma_semaphore, #tpu.memory_space<semaphore_mem>>
    tpu.wait_indirect_dma semaphore(%dma_wait3A_208 : memref<!tpu.dma_semaphore, #tpu.memory_space<semaphore_mem>>) src(%dma_wait3A_206 : memref<2000000x64xf32, #tpu.memory_space<hbm>>) dst(%dma_wait3A_200 : memref<64x64xf32, #tpu.memory_space<vmem>>)
    %scan3A_209 = arith.constant 0 : i32
    %scan3A_210 = arith.constant 0 : i32
    %scan3A_211 = arith.constant 128 : i32
    %scan3A_212 = arith.addi %scan3A_210, %scan3A_211 : i32
    %scan3A_213 = arith.constant 1 : i32
    scf.for %scan3A_1079 = %scan3A_210 to %scan3A_212 step %scan3A_213  : i32 {
      %add3A_1080 = vector.broadcast %scan3A_1079 : i32 to vector<16xi32>
      %add3A_1081 = arith.addi %broadcast_in_dim3A_3, %add3A_1080 : vector<16xi32>
      %get3A = arith.index_cast %scan3A_1079 : i32 to index
      %get3A_1082 = arith.constant 0 : index
      %get3A_1083 = tpu.vector_load %arg6[%get3A, %get3A_1082] {strides = array<i32>} : memref<128x64xf32, #tpu.memory_space<vmem>>, vector<16xf32>,
      %mul3A_1084 = arith.constant 8.000000e+00 : f32
      %mul3A_1085 = vector.broadcast %mul3A_1084 : f32 to vector<16xf32>
      %mul3A_1086 = arith.mulf %get3A_1083, %mul3A_1085 : vector<16xf32>
      tpu.vector_store_idx %arg11[%shift_right_logical3A_8, %and3A_31, %add3A_1081], %mul3A_1086 : memref<8x8x129xf32, #tpu.memory_space<vmem>>[vector<16xi32>, vector<16xi32>, vector<16xi32>], vector<16xf32>,
      %get3A_1087 = arith.index_cast %scan3A_1079 : i32 to index
      %get3A_1088 = arith.constant 16 : index
      %get3A_1089 = tpu.vector_load %arg6[%get3A_1087, %get3A_1088] {strides = array<i32>} : memref<128x64xf32, #tpu.memory_space<vmem>>, vector<16xf32>,
      %mul3A_1090 = arith.constant 8.000000e+00 : f32
      %mul3A_1091 = vector.broadcast %mul3A_1090 : f32 to vector<16xf32>
      %mul3A_1092 = arith.mulf %get3A_1089, %mul3A_1091 : vector<16xf32>
      tpu.vector_store_idx %arg11[%shift_right_logical3A_14, %and3A_37, %add3A_1081], %mul3A_1092 : memref<8x8x129xf32, #tpu.memory_space<vmem>>[vector<16xi32>, vector<16xi32>, vector<16xi32>], vector<16xf32>,
      %get3A_1093 = arith.index_cast %scan3A_1079 : i32 to index
      %get3A_1094 = arith.constant 32 : index
      %get3A_1095 = tpu.vector_load %arg6[%get3A_1093, %get3A_1094] {strides = array<i32>} : memref<128x64xf32, #tpu.memory_space<vmem>>, vector<16xf32>,
      %mul3A_1096 = arith.constant 8.000000e+00 : f32
      %mul3A_1097 = vector.broadcast %mul3A_1096 : f32 to vector<16xf32>
      %mul3A_1098 = arith.mulf %get3A_1095, %mul3A_1097 : vector<16xf32>
      tpu.vector_store_idx %arg11[%shift_right_logical3A_20, %and3A_43, %add3A_1081], %mul3A_1098 : memref<8x8x129xf32, #tpu.memory_space<vmem>>[vector<16xi32>, vector<16xi32>, vector<16xi32>], vector<16xf32>,
      %get3A_1099 = arith.index_cast %scan3A_1079 : i32 to index
      %get3A_1100 = arith.constant 48 : index
      %get3A_1101 = tpu.vector_load %arg6[%get3A_1099, %get3A_1100] {strides = array<i32>} : memref<128x64xf32, #tpu.memory_space<vmem>>, vector<16xf32>,
      %mul3A_1102 = arith.constant 8.000000e+00 : f32
      %mul3A_1103 = vector.broadcast %mul3A_1102 : f32 to vector<16xf32>
      %mul3A_1104 = arith.mulf %get3A_1101, %mul3A_1103 : vector<16xf32>
      tpu.vector_store_idx %arg11[%shift_right_logical3A_26, %and3A_49, %add3A_1081], %mul3A_1104 : memref<8x8x129xf32, #tpu.memory_space<vmem>>[vector<16xi32>, vector<16xi32>, vector<16xi32>], vector<16xf32>,
    }
    %scan3A_214 = arith.constant 128 : i32
    %dma_start3A_215 = arith.constant 0 : i32
    %dma_start3A_216 = arith.constant 0 : i32
    %dma_start3A_217 = arith.constant 0 : i32
    %dma_start3A_218 = arith.constant 0 : i32
    %dma_start3A_219 = arith.constant 0 : i32
    %dma_start3A_220 = tpu.memref_slice %arg11[%dma_start3A_217, %dma_start3A_218, %dma_start3A_219] : memref<8x8x129xf32, #tpu.memory_space<vmem>> -> memref<8x8x128xf32, #tpu.memory_space<vmem>>
    %dma_start3A_221 = arith.constant 0 : i32
    %dma_start3A_222 = arith.constant 0 : i32
    %dma_start3A_223 = arith.constant 0 : i32
    %dma_start3A_224 = tpu.memref_slice %arg4[%dma_start3A_215, %dma_start3A_221, %add3A, %dma_start3A_222, %dma_start3A_223] : memref<200x8x32x8x128xf32, #tpu.memory_space<hbm>> -> memref<1x8x1x8x128xf32, #tpu.memory_space<hbm>>
    %dma_start3A_225 = tpu.memref_squeeze %dma_start3A_224 : memref<1x8x1x8x128xf32, #tpu.memory_space<hbm>> -> memref<8x8x128xf32, #tpu.memory_space<hbm>>
    %dma_start3A_226 = tpu.memref_slice %arg17[%dma_start3A_216] : memref<5x!tpu.dma_semaphore, #tpu.memory_space<semaphore_mem>> -> memref<1x!tpu.dma_semaphore, #tpu.memory_space<semaphore_mem>>
    %dma_start3A_227 = tpu.memref_squeeze %dma_start3A_226 : memref<1x!tpu.dma_semaphore, #tpu.memory_space<semaphore_mem>> -> memref<!tpu.dma_semaphore, #tpu.memory_space<semaphore_mem>>
    %dma_start3A_228 = arith.constant 0 : i32
    %dma_start3A_229 = arith.constant 0 : i32
    %dma_start3A_230 = arith.constant 0 : i32
    %dma_start3A_231 = tpu.memref_slice %arg4[%dma_start3A_215, %dma_start3A_228, %add3A, %dma_start3A_229, %dma_start3A_230] : memref<200x8x32x8x128xf32, #tpu.memory_space<hbm>> -> memref<1x8x1x8x128xf32, #tpu.memory_space<hbm>>
    %dma_start3A_232 = tpu.memref_squeeze %dma_start3A_231 : memref<1x8x1x8x128xf32, #tpu.memory_space<hbm>> -> memref<8x8x128xf32, #tpu.memory_space<hbm>>
    %dma_start3A_233 = arith.constant 0 : i32
    %dma_start3A_234 = arith.constant 0 : i32
    %dma_start3A_235 = arith.constant 0 : i32
    %dma_start3A_236 = tpu.memref_slice %arg11[%dma_start3A_233, %dma_start3A_234, %dma_start3A_235] : memref<8x8x129xf32, #tpu.memory_space<vmem>> -> memref<8x8x128xf32, #tpu.memory_space<vmem>>
    tpu.enqueue_dma source(%dma_start3A_236 : memref<8x8x128xf32, #tpu.memory_space<vmem>>) target(%dma_start3A_232 : memref<8x8x128xf32, #tpu.memory_space<hbm>>) target_semaphore(%dma_start3A_227 : memref<!tpu.dma_semaphore, #tpu.memory_space<semaphore_mem>>)
    %dma_start3A_237 = arith.constant 5 : i32
    %dma_start3A_238 = arith.constant 0 : i32
    %dma_start3A_239 = arith.constant 0 : i32
    %dma_start3A_240 = arith.constant 0 : i32
    %dma_start3A_241 = tpu.memref_slice %arg6[%dma_start3A_239, %dma_start3A_240] : memref<128x64xf32, #tpu.memory_space<vmem>> -> memref<64x64xf32, #tpu.memory_space<vmem>>
    %dma_start3A_242 = arith.constant 0 : i32
    %dma_start3A_243 = tpu.memref_slice %arg5[%dma_start3A_237, %dma_start3A_242] : memref<200x128xi32, #tpu.memory_space<vmem>> -> memref<1x64xi32, #tpu.memory_space<vmem>>
    %dma_start3A_244 = tpu.memref_squeeze %dma_start3A_243 : memref<1x64xi32, #tpu.memory_space<vmem>> -> memref<64xi32, #tpu.memory_space<vmem>>
    %dma_start3A_245 = arith.constant 0 : i32
    %dma_start3A_246 = arith.constant 0 : i32
    %dma_start3A_247 = tpu.memref_slice %arg3[%dma_start3A_245, %dma_start3A_246] : memref<2000000x64xf32, #tpu.memory_space<hbm>> -> memref<2000000x64xf32, #tpu.memory_space<hbm>>
    %dma_start3A_248 = tpu.memref_slice %arg16[%dma_start3A_238] : memref<5x!tpu.dma_semaphore, #tpu.memory_space<semaphore_mem>> -> memref<1x!tpu.dma_semaphore, #tpu.memory_space<semaphore_mem>>
    %dma_start3A_249 = tpu.memref_squeeze %dma_start3A_248 : memref<1x!tpu.dma_semaphore, #tpu.memory_space<semaphore_mem>> -> memref<!tpu.dma_semaphore, #tpu.memory_space<semaphore_mem>>
    tpu.enqueue_indirect_dma source(%dma_start3A_247 : memref<2000000x64xf32, #tpu.memory_space<hbm>>) target(%dma_start3A_241 : memref<64x64xf32, #tpu.memory_space<vmem>>) offsets(%dma_start3A_244 : memref<64xi32, #tpu.memory_space<vmem>>) semaphore(%dma_start3A_249 : memref<!tpu.dma_semaphore, #tpu.memory_space<semaphore_mem>>)
    %dma_start3A_250 = arith.constant 5 : i32
    %dma_start3A_251 = arith.constant 0 : i32
    %dma_start3A_252 = arith.constant 64 : i32
    %dma_start3A_253 = arith.constant 0 : i32
    %dma_start3A_254 = tpu.memref_slice %arg6[%dma_start3A_252, %dma_start3A_253] : memref<128x64xf32, #tpu.memory_space<vmem>> -> memref<64x64xf32, #tpu.memory_space<vmem>>
    %dma_start3A_255 = arith.constant 64 : i32
    %dma_start3A_256 = tpu.memref_slice %arg5[%dma_start3A_250, %dma_start3A_255] : memref<200x128xi32, #tpu.memory_space<vmem>> -> memref<1x64xi32, #tpu.memory_space<vmem>>
    %dma_start3A_257 = tpu.memref_squeeze %dma_start3A_256 : memref<1x64xi32, #tpu.memory_space<vmem>> -> memref<64xi32, #tpu.memory_space<vmem>>
    %dma_start3A_258 = arith.constant 0 : i32
    %dma_start3A_259 = arith.constant 0 : i32
    %dma_start3A_260 = tpu.memref_slice %arg3[%dma_start3A_258, %dma_start3A_259] : memref<2000000x64xf32, #tpu.memory_space<hbm>> -> memref<2000000x64xf32, #tpu.memory_space<hbm>>
    %dma_start3A_261 = tpu.memref_slice %arg16[%dma_start3A_251] : memref<5x!tpu.dma_semaphore, #tpu.memory_space<semaphore_mem>> -> memref<1x!tpu.dma_semaphore, #tpu.memory_space<semaphore_mem>>
    %dma_start3A_262 = tpu.memref_squeeze %dma_start3A_261 : memref<1x!tpu.dma_semaphore, #tpu.memory_space<semaphore_mem>> -> memref<!tpu.dma_semaphore, #tpu.memory_space<semaphore_mem>>
    tpu.enqueue_indirect_dma source(%dma_start3A_260 : memref<2000000x64xf32, #tpu.memory_space<hbm>>) target(%dma_start3A_254 : memref<64x64xf32, #tpu.memory_space<vmem>>) offsets(%dma_start3A_257 : memref<64xi32, #tpu.memory_space<vmem>>) semaphore(%dma_start3A_262 : memref<!tpu.dma_semaphore, #tpu.memory_space<semaphore_mem>>)
    %dma_wait3A_263 = arith.constant 1 : i32
    %dma_wait3A_264 = arith.constant 1 : i32
    %dma_wait3A_265 = arith.constant 0 : i32
    %dma_wait3A_266 = arith.constant 0 : i32
    %dma_wait3A_267 = tpu.memref_slice %arg7[%dma_wait3A_265, %dma_wait3A_266] : memref<128x64xf32, #tpu.memory_space<vmem>> -> memref<64x64xf32, #tpu.memory_space<vmem>>
    %dma_wait3A_268 = arith.constant 0 : i32
    %dma_wait3A_269 = tpu.memref_slice %arg5[%dma_wait3A_263, %dma_wait3A_268] : memref<200x128xi32, #tpu.memory_space<vmem>> -> memref<1x64xi32, #tpu.memory_space<vmem>>
    %dma_wait3A_270 = tpu.memref_squeeze %dma_wait3A_269 : memref<1x64xi32, #tpu.memory_space<vmem>> -> memref<64xi32, #tpu.memory_space<vmem>>
    %dma_wait3A_271 = arith.constant 0 : i32
    %dma_wait3A_272 = arith.constant 0 : i32
    %dma_wait3A_273 = tpu.memref_slice %arg3[%dma_wait3A_271, %dma_wait3A_272] : memref<2000000x64xf32, #tpu.memory_space<hbm>> -> memref<2000000x64xf32, #tpu.memory_space<hbm>>
    %dma_wait3A_274 = tpu.memref_slice %arg16[%dma_wait3A_264] : memref<5x!tpu.dma_semaphore, #tpu.memory_space<semaphore_mem>> -> memref<1x!tpu.dma_semaphore, #tpu.memory_space<semaphore_mem>>
    %dma_wait3A_275 = tpu.memref_squeeze %dma_wait3A_274 : memref<1x!tpu.dma_semaphore, #tpu.memory_space<semaphore_mem>> -> memref<!tpu.dma_semaphore, #tpu.memory_space<semaphore_mem>>
    tpu.wait_indirect_dma semaphore(%dma_wait3A_275 : memref<!tpu.dma_semaphore, #tpu.memory_space<semaphore_mem>>) src(%dma_wait3A_273 : memref<2000000x64xf32, #tpu.memory_space<hbm>>) dst(%dma_wait3A_267 : memref<64x64xf32, #tpu.memory_space<vmem>>)
    %dma_wait3A_276 = arith.constant 1 : i32
    %dma_wait3A_277 = arith.constant 1 : i32
    %dma_wait3A_278 = arith.constant 64 : i32
    %dma_wait3A_279 = arith.constant 0 : i32
    %dma_wait3A_280 = tpu.memref_slice %arg7[%dma_wait3A_278, %dma_wait3A_279] : memref<128x64xf32, #tpu.memory_space<vmem>> -> memref<64x64xf32, #tpu.memory_space<vmem>>
    %dma_wait3A_281 = arith.constant 64 : i32
    %dma_wait3A_282 = tpu.memref_slice %arg5[%dma_wait3A_276, %dma_wait3A_281] : memref<200x128xi32, #tpu.memory_space<vmem>> -> memref<1x64xi32, #tpu.memory_space<vmem>>
    %dma_wait3A_283 = tpu.memref_squeeze %dma_wait3A_282 : memref<1x64xi32, #tpu.memory_space<vmem>> -> memref<64xi32, #tpu.memory_space<vmem>>
    %dma_wait3A_284 = arith.constant 0 : i32
    %dma_wait3A_285 = arith.constant 0 : i32
    %dma_wait3A_286 = tpu.memref_slice %arg3[%dma_wait3A_284, %dma_wait3A_285] : memref<2000000x64xf32, #tpu.memory_space<hbm>> -> memref<2000000x64xf32, #tpu.memory_space<hbm>>
    %dma_wait3A_287 = tpu.memref_slice %arg16[%dma_wait3A_277] : memref<5x!tpu.dma_semaphore, #tpu.memory_space<semaphore_mem>> -> memref<1x!tpu.dma_semaphore, #tpu.memory_space<semaphore_mem>>
    %dma_wait3A_288 = tpu.memref_squeeze %dma_wait3A_287 : memref<1x!tpu.dma_semaphore, #tpu.memory_space<semaphore_mem>> -> memref<!tpu.dma_semaphore, #tpu.memory_space<semaphore_mem>>
    tpu.wait_indirect_dma semaphore(%dma_wait3A_288 : memref<!tpu.dma_semaphore, #tpu.memory_space<semaphore_mem>>) src(%dma_wait3A_286 : memref<2000000x64xf32, #tpu.memory_space<hbm>>) dst(%dma_wait3A_280 : memref<64x64xf32, #tpu.memory_space<vmem>>)
    %scan3A_289 = arith.constant 0 : i32
    %scan3A_290 = arith.constant 0 : i32
    %scan3A_291 = arith.constant 128 : i32
    %scan3A_292 = arith.addi %scan3A_290, %scan3A_291 : i32
    %scan3A_293 = arith.constant 1 : i32
    scf.for %scan3A_1079 = %scan3A_290 to %scan3A_292 step %scan3A_293  : i32 {
      %add3A_1080 = vector.broadcast %scan3A_1079 : i32 to vector<16xi32>
      %add3A_1081 = arith.addi %broadcast_in_dim3A_3, %add3A_1080 : vector<16xi32>
      %get3A = arith.index_cast %scan3A_1079 : i32 to index
      %get3A_1082 = arith.constant 0 : index
      %get3A_1083 = tpu.vector_load %arg7[%get3A, %get3A_1082] {strides = array<i32>} : memref<128x64xf32, #tpu.memory_space<vmem>>, vector<16xf32>,
      %mul3A_1084 = arith.constant 8.000000e+00 : f32
      %mul3A_1085 = vector.broadcast %mul3A_1084 : f32 to vector<16xf32>
      %mul3A_1086 = arith.mulf %get3A_1083, %mul3A_1085 : vector<16xf32>
      tpu.vector_store_idx %arg12[%shift_right_logical3A_8, %and3A_31, %add3A_1081], %mul3A_1086 : memref<8x8x129xf32, #tpu.memory_space<vmem>>[vector<16xi32>, vector<16xi32>, vector<16xi32>], vector<16xf32>,
      %get3A_1087 = arith.index_cast %scan3A_1079 : i32 to index
      %get3A_1088 = arith.constant 16 : index
      %get3A_1089 = tpu.vector_load %arg7[%get3A_1087, %get3A_1088] {strides = array<i32>} : memref<128x64xf32, #tpu.memory_space<vmem>>, vector<16xf32>,
      %mul3A_1090 = arith.constant 8.000000e+00 : f32
      %mul3A_1091 = vector.broadcast %mul3A_1090 : f32 to vector<16xf32>
      %mul3A_1092 = arith.mulf %get3A_1089, %mul3A_1091 : vector<16xf32>
      tpu.vector_store_idx %arg12[%shift_right_logical3A_14, %and3A_37, %add3A_1081], %mul3A_1092 : memref<8x8x129xf32, #tpu.memory_space<vmem>>[vector<16xi32>, vector<16xi32>, vector<16xi32>], vector<16xf32>,
      %get3A_1093 = arith.index_cast %scan3A_1079 : i32 to index
      %get3A_1094 = arith.constant 32 : index
      %get3A_1095 = tpu.vector_load %arg7[%get3A_1093, %get3A_1094] {strides = array<i32>} : memref<128x64xf32, #tpu.memory_space<vmem>>, vector<16xf32>,
      %mul3A_1096 = arith.constant 8.000000e+00 : f32
      %mul3A_1097 = vector.broadcast %mul3A_1096 : f32 to vector<16xf32>
      %mul3A_1098 = arith.mulf %get3A_1095, %mul3A_1097 : vector<16xf32>
      tpu.vector_store_idx %arg12[%shift_right_logical3A_20, %and3A_43, %add3A_1081], %mul3A_1098 : memref<8x8x129xf32, #tpu.memory_space<vmem>>[vector<16xi32>, vector<16xi32>, vector<16xi32>], vector<16xf32>,
      %get3A_1099 = arith.index_cast %scan3A_1079 : i32 to index
      %get3A_1100 = arith.constant 48 : index
      %get3A_1101 = tpu.vector_load %arg7[%get3A_1099, %get3A_1100] {strides = array<i32>} : memref<128x64xf32, #tpu.memory_space<vmem>>, vector<16xf32>,
      %mul3A_1102 = arith.constant 8.000000e+00 : f32
      %mul3A_1103 = vector.broadcast %mul3A_1102 : f32 to vector<16xf32>
      %mul3A_1104 = arith.mulf %get3A_1101, %mul3A_1103 : vector<16xf32>
      tpu.vector_store_idx %arg12[%shift_right_logical3A_26, %and3A_49, %add3A_1081], %mul3A_1104 : memref<8x8x129xf32, #tpu.memory_space<vmem>>[vector<16xi32>, vector<16xi32>, vector<16xi32>], vector<16xf32>,
    }
    %scan3A_294 = arith.constant 128 : i32
    %dma_start3A_295 = arith.constant 1 : i32
    %dma_start3A_296 = arith.constant 1 : i32
    %dma_start3A_297 = arith.constant 0 : i32
    %dma_start3A_298 = arith.constant 0 : i32
    %dma_start3A_299 = arith.constant 0 : i32
    %dma_start3A_300 = tpu.memref_slice %arg12[%dma_start3A_297, %dma_start3A_298, %dma_start3A_299] : memref<8x8x129xf32, #tpu.memory_space<vmem>> -> memref<8x8x128xf32, #tpu.memory_space<vmem>>
    %dma_start3A_301 = arith.constant 0 : i32
    %dma_start3A_302 = arith.constant 0 : i32
    %dma_start3A_303 = arith.constant 0 : i32
    %dma_start3A_304 = tpu.memref_slice %arg4[%dma_start3A_295, %dma_start3A_301, %add3A, %dma_start3A_302, %dma_start3A_303] : memref<200x8x32x8x128xf32, #tpu.memory_space<hbm>> -> memref<1x8x1x8x128xf32, #tpu.memory_space<hbm>>
    %dma_start3A_305 = tpu.memref_squeeze %dma_start3A_304 : memref<1x8x1x8x128xf32, #tpu.memory_space<hbm>> -> memref<8x8x128xf32, #tpu.memory_space<hbm>>
    %dma_start3A_306 = tpu.memref_slice %arg17[%dma_start3A_296] : memref<5x!tpu.dma_semaphore, #tpu.memory_space<semaphore_mem>> -> memref<1x!tpu.dma_semaphore, #tpu.memory_space<semaphore_mem>>
    %dma_start3A_307 = tpu.memref_squeeze %dma_start3A_306 : memref<1x!tpu.dma_semaphore, #tpu.memory_space<semaphore_mem>> -> memref<!tpu.dma_semaphore, #tpu.memory_space<semaphore_mem>>
    %dma_start3A_308 = arith.constant 0 : i32
    %dma_start3A_309 = arith.constant 0 : i32
    %dma_start3A_310 = arith.constant 0 : i32
    %dma_start3A_311 = tpu.memref_slice %arg4[%dma_start3A_295, %dma_start3A_308, %add3A, %dma_start3A_309, %dma_start3A_310] : memref<200x8x32x8x128xf32, #tpu.memory_space<hbm>> -> memref<1x8x1x8x128xf32, #tpu.memory_space<hbm>>
    %dma_start3A_312 = tpu.memref_squeeze %dma_start3A_311 : memref<1x8x1x8x128xf32, #tpu.memory_space<hbm>> -> memref<8x8x128xf32, #tpu.memory_space<hbm>>
    %dma_start3A_313 = arith.constant 0 : i32
    %dma_start3A_314 = arith.constant 0 : i32
    %dma_start3A_315 = arith.constant 0 : i32
    %dma_start3A_316 = tpu.memref_slice %arg12[%dma_start3A_313, %dma_start3A_314, %dma_start3A_315] : memref<8x8x129xf32, #tpu.memory_space<vmem>> -> memref<8x8x128xf32, #tpu.memory_space<vmem>>
    tpu.enqueue_dma source(%dma_start3A_316 : memref<8x8x128xf32, #tpu.memory_space<vmem>>) target(%dma_start3A_312 : memref<8x8x128xf32, #tpu.memory_space<hbm>>) target_semaphore(%dma_start3A_307 : memref<!tpu.dma_semaphore, #tpu.memory_space<semaphore_mem>>)
    %dma_start3A_317 = arith.constant 6 : i32
    %dma_start3A_318 = arith.constant 1 : i32
    %dma_start3A_319 = arith.constant 0 : i32
    %dma_start3A_320 = arith.constant 0 : i32
    %dma_start3A_321 = tpu.memref_slice %arg7[%dma_start3A_319, %dma_start3A_320] : memref<128x64xf32, #tpu.memory_space<vmem>> -> memref<64x64xf32, #tpu.memory_space<vmem>>
    %dma_start3A_322 = arith.constant 0 : i32
    %dma_start3A_323 = tpu.memref_slice %arg5[%dma_start3A_317, %dma_start3A_322] : memref<200x128xi32, #tpu.memory_space<vmem>> -> memref<1x64xi32, #tpu.memory_space<vmem>>
    %dma_start3A_324 = tpu.memref_squeeze %dma_start3A_323 : memref<1x64xi32, #tpu.memory_space<vmem>> -> memref<64xi32, #tpu.memory_space<vmem>>
    %dma_start3A_325 = arith.constant 0 : i32
    %dma_start3A_326 = arith.constant 0 : i32
    %dma_start3A_327 = tpu.memref_slice %arg3[%dma_start3A_325, %dma_start3A_326] : memref<2000000x64xf32, #tpu.memory_space<hbm>> -> memref<2000000x64xf32, #tpu.memory_space<hbm>>
    %dma_start3A_328 = tpu.memref_slice %arg16[%dma_start3A_318] : memref<5x!tpu.dma_semaphore, #tpu.memory_space<semaphore_mem>> -> memref<1x!tpu.dma_semaphore, #tpu.memory_space<semaphore_mem>>
    %dma_start3A_329 = tpu.memref_squeeze %dma_start3A_328 : memref<1x!tpu.dma_semaphore, #tpu.memory_space<semaphore_mem>> -> memref<!tpu.dma_semaphore, #tpu.memory_space<semaphore_mem>>
    tpu.enqueue_indirect_dma source(%dma_start3A_327 : memref<2000000x64xf32, #tpu.memory_space<hbm>>) target(%dma_start3A_321 : memref<64x64xf32, #tpu.memory_space<vmem>>) offsets(%dma_start3A_324 : memref<64xi32, #tpu.memory_space<vmem>>) semaphore(%dma_start3A_329 : memref<!tpu.dma_semaphore, #tpu.memory_space<semaphore_mem>>)
    %dma_start3A_330 = arith.constant 6 : i32
    %dma_start3A_331 = arith.constant 1 : i32
    %dma_start3A_332 = arith.constant 64 : i32
    %dma_start3A_333 = arith.constant 0 : i32
    %dma_start3A_334 = tpu.memref_slice %arg7[%dma_start3A_332, %dma_start3A_333] : memref<128x64xf32, #tpu.memory_space<vmem>> -> memref<64x64xf32, #tpu.memory_space<vmem>>
    %dma_start3A_335 = arith.constant 64 : i32
    %dma_start3A_336 = tpu.memref_slice %arg5[%dma_start3A_330, %dma_start3A_335] : memref<200x128xi32, #tpu.memory_space<vmem>> -> memref<1x64xi32, #tpu.memory_space<vmem>>
    %dma_start3A_337 = tpu.memref_squeeze %dma_start3A_336 : memref<1x64xi32, #tpu.memory_space<vmem>> -> memref<64xi32, #tpu.memory_space<vmem>>
    %dma_start3A_338 = arith.constant 0 : i32
    %dma_start3A_339 = arith.constant 0 : i32
    %dma_start3A_340 = tpu.memref_slice %arg3[%dma_start3A_338, %dma_start3A_339] : memref<2000000x64xf32, #tpu.memory_space<hbm>> -> memref<2000000x64xf32, #tpu.memory_space<hbm>>
    %dma_start3A_341 = tpu.memref_slice %arg16[%dma_start3A_331] : memref<5x!tpu.dma_semaphore, #tpu.memory_space<semaphore_mem>> -> memref<1x!tpu.dma_semaphore, #tpu.memory_space<semaphore_mem>>
    %dma_start3A_342 = tpu.memref_squeeze %dma_start3A_341 : memref<1x!tpu.dma_semaphore, #tpu.memory_space<semaphore_mem>> -> memref<!tpu.dma_semaphore, #tpu.memory_space<semaphore_mem>>
    tpu.enqueue_indirect_dma source(%dma_start3A_340 : memref<2000000x64xf32, #tpu.memory_space<hbm>>) target(%dma_start3A_334 : memref<64x64xf32, #tpu.memory_space<vmem>>) offsets(%dma_start3A_337 : memref<64xi32, #tpu.memory_space<vmem>>) semaphore(%dma_start3A_342 : memref<!tpu.dma_semaphore, #tpu.memory_space<semaphore_mem>>)
    %dma_wait3A_343 = arith.constant 2 : i32
    %dma_wait3A_344 = arith.constant 2 : i32
    %dma_wait3A_345 = arith.constant 0 : i32
    %dma_wait3A_346 = arith.constant 0 : i32
    %dma_wait3A_347 = tpu.memref_slice %arg8[%dma_wait3A_345, %dma_wait3A_346] : memref<128x64xf32, #tpu.memory_space<vmem>> -> memref<64x64xf32, #tpu.memory_space<vmem>>
    %dma_wait3A_348 = arith.constant 0 : i32
    %dma_wait3A_349 = tpu.memref_slice %arg5[%dma_wait3A_343, %dma_wait3A_348] : memref<200x128xi32, #tpu.memory_space<vmem>> -> memref<1x64xi32, #tpu.memory_space<vmem>>
    %dma_wait3A_350 = tpu.memref_squeeze %dma_wait3A_349 : memref<1x64xi32, #tpu.memory_space<vmem>> -> memref<64xi32, #tpu.memory_space<vmem>>
    %dma_wait3A_351 = arith.constant 0 : i32
    %dma_wait3A_352 = arith.constant 0 : i32
    %dma_wait3A_353 = tpu.memref_slice %arg3[%dma_wait3A_351, %dma_wait3A_352] : memref<2000000x64xf32, #tpu.memory_space<hbm>> -> memref<2000000x64xf32, #tpu.memory_space<hbm>>
    %dma_wait3A_354 = tpu.memref_slice %arg16[%dma_wait3A_344] : memref<5x!tpu.dma_semaphore, #tpu.memory_space<semaphore_mem>> -> memref<1x!tpu.dma_semaphore, #tpu.memory_space<semaphore_mem>>
    %dma_wait3A_355 = tpu.memref_squeeze %dma_wait3A_354 : memref<1x!tpu.dma_semaphore, #tpu.memory_space<semaphore_mem>> -> memref<!tpu.dma_semaphore, #tpu.memory_space<semaphore_mem>>
    tpu.wait_indirect_dma semaphore(%dma_wait3A_355 : memref<!tpu.dma_semaphore, #tpu.memory_space<semaphore_mem>>) src(%dma_wait3A_353 : memref<2000000x64xf32, #tpu.memory_space<hbm>>) dst(%dma_wait3A_347 : memref<64x64xf32, #tpu.memory_space<vmem>>)
    %dma_wait3A_356 = arith.constant 2 : i32
    %dma_wait3A_357 = arith.constant 2 : i32
    %dma_wait3A_358 = arith.constant 64 : i32
    %dma_wait3A_359 = arith.constant 0 : i32
    %dma_wait3A_360 = tpu.memref_slice %arg8[%dma_wait3A_358, %dma_wait3A_359] : memref<128x64xf32, #tpu.memory_space<vmem>> -> memref<64x64xf32, #tpu.memory_space<vmem>>
    %dma_wait3A_361 = arith.constant 64 : i32
    %dma_wait3A_362 = tpu.memref_slice %arg5[%dma_wait3A_356, %dma_wait3A_361] : memref<200x128xi32, #tpu.memory_space<vmem>> -> memref<1x64xi32, #tpu.memory_space<vmem>>
    %dma_wait3A_363 = tpu.memref_squeeze %dma_wait3A_362 : memref<1x64xi32, #tpu.memory_space<vmem>> -> memref<64xi32, #tpu.memory_space<vmem>>
    %dma_wait3A_364 = arith.constant 0 : i32
    %dma_wait3A_365 = arith.constant 0 : i32
    %dma_wait3A_366 = tpu.memref_slice %arg3[%dma_wait3A_364, %dma_wait3A_365] : memref<2000000x64xf32, #tpu.memory_space<hbm>> -> memref<2000000x64xf32, #tpu.memory_space<hbm>>
    %dma_wait3A_367 = tpu.memref_slice %arg16[%dma_wait3A_357] : memref<5x!tpu.dma_semaphore, #tpu.memory_space<semaphore_mem>> -> memref<1x!tpu.dma_semaphore, #tpu.memory_space<semaphore_mem>>
    %dma_wait3A_368 = tpu.memref_squeeze %dma_wait3A_367 : memref<1x!tpu.dma_semaphore, #tpu.memory_space<semaphore_mem>> -> memref<!tpu.dma_semaphore, #tpu.memory_space<semaphore_mem>>
    tpu.wait_indirect_dma semaphore(%dma_wait3A_368 : memref<!tpu.dma_semaphore, #tpu.memory_space<semaphore_mem>>) src(%dma_wait3A_366 : memref<2000000x64xf32, #tpu.memory_space<hbm>>) dst(%dma_wait3A_360 : memref<64x64xf32, #tpu.memory_space<vmem>>)
    %scan3A_369 = arith.constant 0 : i32
    %scan3A_370 = arith.constant 0 : i32
    %scan3A_371 = arith.constant 128 : i32
    %scan3A_372 = arith.addi %scan3A_370, %scan3A_371 : i32
    %scan3A_373 = arith.constant 1 : i32
    scf.for %scan3A_1079 = %scan3A_370 to %scan3A_372 step %scan3A_373  : i32 {
      %add3A_1080 = vector.broadcast %scan3A_1079 : i32 to vector<16xi32>
      %add3A_1081 = arith.addi %broadcast_in_dim3A_3, %add3A_1080 : vector<16xi32>
      %get3A = arith.index_cast %scan3A_1079 : i32 to index
      %get3A_1082 = arith.constant 0 : index
      %get3A_1083 = tpu.vector_load %arg8[%get3A, %get3A_1082] {strides = array<i32>} : memref<128x64xf32, #tpu.memory_space<vmem>>, vector<16xf32>,
      %mul3A_1084 = arith.constant 8.000000e+00 : f32
      %mul3A_1085 = vector.broadcast %mul3A_1084 : f32 to vector<16xf32>
      %mul3A_1086 = arith.mulf %get3A_1083, %mul3A_1085 : vector<16xf32>
      tpu.vector_store_idx %arg13[%shift_right_logical3A_8, %and3A_31, %add3A_1081], %mul3A_1086 : memref<8x8x129xf32, #tpu.memory_space<vmem>>[vector<16xi32>, vector<16xi32>, vector<16xi32>], vector<16xf32>,
      %get3A_1087 = arith.index_cast %scan3A_1079 : i32 to index
      %get3A_1088 = arith.constant 16 : index
      %get3A_1089 = tpu.vector_load %arg8[%get3A_1087, %get3A_1088] {strides = array<i32>} : memref<128x64xf32, #tpu.memory_space<vmem>>, vector<16xf32>,
      %mul3A_1090 = arith.constant 8.000000e+00 : f32
      %mul3A_1091 = vector.broadcast %mul3A_1090 : f32 to vector<16xf32>
      %mul3A_1092 = arith.mulf %get3A_1089, %mul3A_1091 : vector<16xf32>
      tpu.vector_store_idx %arg13[%shift_right_logical3A_14, %and3A_37, %add3A_1081], %mul3A_1092 : memref<8x8x129xf32, #tpu.memory_space<vmem>>[vector<16xi32>, vector<16xi32>, vector<16xi32>], vector<16xf32>,
      %get3A_1093 = arith.index_cast %scan3A_1079 : i32 to index
      %get3A_1094 = arith.constant 32 : index
      %get3A_1095 = tpu.vector_load %arg8[%get3A_1093, %get3A_1094] {strides = array<i32>} : memref<128x64xf32, #tpu.memory_space<vmem>>, vector<16xf32>,
      %mul3A_1096 = arith.constant 8.000000e+00 : f32
      %mul3A_1097 = vector.broadcast %mul3A_1096 : f32 to vector<16xf32>
      %mul3A_1098 = arith.mulf %get3A_1095, %mul3A_1097 : vector<16xf32>
      tpu.vector_store_idx %arg13[%shift_right_logical3A_20, %and3A_43, %add3A_1081], %mul3A_1098 : memref<8x8x129xf32, #tpu.memory_space<vmem>>[vector<16xi32>, vector<16xi32>, vector<16xi32>], vector<16xf32>,
      %get3A_1099 = arith.index_cast %scan3A_1079 : i32 to index
      %get3A_1100 = arith.constant 48 : index
      %get3A_1101 = tpu.vector_load %arg8[%get3A_1099, %get3A_1100] {strides = array<i32>} : memref<128x64xf32, #tpu.memory_space<vmem>>, vector<16xf32>,
      %mul3A_1102 = arith.constant 8.000000e+00 : f32
      %mul3A_1103 = vector.broadcast %mul3A_1102 : f32 to vector<16xf32>
      %mul3A_1104 = arith.mulf %get3A_1101, %mul3A_1103 : vector<16xf32>
      tpu.vector_store_idx %arg13[%shift_right_logical3A_26, %and3A_49, %add3A_1081], %mul3A_1104 : memref<8x8x129xf32, #tpu.memory_space<vmem>>[vector<16xi32>, vector<16xi32>, vector<16xi32>], vector<16xf32>,
    }
    %scan3A_374 = arith.constant 128 : i32
    %dma_start3A_375 = arith.constant 2 : i32
    %dma_start3A_376 = arith.constant 2 : i32
    %dma_start3A_377 = arith.constant 0 : i32
    %dma_start3A_378 = arith.constant 0 : i32
    %dma_start3A_379 = arith.constant 0 : i32
    %dma_start3A_380 = tpu.memref_slice %arg13[%dma_start3A_377, %dma_start3A_378, %dma_start3A_379] : memref<8x8x129xf32, #tpu.memory_space<vmem>> -> memref<8x8x128xf32, #tpu.memory_space<vmem>>
    %dma_start3A_381 = arith.constant 0 : i32
    %dma_start3A_382 = arith.constant 0 : i32
    %dma_start3A_383 = arith.constant 0 : i32
    %dma_start3A_384 = tpu.memref_slice %arg4[%dma_start3A_375, %dma_start3A_381, %add3A, %dma_start3A_382, %dma_start3A_383] : memref<200x8x32x8x128xf32, #tpu.memory_space<hbm>> -> memref<1x8x1x8x128xf32, #tpu.memory_space<hbm>>
    %dma_start3A_385 = tpu.memref_squeeze %dma_start3A_384 : memref<1x8x1x8x128xf32, #tpu.memory_space<hbm>> -> memref<8x8x128xf32, #tpu.memory_space<hbm>>
    %dma_start3A_386 = tpu.memref_slice %arg17[%dma_start3A_376] : memref<5x!tpu.dma_semaphore, #tpu.memory_space<semaphore_mem>> -> memref<1x!tpu.dma_semaphore, #tpu.memory_space<semaphore_mem>>
    %dma_start3A_387 = tpu.memref_squeeze %dma_start3A_386 : memref<1x!tpu.dma_semaphore, #tpu.memory_space<semaphore_mem>> -> memref<!tpu.dma_semaphore, #tpu.memory_space<semaphore_mem>>
    %dma_start3A_388 = arith.constant 0 : i32
    %dma_start3A_389 = arith.constant 0 : i32
    %dma_start3A_390 = arith.constant 0 : i32
    %dma_start3A_391 = tpu.memref_slice %arg4[%dma_start3A_375, %dma_start3A_388, %add3A, %dma_start3A_389, %dma_start3A_390] : memref<200x8x32x8x128xf32, #tpu.memory_space<hbm>> -> memref<1x8x1x8x128xf32, #tpu.memory_space<hbm>>
    %dma_start3A_392 = tpu.memref_squeeze %dma_start3A_391 : memref<1x8x1x8x128xf32, #tpu.memory_space<hbm>> -> memref<8x8x128xf32, #tpu.memory_space<hbm>>
    %dma_start3A_393 = arith.constant 0 : i32
    %dma_start3A_394 = arith.constant 0 : i32
    %dma_start3A_395 = arith.constant 0 : i32
    %dma_start3A_396 = tpu.memref_slice %arg13[%dma_start3A_393, %dma_start3A_394, %dma_start3A_395] : memref<8x8x129xf32, #tpu.memory_space<vmem>> -> memref<8x8x128xf32, #tpu.memory_space<vmem>>
    tpu.enqueue_dma source(%dma_start3A_396 : memref<8x8x128xf32, #tpu.memory_space<vmem>>) target(%dma_start3A_392 : memref<8x8x128xf32, #tpu.memory_space<hbm>>) target_semaphore(%dma_start3A_387 : memref<!tpu.dma_semaphore, #tpu.memory_space<semaphore_mem>>)
    %dma_start3A_397 = arith.constant 7 : i32
    %dma_start3A_398 = arith.constant 2 : i32
    %dma_start3A_399 = arith.constant 0 : i32
    %dma_start3A_400 = arith.constant 0 : i32
    %dma_start3A_401 = tpu.memref_slice %arg8[%dma_start3A_399, %dma_start3A_400] : memref<128x64xf32, #tpu.memory_space<vmem>> -> memref<64x64xf32, #tpu.memory_space<vmem>>
    %dma_start3A_402 = arith.constant 0 : i32
    %dma_start3A_403 = tpu.memref_slice %arg5[%dma_start3A_397, %dma_start3A_402] : memref<200x128xi32, #tpu.memory_space<vmem>> -> memref<1x64xi32, #tpu.memory_space<vmem>>
    %dma_start3A_404 = tpu.memref_squeeze %dma_start3A_403 : memref<1x64xi32, #tpu.memory_space<vmem>> -> memref<64xi32, #tpu.memory_space<vmem>>
    %dma_start3A_405 = arith.constant 0 : i32
    %dma_start3A_406 = arith.constant 0 : i32
    %dma_start3A_407 = tpu.memref_slice %arg3[%dma_start3A_405, %dma_start3A_406] : memref<2000000x64xf32, #tpu.memory_space<hbm>> -> memref<2000000x64xf32, #tpu.memory_space<hbm>>
    %dma_start3A_408 = tpu.memref_slice %arg16[%dma_start3A_398] : memref<5x!tpu.dma_semaphore, #tpu.memory_space<semaphore_mem>> -> memref<1x!tpu.dma_semaphore, #tpu.memory_space<semaphore_mem>>
    %dma_start3A_409 = tpu.memref_squeeze %dma_start3A_408 : memref<1x!tpu.dma_semaphore, #tpu.memory_space<semaphore_mem>> -> memref<!tpu.dma_semaphore, #tpu.memory_space<semaphore_mem>>
    tpu.enqueue_indirect_dma source(%dma_start3A_407 : memref<2000000x64xf32, #tpu.memory_space<hbm>>) target(%dma_start3A_401 : memref<64x64xf32, #tpu.memory_space<vmem>>) offsets(%dma_start3A_404 : memref<64xi32, #tpu.memory_space<vmem>>) semaphore(%dma_start3A_409 : memref<!tpu.dma_semaphore, #tpu.memory_space<semaphore_mem>>)
    %dma_start3A_410 = arith.constant 7 : i32
    %dma_start3A_411 = arith.constant 2 : i32
    %dma_start3A_412 = arith.constant 64 : i32
    %dma_start3A_413 = arith.constant 0 : i32
    %dma_start3A_414 = tpu.memref_slice %arg8[%dma_start3A_412, %dma_start3A_413] : memref<128x64xf32, #tpu.memory_space<vmem>> -> memref<64x64xf32, #tpu.memory_space<vmem>>
    %dma_start3A_415 = arith.constant 64 : i32
    %dma_start3A_416 = tpu.memref_slice %arg5[%dma_start3A_410, %dma_start3A_415] : memref<200x128xi32, #tpu.memory_space<vmem>> -> memref<1x64xi32, #tpu.memory_space<vmem>>
    %dma_start3A_417 = tpu.memref_squeeze %dma_start3A_416 : memref<1x64xi32, #tpu.memory_space<vmem>> -> memref<64xi32, #tpu.memory_space<vmem>>
    %dma_start3A_418 = arith.constant 0 : i32
    %dma_start3A_419 = arith.constant 0 : i32
    %dma_start3A_420 = tpu.memref_slice %arg3[%dma_start3A_418, %dma_start3A_419] : memref<2000000x64xf32, #tpu.memory_space<hbm>> -> memref<2000000x64xf32, #tpu.memory_space<hbm>>
    %dma_start3A_421 = tpu.memref_slice %arg16[%dma_start3A_411] : memref<5x!tpu.dma_semaphore, #tpu.memory_space<semaphore_mem>> -> memref<1x!tpu.dma_semaphore, #tpu.memory_space<semaphore_mem>>
    %dma_start3A_422 = tpu.memref_squeeze %dma_start3A_421 : memref<1x!tpu.dma_semaphore, #tpu.memory_space<semaphore_mem>> -> memref<!tpu.dma_semaphore, #tpu.memory_space<semaphore_mem>>
    tpu.enqueue_indirect_dma source(%dma_start3A_420 : memref<2000000x64xf32, #tpu.memory_space<hbm>>) target(%dma_start3A_414 : memref<64x64xf32, #tpu.memory_space<vmem>>) offsets(%dma_start3A_417 : memref<64xi32, #tpu.memory_space<vmem>>) semaphore(%dma_start3A_422 : memref<!tpu.dma_semaphore, #tpu.memory_space<semaphore_mem>>)
    %dma_wait3A_423 = arith.constant 3 : i32
    %dma_wait3A_424 = arith.constant 3 : i32
    %dma_wait3A_425 = arith.constant 0 : i32
    %dma_wait3A_426 = arith.constant 0 : i32
    %dma_wait3A_427 = tpu.memref_slice %arg9[%dma_wait3A_425, %dma_wait3A_426] : memref<128x64xf32, #tpu.memory_space<vmem>> -> memref<64x64xf32, #tpu.memory_space<vmem>>
    %dma_wait3A_428 = arith.constant 0 : i32
    %dma_wait3A_429 = tpu.memref_slice %arg5[%dma_wait3A_423, %dma_wait3A_428] : memref<200x128xi32, #tpu.memory_space<vmem>> -> memref<1x64xi32, #tpu.memory_space<vmem>>
    %dma_wait3A_430 = tpu.memref_squeeze %dma_wait3A_429 : memref<1x64xi32, #tpu.memory_space<vmem>> -> memref<64xi32, #tpu.memory_space<vmem>>
    %dma_wait3A_431 = arith.constant 0 : i32
    %dma_wait3A_432 = arith.constant 0 : i32
    %dma_wait3A_433 = tpu.memref_slice %arg3[%dma_wait3A_431, %dma_wait3A_432] : memref<2000000x64xf32, #tpu.memory_space<hbm>> -> memref<2000000x64xf32, #tpu.memory_space<hbm>>
    %dma_wait3A_434 = tpu.memref_slice %arg16[%dma_wait3A_424] : memref<5x!tpu.dma_semaphore, #tpu.memory_space<semaphore_mem>> -> memref<1x!tpu.dma_semaphore, #tpu.memory_space<semaphore_mem>>
    %dma_wait3A_435 = tpu.memref_squeeze %dma_wait3A_434 : memref<1x!tpu.dma_semaphore, #tpu.memory_space<semaphore_mem>> -> memref<!tpu.dma_semaphore, #tpu.memory_space<semaphore_mem>>
    tpu.wait_indirect_dma semaphore(%dma_wait3A_435 : memref<!tpu.dma_semaphore, #tpu.memory_space<semaphore_mem>>) src(%dma_wait3A_433 : memref<2000000x64xf32, #tpu.memory_space<hbm>>) dst(%dma_wait3A_427 : memref<64x64xf32, #tpu.memory_space<vmem>>)
    %dma_wait3A_436 = arith.constant 3 : i32
    %dma_wait3A_437 = arith.constant 3 : i32
    %dma_wait3A_438 = arith.constant 64 : i32
    %dma_wait3A_439 = arith.constant 0 : i32
    %dma_wait3A_440 = tpu.memref_slice %arg9[%dma_wait3A_438, %dma_wait3A_439] : memref<128x64xf32, #tpu.memory_space<vmem>> -> memref<64x64xf32, #tpu.memory_space<vmem>>
    %dma_wait3A_441 = arith.constant 64 : i32
    %dma_wait3A_442 = tpu.memref_slice %arg5[%dma_wait3A_436, %dma_wait3A_441] : memref<200x128xi32, #tpu.memory_space<vmem>> -> memref<1x64xi32, #tpu.memory_space<vmem>>
    %dma_wait3A_443 = tpu.memref_squeeze %dma_wait3A_442 : memref<1x64xi32, #tpu.memory_space<vmem>> -> memref<64xi32, #tpu.memory_space<vmem>>
    %dma_wait3A_444 = arith.constant 0 : i32
    %dma_wait3A_445 = arith.constant 0 : i32
    %dma_wait3A_446 = tpu.memref_slice %arg3[%dma_wait3A_444, %dma_wait3A_445] : memref<2000000x64xf32, #tpu.memory_space<hbm>> -> memref<2000000x64xf32, #tpu.memory_space<hbm>>
    %dma_wait3A_447 = tpu.memref_slice %arg16[%dma_wait3A_437] : memref<5x!tpu.dma_semaphore, #tpu.memory_space<semaphore_mem>> -> memref<1x!tpu.dma_semaphore, #tpu.memory_space<semaphore_mem>>
    %dma_wait3A_448 = tpu.memref_squeeze %dma_wait3A_447 : memref<1x!tpu.dma_semaphore, #tpu.memory_space<semaphore_mem>> -> memref<!tpu.dma_semaphore, #tpu.memory_space<semaphore_mem>>
    tpu.wait_indirect_dma semaphore(%dma_wait3A_448 : memref<!tpu.dma_semaphore, #tpu.memory_space<semaphore_mem>>) src(%dma_wait3A_446 : memref<2000000x64xf32, #tpu.memory_space<hbm>>) dst(%dma_wait3A_440 : memref<64x64xf32, #tpu.memory_space<vmem>>)
    %scan3A_449 = arith.constant 0 : i32
    %scan3A_450 = arith.constant 0 : i32
    %scan3A_451 = arith.constant 128 : i32
    %scan3A_452 = arith.addi %scan3A_450, %scan3A_451 : i32
    %scan3A_453 = arith.constant 1 : i32
    scf.for %scan3A_1079 = %scan3A_450 to %scan3A_452 step %scan3A_453  : i32 {
      %add3A_1080 = vector.broadcast %scan3A_1079 : i32 to vector<16xi32>
      %add3A_1081 = arith.addi %broadcast_in_dim3A_3, %add3A_1080 : vector<16xi32>
      %get3A = arith.index_cast %scan3A_1079 : i32 to index
      %get3A_1082 = arith.constant 0 : index
      %get3A_1083 = tpu.vector_load %arg9[%get3A, %get3A_1082] {strides = array<i32>} : memref<128x64xf32, #tpu.memory_space<vmem>>, vector<16xf32>,
      %mul3A_1084 = arith.constant 8.000000e+00 : f32
      %mul3A_1085 = vector.broadcast %mul3A_1084 : f32 to vector<16xf32>
      %mul3A_1086 = arith.mulf %get3A_1083, %mul3A_1085 : vector<16xf32>
      tpu.vector_store_idx %arg14[%shift_right_logical3A_8, %and3A_31, %add3A_1081], %mul3A_1086 : memref<8x8x129xf32, #tpu.memory_space<vmem>>[vector<16xi32>, vector<16xi32>, vector<16xi32>], vector<16xf32>,
      %get3A_1087 = arith.index_cast %scan3A_1079 : i32 to index
      %get3A_1088 = arith.constant 16 : index
      %get3A_1089 = tpu.vector_load %arg9[%get3A_1087, %get3A_1088] {strides = array<i32>} : memref<128x64xf32, #tpu.memory_space<vmem>>, vector<16xf32>,
      %mul3A_1090 = arith.constant 8.000000e+00 : f32
      %mul3A_1091 = vector.broadcast %mul3A_1090 : f32 to vector<16xf32>
      %mul3A_1092 = arith.mulf %get3A_1089, %mul3A_1091 : vector<16xf32>
      tpu.vector_store_idx %arg14[%shift_right_logical3A_14, %and3A_37, %add3A_1081], %mul3A_1092 : memref<8x8x129xf32, #tpu.memory_space<vmem>>[vector<16xi32>, vector<16xi32>, vector<16xi32>], vector<16xf32>,
      %get3A_1093 = arith.index_cast %scan3A_1079 : i32 to index
      %get3A_1094 = arith.constant 32 : index
      %get3A_1095 = tpu.vector_load %arg9[%get3A_1093, %get3A_1094] {strides = array<i32>} : memref<128x64xf32, #tpu.memory_space<vmem>>, vector<16xf32>,
      %mul3A_1096 = arith.constant 8.000000e+00 : f32
      %mul3A_1097 = vector.broadcast %mul3A_1096 : f32 to vector<16xf32>
      %mul3A_1098 = arith.mulf %get3A_1095, %mul3A_1097 : vector<16xf32>
      tpu.vector_store_idx %arg14[%shift_right_logical3A_20, %and3A_43, %add3A_1081], %mul3A_1098 : memref<8x8x129xf32, #tpu.memory_space<vmem>>[vector<16xi32>, vector<16xi32>, vector<16xi32>], vector<16xf32>,
      %get3A_1099 = arith.index_cast %scan3A_1079 : i32 to index
      %get3A_1100 = arith.constant 48 : index
      %get3A_1101 = tpu.vector_load %arg9[%get3A_1099, %get3A_1100] {strides = array<i32>} : memref<128x64xf32, #tpu.memory_space<vmem>>, vector<16xf32>,
      %mul3A_1102 = arith.constant 8.000000e+00 : f32
      %mul3A_1103 = vector.broadcast %mul3A_1102 : f32 to vector<16xf32>
      %mul3A_1104 = arith.mulf %get3A_1101, %mul3A_1103 : vector<16xf32>
      tpu.vector_store_idx %arg14[%shift_right_logical3A_26, %and3A_49, %add3A_1081], %mul3A_1104 : memref<8x8x129xf32, #tpu.memory_space<vmem>>[vector<16xi32>, vector<16xi32>, vector<16xi32>], vector<16xf32>,
    }
    %scan3A_454 = arith.constant 128 : i32
    %dma_start3A_455 = arith.constant 3 : i32
    %dma_start3A_456 = arith.constant 3 : i32
    %dma_start3A_457 = arith.constant 0 : i32
    %dma_start3A_458 = arith.constant 0 : i32
    %dma_start3A_459 = arith.constant 0 : i32
    %dma_start3A_460 = tpu.memref_slice %arg14[%dma_start3A_457, %dma_start3A_458, %dma_start3A_459] : memref<8x8x129xf32, #tpu.memory_space<vmem>> -> memref<8x8x128xf32, #tpu.memory_space<vmem>>
    %dma_start3A_461 = arith.constant 0 : i32
    %dma_start3A_462 = arith.constant 0 : i32
    %dma_start3A_463 = arith.constant 0 : i32
    %dma_start3A_464 = tpu.memref_slice %arg4[%dma_start3A_455, %dma_start3A_461, %add3A, %dma_start3A_462, %dma_start3A_463] : memref<200x8x32x8x128xf32, #tpu.memory_space<hbm>> -> memref<1x8x1x8x128xf32, #tpu.memory_space<hbm>>
    %dma_start3A_465 = tpu.memref_squeeze %dma_start3A_464 : memref<1x8x1x8x128xf32, #tpu.memory_space<hbm>> -> memref<8x8x128xf32, #tpu.memory_space<hbm>>
    %dma_start3A_466 = tpu.memref_slice %arg17[%dma_start3A_456] : memref<5x!tpu.dma_semaphore, #tpu.memory_space<semaphore_mem>> -> memref<1x!tpu.dma_semaphore, #tpu.memory_space<semaphore_mem>>
    %dma_start3A_467 = tpu.memref_squeeze %dma_start3A_466 : memref<1x!tpu.dma_semaphore, #tpu.memory_space<semaphore_mem>> -> memref<!tpu.dma_semaphore, #tpu.memory_space<semaphore_mem>>
    %dma_start3A_468 = arith.constant 0 : i32
    %dma_start3A_469 = arith.constant 0 : i32
    %dma_start3A_470 = arith.constant 0 : i32
    %dma_start3A_471 = tpu.memref_slice %arg4[%dma_start3A_455, %dma_start3A_468, %add3A, %dma_start3A_469, %dma_start3A_470] : memref<200x8x32x8x128xf32, #tpu.memory_space<hbm>> -> memref<1x8x1x8x128xf32, #tpu.memory_space<hbm>>
    %dma_start3A_472 = tpu.memref_squeeze %dma_start3A_471 : memref<1x8x1x8x128xf32, #tpu.memory_space<hbm>> -> memref<8x8x128xf32, #tpu.memory_space<hbm>>
    %dma_start3A_473 = arith.constant 0 : i32
    %dma_start3A_474 = arith.constant 0 : i32
    %dma_start3A_475 = arith.constant 0 : i32
    %dma_start3A_476 = tpu.memref_slice %arg14[%dma_start3A_473, %dma_start3A_474, %dma_start3A_475] : memref<8x8x129xf32, #tpu.memory_space<vmem>> -> memref<8x8x128xf32, #tpu.memory_space<vmem>>
    tpu.enqueue_dma source(%dma_start3A_476 : memref<8x8x128xf32, #tpu.memory_space<vmem>>) target(%dma_start3A_472 : memref<8x8x128xf32, #tpu.memory_space<hbm>>) target_semaphore(%dma_start3A_467 : memref<!tpu.dma_semaphore, #tpu.memory_space<semaphore_mem>>)
    %dma_start3A_477 = arith.constant 8 : i32
    %dma_start3A_478 = arith.constant 3 : i32
    %dma_start3A_479 = arith.constant 0 : i32
    %dma_start3A_480 = arith.constant 0 : i32
    %dma_start3A_481 = tpu.memref_slice %arg9[%dma_start3A_479, %dma_start3A_480] : memref<128x64xf32, #tpu.memory_space<vmem>> -> memref<64x64xf32, #tpu.memory_space<vmem>>
    %dma_start3A_482 = arith.constant 0 : i32
    %dma_start3A_483 = tpu.memref_slice %arg5[%dma_start3A_477, %dma_start3A_482] : memref<200x128xi32, #tpu.memory_space<vmem>> -> memref<1x64xi32, #tpu.memory_space<vmem>>
    %dma_start3A_484 = tpu.memref_squeeze %dma_start3A_483 : memref<1x64xi32, #tpu.memory_space<vmem>> -> memref<64xi32, #tpu.memory_space<vmem>>
    %dma_start3A_485 = arith.constant 0 : i32
    %dma_start3A_486 = arith.constant 0 : i32
    %dma_start3A_487 = tpu.memref_slice %arg3[%dma_start3A_485, %dma_start3A_486] : memref<2000000x64xf32, #tpu.memory_space<hbm>> -> memref<2000000x64xf32, #tpu.memory_space<hbm>>
    %dma_start3A_488 = tpu.memref_slice %arg16[%dma_start3A_478] : memref<5x!tpu.dma_semaphore, #tpu.memory_space<semaphore_mem>> -> memref<1x!tpu.dma_semaphore, #tpu.memory_space<semaphore_mem>>
    %dma_start3A_489 = tpu.memref_squeeze %dma_start3A_488 : memref<1x!tpu.dma_semaphore, #tpu.memory_space<semaphore_mem>> -> memref<!tpu.dma_semaphore, #tpu.memory_space<semaphore_mem>>
    tpu.enqueue_indirect_dma source(%dma_start3A_487 : memref<2000000x64xf32, #tpu.memory_space<hbm>>) target(%dma_start3A_481 : memref<64x64xf32, #tpu.memory_space<vmem>>) offsets(%dma_start3A_484 : memref<64xi32, #tpu.memory_space<vmem>>) semaphore(%dma_start3A_489 : memref<!tpu.dma_semaphore, #tpu.memory_space<semaphore_mem>>)
    %dma_start3A_490 = arith.constant 8 : i32
    %dma_start3A_491 = arith.constant 3 : i32
    %dma_start3A_492 = arith.constant 64 : i32
    %dma_start3A_493 = arith.constant 0 : i32
    %dma_start3A_494 = tpu.memref_slice %arg9[%dma_start3A_492, %dma_start3A_493] : memref<128x64xf32, #tpu.memory_space<vmem>> -> memref<64x64xf32, #tpu.memory_space<vmem>>
    %dma_start3A_495 = arith.constant 64 : i32
    %dma_start3A_496 = tpu.memref_slice %arg5[%dma_start3A_490, %dma_start3A_495] : memref<200x128xi32, #tpu.memory_space<vmem>> -> memref<1x64xi32, #tpu.memory_space<vmem>>
    %dma_start3A_497 = tpu.memref_squeeze %dma_start3A_496 : memref<1x64xi32, #tpu.memory_space<vmem>> -> memref<64xi32, #tpu.memory_space<vmem>>
    %dma_start3A_498 = arith.constant 0 : i32
    %dma_start3A_499 = arith.constant 0 : i32
    %dma_start3A_500 = tpu.memref_slice %arg3[%dma_start3A_498, %dma_start3A_499] : memref<2000000x64xf32, #tpu.memory_space<hbm>> -> memref<2000000x64xf32, #tpu.memory_space<hbm>>
    %dma_start3A_501 = tpu.memref_slice %arg16[%dma_start3A_491] : memref<5x!tpu.dma_semaphore, #tpu.memory_space<semaphore_mem>> -> memref<1x!tpu.dma_semaphore, #tpu.memory_space<semaphore_mem>>
    %dma_start3A_502 = tpu.memref_squeeze %dma_start3A_501 : memref<1x!tpu.dma_semaphore, #tpu.memory_space<semaphore_mem>> -> memref<!tpu.dma_semaphore, #tpu.memory_space<semaphore_mem>>
    tpu.enqueue_indirect_dma source(%dma_start3A_500 : memref<2000000x64xf32, #tpu.memory_space<hbm>>) target(%dma_start3A_494 : memref<64x64xf32, #tpu.memory_space<vmem>>) offsets(%dma_start3A_497 : memref<64xi32, #tpu.memory_space<vmem>>) semaphore(%dma_start3A_502 : memref<!tpu.dma_semaphore, #tpu.memory_space<semaphore_mem>>)
    %dma_wait3A_503 = arith.constant 4 : i32
    %dma_wait3A_504 = arith.constant 4 : i32
    %dma_wait3A_505 = arith.constant 0 : i32
    %dma_wait3A_506 = arith.constant 0 : i32
    %dma_wait3A_507 = tpu.memref_slice %arg10[%dma_wait3A_505, %dma_wait3A_506] : memref<128x64xf32, #tpu.memory_space<vmem>> -> memref<64x64xf32, #tpu.memory_space<vmem>>
    %dma_wait3A_508 = arith.constant 0 : i32
    %dma_wait3A_509 = tpu.memref_slice %arg5[%dma_wait3A_503, %dma_wait3A_508] : memref<200x128xi32, #tpu.memory_space<vmem>> -> memref<1x64xi32, #tpu.memory_space<vmem>>
    %dma_wait3A_510 = tpu.memref_squeeze %dma_wait3A_509 : memref<1x64xi32, #tpu.memory_space<vmem>> -> memref<64xi32, #tpu.memory_space<vmem>>
    %dma_wait3A_511 = arith.constant 0 : i32
    %dma_wait3A_512 = arith.constant 0 : i32
    %dma_wait3A_513 = tpu.memref_slice %arg3[%dma_wait3A_511, %dma_wait3A_512] : memref<2000000x64xf32, #tpu.memory_space<hbm>> -> memref<2000000x64xf32, #tpu.memory_space<hbm>>
    %dma_wait3A_514 = tpu.memref_slice %arg16[%dma_wait3A_504] : memref<5x!tpu.dma_semaphore, #tpu.memory_space<semaphore_mem>> -> memref<1x!tpu.dma_semaphore, #tpu.memory_space<semaphore_mem>>
    %dma_wait3A_515 = tpu.memref_squeeze %dma_wait3A_514 : memref<1x!tpu.dma_semaphore, #tpu.memory_space<semaphore_mem>> -> memref<!tpu.dma_semaphore, #tpu.memory_space<semaphore_mem>>
    tpu.wait_indirect_dma semaphore(%dma_wait3A_515 : memref<!tpu.dma_semaphore, #tpu.memory_space<semaphore_mem>>) src(%dma_wait3A_513 : memref<2000000x64xf32, #tpu.memory_space<hbm>>) dst(%dma_wait3A_507 : memref<64x64xf32, #tpu.memory_space<vmem>>)
    %dma_wait3A_516 = arith.constant 4 : i32
    %dma_wait3A_517 = arith.constant 4 : i32
    %dma_wait3A_518 = arith.constant 64 : i32
    %dma_wait3A_519 = arith.constant 0 : i32
    %dma_wait3A_520 = tpu.memref_slice %arg10[%dma_wait3A_518, %dma_wait3A_519] : memref<128x64xf32, #tpu.memory_space<vmem>> -> memref<64x64xf32, #tpu.memory_space<vmem>>
    %dma_wait3A_521 = arith.constant 64 : i32
    %dma_wait3A_522 = tpu.memref_slice %arg5[%dma_wait3A_516, %dma_wait3A_521] : memref<200x128xi32, #tpu.memory_space<vmem>> -> memref<1x64xi32, #tpu.memory_space<vmem>>
    %dma_wait3A_523 = tpu.memref_squeeze %dma_wait3A_522 : memref<1x64xi32, #tpu.memory_space<vmem>> -> memref<64xi32, #tpu.memory_space<vmem>>
    %dma_wait3A_524 = arith.constant 0 : i32
    %dma_wait3A_525 = arith.constant 0 : i32
    %dma_wait3A_526 = tpu.memref_slice %arg3[%dma_wait3A_524, %dma_wait3A_525] : memref<2000000x64xf32, #tpu.memory_space<hbm>> -> memref<2000000x64xf32, #tpu.memory_space<hbm>>
    %dma_wait3A_527 = tpu.memref_slice %arg16[%dma_wait3A_517] : memref<5x!tpu.dma_semaphore, #tpu.memory_space<semaphore_mem>> -> memref<1x!tpu.dma_semaphore, #tpu.memory_space<semaphore_mem>>
    %dma_wait3A_528 = tpu.memref_squeeze %dma_wait3A_527 : memref<1x!tpu.dma_semaphore, #tpu.memory_space<semaphore_mem>> -> memref<!tpu.dma_semaphore, #tpu.memory_space<semaphore_mem>>
    tpu.wait_indirect_dma semaphore(%dma_wait3A_528 : memref<!tpu.dma_semaphore, #tpu.memory_space<semaphore_mem>>) src(%dma_wait3A_526 : memref<2000000x64xf32, #tpu.memory_space<hbm>>) dst(%dma_wait3A_520 : memref<64x64xf32, #tpu.memory_space<vmem>>)
    %scan3A_529 = arith.constant 0 : i32
    %scan3A_530 = arith.constant 0 : i32
    %scan3A_531 = arith.constant 128 : i32
    %scan3A_532 = arith.addi %scan3A_530, %scan3A_531 : i32
    %scan3A_533 = arith.constant 1 : i32
    scf.for %scan3A_1079 = %scan3A_530 to %scan3A_532 step %scan3A_533  : i32 {
      %add3A_1080 = vector.broadcast %scan3A_1079 : i32 to vector<16xi32>
      %add3A_1081 = arith.addi %broadcast_in_dim3A_3, %add3A_1080 : vector<16xi32>
      %get3A = arith.index_cast %scan3A_1079 : i32 to index
      %get3A_1082 = arith.constant 0 : index
      %get3A_1083 = tpu.vector_load %arg10[%get3A, %get3A_1082] {strides = array<i32>} : memref<128x64xf32, #tpu.memory_space<vmem>>, vector<16xf32>,
      %mul3A_1084 = arith.constant 8.000000e+00 : f32
      %mul3A_1085 = vector.broadcast %mul3A_1084 : f32 to vector<16xf32>
      %mul3A_1086 = arith.mulf %get3A_1083, %mul3A_1085 : vector<16xf32>
      tpu.vector_store_idx %arg15[%shift_right_logical3A_8, %and3A_31, %add3A_1081], %mul3A_1086 : memref<8x8x129xf32, #tpu.memory_space<vmem>>[vector<16xi32>, vector<16xi32>, vector<16xi32>], vector<16xf32>,
      %get3A_1087 = arith.index_cast %scan3A_1079 : i32 to index
      %get3A_1088 = arith.constant 16 : index
      %get3A_1089 = tpu.vector_load %arg10[%get3A_1087, %get3A_1088] {strides = array<i32>} : memref<128x64xf32, #tpu.memory_space<vmem>>, vector<16xf32>,
      %mul3A_1090 = arith.constant 8.000000e+00 : f32
      %mul3A_1091 = vector.broadcast %mul3A_1090 : f32 to vector<16xf32>
      %mul3A_1092 = arith.mulf %get3A_1089, %mul3A_1091 : vector<16xf32>
      tpu.vector_store_idx %arg15[%shift_right_logical3A_14, %and3A_37, %add3A_1081], %mul3A_1092 : memref<8x8x129xf32, #tpu.memory_space<vmem>>[vector<16xi32>, vector<16xi32>, vector<16xi32>], vector<16xf32>,
      %get3A_1093 = arith.index_cast %scan3A_1079 : i32 to index
      %get3A_1094 = arith.constant 32 : index
      %get3A_1095 = tpu.vector_load %arg10[%get3A_1093, %get3A_1094] {strides = array<i32>} : memref<128x64xf32, #tpu.memory_space<vmem>>, vector<16xf32>,
      %mul3A_1096 = arith.constant 8.000000e+00 : f32
      %mul3A_1097 = vector.broadcast %mul3A_1096 : f32 to vector<16xf32>
      %mul3A_1098 = arith.mulf %get3A_1095, %mul3A_1097 : vector<16xf32>
      tpu.vector_store_idx %arg15[%shift_right_logical3A_20, %and3A_43, %add3A_1081], %mul3A_1098 : memref<8x8x129xf32, #tpu.memory_space<vmem>>[vector<16xi32>, vector<16xi32>, vector<16xi32>], vector<16xf32>,
      %get3A_1099 = arith.index_cast %scan3A_1079 : i32 to index
      %get3A_1100 = arith.constant 48 : index
      %get3A_1101 = tpu.vector_load %arg10[%get3A_1099, %get3A_1100] {strides = array<i32>} : memref<128x64xf32, #tpu.memory_space<vmem>>, vector<16xf32>,
      %mul3A_1102 = arith.constant 8.000000e+00 : f32
      %mul3A_1103 = vector.broadcast %mul3A_1102 : f32 to vector<16xf32>
      %mul3A_1104 = arith.mulf %get3A_1101, %mul3A_1103 : vector<16xf32>
      tpu.vector_store_idx %arg15[%shift_right_logical3A_26, %and3A_49, %add3A_1081], %mul3A_1104 : memref<8x8x129xf32, #tpu.memory_space<vmem>>[vector<16xi32>, vector<16xi32>, vector<16xi32>], vector<16xf32>,
    }
    %scan3A_534 = arith.constant 128 : i32
    %dma_start3A_535 = arith.constant 4 : i32
    %dma_start3A_536 = arith.constant 4 : i32
    %dma_start3A_537 = arith.constant 0 : i32
    %dma_start3A_538 = arith.constant 0 : i32
    %dma_start3A_539 = arith.constant 0 : i32
    %dma_start3A_540 = tpu.memref_slice %arg15[%dma_start3A_537, %dma_start3A_538, %dma_start3A_539] : memref<8x8x129xf32, #tpu.memory_space<vmem>> -> memref<8x8x128xf32, #tpu.memory_space<vmem>>
    %dma_start3A_541 = arith.constant 0 : i32
    %dma_start3A_542 = arith.constant 0 : i32
    %dma_start3A_543 = arith.constant 0 : i32
    %dma_start3A_544 = tpu.memref_slice %arg4[%dma_start3A_535, %dma_start3A_541, %add3A, %dma_start3A_542, %dma_start3A_543] : memref<200x8x32x8x128xf32, #tpu.memory_space<hbm>> -> memref<1x8x1x8x128xf32, #tpu.memory_space<hbm>>
    %dma_start3A_545 = tpu.memref_squeeze %dma_start3A_544 : memref<1x8x1x8x128xf32, #tpu.memory_space<hbm>> -> memref<8x8x128xf32, #tpu.memory_space<hbm>>
    %dma_start3A_546 = tpu.memref_slice %arg17[%dma_start3A_536] : memref<5x!tpu.dma_semaphore, #tpu.memory_space<semaphore_mem>> -> memref<1x!tpu.dma_semaphore, #tpu.memory_space<semaphore_mem>>
    %dma_start3A_547 = tpu.memref_squeeze %dma_start3A_546 : memref<1x!tpu.dma_semaphore, #tpu.memory_space<semaphore_mem>> -> memref<!tpu.dma_semaphore, #tpu.memory_space<semaphore_mem>>
    %dma_start3A_548 = arith.constant 0 : i32
    %dma_start3A_549 = arith.constant 0 : i32
    %dma_start3A_550 = arith.constant 0 : i32
    %dma_start3A_551 = tpu.memref_slice %arg4[%dma_start3A_535, %dma_start3A_548, %add3A, %dma_start3A_549, %dma_start3A_550] : memref<200x8x32x8x128xf32, #tpu.memory_space<hbm>> -> memref<1x8x1x8x128xf32, #tpu.memory_space<hbm>>
    %dma_start3A_552 = tpu.memref_squeeze %dma_start3A_551 : memref<1x8x1x8x128xf32, #tpu.memory_space<hbm>> -> memref<8x8x128xf32, #tpu.memory_space<hbm>>
    %dma_start3A_553 = arith.constant 0 : i32
    %dma_start3A_554 = arith.constant 0 : i32
    %dma_start3A_555 = arith.constant 0 : i32
    %dma_start3A_556 = tpu.memref_slice %arg15[%dma_start3A_553, %dma_start3A_554, %dma_start3A_555] : memref<8x8x129xf32, #tpu.memory_space<vmem>> -> memref<8x8x128xf32, #tpu.memory_space<vmem>>
    tpu.enqueue_dma source(%dma_start3A_556 : memref<8x8x128xf32, #tpu.memory_space<vmem>>) target(%dma_start3A_552 : memref<8x8x128xf32, #tpu.memory_space<hbm>>) target_semaphore(%dma_start3A_547 : memref<!tpu.dma_semaphore, #tpu.memory_space<semaphore_mem>>)
    %dma_start3A_557 = arith.constant 9 : i32
    %dma_start3A_558 = arith.constant 4 : i32
    %dma_start3A_559 = arith.constant 0 : i32
    %dma_start3A_560 = arith.constant 0 : i32
    %dma_start3A_561 = tpu.memref_slice %arg10[%dma_start3A_559, %dma_start3A_560] : memref<128x64xf32, #tpu.memory_space<vmem>> -> memref<64x64xf32, #tpu.memory_space<vmem>>
    %dma_start3A_562 = arith.constant 0 : i32
    %dma_start3A_563 = tpu.memref_slice %arg5[%dma_start3A_557, %dma_start3A_562] : memref<200x128xi32, #tpu.memory_space<vmem>> -> memref<1x64xi32, #tpu.memory_space<vmem>>
    %dma_start3A_564 = tpu.memref_squeeze %dma_start3A_563 : memref<1x64xi32, #tpu.memory_space<vmem>> -> memref<64xi32, #tpu.memory_space<vmem>>
    %dma_start3A_565 = arith.constant 0 : i32
    %dma_start3A_566 = arith.constant 0 : i32
    %dma_start3A_567 = tpu.memref_slice %arg3[%dma_start3A_565, %dma_start3A_566] : memref<2000000x64xf32, #tpu.memory_space<hbm>> -> memref<2000000x64xf32, #tpu.memory_space<hbm>>
    %dma_start3A_568 = tpu.memref_slice %arg16[%dma_start3A_558] : memref<5x!tpu.dma_semaphore, #tpu.memory_space<semaphore_mem>> -> memref<1x!tpu.dma_semaphore, #tpu.memory_space<semaphore_mem>>
    %dma_start3A_569 = tpu.memref_squeeze %dma_start3A_568 : memref<1x!tpu.dma_semaphore, #tpu.memory_space<semaphore_mem>> -> memref<!tpu.dma_semaphore, #tpu.memory_space<semaphore_mem>>
    tpu.enqueue_indirect_dma source(%dma_start3A_567 : memref<2000000x64xf32, #tpu.memory_space<hbm>>) target(%dma_start3A_561 : memref<64x64xf32, #tpu.memory_space<vmem>>) offsets(%dma_start3A_564 : memref<64xi32, #tpu.memory_space<vmem>>) semaphore(%dma_start3A_569 : memref<!tpu.dma_semaphore, #tpu.memory_space<semaphore_mem>>)
    %dma_start3A_570 = arith.constant 9 : i32
    %dma_start3A_571 = arith.constant 4 : i32
    %dma_start3A_572 = arith.constant 64 : i32
    %dma_start3A_573 = arith.constant 0 : i32
    %dma_start3A_574 = tpu.memref_slice %arg10[%dma_start3A_572, %dma_start3A_573] : memref<128x64xf32, #tpu.memory_space<vmem>> -> memref<64x64xf32, #tpu.memory_space<vmem>>
    %dma_start3A_575 = arith.constant 64 : i32
    %dma_start3A_576 = tpu.memref_slice %arg5[%dma_start3A_570, %dma_start3A_575] : memref<200x128xi32, #tpu.memory_space<vmem>> -> memref<1x64xi32, #tpu.memory_space<vmem>>
    %dma_start3A_577 = tpu.memref_squeeze %dma_start3A_576 : memref<1x64xi32, #tpu.memory_space<vmem>> -> memref<64xi32, #tpu.memory_space<vmem>>
    %dma_start3A_578 = arith.constant 0 : i32
    %dma_start3A_579 = arith.constant 0 : i32
    %dma_start3A_580 = tpu.memref_slice %arg3[%dma_start3A_578, %dma_start3A_579] : memref<2000000x64xf32, #tpu.memory_space<hbm>> -> memref<2000000x64xf32, #tpu.memory_space<hbm>>
    %dma_start3A_581 = tpu.memref_slice %arg16[%dma_start3A_571] : memref<5x!tpu.dma_semaphore, #tpu.memory_space<semaphore_mem>> -> memref<1x!tpu.dma_semaphore, #tpu.memory_space<semaphore_mem>>
    %dma_start3A_582 = tpu.memref_squeeze %dma_start3A_581 : memref<1x!tpu.dma_semaphore, #tpu.memory_space<semaphore_mem>> -> memref<!tpu.dma_semaphore, #tpu.memory_space<semaphore_mem>>
    tpu.enqueue_indirect_dma source(%dma_start3A_580 : memref<2000000x64xf32, #tpu.memory_space<hbm>>) target(%dma_start3A_574 : memref<64x64xf32, #tpu.memory_space<vmem>>) offsets(%dma_start3A_577 : memref<64xi32, #tpu.memory_space<vmem>>) semaphore(%dma_start3A_582 : memref<!tpu.dma_semaphore, #tpu.memory_space<semaphore_mem>>)
    %scan3A_583 = arith.constant 0 : i32
    %scan3A_584 = arith.constant 1 : i32
    %scan3A_585 = arith.constant 38 : i32
    %scan3A_586 = arith.addi %scan3A_584, %scan3A_585 : i32
    %scan3A_587 = arith.constant 1 : i32
    scf.for %scan3A_1079 = %scan3A_584 to %scan3A_586 step %scan3A_587  : i32 {
      %mul3A_1080 = arith.constant 5 : i32
      %mul3A_1081 = arith.muli %scan3A_1079, %mul3A_1080 : i32
      %add3A_1082 = arith.constant 0 : i32
      %add3A_1083 = arith.addi %mul3A_1081, %add3A_1082 : i32
      %dma_wait3A_1084 = arith.constant 0 : i32
      %dma_wait3A_1085 = arith.constant 0 : i32
      %dma_wait3A_1086 = arith.constant 0 : i32
      %dma_wait3A_1087 = tpu.memref_slice %arg6[%dma_wait3A_1085, %dma_wait3A_1086] : memref<128x64xf32, #tpu.memory_space<vmem>> -> memref<64x64xf32, #tpu.memory_space<vmem>>
      %dma_wait3A_1088 = arith.constant 0 : i32
      %dma_wait3A_1089 = tpu.memref_slice %arg5[%add3A_1083, %dma_wait3A_1088] : memref<200x128xi32, #tpu.memory_space<vmem>> -> memref<1x64xi32, #tpu.memory_space<vmem>>
      %dma_wait3A_1090 = tpu.memref_squeeze %dma_wait3A_1089 : memref<1x64xi32, #tpu.memory_space<vmem>> -> memref<64xi32, #tpu.memory_space<vmem>>
      %dma_wait3A_1091 = arith.constant 0 : i32
      %dma_wait3A_1092 = arith.constant 0 : i32
      %dma_wait3A_1093 = tpu.memref_slice %arg3[%dma_wait3A_1091, %dma_wait3A_1092] : memref<2000000x64xf32, #tpu.memory_space<hbm>> -> memref<2000000x64xf32, #tpu.memory_space<hbm>>
      %dma_wait3A_1094 = tpu.memref_slice %arg16[%dma_wait3A_1084] : memref<5x!tpu.dma_semaphore, #tpu.memory_space<semaphore_mem>> -> memref<1x!tpu.dma_semaphore, #tpu.memory_space<semaphore_mem>>
      %dma_wait3A_1095 = tpu.memref_squeeze %dma_wait3A_1094 : memref<1x!tpu.dma_semaphore, #tpu.memory_space<semaphore_mem>> -> memref<!tpu.dma_semaphore, #tpu.memory_space<semaphore_mem>>
      tpu.wait_indirect_dma semaphore(%dma_wait3A_1095 : memref<!tpu.dma_semaphore, #tpu.memory_space<semaphore_mem>>) src(%dma_wait3A_1093 : memref<2000000x64xf32, #tpu.memory_space<hbm>>) dst(%dma_wait3A_1087 : memref<64x64xf32, #tpu.memory_space<vmem>>)
      %dma_wait3A_1096 = arith.constant 0 : i32
      %dma_wait3A_1097 = arith.constant 64 : i32
      %dma_wait3A_1098 = arith.constant 0 : i32
      %dma_wait3A_1099 = tpu.memref_slice %arg6[%dma_wait3A_1097, %dma_wait3A_1098] : memref<128x64xf32, #tpu.memory_space<vmem>> -> memref<64x64xf32, #tpu.memory_space<vmem>>
      %dma_wait3A_1100 = arith.constant 64 : i32
      %dma_wait3A_1101 = tpu.memref_slice %arg5[%add3A_1083, %dma_wait3A_1100] : memref<200x128xi32, #tpu.memory_space<vmem>> -> memref<1x64xi32, #tpu.memory_space<vmem>>
      %dma_wait3A_1102 = tpu.memref_squeeze %dma_wait3A_1101 : memref<1x64xi32, #tpu.memory_space<vmem>> -> memref<64xi32, #tpu.memory_space<vmem>>
      %dma_wait3A_1103 = arith.constant 0 : i32
      %dma_wait3A_1104 = arith.constant 0 : i32
      %dma_wait3A_1105 = tpu.memref_slice %arg3[%dma_wait3A_1103, %dma_wait3A_1104] : memref<2000000x64xf32, #tpu.memory_space<hbm>> -> memref<2000000x64xf32, #tpu.memory_space<hbm>>
      %dma_wait3A_1106 = tpu.memref_slice %arg16[%dma_wait3A_1096] : memref<5x!tpu.dma_semaphore, #tpu.memory_space<semaphore_mem>> -> memref<1x!tpu.dma_semaphore, #tpu.memory_space<semaphore_mem>>
      %dma_wait3A_1107 = tpu.memref_squeeze %dma_wait3A_1106 : memref<1x!tpu.dma_semaphore, #tpu.memory_space<semaphore_mem>> -> memref<!tpu.dma_semaphore, #tpu.memory_space<semaphore_mem>>
      tpu.wait_indirect_dma semaphore(%dma_wait3A_1107 : memref<!tpu.dma_semaphore, #tpu.memory_space<semaphore_mem>>) src(%dma_wait3A_1105 : memref<2000000x64xf32, #tpu.memory_space<hbm>>) dst(%dma_wait3A_1099 : memref<64x64xf32, #tpu.memory_space<vmem>>)
      %sub3A = arith.constant 5 : i32
      %sub3A_1108 = arith.subi %add3A_1083, %sub3A : i32
      %dma_wait3A_1109 = arith.constant 0 : i32
      %dma_wait3A_1110 = arith.constant 0 : i32
      %dma_wait3A_1111 = arith.constant 0 : i32
      %dma_wait3A_1112 = arith.constant 0 : i32
      %dma_wait3A_1113 = tpu.memref_slice %arg11[%dma_wait3A_1110, %dma_wait3A_1111, %dma_wait3A_1112] : memref<8x8x129xf32, #tpu.memory_space<vmem>> -> memref<8x8x128xf32, #tpu.memory_space<vmem>>
      %dma_wait3A_1114 = arith.constant 0 : i32
      %dma_wait3A_1115 = arith.constant 0 : i32
      %dma_wait3A_1116 = arith.constant 0 : i32
      %dma_wait3A_1117 = tpu.memref_slice %arg4[%sub3A_1108, %dma_wait3A_1114, %add3A, %dma_wait3A_1115, %dma_wait3A_1116] : memref<200x8x32x8x128xf32, #tpu.memory_space<hbm>> -> memref<1x8x1x8x128xf32, #tpu.memory_space<hbm>>
      %dma_wait3A_1118 = tpu.memref_squeeze %dma_wait3A_1117 : memref<1x8x1x8x128xf32, #tpu.memory_space<hbm>> -> memref<8x8x128xf32, #tpu.memory_space<hbm>>
      %dma_wait3A_1119 = tpu.memref_slice %arg17[%dma_wait3A_1109] : memref<5x!tpu.dma_semaphore, #tpu.memory_space<semaphore_mem>> -> memref<1x!tpu.dma_semaphore, #tpu.memory_space<semaphore_mem>>
      %dma_wait3A_1120 = tpu.memref_squeeze %dma_wait3A_1119 : memref<1x!tpu.dma_semaphore, #tpu.memory_space<semaphore_mem>> -> memref<!tpu.dma_semaphore, #tpu.memory_space<semaphore_mem>>
      %dma_wait3A_1121 = arith.constant 0 : i32
      %dma_wait3A_1122 = arith.constant 0 : i32
      %dma_wait3A_1123 = arith.constant 0 : i32
      %dma_wait3A_1124 = tpu.memref_slice %arg4[%sub3A_1108, %dma_wait3A_1121, %add3A, %dma_wait3A_1122, %dma_wait3A_1123] : memref<200x8x32x8x128xf32, #tpu.memory_space<hbm>> -> memref<1x8x1x8x128xf32, #tpu.memory_space<hbm>>
      %dma_wait3A_1125 = tpu.memref_squeeze %dma_wait3A_1124 : memref<1x8x1x8x128xf32, #tpu.memory_space<hbm>> -> memref<8x8x128xf32, #tpu.memory_space<hbm>>
      %dma_wait3A_1126 = arith.constant 0 : i32
      %dma_wait3A_1127 = arith.constant 0 : i32
      %dma_wait3A_1128 = arith.constant 0 : i32
      %dma_wait3A_1129 = tpu.memref_slice %arg11[%dma_wait3A_1126, %dma_wait3A_1127, %dma_wait3A_1128] : memref<8x8x129xf32, #tpu.memory_space<vmem>> -> memref<8x8x128xf32, #tpu.memory_space<vmem>>
      tpu.wait_dma2 semaphore(%dma_wait3A_1120 : memref<!tpu.dma_semaphore, #tpu.memory_space<semaphore_mem>>) src(%dma_wait3A_1129 : memref<8x8x128xf32, #tpu.memory_space<vmem>>) dst(%dma_wait3A_1125 : memref<8x8x128xf32, #tpu.memory_space<hbm>>)
      %scan3A_1130 = arith.constant 0 : i32
      %scan3A_1131 = arith.constant 0 : i32
      %scan3A_1132 = arith.constant 128 : i32
      %scan3A_1133 = arith.addi %scan3A_1131, %scan3A_1132 : i32
      %scan3A_1134 = arith.constant 1 : i32
      scf.for %scan3A_1599 = %scan3A_1131 to %scan3A_1133 step %scan3A_1134  : i32 {
        %add3A_1600 = vector.broadcast %scan3A_1599 : i32 to vector<16xi32>
        %add3A_1601 = arith.addi %broadcast_in_dim3A_3, %add3A_1600 : vector<16xi32>
        %get3A = arith.index_cast %scan3A_1599 : i32 to index
        %get3A_1602 = arith.constant 0 : index
        %get3A_1603 = tpu.vector_load %arg6[%get3A, %get3A_1602] {strides = array<i32>} : memref<128x64xf32, #tpu.memory_space<vmem>>, vector<16xf32>,
        %mul3A_1604 = arith.constant 8.000000e+00 : f32
        %mul3A_1605 = vector.broadcast %mul3A_1604 : f32 to vector<16xf32>
        %mul3A_1606 = arith.mulf %get3A_1603, %mul3A_1605 : vector<16xf32>
        tpu.vector_store_idx %arg11[%shift_right_logical3A_8, %and3A_31, %add3A_1601], %mul3A_1606 : memref<8x8x129xf32, #tpu.memory_space<vmem>>[vector<16xi32>, vector<16xi32>, vector<16xi32>], vector<16xf32>,
        %get3A_1607 = arith.index_cast %scan3A_1599 : i32 to index
        %get3A_1608 = arith.constant 16 : index
        %get3A_1609 = tpu.vector_load %arg6[%get3A_1607, %get3A_1608] {strides = array<i32>} : memref<128x64xf32, #tpu.memory_space<vmem>>, vector<16xf32>,
        %mul3A_1610 = arith.constant 8.000000e+00 : f32
        %mul3A_1611 = vector.broadcast %mul3A_1610 : f32 to vector<16xf32>
        %mul3A_1612 = arith.mulf %get3A_1609, %mul3A_1611 : vector<16xf32>
        tpu.vector_store_idx %arg11[%shift_right_logical3A_14, %and3A_37, %add3A_1601], %mul3A_1612 : memref<8x8x129xf32, #tpu.memory_space<vmem>>[vector<16xi32>, vector<16xi32>, vector<16xi32>], vector<16xf32>,
        %get3A_1613 = arith.index_cast %scan3A_1599 : i32 to index
        %get3A_1614 = arith.constant 32 : index
        %get3A_1615 = tpu.vector_load %arg6[%get3A_1613, %get3A_1614] {strides = array<i32>} : memref<128x64xf32, #tpu.memory_space<vmem>>, vector<16xf32>,
        %mul3A_1616 = arith.constant 8.000000e+00 : f32
        %mul3A_1617 = vector.broadcast %mul3A_1616 : f32 to vector<16xf32>
        %mul3A_1618 = arith.mulf %get3A_1615, %mul3A_1617 : vector<16xf32>
        tpu.vector_store_idx %arg11[%shift_right_logical3A_20, %and3A_43, %add3A_1601], %mul3A_1618 : memref<8x8x129xf32, #tpu.memory_space<vmem>>[vector<16xi32>, vector<16xi32>, vector<16xi32>], vector<16xf32>,
        %get3A_1619 = arith.index_cast %scan3A_1599 : i32 to index
        %get3A_1620 = arith.constant 48 : index
        %get3A_1621 = tpu.vector_load %arg6[%get3A_1619, %get3A_1620] {strides = array<i32>} : memref<128x64xf32, #tpu.memory_space<vmem>>, vector<16xf32>,
        %mul3A_1622 = arith.constant 8.000000e+00 : f32
        %mul3A_1623 = vector.broadcast %mul3A_1622 : f32 to vector<16xf32>
        %mul3A_1624 = arith.mulf %get3A_1621, %mul3A_1623 : vector<16xf32>
        tpu.vector_store_idx %arg11[%shift_right_logical3A_26, %and3A_49, %add3A_1601], %mul3A_1624 : memref<8x8x129xf32, #tpu.memory_space<vmem>>[vector<16xi32>, vector<16xi32>, vector<16xi32>], vector<16xf32>,
      }
      %scan3A_1135 = arith.constant 128 : i32
      %dma_start3A_1136 = arith.constant 0 : i32
      %dma_start3A_1137 = arith.constant 0 : i32
      %dma_start3A_1138 = arith.constant 0 : i32
      %dma_start3A_1139 = arith.constant 0 : i32
      %dma_start3A_1140 = tpu.memref_slice %arg11[%dma_start3A_1137, %dma_start3A_1138, %dma_start3A_1139] : memref<8x8x129xf32, #tpu.memory_space<vmem>> -> memref<8x8x128xf32, #tpu.memory_space<vmem>>
      %dma_start3A_1141 = arith.constant 0 : i32
      %dma_start3A_1142 = arith.constant 0 : i32
      %dma_start3A_1143 = arith.constant 0 : i32
      %dma_start3A_1144 = tpu.memref_slice %arg4[%add3A_1083, %dma_start3A_1141, %add3A, %dma_start3A_1142, %dma_start3A_1143] : memref<200x8x32x8x128xf32, #tpu.memory_space<hbm>> -> memref<1x8x1x8x128xf32, #tpu.memory_space<hbm>>
      %dma_start3A_1145 = tpu.memref_squeeze %dma_start3A_1144 : memref<1x8x1x8x128xf32, #tpu.memory_space<hbm>> -> memref<8x8x128xf32, #tpu.memory_space<hbm>>
      %dma_start3A_1146 = tpu.memref_slice %arg17[%dma_start3A_1136] : memref<5x!tpu.dma_semaphore, #tpu.memory_space<semaphore_mem>> -> memref<1x!tpu.dma_semaphore, #tpu.memory_space<semaphore_mem>>
      %dma_start3A_1147 = tpu.memref_squeeze %dma_start3A_1146 : memref<1x!tpu.dma_semaphore, #tpu.memory_space<semaphore_mem>> -> memref<!tpu.dma_semaphore, #tpu.memory_space<semaphore_mem>>
      %dma_start3A_1148 = arith.constant 0 : i32
      %dma_start3A_1149 = arith.constant 0 : i32
      %dma_start3A_1150 = arith.constant 0 : i32
      %dma_start3A_1151 = tpu.memref_slice %arg4[%add3A_1083, %dma_start3A_1148, %add3A, %dma_start3A_1149, %dma_start3A_1150] : memref<200x8x32x8x128xf32, #tpu.memory_space<hbm>> -> memref<1x8x1x8x128xf32, #tpu.memory_space<hbm>>
      %dma_start3A_1152 = tpu.memref_squeeze %dma_start3A_1151 : memref<1x8x1x8x128xf32, #tpu.memory_space<hbm>> -> memref<8x8x128xf32, #tpu.memory_space<hbm>>
      %dma_start3A_1153 = arith.constant 0 : i32
      %dma_start3A_1154 = arith.constant 0 : i32
      %dma_start3A_1155 = arith.constant 0 : i32
      %dma_start3A_1156 = tpu.memref_slice %arg11[%dma_start3A_1153, %dma_start3A_1154, %dma_start3A_1155] : memref<8x8x129xf32, #tpu.memory_space<vmem>> -> memref<8x8x128xf32, #tpu.memory_space<vmem>>
      tpu.enqueue_dma source(%dma_start3A_1156 : memref<8x8x128xf32, #tpu.memory_space<vmem>>) target(%dma_start3A_1152 : memref<8x8x128xf32, #tpu.memory_space<hbm>>) target_semaphore(%dma_start3A_1147 : memref<!tpu.dma_semaphore, #tpu.memory_space<semaphore_mem>>)
      %add3A_1157 = arith.constant 5 : i32
      %add3A_1158 = arith.addi %add3A_1083, %add3A_1157 : i32
      %dma_start3A_1159 = arith.constant 0 : i32
      %dma_start3A_1160 = arith.constant 0 : i32
      %dma_start3A_1161 = arith.constant 0 : i32
      %dma_start3A_1162 = tpu.memref_slice %arg6[%dma_start3A_1160, %dma_start3A_1161] : memref<128x64xf32, #tpu.memory_space<vmem>> -> memref<64x64xf32, #tpu.memory_space<vmem>>
      %dma_start3A_1163 = arith.constant 0 : i32
      %dma_start3A_1164 = tpu.memref_slice %arg5[%add3A_1158, %dma_start3A_1163] : memref<200x128xi32, #tpu.memory_space<vmem>> -> memref<1x64xi32, #tpu.memory_space<vmem>>
      %dma_start3A_1165 = tpu.memref_squeeze %dma_start3A_1164 : memref<1x64xi32, #tpu.memory_space<vmem>> -> memref<64xi32, #tpu.memory_space<vmem>>
      %dma_start3A_1166 = arith.constant 0 : i32
      %dma_start3A_1167 = arith.constant 0 : i32
      %dma_start3A_1168 = tpu.memref_slice %arg3[%dma_start3A_1166, %dma_start3A_1167] : memref<2000000x64xf32, #tpu.memory_space<hbm>> -> memref<2000000x64xf32, #tpu.memory_space<hbm>>
      %dma_start3A_1169 = tpu.memref_slice %arg16[%dma_start3A_1159] : memref<5x!tpu.dma_semaphore, #tpu.memory_space<semaphore_mem>> -> memref<1x!tpu.dma_semaphore, #tpu.memory_space<semaphore_mem>>
      %dma_start3A_1170 = tpu.memref_squeeze %dma_start3A_1169 : memref<1x!tpu.dma_semaphore, #tpu.memory_space<semaphore_mem>> -> memref<!tpu.dma_semaphore, #tpu.memory_space<semaphore_mem>>
      tpu.enqueue_indirect_dma source(%dma_start3A_1168 : memref<2000000x64xf32, #tpu.memory_space<hbm>>) target(%dma_start3A_1162 : memref<64x64xf32, #tpu.memory_space<vmem>>) offsets(%dma_start3A_1165 : memref<64xi32, #tpu.memory_space<vmem>>) semaphore(%dma_start3A_1170 : memref<!tpu.dma_semaphore, #tpu.memory_space<semaphore_mem>>)
      %dma_start3A_1171 = arith.constant 0 : i32
      %dma_start3A_1172 = arith.constant 64 : i32
      %dma_start3A_1173 = arith.constant 0 : i32
      %dma_start3A_1174 = tpu.memref_slice %arg6[%dma_start3A_1172, %dma_start3A_1173] : memref<128x64xf32, #tpu.memory_space<vmem>> -> memref<64x64xf32, #tpu.memory_space<vmem>>
      %dma_start3A_1175 = arith.constant 64 : i32
      %dma_start3A_1176 = tpu.memref_slice %arg5[%add3A_1158, %dma_start3A_1175] : memref<200x128xi32, #tpu.memory_space<vmem>> -> memref<1x64xi32, #tpu.memory_space<vmem>>
      %dma_start3A_1177 = tpu.memref_squeeze %dma_start3A_1176 : memref<1x64xi32, #tpu.memory_space<vmem>> -> memref<64xi32, #tpu.memory_space<vmem>>
      %dma_start3A_1178 = arith.constant 0 : i32
      %dma_start3A_1179 = arith.constant 0 : i32
      %dma_start3A_1180 = tpu.memref_slice %arg3[%dma_start3A_1178, %dma_start3A_1179] : memref<2000000x64xf32, #tpu.memory_space<hbm>> -> memref<2000000x64xf32, #tpu.memory_space<hbm>>
      %dma_start3A_1181 = tpu.memref_slice %arg16[%dma_start3A_1171] : memref<5x!tpu.dma_semaphore, #tpu.memory_space<semaphore_mem>> -> memref<1x!tpu.dma_semaphore, #tpu.memory_space<semaphore_mem>>
      %dma_start3A_1182 = tpu.memref_squeeze %dma_start3A_1181 : memref<1x!tpu.dma_semaphore, #tpu.memory_space<semaphore_mem>> -> memref<!tpu.dma_semaphore, #tpu.memory_space<semaphore_mem>>
      tpu.enqueue_indirect_dma source(%dma_start3A_1180 : memref<2000000x64xf32, #tpu.memory_space<hbm>>) target(%dma_start3A_1174 : memref<64x64xf32, #tpu.memory_space<vmem>>) offsets(%dma_start3A_1177 : memref<64xi32, #tpu.memory_space<vmem>>) semaphore(%dma_start3A_1182 : memref<!tpu.dma_semaphore, #tpu.memory_space<semaphore_mem>>)
      %mul3A_1183 = arith.constant 5 : i32
      %mul3A_1184 = arith.muli %scan3A_1079, %mul3A_1183 : i32
      %add3A_1185 = arith.constant 1 : i32
      %add3A_1186 = arith.addi %mul3A_1184, %add3A_1185 : i32
      %dma_wait3A_1187 = arith.constant 1 : i32
      %dma_wait3A_1188 = arith.constant 0 : i32
      %dma_wait3A_1189 = arith.constant 0 : i32
      %dma_wait3A_1190 = tpu.memref_slice %arg7[%dma_wait3A_1188, %dma_wait3A_1189] : memref<128x64xf32, #tpu.memory_space<vmem>> -> memref<64x64xf32, #tpu.memory_space<vmem>>
      %dma_wait3A_1191 = arith.constant 0 : i32
      %dma_wait3A_1192 = tpu.memref_slice %arg5[%add3A_1186, %dma_wait3A_1191] : memref<200x128xi32, #tpu.memory_space<vmem>> -> memref<1x64xi32, #tpu.memory_space<vmem>>
      %dma_wait3A_1193 = tpu.memref_squeeze %dma_wait3A_1192 : memref<1x64xi32, #tpu.memory_space<vmem>> -> memref<64xi32, #tpu.memory_space<vmem>>
      %dma_wait3A_1194 = arith.constant 0 : i32
      %dma_wait3A_1195 = arith.constant 0 : i32
      %dma_wait3A_1196 = tpu.memref_slice %arg3[%dma_wait3A_1194, %dma_wait3A_1195] : memref<2000000x64xf32, #tpu.memory_space<hbm>> -> memref<2000000x64xf32, #tpu.memory_space<hbm>>
      %dma_wait3A_1197 = tpu.memref_slice %arg16[%dma_wait3A_1187] : memref<5x!tpu.dma_semaphore, #tpu.memory_space<semaphore_mem>> -> memref<1x!tpu.dma_semaphore, #tpu.memory_space<semaphore_mem>>
      %dma_wait3A_1198 = tpu.memref_squeeze %dma_wait3A_1197 : memref<1x!tpu.dma_semaphore, #tpu.memory_space<semaphore_mem>> -> memref<!tpu.dma_semaphore, #tpu.memory_space<semaphore_mem>>
      tpu.wait_indirect_dma semaphore(%dma_wait3A_1198 : memref<!tpu.dma_semaphore, #tpu.memory_space<semaphore_mem>>) src(%dma_wait3A_1196 : memref<2000000x64xf32, #tpu.memory_space<hbm>>) dst(%dma_wait3A_1190 : memref<64x64xf32, #tpu.memory_space<vmem>>)
      %dma_wait3A_1199 = arith.constant 1 : i32
      %dma_wait3A_1200 = arith.constant 64 : i32
      %dma_wait3A_1201 = arith.constant 0 : i32
      %dma_wait3A_1202 = tpu.memref_slice %arg7[%dma_wait3A_1200, %dma_wait3A_1201] : memref<128x64xf32, #tpu.memory_space<vmem>> -> memref<64x64xf32, #tpu.memory_space<vmem>>
      %dma_wait3A_1203 = arith.constant 64 : i32
      %dma_wait3A_1204 = tpu.memref_slice %arg5[%add3A_1186, %dma_wait3A_1203] : memref<200x128xi32, #tpu.memory_space<vmem>> -> memref<1x64xi32, #tpu.memory_space<vmem>>
      %dma_wait3A_1205 = tpu.memref_squeeze %dma_wait3A_1204 : memref<1x64xi32, #tpu.memory_space<vmem>> -> memref<64xi32, #tpu.memory_space<vmem>>
      %dma_wait3A_1206 = arith.constant 0 : i32
      %dma_wait3A_1207 = arith.constant 0 : i32
      %dma_wait3A_1208 = tpu.memref_slice %arg3[%dma_wait3A_1206, %dma_wait3A_1207] : memref<2000000x64xf32, #tpu.memory_space<hbm>> -> memref<2000000x64xf32, #tpu.memory_space<hbm>>
      %dma_wait3A_1209 = tpu.memref_slice %arg16[%dma_wait3A_1199] : memref<5x!tpu.dma_semaphore, #tpu.memory_space<semaphore_mem>> -> memref<1x!tpu.dma_semaphore, #tpu.memory_space<semaphore_mem>>
      %dma_wait3A_1210 = tpu.memref_squeeze %dma_wait3A_1209 : memref<1x!tpu.dma_semaphore, #tpu.memory_space<semaphore_mem>> -> memref<!tpu.dma_semaphore, #tpu.memory_space<semaphore_mem>>
      tpu.wait_indirect_dma semaphore(%dma_wait3A_1210 : memref<!tpu.dma_semaphore, #tpu.memory_space<semaphore_mem>>) src(%dma_wait3A_1208 : memref<2000000x64xf32, #tpu.memory_space<hbm>>) dst(%dma_wait3A_1202 : memref<64x64xf32, #tpu.memory_space<vmem>>)
      %sub3A_1211 = arith.constant 5 : i32
      %sub3A_1212 = arith.subi %add3A_1186, %sub3A_1211 : i32
      %dma_wait3A_1213 = arith.constant 1 : i32
      %dma_wait3A_1214 = arith.constant 0 : i32
      %dma_wait3A_1215 = arith.constant 0 : i32
      %dma_wait3A_1216 = arith.constant 0 : i32
      %dma_wait3A_1217 = tpu.memref_slice %arg12[%dma_wait3A_1214, %dma_wait3A_1215, %dma_wait3A_1216] : memref<8x8x129xf32, #tpu.memory_space<vmem>> -> memref<8x8x128xf32, #tpu.memory_space<vmem>>
      %dma_wait3A_1218 = arith.constant 0 : i32
      %dma_wait3A_1219 = arith.constant 0 : i32
      %dma_wait3A_1220 = arith.constant 0 : i32
      %dma_wait3A_1221 = tpu.memref_slice %arg4[%sub3A_1212, %dma_wait3A_1218, %add3A, %dma_wait3A_1219, %dma_wait3A_1220] : memref<200x8x32x8x128xf32, #tpu.memory_space<hbm>> -> memref<1x8x1x8x128xf32, #tpu.memory_space<hbm>>
      %dma_wait3A_1222 = tpu.memref_squeeze %dma_wait3A_1221 : memref<1x8x1x8x128xf32, #tpu.memory_space<hbm>> -> memref<8x8x128xf32, #tpu.memory_space<hbm>>
      %dma_wait3A_1223 = tpu.memref_slice %arg17[%dma_wait3A_1213] : memref<5x!tpu.dma_semaphore, #tpu.memory_space<semaphore_mem>> -> memref<1x!tpu.dma_semaphore, #tpu.memory_space<semaphore_mem>>
      %dma_wait3A_1224 = tpu.memref_squeeze %dma_wait3A_1223 : memref<1x!tpu.dma_semaphore, #tpu.memory_space<semaphore_mem>> -> memref<!tpu.dma_semaphore, #tpu.memory_space<semaphore_mem>>
      %dma_wait3A_1225 = arith.constant 0 : i32
      %dma_wait3A_1226 = arith.constant 0 : i32
      %dma_wait3A_1227 = arith.constant 0 : i32
      %dma_wait3A_1228 = tpu.memref_slice %arg4[%sub3A_1212, %dma_wait3A_1225, %add3A, %dma_wait3A_1226, %dma_wait3A_1227] : memref<200x8x32x8x128xf32, #tpu.memory_space<hbm>> -> memref<1x8x1x8x128xf32, #tpu.memory_space<hbm>>
      %dma_wait3A_1229 = tpu.memref_squeeze %dma_wait3A_1228 : memref<1x8x1x8x128xf32, #tpu.memory_space<hbm>> -> memref<8x8x128xf32, #tpu.memory_space<hbm>>
      %dma_wait3A_1230 = arith.constant 0 : i32
      %dma_wait3A_1231 = arith.constant 0 : i32
      %dma_wait3A_1232 = arith.constant 0 : i32
      %dma_wait3A_1233 = tpu.memref_slice %arg12[%dma_wait3A_1230, %dma_wait3A_1231, %dma_wait3A_1232] : memref<8x8x129xf32, #tpu.memory_space<vmem>> -> memref<8x8x128xf32, #tpu.memory_space<vmem>>
      tpu.wait_dma2 semaphore(%dma_wait3A_1224 : memref<!tpu.dma_semaphore, #tpu.memory_space<semaphore_mem>>) src(%dma_wait3A_1233 : memref<8x8x128xf32, #tpu.memory_space<vmem>>) dst(%dma_wait3A_1229 : memref<8x8x128xf32, #tpu.memory_space<hbm>>)
      %scan3A_1234 = arith.constant 0 : i32
      %scan3A_1235 = arith.constant 0 : i32
      %scan3A_1236 = arith.constant 128 : i32
      %scan3A_1237 = arith.addi %scan3A_1235, %scan3A_1236 : i32
      %scan3A_1238 = arith.constant 1 : i32
      scf.for %scan3A_1599 = %scan3A_1235 to %scan3A_1237 step %scan3A_1238  : i32 {
        %add3A_1600 = vector.broadcast %scan3A_1599 : i32 to vector<16xi32>
        %add3A_1601 = arith.addi %broadcast_in_dim3A_3, %add3A_1600 : vector<16xi32>
        %get3A = arith.index_cast %scan3A_1599 : i32 to index
        %get3A_1602 = arith.constant 0 : index
        %get3A_1603 = tpu.vector_load %arg7[%get3A, %get3A_1602] {strides = array<i32>} : memref<128x64xf32, #tpu.memory_space<vmem>>, vector<16xf32>,
        %mul3A_1604 = arith.constant 8.000000e+00 : f32
        %mul3A_1605 = vector.broadcast %mul3A_1604 : f32 to vector<16xf32>
        %mul3A_1606 = arith.mulf %get3A_1603, %mul3A_1605 : vector<16xf32>
        tpu.vector_store_idx %arg12[%shift_right_logical3A_8, %and3A_31, %add3A_1601], %mul3A_1606 : memref<8x8x129xf32, #tpu.memory_space<vmem>>[vector<16xi32>, vector<16xi32>, vector<16xi32>], vector<16xf32>,
        %get3A_1607 = arith.index_cast %scan3A_1599 : i32 to index
        %get3A_1608 = arith.constant 16 : index
        %get3A_1609 = tpu.vector_load %arg7[%get3A_1607, %get3A_1608] {strides = array<i32>} : memref<128x64xf32, #tpu.memory_space<vmem>>, vector<16xf32>,
        %mul3A_1610 = arith.constant 8.000000e+00 : f32
        %mul3A_1611 = vector.broadcast %mul3A_1610 : f32 to vector<16xf32>
        %mul3A_1612 = arith.mulf %get3A_1609, %mul3A_1611 : vector<16xf32>
        tpu.vector_store_idx %arg12[%shift_right_logical3A_14, %and3A_37, %add3A_1601], %mul3A_1612 : memref<8x8x129xf32, #tpu.memory_space<vmem>>[vector<16xi32>, vector<16xi32>, vector<16xi32>], vector<16xf32>,
        %get3A_1613 = arith.index_cast %scan3A_1599 : i32 to index
        %get3A_1614 = arith.constant 32 : index
        %get3A_1615 = tpu.vector_load %arg7[%get3A_1613, %get3A_1614] {strides = array<i32>} : memref<128x64xf32, #tpu.memory_space<vmem>>, vector<16xf32>,
        %mul3A_1616 = arith.constant 8.000000e+00 : f32
        %mul3A_1617 = vector.broadcast %mul3A_1616 : f32 to vector<16xf32>
        %mul3A_1618 = arith.mulf %get3A_1615, %mul3A_1617 : vector<16xf32>
        tpu.vector_store_idx %arg12[%shift_right_logical3A_20, %and3A_43, %add3A_1601], %mul3A_1618 : memref<8x8x129xf32, #tpu.memory_space<vmem>>[vector<16xi32>, vector<16xi32>, vector<16xi32>], vector<16xf32>,
        %get3A_1619 = arith.index_cast %scan3A_1599 : i32 to index
        %get3A_1620 = arith.constant 48 : index
        %get3A_1621 = tpu.vector_load %arg7[%get3A_1619, %get3A_1620] {strides = array<i32>} : memref<128x64xf32, #tpu.memory_space<vmem>>, vector<16xf32>,
        %mul3A_1622 = arith.constant 8.000000e+00 : f32
        %mul3A_1623 = vector.broadcast %mul3A_1622 : f32 to vector<16xf32>
        %mul3A_1624 = arith.mulf %get3A_1621, %mul3A_1623 : vector<16xf32>
        tpu.vector_store_idx %arg12[%shift_right_logical3A_26, %and3A_49, %add3A_1601], %mul3A_1624 : memref<8x8x129xf32, #tpu.memory_space<vmem>>[vector<16xi32>, vector<16xi32>, vector<16xi32>], vector<16xf32>,
      }
      %scan3A_1239 = arith.constant 128 : i32
      %dma_start3A_1240 = arith.constant 1 : i32
      %dma_start3A_1241 = arith.constant 0 : i32
      %dma_start3A_1242 = arith.constant 0 : i32
      %dma_start3A_1243 = arith.constant 0 : i32
      %dma_start3A_1244 = tpu.memref_slice %arg12[%dma_start3A_1241, %dma_start3A_1242, %dma_start3A_1243] : memref<8x8x129xf32, #tpu.memory_space<vmem>> -> memref<8x8x128xf32, #tpu.memory_space<vmem>>
      %dma_start3A_1245 = arith.constant 0 : i32
      %dma_start3A_1246 = arith.constant 0 : i32
      %dma_start3A_1247 = arith.constant 0 : i32
      %dma_start3A_1248 = tpu.memref_slice %arg4[%add3A_1186, %dma_start3A_1245, %add3A, %dma_start3A_1246, %dma_start3A_1247] : memref<200x8x32x8x128xf32, #tpu.memory_space<hbm>> -> memref<1x8x1x8x128xf32, #tpu.memory_space<hbm>>
      %dma_start3A_1249 = tpu.memref_squeeze %dma_start3A_1248 : memref<1x8x1x8x128xf32, #tpu.memory_space<hbm>> -> memref<8x8x128xf32, #tpu.memory_space<hbm>>
      %dma_start3A_1250 = tpu.memref_slice %arg17[%dma_start3A_1240] : memref<5x!tpu.dma_semaphore, #tpu.memory_space<semaphore_mem>> -> memref<1x!tpu.dma_semaphore, #tpu.memory_space<semaphore_mem>>
      %dma_start3A_1251 = tpu.memref_squeeze %dma_start3A_1250 : memref<1x!tpu.dma_semaphore, #tpu.memory_space<semaphore_mem>> -> memref<!tpu.dma_semaphore, #tpu.memory_space<semaphore_mem>>
      %dma_start3A_1252 = arith.constant 0 : i32
      %dma_start3A_1253 = arith.constant 0 : i32
      %dma_start3A_1254 = arith.constant 0 : i32
      %dma_start3A_1255 = tpu.memref_slice %arg4[%add3A_1186, %dma_start3A_1252, %add3A, %dma_start3A_1253, %dma_start3A_1254] : memref<200x8x32x8x128xf32, #tpu.memory_space<hbm>> -> memref<1x8x1x8x128xf32, #tpu.memory_space<hbm>>
      %dma_start3A_1256 = tpu.memref_squeeze %dma_start3A_1255 : memref<1x8x1x8x128xf32, #tpu.memory_space<hbm>> -> memref<8x8x128xf32, #tpu.memory_space<hbm>>
      %dma_start3A_1257 = arith.constant 0 : i32
      %dma_start3A_1258 = arith.constant 0 : i32
      %dma_start3A_1259 = arith.constant 0 : i32
      %dma_start3A_1260 = tpu.memref_slice %arg12[%dma_start3A_1257, %dma_start3A_1258, %dma_start3A_1259] : memref<8x8x129xf32, #tpu.memory_space<vmem>> -> memref<8x8x128xf32, #tpu.memory_space<vmem>>
      tpu.enqueue_dma source(%dma_start3A_1260 : memref<8x8x128xf32, #tpu.memory_space<vmem>>) target(%dma_start3A_1256 : memref<8x8x128xf32, #tpu.memory_space<hbm>>) target_semaphore(%dma_start3A_1251 : memref<!tpu.dma_semaphore, #tpu.memory_space<semaphore_mem>>)
      %add3A_1261 = arith.constant 5 : i32
      %add3A_1262 = arith.addi %add3A_1186, %add3A_1261 : i32
      %dma_start3A_1263 = arith.constant 1 : i32
      %dma_start3A_1264 = arith.constant 0 : i32
      %dma_start3A_1265 = arith.constant 0 : i32
      %dma_start3A_1266 = tpu.memref_slice %arg7[%dma_start3A_1264, %dma_start3A_1265] : memref<128x64xf32, #tpu.memory_space<vmem>> -> memref<64x64xf32, #tpu.memory_space<vmem>>
      %dma_start3A_1267 = arith.constant 0 : i32
      %dma_start3A_1268 = tpu.memref_slice %arg5[%add3A_1262, %dma_start3A_1267] : memref<200x128xi32, #tpu.memory_space<vmem>> -> memref<1x64xi32, #tpu.memory_space<vmem>>
      %dma_start3A_1269 = tpu.memref_squeeze %dma_start3A_1268 : memref<1x64xi32, #tpu.memory_space<vmem>> -> memref<64xi32, #tpu.memory_space<vmem>>
      %dma_start3A_1270 = arith.constant 0 : i32
      %dma_start3A_1271 = arith.constant 0 : i32
      %dma_start3A_1272 = tpu.memref_slice %arg3[%dma_start3A_1270, %dma_start3A_1271] : memref<2000000x64xf32, #tpu.memory_space<hbm>> -> memref<2000000x64xf32, #tpu.memory_space<hbm>>
      %dma_start3A_1273 = tpu.memref_slice %arg16[%dma_start3A_1263] : memref<5x!tpu.dma_semaphore, #tpu.memory_space<semaphore_mem>> -> memref<1x!tpu.dma_semaphore, #tpu.memory_space<semaphore_mem>>
      %dma_start3A_1274 = tpu.memref_squeeze %dma_start3A_1273 : memref<1x!tpu.dma_semaphore, #tpu.memory_space<semaphore_mem>> -> memref<!tpu.dma_semaphore, #tpu.memory_space<semaphore_mem>>
      tpu.enqueue_indirect_dma source(%dma_start3A_1272 : memref<2000000x64xf32, #tpu.memory_space<hbm>>) target(%dma_start3A_1266 : memref<64x64xf32, #tpu.memory_space<vmem>>) offsets(%dma_start3A_1269 : memref<64xi32, #tpu.memory_space<vmem>>) semaphore(%dma_start3A_1274 : memref<!tpu.dma_semaphore, #tpu.memory_space<semaphore_mem>>)
      %dma_start3A_1275 = arith.constant 1 : i32
      %dma_start3A_1276 = arith.constant 64 : i32
      %dma_start3A_1277 = arith.constant 0 : i32
      %dma_start3A_1278 = tpu.memref_slice %arg7[%dma_start3A_1276, %dma_start3A_1277] : memref<128x64xf32, #tpu.memory_space<vmem>> -> memref<64x64xf32, #tpu.memory_space<vmem>>
      %dma_start3A_1279 = arith.constant 64 : i32
      %dma_start3A_1280 = tpu.memref_slice %arg5[%add3A_1262, %dma_start3A_1279] : memref<200x128xi32, #tpu.memory_space<vmem>> -> memref<1x64xi32, #tpu.memory_space<vmem>>
      %dma_start3A_1281 = tpu.memref_squeeze %dma_start3A_1280 : memref<1x64xi32, #tpu.memory_space<vmem>> -> memref<64xi32, #tpu.memory_space<vmem>>
      %dma_start3A_1282 = arith.constant 0 : i32
      %dma_start3A_1283 = arith.constant 0 : i32
      %dma_start3A_1284 = tpu.memref_slice %arg3[%dma_start3A_1282, %dma_start3A_1283] : memref<2000000x64xf32, #tpu.memory_space<hbm>> -> memref<2000000x64xf32, #tpu.memory_space<hbm>>
      %dma_start3A_1285 = tpu.memref_slice %arg16[%dma_start3A_1275] : memref<5x!tpu.dma_semaphore, #tpu.memory_space<semaphore_mem>> -> memref<1x!tpu.dma_semaphore, #tpu.memory_space<semaphore_mem>>
      %dma_start3A_1286 = tpu.memref_squeeze %dma_start3A_1285 : memref<1x!tpu.dma_semaphore, #tpu.memory_space<semaphore_mem>> -> memref<!tpu.dma_semaphore, #tpu.memory_space<semaphore_mem>>
      tpu.enqueue_indirect_dma source(%dma_start3A_1284 : memref<2000000x64xf32, #tpu.memory_space<hbm>>) target(%dma_start3A_1278 : memref<64x64xf32, #tpu.memory_space<vmem>>) offsets(%dma_start3A_1281 : memref<64xi32, #tpu.memory_space<vmem>>) semaphore(%dma_start3A_1286 : memref<!tpu.dma_semaphore, #tpu.memory_space<semaphore_mem>>)
      %mul3A_1287 = arith.constant 5 : i32
      %mul3A_1288 = arith.muli %scan3A_1079, %mul3A_1287 : i32
      %add3A_1289 = arith.constant 2 : i32
      %add3A_1290 = arith.addi %mul3A_1288, %add3A_1289 : i32
      %dma_wait3A_1291 = arith.constant 2 : i32
      %dma_wait3A_1292 = arith.constant 0 : i32
      %dma_wait3A_1293 = arith.constant 0 : i32
      %dma_wait3A_1294 = tpu.memref_slice %arg8[%dma_wait3A_1292, %dma_wait3A_1293] : memref<128x64xf32, #tpu.memory_space<vmem>> -> memref<64x64xf32, #tpu.memory_space<vmem>>
      %dma_wait3A_1295 = arith.constant 0 : i32
      %dma_wait3A_1296 = tpu.memref_slice %arg5[%add3A_1290, %dma_wait3A_1295] : memref<200x128xi32, #tpu.memory_space<vmem>> -> memref<1x64xi32, #tpu.memory_space<vmem>>
      %dma_wait3A_1297 = tpu.memref_squeeze %dma_wait3A_1296 : memref<1x64xi32, #tpu.memory_space<vmem>> -> memref<64xi32, #tpu.memory_space<vmem>>
      %dma_wait3A_1298 = arith.constant 0 : i32
      %dma_wait3A_1299 = arith.constant 0 : i32
      %dma_wait3A_1300 = tpu.memref_slice %arg3[%dma_wait3A_1298, %dma_wait3A_1299] : memref<2000000x64xf32, #tpu.memory_space<hbm>> -> memref<2000000x64xf32, #tpu.memory_space<hbm>>
      %dma_wait3A_1301 = tpu.memref_slice %arg16[%dma_wait3A_1291] : memref<5x!tpu.dma_semaphore, #tpu.memory_space<semaphore_mem>> -> memref<1x!tpu.dma_semaphore, #tpu.memory_space<semaphore_mem>>
      %dma_wait3A_1302 = tpu.memref_squeeze %dma_wait3A_1301 : memref<1x!tpu.dma_semaphore, #tpu.memory_space<semaphore_mem>> -> memref<!tpu.dma_semaphore, #tpu.memory_space<semaphore_mem>>
      tpu.wait_indirect_dma semaphore(%dma_wait3A_1302 : memref<!tpu.dma_semaphore, #tpu.memory_space<semaphore_mem>>) src(%dma_wait3A_1300 : memref<2000000x64xf32, #tpu.memory_space<hbm>>) dst(%dma_wait3A_1294 : memref<64x64xf32, #tpu.memory_space<vmem>>)
      %dma_wait3A_1303 = arith.constant 2 : i32
      %dma_wait3A_1304 = arith.constant 64 : i32
      %dma_wait3A_1305 = arith.constant 0 : i32
      %dma_wait3A_1306 = tpu.memref_slice %arg8[%dma_wait3A_1304, %dma_wait3A_1305] : memref<128x64xf32, #tpu.memory_space<vmem>> -> memref<64x64xf32, #tpu.memory_space<vmem>>
      %dma_wait3A_1307 = arith.constant 64 : i32
      %dma_wait3A_1308 = tpu.memref_slice %arg5[%add3A_1290, %dma_wait3A_1307] : memref<200x128xi32, #tpu.memory_space<vmem>> -> memref<1x64xi32, #tpu.memory_space<vmem>>
      %dma_wait3A_1309 = tpu.memref_squeeze %dma_wait3A_1308 : memref<1x64xi32, #tpu.memory_space<vmem>> -> memref<64xi32, #tpu.memory_space<vmem>>
      %dma_wait3A_1310 = arith.constant 0 : i32
      %dma_wait3A_1311 = arith.constant 0 : i32
      %dma_wait3A_1312 = tpu.memref_slice %arg3[%dma_wait3A_1310, %dma_wait3A_1311] : memref<2000000x64xf32, #tpu.memory_space<hbm>> -> memref<2000000x64xf32, #tpu.memory_space<hbm>>
      %dma_wait3A_1313 = tpu.memref_slice %arg16[%dma_wait3A_1303] : memref<5x!tpu.dma_semaphore, #tpu.memory_space<semaphore_mem>> -> memref<1x!tpu.dma_semaphore, #tpu.memory_space<semaphore_mem>>
      %dma_wait3A_1314 = tpu.memref_squeeze %dma_wait3A_1313 : memref<1x!tpu.dma_semaphore, #tpu.memory_space<semaphore_mem>> -> memref<!tpu.dma_semaphore, #tpu.memory_space<semaphore_mem>>
      tpu.wait_indirect_dma semaphore(%dma_wait3A_1314 : memref<!tpu.dma_semaphore, #tpu.memory_space<semaphore_mem>>) src(%dma_wait3A_1312 : memref<2000000x64xf32, #tpu.memory_space<hbm>>) dst(%dma_wait3A_1306 : memref<64x64xf32, #tpu.memory_space<vmem>>)
      %sub3A_1315 = arith.constant 5 : i32
      %sub3A_1316 = arith.subi %add3A_1290, %sub3A_1315 : i32
      %dma_wait3A_1317 = arith.constant 2 : i32
      %dma_wait3A_1318 = arith.constant 0 : i32
      %dma_wait3A_1319 = arith.constant 0 : i32
      %dma_wait3A_1320 = arith.constant 0 : i32
      %dma_wait3A_1321 = tpu.memref_slice %arg13[%dma_wait3A_1318, %dma_wait3A_1319, %dma_wait3A_1320] : memref<8x8x129xf32, #tpu.memory_space<vmem>> -> memref<8x8x128xf32, #tpu.memory_space<vmem>>
      %dma_wait3A_1322 = arith.constant 0 : i32
      %dma_wait3A_1323 = arith.constant 0 : i32
      %dma_wait3A_1324 = arith.constant 0 : i32
      %dma_wait3A_1325 = tpu.memref_slice %arg4[%sub3A_1316, %dma_wait3A_1322, %add3A, %dma_wait3A_1323, %dma_wait3A_1324] : memref<200x8x32x8x128xf32, #tpu.memory_space<hbm>> -> memref<1x8x1x8x128xf32, #tpu.memory_space<hbm>>
      %dma_wait3A_1326 = tpu.memref_squeeze %dma_wait3A_1325 : memref<1x8x1x8x128xf32, #tpu.memory_space<hbm>> -> memref<8x8x128xf32, #tpu.memory_space<hbm>>
      %dma_wait3A_1327 = tpu.memref_slice %arg17[%dma_wait3A_1317] : memref<5x!tpu.dma_semaphore, #tpu.memory_space<semaphore_mem>> -> memref<1x!tpu.dma_semaphore, #tpu.memory_space<semaphore_mem>>
      %dma_wait3A_1328 = tpu.memref_squeeze %dma_wait3A_1327 : memref<1x!tpu.dma_semaphore, #tpu.memory_space<semaphore_mem>> -> memref<!tpu.dma_semaphore, #tpu.memory_space<semaphore_mem>>
      %dma_wait3A_1329 = arith.constant 0 : i32
      %dma_wait3A_1330 = arith.constant 0 : i32
      %dma_wait3A_1331 = arith.constant 0 : i32
      %dma_wait3A_1332 = tpu.memref_slice %arg4[%sub3A_1316, %dma_wait3A_1329, %add3A, %dma_wait3A_1330, %dma_wait3A_1331] : memref<200x8x32x8x128xf32, #tpu.memory_space<hbm>> -> memref<1x8x1x8x128xf32, #tpu.memory_space<hbm>>
      %dma_wait3A_1333 = tpu.memref_squeeze %dma_wait3A_1332 : memref<1x8x1x8x128xf32, #tpu.memory_space<hbm>> -> memref<8x8x128xf32, #tpu.memory_space<hbm>>
      %dma_wait3A_1334 = arith.constant 0 : i32
      %dma_wait3A_1335 = arith.constant 0 : i32
      %dma_wait3A_1336 = arith.constant 0 : i32
      %dma_wait3A_1337 = tpu.memref_slice %arg13[%dma_wait3A_1334, %dma_wait3A_1335, %dma_wait3A_1336] : memref<8x8x129xf32, #tpu.memory_space<vmem>> -> memref<8x8x128xf32, #tpu.memory_space<vmem>>
      tpu.wait_dma2 semaphore(%dma_wait3A_1328 : memref<!tpu.dma_semaphore, #tpu.memory_space<semaphore_mem>>) src(%dma_wait3A_1337 : memref<8x8x128xf32, #tpu.memory_space<vmem>>) dst(%dma_wait3A_1333 : memref<8x8x128xf32, #tpu.memory_space<hbm>>)
      %scan3A_1338 = arith.constant 0 : i32
      %scan3A_1339 = arith.constant 0 : i32
      %scan3A_1340 = arith.constant 128 : i32
      %scan3A_1341 = arith.addi %scan3A_1339, %scan3A_1340 : i32
      %scan3A_1342 = arith.constant 1 : i32
      scf.for %scan3A_1599 = %scan3A_1339 to %scan3A_1341 step %scan3A_1342  : i32 {
        %add3A_1600 = vector.broadcast %scan3A_1599 : i32 to vector<16xi32>
        %add3A_1601 = arith.addi %broadcast_in_dim3A_3, %add3A_1600 : vector<16xi32>
        %get3A = arith.index_cast %scan3A_1599 : i32 to index
        %get3A_1602 = arith.constant 0 : index
        %get3A_1603 = tpu.vector_load %arg8[%get3A, %get3A_1602] {strides = array<i32>} : memref<128x64xf32, #tpu.memory_space<vmem>>, vector<16xf32>,
        %mul3A_1604 = arith.constant 8.000000e+00 : f32
        %mul3A_1605 = vector.broadcast %mul3A_1604 : f32 to vector<16xf32>
        %mul3A_1606 = arith.mulf %get3A_1603, %mul3A_1605 : vector<16xf32>
        tpu.vector_store_idx %arg13[%shift_right_logical3A_8, %and3A_31, %add3A_1601], %mul3A_1606 : memref<8x8x129xf32, #tpu.memory_space<vmem>>[vector<16xi32>, vector<16xi32>, vector<16xi32>], vector<16xf32>,
        %get3A_1607 = arith.index_cast %scan3A_1599 : i32 to index
        %get3A_1608 = arith.constant 16 : index
        %get3A_1609 = tpu.vector_load %arg8[%get3A_1607, %get3A_1608] {strides = array<i32>} : memref<128x64xf32, #tpu.memory_space<vmem>>, vector<16xf32>,
        %mul3A_1610 = arith.constant 8.000000e+00 : f32
        %mul3A_1611 = vector.broadcast %mul3A_1610 : f32 to vector<16xf32>
        %mul3A_1612 = arith.mulf %get3A_1609, %mul3A_1611 : vector<16xf32>
        tpu.vector_store_idx %arg13[%shift_right_logical3A_14, %and3A_37, %add3A_1601], %mul3A_1612 : memref<8x8x129xf32, #tpu.memory_space<vmem>>[vector<16xi32>, vector<16xi32>, vector<16xi32>], vector<16xf32>,
        %get3A_1613 = arith.index_cast %scan3A_1599 : i32 to index
        %get3A_1614 = arith.constant 32 : index
        %get3A_1615 = tpu.vector_load %arg8[%get3A_1613, %get3A_1614] {strides = array<i32>} : memref<128x64xf32, #tpu.memory_space<vmem>>, vector<16xf32>,
        %mul3A_1616 = arith.constant 8.000000e+00 : f32
        %mul3A_1617 = vector.broadcast %mul3A_1616 : f32 to vector<16xf32>
        %mul3A_1618 = arith.mulf %get3A_1615, %mul3A_1617 : vector<16xf32>
        tpu.vector_store_idx %arg13[%shift_right_logical3A_20, %and3A_43, %add3A_1601], %mul3A_1618 : memref<8x8x129xf32, #tpu.memory_space<vmem>>[vector<16xi32>, vector<16xi32>, vector<16xi32>], vector<16xf32>,
        %get3A_1619 = arith.index_cast %scan3A_1599 : i32 to index
        %get3A_1620 = arith.constant 48 : index
        %get3A_1621 = tpu.vector_load %arg8[%get3A_1619, %get3A_1620] {strides = array<i32>} : memref<128x64xf32, #tpu.memory_space<vmem>>, vector<16xf32>,
        %mul3A_1622 = arith.constant 8.000000e+00 : f32
        %mul3A_1623 = vector.broadcast %mul3A_1622 : f32 to vector<16xf32>
        %mul3A_1624 = arith.mulf %get3A_1621, %mul3A_1623 : vector<16xf32>
        tpu.vector_store_idx %arg13[%shift_right_logical3A_26, %and3A_49, %add3A_1601], %mul3A_1624 : memref<8x8x129xf32, #tpu.memory_space<vmem>>[vector<16xi32>, vector<16xi32>, vector<16xi32>], vector<16xf32>,
      }
      %scan3A_1343 = arith.constant 128 : i32
      %dma_start3A_1344 = arith.constant 2 : i32
      %dma_start3A_1345 = arith.constant 0 : i32
      %dma_start3A_1346 = arith.constant 0 : i32
      %dma_start3A_1347 = arith.constant 0 : i32
      %dma_start3A_1348 = tpu.memref_slice %arg13[%dma_start3A_1345, %dma_start3A_1346, %dma_start3A_1347] : memref<8x8x129xf32, #tpu.memory_space<vmem>> -> memref<8x8x128xf32, #tpu.memory_space<vmem>>
      %dma_start3A_1349 = arith.constant 0 : i32
      %dma_start3A_1350 = arith.constant 0 : i32
      %dma_start3A_1351 = arith.constant 0 : i32
      %dma_start3A_1352 = tpu.memref_slice %arg4[%add3A_1290, %dma_start3A_1349, %add3A, %dma_start3A_1350, %dma_start3A_1351] : memref<200x8x32x8x128xf32, #tpu.memory_space<hbm>> -> memref<1x8x1x8x128xf32, #tpu.memory_space<hbm>>
      %dma_start3A_1353 = tpu.memref_squeeze %dma_start3A_1352 : memref<1x8x1x8x128xf32, #tpu.memory_space<hbm>> -> memref<8x8x128xf32, #tpu.memory_space<hbm>>
      %dma_start3A_1354 = tpu.memref_slice %arg17[%dma_start3A_1344] : memref<5x!tpu.dma_semaphore, #tpu.memory_space<semaphore_mem>> -> memref<1x!tpu.dma_semaphore, #tpu.memory_space<semaphore_mem>>
      %dma_start3A_1355 = tpu.memref_squeeze %dma_start3A_1354 : memref<1x!tpu.dma_semaphore, #tpu.memory_space<semaphore_mem>> -> memref<!tpu.dma_semaphore, #tpu.memory_space<semaphore_mem>>
      %dma_start3A_1356 = arith.constant 0 : i32
      %dma_start3A_1357 = arith.constant 0 : i32
      %dma_start3A_1358 = arith.constant 0 : i32
      %dma_start3A_1359 = tpu.memref_slice %arg4[%add3A_1290, %dma_start3A_1356, %add3A, %dma_start3A_1357, %dma_start3A_1358] : memref<200x8x32x8x128xf32, #tpu.memory_space<hbm>> -> memref<1x8x1x8x128xf32, #tpu.memory_space<hbm>>
      %dma_start3A_1360 = tpu.memref_squeeze %dma_start3A_1359 : memref<1x8x1x8x128xf32, #tpu.memory_space<hbm>> -> memref<8x8x128xf32, #tpu.memory_space<hbm>>
      %dma_start3A_1361 = arith.constant 0 : i32
      %dma_start3A_1362 = arith.constant 0 : i32
      %dma_start3A_1363 = arith.constant 0 : i32
      %dma_start3A_1364 = tpu.memref_slice %arg13[%dma_start3A_1361, %dma_start3A_1362, %dma_start3A_1363] : memref<8x8x129xf32, #tpu.memory_space<vmem>> -> memref<8x8x128xf32, #tpu.memory_space<vmem>>
      tpu.enqueue_dma source(%dma_start3A_1364 : memref<8x8x128xf32, #tpu.memory_space<vmem>>) target(%dma_start3A_1360 : memref<8x8x128xf32, #tpu.memory_space<hbm>>) target_semaphore(%dma_start3A_1355 : memref<!tpu.dma_semaphore, #tpu.memory_space<semaphore_mem>>)
      %add3A_1365 = arith.constant 5 : i32
      %add3A_1366 = arith.addi %add3A_1290, %add3A_1365 : i32
      %dma_start3A_1367 = arith.constant 2 : i32
      %dma_start3A_1368 = arith.constant 0 : i32
      %dma_start3A_1369 = arith.constant 0 : i32
      %dma_start3A_1370 = tpu.memref_slice %arg8[%dma_start3A_1368, %dma_start3A_1369] : memref<128x64xf32, #tpu.memory_space<vmem>> -> memref<64x64xf32, #tpu.memory_space<vmem>>
      %dma_start3A_1371 = arith.constant 0 : i32
      %dma_start3A_1372 = tpu.memref_slice %arg5[%add3A_1366, %dma_start3A_1371] : memref<200x128xi32, #tpu.memory_space<vmem>> -> memref<1x64xi32, #tpu.memory_space<vmem>>
      %dma_start3A_1373 = tpu.memref_squeeze %dma_start3A_1372 : memref<1x64xi32, #tpu.memory_space<vmem>> -> memref<64xi32, #tpu.memory_space<vmem>>
      %dma_start3A_1374 = arith.constant 0 : i32
      %dma_start3A_1375 = arith.constant 0 : i32
      %dma_start3A_1376 = tpu.memref_slice %arg3[%dma_start3A_1374, %dma_start3A_1375] : memref<2000000x64xf32, #tpu.memory_space<hbm>> -> memref<2000000x64xf32, #tpu.memory_space<hbm>>
      %dma_start3A_1377 = tpu.memref_slice %arg16[%dma_start3A_1367] : memref<5x!tpu.dma_semaphore, #tpu.memory_space<semaphore_mem>> -> memref<1x!tpu.dma_semaphore, #tpu.memory_space<semaphore_mem>>
      %dma_start3A_1378 = tpu.memref_squeeze %dma_start3A_1377 : memref<1x!tpu.dma_semaphore, #tpu.memory_space<semaphore_mem>> -> memref<!tpu.dma_semaphore, #tpu.memory_space<semaphore_mem>>
      tpu.enqueue_indirect_dma source(%dma_start3A_1376 : memref<2000000x64xf32, #tpu.memory_space<hbm>>) target(%dma_start3A_1370 : memref<64x64xf32, #tpu.memory_space<vmem>>) offsets(%dma_start3A_1373 : memref<64xi32, #tpu.memory_space<vmem>>) semaphore(%dma_start3A_1378 : memref<!tpu.dma_semaphore, #tpu.memory_space<semaphore_mem>>)
      %dma_start3A_1379 = arith.constant 2 : i32
      %dma_start3A_1380 = arith.constant 64 : i32
      %dma_start3A_1381 = arith.constant 0 : i32
      %dma_start3A_1382 = tpu.memref_slice %arg8[%dma_start3A_1380, %dma_start3A_1381] : memref<128x64xf32, #tpu.memory_space<vmem>> -> memref<64x64xf32, #tpu.memory_space<vmem>>
      %dma_start3A_1383 = arith.constant 64 : i32
      %dma_start3A_1384 = tpu.memref_slice %arg5[%add3A_1366, %dma_start3A_1383] : memref<200x128xi32, #tpu.memory_space<vmem>> -> memref<1x64xi32, #tpu.memory_space<vmem>>
      %dma_start3A_1385 = tpu.memref_squeeze %dma_start3A_1384 : memref<1x64xi32, #tpu.memory_space<vmem>> -> memref<64xi32, #tpu.memory_space<vmem>>
      %dma_start3A_1386 = arith.constant 0 : i32
      %dma_start3A_1387 = arith.constant 0 : i32
      %dma_start3A_1388 = tpu.memref_slice %arg3[%dma_start3A_1386, %dma_start3A_1387] : memref<2000000x64xf32, #tpu.memory_space<hbm>> -> memref<2000000x64xf32, #tpu.memory_space<hbm>>
      %dma_start3A_1389 = tpu.memref_slice %arg16[%dma_start3A_1379] : memref<5x!tpu.dma_semaphore, #tpu.memory_space<semaphore_mem>> -> memref<1x!tpu.dma_semaphore, #tpu.memory_space<semaphore_mem>>
      %dma_start3A_1390 = tpu.memref_squeeze %dma_start3A_1389 : memref<1x!tpu.dma_semaphore, #tpu.memory_space<semaphore_mem>> -> memref<!tpu.dma_semaphore, #tpu.memory_space<semaphore_mem>>
      tpu.enqueue_indirect_dma source(%dma_start3A_1388 : memref<2000000x64xf32, #tpu.memory_space<hbm>>) target(%dma_start3A_1382 : memref<64x64xf32, #tpu.memory_space<vmem>>) offsets(%dma_start3A_1385 : memref<64xi32, #tpu.memory_space<vmem>>) semaphore(%dma_start3A_1390 : memref<!tpu.dma_semaphore, #tpu.memory_space<semaphore_mem>>)
      %mul3A_1391 = arith.constant 5 : i32
      %mul3A_1392 = arith.muli %scan3A_1079, %mul3A_1391 : i32
      %add3A_1393 = arith.constant 3 : i32
      %add3A_1394 = arith.addi %mul3A_1392, %add3A_1393 : i32
      %dma_wait3A_1395 = arith.constant 3 : i32
      %dma_wait3A_1396 = arith.constant 0 : i32
      %dma_wait3A_1397 = arith.constant 0 : i32
      %dma_wait3A_1398 = tpu.memref_slice %arg9[%dma_wait3A_1396, %dma_wait3A_1397] : memref<128x64xf32, #tpu.memory_space<vmem>> -> memref<64x64xf32, #tpu.memory_space<vmem>>
      %dma_wait3A_1399 = arith.constant 0 : i32
      %dma_wait3A_1400 = tpu.memref_slice %arg5[%add3A_1394, %dma_wait3A_1399] : memref<200x128xi32, #tpu.memory_space<vmem>> -> memref<1x64xi32, #tpu.memory_space<vmem>>
      %dma_wait3A_1401 = tpu.memref_squeeze %dma_wait3A_1400 : memref<1x64xi32, #tpu.memory_space<vmem>> -> memref<64xi32, #tpu.memory_space<vmem>>
      %dma_wait3A_1402 = arith.constant 0 : i32
      %dma_wait3A_1403 = arith.constant 0 : i32
      %dma_wait3A_1404 = tpu.memref_slice %arg3[%dma_wait3A_1402, %dma_wait3A_1403] : memref<2000000x64xf32, #tpu.memory_space<hbm>> -> memref<2000000x64xf32, #tpu.memory_space<hbm>>
      %dma_wait3A_1405 = tpu.memref_slice %arg16[%dma_wait3A_1395] : memref<5x!tpu.dma_semaphore, #tpu.memory_space<semaphore_mem>> -> memref<1x!tpu.dma_semaphore, #tpu.memory_space<semaphore_mem>>
      %dma_wait3A_1406 = tpu.memref_squeeze %dma_wait3A_1405 : memref<1x!tpu.dma_semaphore, #tpu.memory_space<semaphore_mem>> -> memref<!tpu.dma_semaphore, #tpu.memory_space<semaphore_mem>>
      tpu.wait_indirect_dma semaphore(%dma_wait3A_1406 : memref<!tpu.dma_semaphore, #tpu.memory_space<semaphore_mem>>) src(%dma_wait3A_1404 : memref<2000000x64xf32, #tpu.memory_space<hbm>>) dst(%dma_wait3A_1398 : memref<64x64xf32, #tpu.memory_space<vmem>>)
      %dma_wait3A_1407 = arith.constant 3 : i32
      %dma_wait3A_1408 = arith.constant 64 : i32
      %dma_wait3A_1409 = arith.constant 0 : i32
      %dma_wait3A_1410 = tpu.memref_slice %arg9[%dma_wait3A_1408, %dma_wait3A_1409] : memref<128x64xf32, #tpu.memory_space<vmem>> -> memref<64x64xf32, #tpu.memory_space<vmem>>
      %dma_wait3A_1411 = arith.constant 64 : i32
      %dma_wait3A_1412 = tpu.memref_slice %arg5[%add3A_1394, %dma_wait3A_1411] : memref<200x128xi32, #tpu.memory_space<vmem>> -> memref<1x64xi32, #tpu.memory_space<vmem>>
      %dma_wait3A_1413 = tpu.memref_squeeze %dma_wait3A_1412 : memref<1x64xi32, #tpu.memory_space<vmem>> -> memref<64xi32, #tpu.memory_space<vmem>>
      %dma_wait3A_1414 = arith.constant 0 : i32
      %dma_wait3A_1415 = arith.constant 0 : i32
      %dma_wait3A_1416 = tpu.memref_slice %arg3[%dma_wait3A_1414, %dma_wait3A_1415] : memref<2000000x64xf32, #tpu.memory_space<hbm>> -> memref<2000000x64xf32, #tpu.memory_space<hbm>>
      %dma_wait3A_1417 = tpu.memref_slice %arg16[%dma_wait3A_1407] : memref<5x!tpu.dma_semaphore, #tpu.memory_space<semaphore_mem>> -> memref<1x!tpu.dma_semaphore, #tpu.memory_space<semaphore_mem>>
      %dma_wait3A_1418 = tpu.memref_squeeze %dma_wait3A_1417 : memref<1x!tpu.dma_semaphore, #tpu.memory_space<semaphore_mem>> -> memref<!tpu.dma_semaphore, #tpu.memory_space<semaphore_mem>>
      tpu.wait_indirect_dma semaphore(%dma_wait3A_1418 : memref<!tpu.dma_semaphore, #tpu.memory_space<semaphore_mem>>) src(%dma_wait3A_1416 : memref<2000000x64xf32, #tpu.memory_space<hbm>>) dst(%dma_wait3A_1410 : memref<64x64xf32, #tpu.memory_space<vmem>>)
      %sub3A_1419 = arith.constant 5 : i32
      %sub3A_1420 = arith.subi %add3A_1394, %sub3A_1419 : i32
      %dma_wait3A_1421 = arith.constant 3 : i32
      %dma_wait3A_1422 = arith.constant 0 : i32
      %dma_wait3A_1423 = arith.constant 0 : i32
      %dma_wait3A_1424 = arith.constant 0 : i32
      %dma_wait3A_1425 = tpu.memref_slice %arg14[%dma_wait3A_1422, %dma_wait3A_1423, %dma_wait3A_1424] : memref<8x8x129xf32, #tpu.memory_space<vmem>> -> memref<8x8x128xf32, #tpu.memory_space<vmem>>
      %dma_wait3A_1426 = arith.constant 0 : i32
      %dma_wait3A_1427 = arith.constant 0 : i32
      %dma_wait3A_1428 = arith.constant 0 : i32
      %dma_wait3A_1429 = tpu.memref_slice %arg4[%sub3A_1420, %dma_wait3A_1426, %add3A, %dma_wait3A_1427, %dma_wait3A_1428] : memref<200x8x32x8x128xf32, #tpu.memory_space<hbm>> -> memref<1x8x1x8x128xf32, #tpu.memory_space<hbm>>
      %dma_wait3A_1430 = tpu.memref_squeeze %dma_wait3A_1429 : memref<1x8x1x8x128xf32, #tpu.memory_space<hbm>> -> memref<8x8x128xf32, #tpu.memory_space<hbm>>
      %dma_wait3A_1431 = tpu.memref_slice %arg17[%dma_wait3A_1421] : memref<5x!tpu.dma_semaphore, #tpu.memory_space<semaphore_mem>> -> memref<1x!tpu.dma_semaphore, #tpu.memory_space<semaphore_mem>>
      %dma_wait3A_1432 = tpu.memref_squeeze %dma_wait3A_1431 : memref<1x!tpu.dma_semaphore, #tpu.memory_space<semaphore_mem>> -> memref<!tpu.dma_semaphore, #tpu.memory_space<semaphore_mem>>
      %dma_wait3A_1433 = arith.constant 0 : i32
      %dma_wait3A_1434 = arith.constant 0 : i32
      %dma_wait3A_1435 = arith.constant 0 : i32
      %dma_wait3A_1436 = tpu.memref_slice %arg4[%sub3A_1420, %dma_wait3A_1433, %add3A, %dma_wait3A_1434, %dma_wait3A_1435] : memref<200x8x32x8x128xf32, #tpu.memory_space<hbm>> -> memref<1x8x1x8x128xf32, #tpu.memory_space<hbm>>
      %dma_wait3A_1437 = tpu.memref_squeeze %dma_wait3A_1436 : memref<1x8x1x8x128xf32, #tpu.memory_space<hbm>> -> memref<8x8x128xf32, #tpu.memory_space<hbm>>
      %dma_wait3A_1438 = arith.constant 0 : i32
      %dma_wait3A_1439 = arith.constant 0 : i32
      %dma_wait3A_1440 = arith.constant 0 : i32
      %dma_wait3A_1441 = tpu.memref_slice %arg14[%dma_wait3A_1438, %dma_wait3A_1439, %dma_wait3A_1440] : memref<8x8x129xf32, #tpu.memory_space<vmem>> -> memref<8x8x128xf32, #tpu.memory_space<vmem>>
      tpu.wait_dma2 semaphore(%dma_wait3A_1432 : memref<!tpu.dma_semaphore, #tpu.memory_space<semaphore_mem>>) src(%dma_wait3A_1441 : memref<8x8x128xf32, #tpu.memory_space<vmem>>) dst(%dma_wait3A_1437 : memref<8x8x128xf32, #tpu.memory_space<hbm>>)
      %scan3A_1442 = arith.constant 0 : i32
      %scan3A_1443 = arith.constant 0 : i32
      %scan3A_1444 = arith.constant 128 : i32
      %scan3A_1445 = arith.addi %scan3A_1443, %scan3A_1444 : i32
      %scan3A_1446 = arith.constant 1 : i32
      scf.for %scan3A_1599 = %scan3A_1443 to %scan3A_1445 step %scan3A_1446  : i32 {
        %add3A_1600 = vector.broadcast %scan3A_1599 : i32 to vector<16xi32>
        %add3A_1601 = arith.addi %broadcast_in_dim3A_3, %add3A_1600 : vector<16xi32>
        %get3A = arith.index_cast %scan3A_1599 : i32 to index
        %get3A_1602 = arith.constant 0 : index
        %get3A_1603 = tpu.vector_load %arg9[%get3A, %get3A_1602] {strides = array<i32>} : memref<128x64xf32, #tpu.memory_space<vmem>>, vector<16xf32>,
        %mul3A_1604 = arith.constant 8.000000e+00 : f32
        %mul3A_1605 = vector.broadcast %mul3A_1604 : f32 to vector<16xf32>
        %mul3A_1606 = arith.mulf %get3A_1603, %mul3A_1605 : vector<16xf32>
        tpu.vector_store_idx %arg14[%shift_right_logical3A_8, %and3A_31, %add3A_1601], %mul3A_1606 : memref<8x8x129xf32, #tpu.memory_space<vmem>>[vector<16xi32>, vector<16xi32>, vector<16xi32>], vector<16xf32>,
        %get3A_1607 = arith.index_cast %scan3A_1599 : i32 to index
        %get3A_1608 = arith.constant 16 : index
        %get3A_1609 = tpu.vector_load %arg9[%get3A_1607, %get3A_1608] {strides = array<i32>} : memref<128x64xf32, #tpu.memory_space<vmem>>, vector<16xf32>,
        %mul3A_1610 = arith.constant 8.000000e+00 : f32
        %mul3A_1611 = vector.broadcast %mul3A_1610 : f32 to vector<16xf32>
        %mul3A_1612 = arith.mulf %get3A_1609, %mul3A_1611 : vector<16xf32>
        tpu.vector_store_idx %arg14[%shift_right_logical3A_14, %and3A_37, %add3A_1601], %mul3A_1612 : memref<8x8x129xf32, #tpu.memory_space<vmem>>[vector<16xi32>, vector<16xi32>, vector<16xi32>], vector<16xf32>,
        %get3A_1613 = arith.index_cast %scan3A_1599 : i32 to index
        %get3A_1614 = arith.constant 32 : index
        %get3A_1615 = tpu.vector_load %arg9[%get3A_1613, %get3A_1614] {strides = array<i32>} : memref<128x64xf32, #tpu.memory_space<vmem>>, vector<16xf32>,
        %mul3A_1616 = arith.constant 8.000000e+00 : f32
        %mul3A_1617 = vector.broadcast %mul3A_1616 : f32 to vector<16xf32>
        %mul3A_1618 = arith.mulf %get3A_1615, %mul3A_1617 : vector<16xf32>
        tpu.vector_store_idx %arg14[%shift_right_logical3A_20, %and3A_43, %add3A_1601], %mul3A_1618 : memref<8x8x129xf32, #tpu.memory_space<vmem>>[vector<16xi32>, vector<16xi32>, vector<16xi32>], vector<16xf32>,
        %get3A_1619 = arith.index_cast %scan3A_1599 : i32 to index
        %get3A_1620 = arith.constant 48 : index
        %get3A_1621 = tpu.vector_load %arg9[%get3A_1619, %get3A_1620] {strides = array<i32>} : memref<128x64xf32, #tpu.memory_space<vmem>>, vector<16xf32>,
        %mul3A_1622 = arith.constant 8.000000e+00 : f32
        %mul3A_1623 = vector.broadcast %mul3A_1622 : f32 to vector<16xf32>
        %mul3A_1624 = arith.mulf %get3A_1621, %mul3A_1623 : vector<16xf32>
        tpu.vector_store_idx %arg14[%shift_right_logical3A_26, %and3A_49, %add3A_1601], %mul3A_1624 : memref<8x8x129xf32, #tpu.memory_space<vmem>>[vector<16xi32>, vector<16xi32>, vector<16xi32>], vector<16xf32>,
      }
      %scan3A_1447 = arith.constant 128 : i32
      %dma_start3A_1448 = arith.constant 3 : i32
      %dma_start3A_1449 = arith.constant 0 : i32
      %dma_start3A_1450 = arith.constant 0 : i32
      %dma_start3A_1451 = arith.constant 0 : i32
      %dma_start3A_1452 = tpu.memref_slice %arg14[%dma_start3A_1449, %dma_start3A_1450, %dma_start3A_1451] : memref<8x8x129xf32, #tpu.memory_space<vmem>> -> memref<8x8x128xf32, #tpu.memory_space<vmem>>
      %dma_start3A_1453 = arith.constant 0 : i32
      %dma_start3A_1454 = arith.constant 0 : i32
      %dma_start3A_1455 = arith.constant 0 : i32
      %dma_start3A_1456 = tpu.memref_slice %arg4[%add3A_1394, %dma_start3A_1453, %add3A, %dma_start3A_1454, %dma_start3A_1455] : memref<200x8x32x8x128xf32, #tpu.memory_space<hbm>> -> memref<1x8x1x8x128xf32, #tpu.memory_space<hbm>>
      %dma_start3A_1457 = tpu.memref_squeeze %dma_start3A_1456 : memref<1x8x1x8x128xf32, #tpu.memory_space<hbm>> -> memref<8x8x128xf32, #tpu.memory_space<hbm>>
      %dma_start3A_1458 = tpu.memref_slice %arg17[%dma_start3A_1448] : memref<5x!tpu.dma_semaphore, #tpu.memory_space<semaphore_mem>> -> memref<1x!tpu.dma_semaphore, #tpu.memory_space<semaphore_mem>>
      %dma_start3A_1459 = tpu.memref_squeeze %dma_start3A_1458 : memref<1x!tpu.dma_semaphore, #tpu.memory_space<semaphore_mem>> -> memref<!tpu.dma_semaphore, #tpu.memory_space<semaphore_mem>>
      %dma_start3A_1460 = arith.constant 0 : i32
      %dma_start3A_1461 = arith.constant 0 : i32
      %dma_start3A_1462 = arith.constant 0 : i32
      %dma_start3A_1463 = tpu.memref_slice %arg4[%add3A_1394, %dma_start3A_1460, %add3A, %dma_start3A_1461, %dma_start3A_1462] : memref<200x8x32x8x128xf32, #tpu.memory_space<hbm>> -> memref<1x8x1x8x128xf32, #tpu.memory_space<hbm>>
      %dma_start3A_1464 = tpu.memref_squeeze %dma_start3A_1463 : memref<1x8x1x8x128xf32, #tpu.memory_space<hbm>> -> memref<8x8x128xf32, #tpu.memory_space<hbm>>
      %dma_start3A_1465 = arith.constant 0 : i32
      %dma_start3A_1466 = arith.constant 0 : i32
      %dma_start3A_1467 = arith.constant 0 : i32
      %dma_start3A_1468 = tpu.memref_slice %arg14[%dma_start3A_1465, %dma_start3A_1466, %dma_start3A_1467] : memref<8x8x129xf32, #tpu.memory_space<vmem>> -> memref<8x8x128xf32, #tpu.memory_space<vmem>>
      tpu.enqueue_dma source(%dma_start3A_1468 : memref<8x8x128xf32, #tpu.memory_space<vmem>>) target(%dma_start3A_1464 : memref<8x8x128xf32, #tpu.memory_space<hbm>>) target_semaphore(%dma_start3A_1459 : memref<!tpu.dma_semaphore, #tpu.memory_space<semaphore_mem>>)
      %add3A_1469 = arith.constant 5 : i32
      %add3A_1470 = arith.addi %add3A_1394, %add3A_1469 : i32
      %dma_start3A_1471 = arith.constant 3 : i32
      %dma_start3A_1472 = arith.constant 0 : i32
      %dma_start3A_1473 = arith.constant 0 : i32
      %dma_start3A_1474 = tpu.memref_slice %arg9[%dma_start3A_1472, %dma_start3A_1473] : memref<128x64xf32, #tpu.memory_space<vmem>> -> memref<64x64xf32, #tpu.memory_space<vmem>>
      %dma_start3A_1475 = arith.constant 0 : i32
      %dma_start3A_1476 = tpu.memref_slice %arg5[%add3A_1470, %dma_start3A_1475] : memref<200x128xi32, #tpu.memory_space<vmem>> -> memref<1x64xi32, #tpu.memory_space<vmem>>
      %dma_start3A_1477 = tpu.memref_squeeze %dma_start3A_1476 : memref<1x64xi32, #tpu.memory_space<vmem>> -> memref<64xi32, #tpu.memory_space<vmem>>
      %dma_start3A_1478 = arith.constant 0 : i32
      %dma_start3A_1479 = arith.constant 0 : i32
      %dma_start3A_1480 = tpu.memref_slice %arg3[%dma_start3A_1478, %dma_start3A_1479] : memref<2000000x64xf32, #tpu.memory_space<hbm>> -> memref<2000000x64xf32, #tpu.memory_space<hbm>>
      %dma_start3A_1481 = tpu.memref_slice %arg16[%dma_start3A_1471] : memref<5x!tpu.dma_semaphore, #tpu.memory_space<semaphore_mem>> -> memref<1x!tpu.dma_semaphore, #tpu.memory_space<semaphore_mem>>
      %dma_start3A_1482 = tpu.memref_squeeze %dma_start3A_1481 : memref<1x!tpu.dma_semaphore, #tpu.memory_space<semaphore_mem>> -> memref<!tpu.dma_semaphore, #tpu.memory_space<semaphore_mem>>
      tpu.enqueue_indirect_dma source(%dma_start3A_1480 : memref<2000000x64xf32, #tpu.memory_space<hbm>>) target(%dma_start3A_1474 : memref<64x64xf32, #tpu.memory_space<vmem>>) offsets(%dma_start3A_1477 : memref<64xi32, #tpu.memory_space<vmem>>) semaphore(%dma_start3A_1482 : memref<!tpu.dma_semaphore, #tpu.memory_space<semaphore_mem>>)
      %dma_start3A_1483 = arith.constant 3 : i32
      %dma_start3A_1484 = arith.constant 64 : i32
      %dma_start3A_1485 = arith.constant 0 : i32
      %dma_start3A_1486 = tpu.memref_slice %arg9[%dma_start3A_1484, %dma_start3A_1485] : memref<128x64xf32, #tpu.memory_space<vmem>> -> memref<64x64xf32, #tpu.memory_space<vmem>>
      %dma_start3A_1487 = arith.constant 64 : i32
      %dma_start3A_1488 = tpu.memref_slice %arg5[%add3A_1470, %dma_start3A_1487] : memref<200x128xi32, #tpu.memory_space<vmem>> -> memref<1x64xi32, #tpu.memory_space<vmem>>
      %dma_start3A_1489 = tpu.memref_squeeze %dma_start3A_1488 : memref<1x64xi32, #tpu.memory_space<vmem>> -> memref<64xi32, #tpu.memory_space<vmem>>
      %dma_start3A_1490 = arith.constant 0 : i32
      %dma_start3A_1491 = arith.constant 0 : i32
      %dma_start3A_1492 = tpu.memref_slice %arg3[%dma_start3A_1490, %dma_start3A_1491] : memref<2000000x64xf32, #tpu.memory_space<hbm>> -> memref<2000000x64xf32, #tpu.memory_space<hbm>>
      %dma_start3A_1493 = tpu.memref_slice %arg16[%dma_start3A_1483] : memref<5x!tpu.dma_semaphore, #tpu.memory_space<semaphore_mem>> -> memref<1x!tpu.dma_semaphore, #tpu.memory_space<semaphore_mem>>
      %dma_start3A_1494 = tpu.memref_squeeze %dma_start3A_1493 : memref<1x!tpu.dma_semaphore, #tpu.memory_space<semaphore_mem>> -> memref<!tpu.dma_semaphore, #tpu.memory_space<semaphore_mem>>
      tpu.enqueue_indirect_dma source(%dma_start3A_1492 : memref<2000000x64xf32, #tpu.memory_space<hbm>>) target(%dma_start3A_1486 : memref<64x64xf32, #tpu.memory_space<vmem>>) offsets(%dma_start3A_1489 : memref<64xi32, #tpu.memory_space<vmem>>) semaphore(%dma_start3A_1494 : memref<!tpu.dma_semaphore, #tpu.memory_space<semaphore_mem>>)
      %mul3A_1495 = arith.constant 5 : i32
      %mul3A_1496 = arith.muli %scan3A_1079, %mul3A_1495 : i32
      %add3A_1497 = arith.constant 4 : i32
      %add3A_1498 = arith.addi %mul3A_1496, %add3A_1497 : i32
      %dma_wait3A_1499 = arith.constant 4 : i32
      %dma_wait3A_1500 = arith.constant 0 : i32
      %dma_wait3A_1501 = arith.constant 0 : i32
      %dma_wait3A_1502 = tpu.memref_slice %arg10[%dma_wait3A_1500, %dma_wait3A_1501] : memref<128x64xf32, #tpu.memory_space<vmem>> -> memref<64x64xf32, #tpu.memory_space<vmem>>
      %dma_wait3A_1503 = arith.constant 0 : i32
      %dma_wait3A_1504 = tpu.memref_slice %arg5[%add3A_1498, %dma_wait3A_1503] : memref<200x128xi32, #tpu.memory_space<vmem>> -> memref<1x64xi32, #tpu.memory_space<vmem>>
      %dma_wait3A_1505 = tpu.memref_squeeze %dma_wait3A_1504 : memref<1x64xi32, #tpu.memory_space<vmem>> -> memref<64xi32, #tpu.memory_space<vmem>>
      %dma_wait3A_1506 = arith.constant 0 : i32
      %dma_wait3A_1507 = arith.constant 0 : i32
      %dma_wait3A_1508 = tpu.memref_slice %arg3[%dma_wait3A_1506, %dma_wait3A_1507] : memref<2000000x64xf32, #tpu.memory_space<hbm>> -> memref<2000000x64xf32, #tpu.memory_space<hbm>>
      %dma_wait3A_1509 = tpu.memref_slice %arg16[%dma_wait3A_1499] : memref<5x!tpu.dma_semaphore, #tpu.memory_space<semaphore_mem>> -> memref<1x!tpu.dma_semaphore, #tpu.memory_space<semaphore_mem>>
      %dma_wait3A_1510 = tpu.memref_squeeze %dma_wait3A_1509 : memref<1x!tpu.dma_semaphore, #tpu.memory_space<semaphore_mem>> -> memref<!tpu.dma_semaphore, #tpu.memory_space<semaphore_mem>>
      tpu.wait_indirect_dma semaphore(%dma_wait3A_1510 : memref<!tpu.dma_semaphore, #tpu.memory_space<semaphore_mem>>) src(%dma_wait3A_1508 : memref<2000000x64xf32, #tpu.memory_space<hbm>>) dst(%dma_wait3A_1502 : memref<64x64xf32, #tpu.memory_space<vmem>>)
      %dma_wait3A_1511 = arith.constant 4 : i32
      %dma_wait3A_1512 = arith.constant 64 : i32
      %dma_wait3A_1513 = arith.constant 0 : i32
      %dma_wait3A_1514 = tpu.memref_slice %arg10[%dma_wait3A_1512, %dma_wait3A_1513] : memref<128x64xf32, #tpu.memory_space<vmem>> -> memref<64x64xf32, #tpu.memory_space<vmem>>
      %dma_wait3A_1515 = arith.constant 64 : i32
      %dma_wait3A_1516 = tpu.memref_slice %arg5[%add3A_1498, %dma_wait3A_1515] : memref<200x128xi32, #tpu.memory_space<vmem>> -> memref<1x64xi32, #tpu.memory_space<vmem>>
      %dma_wait3A_1517 = tpu.memref_squeeze %dma_wait3A_1516 : memref<1x64xi32, #tpu.memory_space<vmem>> -> memref<64xi32, #tpu.memory_space<vmem>>
      %dma_wait3A_1518 = arith.constant 0 : i32
      %dma_wait3A_1519 = arith.constant 0 : i32
      %dma_wait3A_1520 = tpu.memref_slice %arg3[%dma_wait3A_1518, %dma_wait3A_1519] : memref<2000000x64xf32, #tpu.memory_space<hbm>> -> memref<2000000x64xf32, #tpu.memory_space<hbm>>
      %dma_wait3A_1521 = tpu.memref_slice %arg16[%dma_wait3A_1511] : memref<5x!tpu.dma_semaphore, #tpu.memory_space<semaphore_mem>> -> memref<1x!tpu.dma_semaphore, #tpu.memory_space<semaphore_mem>>
      %dma_wait3A_1522 = tpu.memref_squeeze %dma_wait3A_1521 : memref<1x!tpu.dma_semaphore, #tpu.memory_space<semaphore_mem>> -> memref<!tpu.dma_semaphore, #tpu.memory_space<semaphore_mem>>
      tpu.wait_indirect_dma semaphore(%dma_wait3A_1522 : memref<!tpu.dma_semaphore, #tpu.memory_space<semaphore_mem>>) src(%dma_wait3A_1520 : memref<2000000x64xf32, #tpu.memory_space<hbm>>) dst(%dma_wait3A_1514 : memref<64x64xf32, #tpu.memory_space<vmem>>)
      %sub3A_1523 = arith.constant 5 : i32
      %sub3A_1524 = arith.subi %add3A_1498, %sub3A_1523 : i32
      %dma_wait3A_1525 = arith.constant 4 : i32
      %dma_wait3A_1526 = arith.constant 0 : i32
      %dma_wait3A_1527 = arith.constant 0 : i32
      %dma_wait3A_1528 = arith.constant 0 : i32
      %dma_wait3A_1529 = tpu.memref_slice %arg15[%dma_wait3A_1526, %dma_wait3A_1527, %dma_wait3A_1528] : memref<8x8x129xf32, #tpu.memory_space<vmem>> -> memref<8x8x128xf32, #tpu.memory_space<vmem>>
      %dma_wait3A_1530 = arith.constant 0 : i32
      %dma_wait3A_1531 = arith.constant 0 : i32
      %dma_wait3A_1532 = arith.constant 0 : i32
      %dma_wait3A_1533 = tpu.memref_slice %arg4[%sub3A_1524, %dma_wait3A_1530, %add3A, %dma_wait3A_1531, %dma_wait3A_1532] : memref<200x8x32x8x128xf32, #tpu.memory_space<hbm>> -> memref<1x8x1x8x128xf32, #tpu.memory_space<hbm>>
      %dma_wait3A_1534 = tpu.memref_squeeze %dma_wait3A_1533 : memref<1x8x1x8x128xf32, #tpu.memory_space<hbm>> -> memref<8x8x128xf32, #tpu.memory_space<hbm>>
      %dma_wait3A_1535 = tpu.memref_slice %arg17[%dma_wait3A_1525] : memref<5x!tpu.dma_semaphore, #tpu.memory_space<semaphore_mem>> -> memref<1x!tpu.dma_semaphore, #tpu.memory_space<semaphore_mem>>
      %dma_wait3A_1536 = tpu.memref_squeeze %dma_wait3A_1535 : memref<1x!tpu.dma_semaphore, #tpu.memory_space<semaphore_mem>> -> memref<!tpu.dma_semaphore, #tpu.memory_space<semaphore_mem>>
      %dma_wait3A_1537 = arith.constant 0 : i32
      %dma_wait3A_1538 = arith.constant 0 : i32
      %dma_wait3A_1539 = arith.constant 0 : i32
      %dma_wait3A_1540 = tpu.memref_slice %arg4[%sub3A_1524, %dma_wait3A_1537, %add3A, %dma_wait3A_1538, %dma_wait3A_1539] : memref<200x8x32x8x128xf32, #tpu.memory_space<hbm>> -> memref<1x8x1x8x128xf32, #tpu.memory_space<hbm>>
      %dma_wait3A_1541 = tpu.memref_squeeze %dma_wait3A_1540 : memref<1x8x1x8x128xf32, #tpu.memory_space<hbm>> -> memref<8x8x128xf32, #tpu.memory_space<hbm>>
      %dma_wait3A_1542 = arith.constant 0 : i32
      %dma_wait3A_1543 = arith.constant 0 : i32
      %dma_wait3A_1544 = arith.constant 0 : i32
      %dma_wait3A_1545 = tpu.memref_slice %arg15[%dma_wait3A_1542, %dma_wait3A_1543, %dma_wait3A_1544] : memref<8x8x129xf32, #tpu.memory_space<vmem>> -> memref<8x8x128xf32, #tpu.memory_space<vmem>>
      tpu.wait_dma2 semaphore(%dma_wait3A_1536 : memref<!tpu.dma_semaphore, #tpu.memory_space<semaphore_mem>>) src(%dma_wait3A_1545 : memref<8x8x128xf32, #tpu.memory_space<vmem>>) dst(%dma_wait3A_1541 : memref<8x8x128xf32, #tpu.memory_space<hbm>>)
      %scan3A_1546 = arith.constant 0 : i32
      %scan3A_1547 = arith.constant 0 : i32
      %scan3A_1548 = arith.constant 128 : i32
      %scan3A_1549 = arith.addi %scan3A_1547, %scan3A_1548 : i32
      %scan3A_1550 = arith.constant 1 : i32
      scf.for %scan3A_1599 = %scan3A_1547 to %scan3A_1549 step %scan3A_1550  : i32 {
        %add3A_1600 = vector.broadcast %scan3A_1599 : i32 to vector<16xi32>
        %add3A_1601 = arith.addi %broadcast_in_dim3A_3, %add3A_1600 : vector<16xi32>
        %get3A = arith.index_cast %scan3A_1599 : i32 to index
        %get3A_1602 = arith.constant 0 : index
        %get3A_1603 = tpu.vector_load %arg10[%get3A, %get3A_1602] {strides = array<i32>} : memref<128x64xf32, #tpu.memory_space<vmem>>, vector<16xf32>,
        %mul3A_1604 = arith.constant 8.000000e+00 : f32
        %mul3A_1605 = vector.broadcast %mul3A_1604 : f32 to vector<16xf32>
        %mul3A_1606 = arith.mulf %get3A_1603, %mul3A_1605 : vector<16xf32>
        tpu.vector_store_idx %arg15[%shift_right_logical3A_8, %and3A_31, %add3A_1601], %mul3A_1606 : memref<8x8x129xf32, #tpu.memory_space<vmem>>[vector<16xi32>, vector<16xi32>, vector<16xi32>], vector<16xf32>,
        %get3A_1607 = arith.index_cast %scan3A_1599 : i32 to index
        %get3A_1608 = arith.constant 16 : index
        %get3A_1609 = tpu.vector_load %arg10[%get3A_1607, %get3A_1608] {strides = array<i32>} : memref<128x64xf32, #tpu.memory_space<vmem>>, vector<16xf32>,
        %mul3A_1610 = arith.constant 8.000000e+00 : f32
        %mul3A_1611 = vector.broadcast %mul3A_1610 : f32 to vector<16xf32>
        %mul3A_1612 = arith.mulf %get3A_1609, %mul3A_1611 : vector<16xf32>
        tpu.vector_store_idx %arg15[%shift_right_logical3A_14, %and3A_37, %add3A_1601], %mul3A_1612 : memref<8x8x129xf32, #tpu.memory_space<vmem>>[vector<16xi32>, vector<16xi32>, vector<16xi32>], vector<16xf32>,
        %get3A_1613 = arith.index_cast %scan3A_1599 : i32 to index
        %get3A_1614 = arith.constant 32 : index
        %get3A_1615 = tpu.vector_load %arg10[%get3A_1613, %get3A_1614] {strides = array<i32>} : memref<128x64xf32, #tpu.memory_space<vmem>>, vector<16xf32>,
        %mul3A_1616 = arith.constant 8.000000e+00 : f32
        %mul3A_1617 = vector.broadcast %mul3A_1616 : f32 to vector<16xf32>
        %mul3A_1618 = arith.mulf %get3A_1615, %mul3A_1617 : vector<16xf32>
        tpu.vector_store_idx %arg15[%shift_right_logical3A_20, %and3A_43, %add3A_1601], %mul3A_1618 : memref<8x8x129xf32, #tpu.memory_space<vmem>>[vector<16xi32>, vector<16xi32>, vector<16xi32>], vector<16xf32>,
        %get3A_1619 = arith.index_cast %scan3A_1599 : i32 to index
        %get3A_1620 = arith.constant 48 : index
        %get3A_1621 = tpu.vector_load %arg10[%get3A_1619, %get3A_1620] {strides = array<i32>} : memref<128x64xf32, #tpu.memory_space<vmem>>, vector<16xf32>,
        %mul3A_1622 = arith.constant 8.000000e+00 : f32
        %mul3A_1623 = vector.broadcast %mul3A_1622 : f32 to vector<16xf32>
        %mul3A_1624 = arith.mulf %get3A_1621, %mul3A_1623 : vector<16xf32>
        tpu.vector_store_idx %arg15[%shift_right_logical3A_26, %and3A_49, %add3A_1601], %mul3A_1624 : memref<8x8x129xf32, #tpu.memory_space<vmem>>[vector<16xi32>, vector<16xi32>, vector<16xi32>], vector<16xf32>,
      }
      %scan3A_1551 = arith.constant 128 : i32
      %dma_start3A_1552 = arith.constant 4 : i32
      %dma_start3A_1553 = arith.constant 0 : i32
      %dma_start3A_1554 = arith.constant 0 : i32
      %dma_start3A_1555 = arith.constant 0 : i32
      %dma_start3A_1556 = tpu.memref_slice %arg15[%dma_start3A_1553, %dma_start3A_1554, %dma_start3A_1555] : memref<8x8x129xf32, #tpu.memory_space<vmem>> -> memref<8x8x128xf32, #tpu.memory_space<vmem>>
      %dma_start3A_1557 = arith.constant 0 : i32
      %dma_start3A_1558 = arith.constant 0 : i32
      %dma_start3A_1559 = arith.constant 0 : i32
      %dma_start3A_1560 = tpu.memref_slice %arg4[%add3A_1498, %dma_start3A_1557, %add3A, %dma_start3A_1558, %dma_start3A_1559] : memref<200x8x32x8x128xf32, #tpu.memory_space<hbm>> -> memref<1x8x1x8x128xf32, #tpu.memory_space<hbm>>
      %dma_start3A_1561 = tpu.memref_squeeze %dma_start3A_1560 : memref<1x8x1x8x128xf32, #tpu.memory_space<hbm>> -> memref<8x8x128xf32, #tpu.memory_space<hbm>>
      %dma_start3A_1562 = tpu.memref_slice %arg17[%dma_start3A_1552] : memref<5x!tpu.dma_semaphore, #tpu.memory_space<semaphore_mem>> -> memref<1x!tpu.dma_semaphore, #tpu.memory_space<semaphore_mem>>
      %dma_start3A_1563 = tpu.memref_squeeze %dma_start3A_1562 : memref<1x!tpu.dma_semaphore, #tpu.memory_space<semaphore_mem>> -> memref<!tpu.dma_semaphore, #tpu.memory_space<semaphore_mem>>
      %dma_start3A_1564 = arith.constant 0 : i32
      %dma_start3A_1565 = arith.constant 0 : i32
      %dma_start3A_1566 = arith.constant 0 : i32
      %dma_start3A_1567 = tpu.memref_slice %arg4[%add3A_1498, %dma_start3A_1564, %add3A, %dma_start3A_1565, %dma_start3A_1566] : memref<200x8x32x8x128xf32, #tpu.memory_space<hbm>> -> memref<1x8x1x8x128xf32, #tpu.memory_space<hbm>>
      %dma_start3A_1568 = tpu.memref_squeeze %dma_start3A_1567 : memref<1x8x1x8x128xf32, #tpu.memory_space<hbm>> -> memref<8x8x128xf32, #tpu.memory_space<hbm>>
      %dma_start3A_1569 = arith.constant 0 : i32
      %dma_start3A_1570 = arith.constant 0 : i32
      %dma_start3A_1571 = arith.constant 0 : i32
      %dma_start3A_1572 = tpu.memref_slice %arg15[%dma_start3A_1569, %dma_start3A_1570, %dma_start3A_1571] : memref<8x8x129xf32, #tpu.memory_space<vmem>> -> memref<8x8x128xf32, #tpu.memory_space<vmem>>
      tpu.enqueue_dma source(%dma_start3A_1572 : memref<8x8x128xf32, #tpu.memory_space<vmem>>) target(%dma_start3A_1568 : memref<8x8x128xf32, #tpu.memory_space<hbm>>) target_semaphore(%dma_start3A_1563 : memref<!tpu.dma_semaphore, #tpu.memory_space<semaphore_mem>>)
      %add3A_1573 = arith.constant 5 : i32
      %add3A_1574 = arith.addi %add3A_1498, %add3A_1573 : i32
      %dma_start3A_1575 = arith.constant 4 : i32
      %dma_start3A_1576 = arith.constant 0 : i32
      %dma_start3A_1577 = arith.constant 0 : i32
      %dma_start3A_1578 = tpu.memref_slice %arg10[%dma_start3A_1576, %dma_start3A_1577] : memref<128x64xf32, #tpu.memory_space<vmem>> -> memref<64x64xf32, #tpu.memory_space<vmem>>
      %dma_start3A_1579 = arith.constant 0 : i32
      %dma_start3A_1580 = tpu.memref_slice %arg5[%add3A_1574, %dma_start3A_1579] : memref<200x128xi32, #tpu.memory_space<vmem>> -> memref<1x64xi32, #tpu.memory_space<vmem>>
      %dma_start3A_1581 = tpu.memref_squeeze %dma_start3A_1580 : memref<1x64xi32, #tpu.memory_space<vmem>> -> memref<64xi32, #tpu.memory_space<vmem>>
      %dma_start3A_1582 = arith.constant 0 : i32
      %dma_start3A_1583 = arith.constant 0 : i32
      %dma_start3A_1584 = tpu.memref_slice %arg3[%dma_start3A_1582, %dma_start3A_1583] : memref<2000000x64xf32, #tpu.memory_space<hbm>> -> memref<2000000x64xf32, #tpu.memory_space<hbm>>
      %dma_start3A_1585 = tpu.memref_slice %arg16[%dma_start3A_1575] : memref<5x!tpu.dma_semaphore, #tpu.memory_space<semaphore_mem>> -> memref<1x!tpu.dma_semaphore, #tpu.memory_space<semaphore_mem>>
      %dma_start3A_1586 = tpu.memref_squeeze %dma_start3A_1585 : memref<1x!tpu.dma_semaphore, #tpu.memory_space<semaphore_mem>> -> memref<!tpu.dma_semaphore, #tpu.memory_space<semaphore_mem>>
      tpu.enqueue_indirect_dma source(%dma_start3A_1584 : memref<2000000x64xf32, #tpu.memory_space<hbm>>) target(%dma_start3A_1578 : memref<64x64xf32, #tpu.memory_space<vmem>>) offsets(%dma_start3A_1581 : memref<64xi32, #tpu.memory_space<vmem>>) semaphore(%dma_start3A_1586 : memref<!tpu.dma_semaphore, #tpu.memory_space<semaphore_mem>>)
      %dma_start3A_1587 = arith.constant 4 : i32
      %dma_start3A_1588 = arith.constant 64 : i32
      %dma_start3A_1589 = arith.constant 0 : i32
      %dma_start3A_1590 = tpu.memref_slice %arg10[%dma_start3A_1588, %dma_start3A_1589] : memref<128x64xf32, #tpu.memory_space<vmem>> -> memref<64x64xf32, #tpu.memory_space<vmem>>
      %dma_start3A_1591 = arith.constant 64 : i32
      %dma_start3A_1592 = tpu.memref_slice %arg5[%add3A_1574, %dma_start3A_1591] : memref<200x128xi32, #tpu.memory_space<vmem>> -> memref<1x64xi32, #tpu.memory_space<vmem>>
      %dma_start3A_1593 = tpu.memref_squeeze %dma_start3A_1592 : memref<1x64xi32, #tpu.memory_space<vmem>> -> memref<64xi32, #tpu.memory_space<vmem>>
      %dma_start3A_1594 = arith.constant 0 : i32
      %dma_start3A_1595 = arith.constant 0 : i32
      %dma_start3A_1596 = tpu.memref_slice %arg3[%dma_start3A_1594, %dma_start3A_1595] : memref<2000000x64xf32, #tpu.memory_space<hbm>> -> memref<2000000x64xf32, #tpu.memory_space<hbm>>
      %dma_start3A_1597 = tpu.memref_slice %arg16[%dma_start3A_1587] : memref<5x!tpu.dma_semaphore, #tpu.memory_space<semaphore_mem>> -> memref<1x!tpu.dma_semaphore, #tpu.memory_space<semaphore_mem>>
      %dma_start3A_1598 = tpu.memref_squeeze %dma_start3A_1597 : memref<1x!tpu.dma_semaphore, #tpu.memory_space<semaphore_mem>> -> memref<!tpu.dma_semaphore, #tpu.memory_space<semaphore_mem>>
      tpu.enqueue_indirect_dma source(%dma_start3A_1596 : memref<2000000x64xf32, #tpu.memory_space<hbm>>) target(%dma_start3A_1590 : memref<64x64xf32, #tpu.memory_space<vmem>>) offsets(%dma_start3A_1593 : memref<64xi32, #tpu.memory_space<vmem>>) semaphore(%dma_start3A_1598 : memref<!tpu.dma_semaphore, #tpu.memory_space<semaphore_mem>>)
    }
    %scan3A_588 = arith.constant 38 : i32
    %dma_wait3A_589 = arith.constant 195 : i32
    %dma_wait3A_590 = arith.constant 0 : i32
    %dma_wait3A_591 = arith.constant 0 : i32
    %dma_wait3A_592 = arith.constant 0 : i32
    %dma_wait3A_593 = tpu.memref_slice %arg6[%dma_wait3A_591, %dma_wait3A_592] : memref<128x64xf32, #tpu.memory_space<vmem>> -> memref<64x64xf32, #tpu.memory_space<vmem>>
    %dma_wait3A_594 = arith.constant 0 : i32
    %dma_wait3A_595 = tpu.memref_slice %arg5[%dma_wait3A_589, %dma_wait3A_594] : memref<200x128xi32, #tpu.memory_space<vmem>> -> memref<1x64xi32, #tpu.memory_space<vmem>>
    %dma_wait3A_596 = tpu.memref_squeeze %dma_wait3A_595 : memref<1x64xi32, #tpu.memory_space<vmem>> -> memref<64xi32, #tpu.memory_space<vmem>>
    %dma_wait3A_597 = arith.constant 0 : i32
    %dma_wait3A_598 = arith.constant 0 : i32
    %dma_wait3A_599 = tpu.memref_slice %arg3[%dma_wait3A_597, %dma_wait3A_598] : memref<2000000x64xf32, #tpu.memory_space<hbm>> -> memref<2000000x64xf32, #tpu.memory_space<hbm>>
    %dma_wait3A_600 = tpu.memref_slice %arg16[%dma_wait3A_590] : memref<5x!tpu.dma_semaphore, #tpu.memory_space<semaphore_mem>> -> memref<1x!tpu.dma_semaphore, #tpu.memory_space<semaphore_mem>>
    %dma_wait3A_601 = tpu.memref_squeeze %dma_wait3A_600 : memref<1x!tpu.dma_semaphore, #tpu.memory_space<semaphore_mem>> -> memref<!tpu.dma_semaphore, #tpu.memory_space<semaphore_mem>>
    tpu.wait_indirect_dma semaphore(%dma_wait3A_601 : memref<!tpu.dma_semaphore, #tpu.memory_space<semaphore_mem>>) src(%dma_wait3A_599 : memref<2000000x64xf32, #tpu.memory_space<hbm>>) dst(%dma_wait3A_593 : memref<64x64xf32, #tpu.memory_space<vmem>>)
    %dma_wait3A_602 = arith.constant 195 : i32
    %dma_wait3A_603 = arith.constant 0 : i32
    %dma_wait3A_604 = arith.constant 64 : i32
    %dma_wait3A_605 = arith.constant 0 : i32
    %dma_wait3A_606 = tpu.memref_slice %arg6[%dma_wait3A_604, %dma_wait3A_605] : memref<128x64xf32, #tpu.memory_space<vmem>> -> memref<64x64xf32, #tpu.memory_space<vmem>>
    %dma_wait3A_607 = arith.constant 64 : i32
    %dma_wait3A_608 = tpu.memref_slice %arg5[%dma_wait3A_602, %dma_wait3A_607] : memref<200x128xi32, #tpu.memory_space<vmem>> -> memref<1x64xi32, #tpu.memory_space<vmem>>
    %dma_wait3A_609 = tpu.memref_squeeze %dma_wait3A_608 : memref<1x64xi32, #tpu.memory_space<vmem>> -> memref<64xi32, #tpu.memory_space<vmem>>
    %dma_wait3A_610 = arith.constant 0 : i32
    %dma_wait3A_611 = arith.constant 0 : i32
    %dma_wait3A_612 = tpu.memref_slice %arg3[%dma_wait3A_610, %dma_wait3A_611] : memref<2000000x64xf32, #tpu.memory_space<hbm>> -> memref<2000000x64xf32, #tpu.memory_space<hbm>>
    %dma_wait3A_613 = tpu.memref_slice %arg16[%dma_wait3A_603] : memref<5x!tpu.dma_semaphore, #tpu.memory_space<semaphore_mem>> -> memref<1x!tpu.dma_semaphore, #tpu.memory_space<semaphore_mem>>
    %dma_wait3A_614 = tpu.memref_squeeze %dma_wait3A_613 : memref<1x!tpu.dma_semaphore, #tpu.memory_space<semaphore_mem>> -> memref<!tpu.dma_semaphore, #tpu.memory_space<semaphore_mem>>
    tpu.wait_indirect_dma semaphore(%dma_wait3A_614 : memref<!tpu.dma_semaphore, #tpu.memory_space<semaphore_mem>>) src(%dma_wait3A_612 : memref<2000000x64xf32, #tpu.memory_space<hbm>>) dst(%dma_wait3A_606 : memref<64x64xf32, #tpu.memory_space<vmem>>)
    %dma_wait3A_615 = arith.constant 190 : i32
    %dma_wait3A_616 = arith.constant 0 : i32
    %dma_wait3A_617 = arith.constant 0 : i32
    %dma_wait3A_618 = arith.constant 0 : i32
    %dma_wait3A_619 = arith.constant 0 : i32
    %dma_wait3A_620 = tpu.memref_slice %arg11[%dma_wait3A_617, %dma_wait3A_618, %dma_wait3A_619] : memref<8x8x129xf32, #tpu.memory_space<vmem>> -> memref<8x8x128xf32, #tpu.memory_space<vmem>>
    %dma_wait3A_621 = arith.constant 0 : i32
    %dma_wait3A_622 = arith.constant 0 : i32
    %dma_wait3A_623 = arith.constant 0 : i32
    %dma_wait3A_624 = tpu.memref_slice %arg4[%dma_wait3A_615, %dma_wait3A_621, %add3A, %dma_wait3A_622, %dma_wait3A_623] : memref<200x8x32x8x128xf32, #tpu.memory_space<hbm>> -> memref<1x8x1x8x128xf32, #tpu.memory_space<hbm>>
    %dma_wait3A_625 = tpu.memref_squeeze %dma_wait3A_624 : memref<1x8x1x8x128xf32, #tpu.memory_space<hbm>> -> memref<8x8x128xf32, #tpu.memory_space<hbm>>
    %dma_wait3A_626 = tpu.memref_slice %arg17[%dma_wait3A_616] : memref<5x!tpu.dma_semaphore, #tpu.memory_space<semaphore_mem>> -> memref<1x!tpu.dma_semaphore, #tpu.memory_space<semaphore_mem>>
    %dma_wait3A_627 = tpu.memref_squeeze %dma_wait3A_626 : memref<1x!tpu.dma_semaphore, #tpu.memory_space<semaphore_mem>> -> memref<!tpu.dma_semaphore, #tpu.memory_space<semaphore_mem>>
    %dma_wait3A_628 = arith.constant 0 : i32
    %dma_wait3A_629 = arith.constant 0 : i32
    %dma_wait3A_630 = arith.constant 0 : i32
    %dma_wait3A_631 = tpu.memref_slice %arg4[%dma_wait3A_615, %dma_wait3A_628, %add3A, %dma_wait3A_629, %dma_wait3A_630] : memref<200x8x32x8x128xf32, #tpu.memory_space<hbm>> -> memref<1x8x1x8x128xf32, #tpu.memory_space<hbm>>
    %dma_wait3A_632 = tpu.memref_squeeze %dma_wait3A_631 : memref<1x8x1x8x128xf32, #tpu.memory_space<hbm>> -> memref<8x8x128xf32, #tpu.memory_space<hbm>>
    %dma_wait3A_633 = arith.constant 0 : i32
    %dma_wait3A_634 = arith.constant 0 : i32
    %dma_wait3A_635 = arith.constant 0 : i32
    %dma_wait3A_636 = tpu.memref_slice %arg11[%dma_wait3A_633, %dma_wait3A_634, %dma_wait3A_635] : memref<8x8x129xf32, #tpu.memory_space<vmem>> -> memref<8x8x128xf32, #tpu.memory_space<vmem>>
    tpu.wait_dma2 semaphore(%dma_wait3A_627 : memref<!tpu.dma_semaphore, #tpu.memory_space<semaphore_mem>>) src(%dma_wait3A_636 : memref<8x8x128xf32, #tpu.memory_space<vmem>>) dst(%dma_wait3A_632 : memref<8x8x128xf32, #tpu.memory_space<hbm>>)
    %scan3A_637 = arith.constant 0 : i32
    %scan3A_638 = arith.constant 0 : i32
    %scan3A_639 = arith.constant 128 : i32
    %scan3A_640 = arith.addi %scan3A_638, %scan3A_639 : i32
    %scan3A_641 = arith.constant 1 : i32
    scf.for %scan3A_1079 = %scan3A_638 to %scan3A_640 step %scan3A_641  : i32 {
      %add3A_1080 = vector.broadcast %scan3A_1079 : i32 to vector<16xi32>
      %add3A_1081 = arith.addi %broadcast_in_dim3A_3, %add3A_1080 : vector<16xi32>
      %get3A = arith.index_cast %scan3A_1079 : i32 to index
      %get3A_1082 = arith.constant 0 : index
      %get3A_1083 = tpu.vector_load %arg6[%get3A, %get3A_1082] {strides = array<i32>} : memref<128x64xf32, #tpu.memory_space<vmem>>, vector<16xf32>,
      %mul3A_1084 = arith.constant 8.000000e+00 : f32
      %mul3A_1085 = vector.broadcast %mul3A_1084 : f32 to vector<16xf32>
      %mul3A_1086 = arith.mulf %get3A_1083, %mul3A_1085 : vector<16xf32>
      tpu.vector_store_idx %arg11[%shift_right_logical3A_8, %and3A_31, %add3A_1081], %mul3A_1086 : memref<8x8x129xf32, #tpu.memory_space<vmem>>[vector<16xi32>, vector<16xi32>, vector<16xi32>], vector<16xf32>,
      %get3A_1087 = arith.index_cast %scan3A_1079 : i32 to index
      %get3A_1088 = arith.constant 16 : index
      %get3A_1089 = tpu.vector_load %arg6[%get3A_1087, %get3A_1088] {strides = array<i32>} : memref<128x64xf32, #tpu.memory_space<vmem>>, vector<16xf32>,
      %mul3A_1090 = arith.constant 8.000000e+00 : f32
      %mul3A_1091 = vector.broadcast %mul3A_1090 : f32 to vector<16xf32>
      %mul3A_1092 = arith.mulf %get3A_1089, %mul3A_1091 : vector<16xf32>
      tpu.vector_store_idx %arg11[%shift_right_logical3A_14, %and3A_37, %add3A_1081], %mul3A_1092 : memref<8x8x129xf32, #tpu.memory_space<vmem>>[vector<16xi32>, vector<16xi32>, vector<16xi32>], vector<16xf32>,
      %get3A_1093 = arith.index_cast %scan3A_1079 : i32 to index
      %get3A_1094 = arith.constant 32 : index
      %get3A_1095 = tpu.vector_load %arg6[%get3A_1093, %get3A_1094] {strides = array<i32>} : memref<128x64xf32, #tpu.memory_space<vmem>>, vector<16xf32>,
      %mul3A_1096 = arith.constant 8.000000e+00 : f32
      %mul3A_1097 = vector.broadcast %mul3A_1096 : f32 to vector<16xf32>
      %mul3A_1098 = arith.mulf %get3A_1095, %mul3A_1097 : vector<16xf32>
      tpu.vector_store_idx %arg11[%shift_right_logical3A_20, %and3A_43, %add3A_1081], %mul3A_1098 : memref<8x8x129xf32, #tpu.memory_space<vmem>>[vector<16xi32>, vector<16xi32>, vector<16xi32>], vector<16xf32>,
      %get3A_1099 = arith.index_cast %scan3A_1079 : i32 to index
      %get3A_1100 = arith.constant 48 : index
      %get3A_1101 = tpu.vector_load %arg6[%get3A_1099, %get3A_1100] {strides = array<i32>} : memref<128x64xf32, #tpu.memory_space<vmem>>, vector<16xf32>,
      %mul3A_1102 = arith.constant 8.000000e+00 : f32
      %mul3A_1103 = vector.broadcast %mul3A_1102 : f32 to vector<16xf32>
      %mul3A_1104 = arith.mulf %get3A_1101, %mul3A_1103 : vector<16xf32>
      tpu.vector_store_idx %arg11[%shift_right_logical3A_26, %and3A_49, %add3A_1081], %mul3A_1104 : memref<8x8x129xf32, #tpu.memory_space<vmem>>[vector<16xi32>, vector<16xi32>, vector<16xi32>], vector<16xf32>,
    }
    %scan3A_642 = arith.constant 128 : i32
    %dma_start3A_643 = arith.constant 195 : i32
    %dma_start3A_644 = arith.constant 0 : i32
    %dma_start3A_645 = arith.constant 0 : i32
    %dma_start3A_646 = arith.constant 0 : i32
    %dma_start3A_647 = arith.constant 0 : i32
    %dma_start3A_648 = tpu.memref_slice %arg11[%dma_start3A_645, %dma_start3A_646, %dma_start3A_647] : memref<8x8x129xf32, #tpu.memory_space<vmem>> -> memref<8x8x128xf32, #tpu.memory_space<vmem>>
    %dma_start3A_649 = arith.constant 0 : i32
    %dma_start3A_650 = arith.constant 0 : i32
    %dma_start3A_651 = arith.constant 0 : i32
    %dma_start3A_652 = tpu.memref_slice %arg4[%dma_start3A_643, %dma_start3A_649, %add3A, %dma_start3A_650, %dma_start3A_651] : memref<200x8x32x8x128xf32, #tpu.memory_space<hbm>> -> memref<1x8x1x8x128xf32, #tpu.memory_space<hbm>>
    %dma_start3A_653 = tpu.memref_squeeze %dma_start3A_652 : memref<1x8x1x8x128xf32, #tpu.memory_space<hbm>> -> memref<8x8x128xf32, #tpu.memory_space<hbm>>
    %dma_start3A_654 = tpu.memref_slice %arg17[%dma_start3A_644] : memref<5x!tpu.dma_semaphore, #tpu.memory_space<semaphore_mem>> -> memref<1x!tpu.dma_semaphore, #tpu.memory_space<semaphore_mem>>
    %dma_start3A_655 = tpu.memref_squeeze %dma_start3A_654 : memref<1x!tpu.dma_semaphore, #tpu.memory_space<semaphore_mem>> -> memref<!tpu.dma_semaphore, #tpu.memory_space<semaphore_mem>>
    %dma_start3A_656 = arith.constant 0 : i32
    %dma_start3A_657 = arith.constant 0 : i32
    %dma_start3A_658 = arith.constant 0 : i32
    %dma_start3A_659 = tpu.memref_slice %arg4[%dma_start3A_643, %dma_start3A_656, %add3A, %dma_start3A_657, %dma_start3A_658] : memref<200x8x32x8x128xf32, #tpu.memory_space<hbm>> -> memref<1x8x1x8x128xf32, #tpu.memory_space<hbm>>
    %dma_start3A_660 = tpu.memref_squeeze %dma_start3A_659 : memref<1x8x1x8x128xf32, #tpu.memory_space<hbm>> -> memref<8x8x128xf32, #tpu.memory_space<hbm>>
    %dma_start3A_661 = arith.constant 0 : i32
    %dma_start3A_662 = arith.constant 0 : i32
    %dma_start3A_663 = arith.constant 0 : i32
    %dma_start3A_664 = tpu.memref_slice %arg11[%dma_start3A_661, %dma_start3A_662, %dma_start3A_663] : memref<8x8x129xf32, #tpu.memory_space<vmem>> -> memref<8x8x128xf32, #tpu.memory_space<vmem>>
    tpu.enqueue_dma source(%dma_start3A_664 : memref<8x8x128xf32, #tpu.memory_space<vmem>>) target(%dma_start3A_660 : memref<8x8x128xf32, #tpu.memory_space<hbm>>) target_semaphore(%dma_start3A_655 : memref<!tpu.dma_semaphore, #tpu.memory_space<semaphore_mem>>)
    %dma_wait3A_665 = arith.constant 196 : i32
    %dma_wait3A_666 = arith.constant 1 : i32
    %dma_wait3A_667 = arith.constant 0 : i32
    %dma_wait3A_668 = arith.constant 0 : i32
    %dma_wait3A_669 = tpu.memref_slice %arg7[%dma_wait3A_667, %dma_wait3A_668] : memref<128x64xf32, #tpu.memory_space<vmem>> -> memref<64x64xf32, #tpu.memory_space<vmem>>
    %dma_wait3A_670 = arith.constant 0 : i32
    %dma_wait3A_671 = tpu.memref_slice %arg5[%dma_wait3A_665, %dma_wait3A_670] : memref<200x128xi32, #tpu.memory_space<vmem>> -> memref<1x64xi32, #tpu.memory_space<vmem>>
    %dma_wait3A_672 = tpu.memref_squeeze %dma_wait3A_671 : memref<1x64xi32, #tpu.memory_space<vmem>> -> memref<64xi32, #tpu.memory_space<vmem>>
    %dma_wait3A_673 = arith.constant 0 : i32
    %dma_wait3A_674 = arith.constant 0 : i32
    %dma_wait3A_675 = tpu.memref_slice %arg3[%dma_wait3A_673, %dma_wait3A_674] : memref<2000000x64xf32, #tpu.memory_space<hbm>> -> memref<2000000x64xf32, #tpu.memory_space<hbm>>
    %dma_wait3A_676 = tpu.memref_slice %arg16[%dma_wait3A_666] : memref<5x!tpu.dma_semaphore, #tpu.memory_space<semaphore_mem>> -> memref<1x!tpu.dma_semaphore, #tpu.memory_space<semaphore_mem>>
    %dma_wait3A_677 = tpu.memref_squeeze %dma_wait3A_676 : memref<1x!tpu.dma_semaphore, #tpu.memory_space<semaphore_mem>> -> memref<!tpu.dma_semaphore, #tpu.memory_space<semaphore_mem>>
    tpu.wait_indirect_dma semaphore(%dma_wait3A_677 : memref<!tpu.dma_semaphore, #tpu.memory_space<semaphore_mem>>) src(%dma_wait3A_675 : memref<2000000x64xf32, #tpu.memory_space<hbm>>) dst(%dma_wait3A_669 : memref<64x64xf32, #tpu.memory_space<vmem>>)
    %dma_wait3A_678 = arith.constant 196 : i32
    %dma_wait3A_679 = arith.constant 1 : i32
    %dma_wait3A_680 = arith.constant 64 : i32
    %dma_wait3A_681 = arith.constant 0 : i32
    %dma_wait3A_682 = tpu.memref_slice %arg7[%dma_wait3A_680, %dma_wait3A_681] : memref<128x64xf32, #tpu.memory_space<vmem>> -> memref<64x64xf32, #tpu.memory_space<vmem>>
    %dma_wait3A_683 = arith.constant 64 : i32
    %dma_wait3A_684 = tpu.memref_slice %arg5[%dma_wait3A_678, %dma_wait3A_683] : memref<200x128xi32, #tpu.memory_space<vmem>> -> memref<1x64xi32, #tpu.memory_space<vmem>>
    %dma_wait3A_685 = tpu.memref_squeeze %dma_wait3A_684 : memref<1x64xi32, #tpu.memory_space<vmem>> -> memref<64xi32, #tpu.memory_space<vmem>>
    %dma_wait3A_686 = arith.constant 0 : i32
    %dma_wait3A_687 = arith.constant 0 : i32
    %dma_wait3A_688 = tpu.memref_slice %arg3[%dma_wait3A_686, %dma_wait3A_687] : memref<2000000x64xf32, #tpu.memory_space<hbm>> -> memref<2000000x64xf32, #tpu.memory_space<hbm>>
    %dma_wait3A_689 = tpu.memref_slice %arg16[%dma_wait3A_679] : memref<5x!tpu.dma_semaphore, #tpu.memory_space<semaphore_mem>> -> memref<1x!tpu.dma_semaphore, #tpu.memory_space<semaphore_mem>>
    %dma_wait3A_690 = tpu.memref_squeeze %dma_wait3A_689 : memref<1x!tpu.dma_semaphore, #tpu.memory_space<semaphore_mem>> -> memref<!tpu.dma_semaphore, #tpu.memory_space<semaphore_mem>>
    tpu.wait_indirect_dma semaphore(%dma_wait3A_690 : memref<!tpu.dma_semaphore, #tpu.memory_space<semaphore_mem>>) src(%dma_wait3A_688 : memref<2000000x64xf32, #tpu.memory_space<hbm>>) dst(%dma_wait3A_682 : memref<64x64xf32, #tpu.memory_space<vmem>>)
    %dma_wait3A_691 = arith.constant 191 : i32
    %dma_wait3A_692 = arith.constant 1 : i32
    %dma_wait3A_693 = arith.constant 0 : i32
    %dma_wait3A_694 = arith.constant 0 : i32
    %dma_wait3A_695 = arith.constant 0 : i32
    %dma_wait3A_696 = tpu.memref_slice %arg12[%dma_wait3A_693, %dma_wait3A_694, %dma_wait3A_695] : memref<8x8x129xf32, #tpu.memory_space<vmem>> -> memref<8x8x128xf32, #tpu.memory_space<vmem>>
    %dma_wait3A_697 = arith.constant 0 : i32
    %dma_wait3A_698 = arith.constant 0 : i32
    %dma_wait3A_699 = arith.constant 0 : i32
    %dma_wait3A_700 = tpu.memref_slice %arg4[%dma_wait3A_691, %dma_wait3A_697, %add3A, %dma_wait3A_698, %dma_wait3A_699] : memref<200x8x32x8x128xf32, #tpu.memory_space<hbm>> -> memref<1x8x1x8x128xf32, #tpu.memory_space<hbm>>
    %dma_wait3A_701 = tpu.memref_squeeze %dma_wait3A_700 : memref<1x8x1x8x128xf32, #tpu.memory_space<hbm>> -> memref<8x8x128xf32, #tpu.memory_space<hbm>>
    %dma_wait3A_702 = tpu.memref_slice %arg17[%dma_wait3A_692] : memref<5x!tpu.dma_semaphore, #tpu.memory_space<semaphore_mem>> -> memref<1x!tpu.dma_semaphore, #tpu.memory_space<semaphore_mem>>
    %dma_wait3A_703 = tpu.memref_squeeze %dma_wait3A_702 : memref<1x!tpu.dma_semaphore, #tpu.memory_space<semaphore_mem>> -> memref<!tpu.dma_semaphore, #tpu.memory_space<semaphore_mem>>
    %dma_wait3A_704 = arith.constant 0 : i32
    %dma_wait3A_705 = arith.constant 0 : i32
    %dma_wait3A_706 = arith.constant 0 : i32
    %dma_wait3A_707 = tpu.memref_slice %arg4[%dma_wait3A_691, %dma_wait3A_704, %add3A, %dma_wait3A_705, %dma_wait3A_706] : memref<200x8x32x8x128xf32, #tpu.memory_space<hbm>> -> memref<1x8x1x8x128xf32, #tpu.memory_space<hbm>>
    %dma_wait3A_708 = tpu.memref_squeeze %dma_wait3A_707 : memref<1x8x1x8x128xf32, #tpu.memory_space<hbm>> -> memref<8x8x128xf32, #tpu.memory_space<hbm>>
    %dma_wait3A_709 = arith.constant 0 : i32
    %dma_wait3A_710 = arith.constant 0 : i32
    %dma_wait3A_711 = arith.constant 0 : i32
    %dma_wait3A_712 = tpu.memref_slice %arg12[%dma_wait3A_709, %dma_wait3A_710, %dma_wait3A_711] : memref<8x8x129xf32, #tpu.memory_space<vmem>> -> memref<8x8x128xf32, #tpu.memory_space<vmem>>
    tpu.wait_dma2 semaphore(%dma_wait3A_703 : memref<!tpu.dma_semaphore, #tpu.memory_space<semaphore_mem>>) src(%dma_wait3A_712 : memref<8x8x128xf32, #tpu.memory_space<vmem>>) dst(%dma_wait3A_708 : memref<8x8x128xf32, #tpu.memory_space<hbm>>)
    %scan3A_713 = arith.constant 0 : i32
    %scan3A_714 = arith.constant 0 : i32
    %scan3A_715 = arith.constant 128 : i32
    %scan3A_716 = arith.addi %scan3A_714, %scan3A_715 : i32
    %scan3A_717 = arith.constant 1 : i32
    scf.for %scan3A_1079 = %scan3A_714 to %scan3A_716 step %scan3A_717  : i32 {
      %add3A_1080 = vector.broadcast %scan3A_1079 : i32 to vector<16xi32>
      %add3A_1081 = arith.addi %broadcast_in_dim3A_3, %add3A_1080 : vector<16xi32>
      %get3A = arith.index_cast %scan3A_1079 : i32 to index
      %get3A_1082 = arith.constant 0 : index
      %get3A_1083 = tpu.vector_load %arg7[%get3A, %get3A_1082] {strides = array<i32>} : memref<128x64xf32, #tpu.memory_space<vmem>>, vector<16xf32>,
      %mul3A_1084 = arith.constant 8.000000e+00 : f32
      %mul3A_1085 = vector.broadcast %mul3A_1084 : f32 to vector<16xf32>
      %mul3A_1086 = arith.mulf %get3A_1083, %mul3A_1085 : vector<16xf32>
      tpu.vector_store_idx %arg12[%shift_right_logical3A_8, %and3A_31, %add3A_1081], %mul3A_1086 : memref<8x8x129xf32, #tpu.memory_space<vmem>>[vector<16xi32>, vector<16xi32>, vector<16xi32>], vector<16xf32>,
      %get3A_1087 = arith.index_cast %scan3A_1079 : i32 to index
      %get3A_1088 = arith.constant 16 : index
      %get3A_1089 = tpu.vector_load %arg7[%get3A_1087, %get3A_1088] {strides = array<i32>} : memref<128x64xf32, #tpu.memory_space<vmem>>, vector<16xf32>,
      %mul3A_1090 = arith.constant 8.000000e+00 : f32
      %mul3A_1091 = vector.broadcast %mul3A_1090 : f32 to vector<16xf32>
      %mul3A_1092 = arith.mulf %get3A_1089, %mul3A_1091 : vector<16xf32>
      tpu.vector_store_idx %arg12[%shift_right_logical3A_14, %and3A_37, %add3A_1081], %mul3A_1092 : memref<8x8x129xf32, #tpu.memory_space<vmem>>[vector<16xi32>, vector<16xi32>, vector<16xi32>], vector<16xf32>,
      %get3A_1093 = arith.index_cast %scan3A_1079 : i32 to index
      %get3A_1094 = arith.constant 32 : index
      %get3A_1095 = tpu.vector_load %arg7[%get3A_1093, %get3A_1094] {strides = array<i32>} : memref<128x64xf32, #tpu.memory_space<vmem>>, vector<16xf32>,
      %mul3A_1096 = arith.constant 8.000000e+00 : f32
      %mul3A_1097 = vector.broadcast %mul3A_1096 : f32 to vector<16xf32>
      %mul3A_1098 = arith.mulf %get3A_1095, %mul3A_1097 : vector<16xf32>
      tpu.vector_store_idx %arg12[%shift_right_logical3A_20, %and3A_43, %add3A_1081], %mul3A_1098 : memref<8x8x129xf32, #tpu.memory_space<vmem>>[vector<16xi32>, vector<16xi32>, vector<16xi32>], vector<16xf32>,
      %get3A_1099 = arith.index_cast %scan3A_1079 : i32 to index
      %get3A_1100 = arith.constant 48 : index
      %get3A_1101 = tpu.vector_load %arg7[%get3A_1099, %get3A_1100] {strides = array<i32>} : memref<128x64xf32, #tpu.memory_space<vmem>>, vector<16xf32>,
      %mul3A_1102 = arith.constant 8.000000e+00 : f32
      %mul3A_1103 = vector.broadcast %mul3A_1102 : f32 to vector<16xf32>
      %mul3A_1104 = arith.mulf %get3A_1101, %mul3A_1103 : vector<16xf32>
      tpu.vector_store_idx %arg12[%shift_right_logical3A_26, %and3A_49, %add3A_1081], %mul3A_1104 : memref<8x8x129xf32, #tpu.memory_space<vmem>>[vector<16xi32>, vector<16xi32>, vector<16xi32>], vector<16xf32>,
    }
    %scan3A_718 = arith.constant 128 : i32
    %dma_start3A_719 = arith.constant 196 : i32
    %dma_start3A_720 = arith.constant 1 : i32
    %dma_start3A_721 = arith.constant 0 : i32
    %dma_start3A_722 = arith.constant 0 : i32
    %dma_start3A_723 = arith.constant 0 : i32
    %dma_start3A_724 = tpu.memref_slice %arg12[%dma_start3A_721, %dma_start3A_722, %dma_start3A_723] : memref<8x8x129xf32, #tpu.memory_space<vmem>> -> memref<8x8x128xf32, #tpu.memory_space<vmem>>
    %dma_start3A_725 = arith.constant 0 : i32
    %dma_start3A_726 = arith.constant 0 : i32
    %dma_start3A_727 = arith.constant 0 : i32
    %dma_start3A_728 = tpu.memref_slice %arg4[%dma_start3A_719, %dma_start3A_725, %add3A, %dma_start3A_726, %dma_start3A_727] : memref<200x8x32x8x128xf32, #tpu.memory_space<hbm>> -> memref<1x8x1x8x128xf32, #tpu.memory_space<hbm>>
    %dma_start3A_729 = tpu.memref_squeeze %dma_start3A_728 : memref<1x8x1x8x128xf32, #tpu.memory_space<hbm>> -> memref<8x8x128xf32, #tpu.memory_space<hbm>>
    %dma_start3A_730 = tpu.memref_slice %arg17[%dma_start3A_720] : memref<5x!tpu.dma_semaphore, #tpu.memory_space<semaphore_mem>> -> memref<1x!tpu.dma_semaphore, #tpu.memory_space<semaphore_mem>>
    %dma_start3A_731 = tpu.memref_squeeze %dma_start3A_730 : memref<1x!tpu.dma_semaphore, #tpu.memory_space<semaphore_mem>> -> memref<!tpu.dma_semaphore, #tpu.memory_space<semaphore_mem>>
    %dma_start3A_732 = arith.constant 0 : i32
    %dma_start3A_733 = arith.constant 0 : i32
    %dma_start3A_734 = arith.constant 0 : i32
    %dma_start3A_735 = tpu.memref_slice %arg4[%dma_start3A_719, %dma_start3A_732, %add3A, %dma_start3A_733, %dma_start3A_734] : memref<200x8x32x8x128xf32, #tpu.memory_space<hbm>> -> memref<1x8x1x8x128xf32, #tpu.memory_space<hbm>>
    %dma_start3A_736 = tpu.memref_squeeze %dma_start3A_735 : memref<1x8x1x8x128xf32, #tpu.memory_space<hbm>> -> memref<8x8x128xf32, #tpu.memory_space<hbm>>
    %dma_start3A_737 = arith.constant 0 : i32
    %dma_start3A_738 = arith.constant 0 : i32
    %dma_start3A_739 = arith.constant 0 : i32
    %dma_start3A_740 = tpu.memref_slice %arg12[%dma_start3A_737, %dma_start3A_738, %dma_start3A_739] : memref<8x8x129xf32, #tpu.memory_space<vmem>> -> memref<8x8x128xf32, #tpu.memory_space<vmem>>
    tpu.enqueue_dma source(%dma_start3A_740 : memref<8x8x128xf32, #tpu.memory_space<vmem>>) target(%dma_start3A_736 : memref<8x8x128xf32, #tpu.memory_space<hbm>>) target_semaphore(%dma_start3A_731 : memref<!tpu.dma_semaphore, #tpu.memory_space<semaphore_mem>>)
    %dma_wait3A_741 = arith.constant 197 : i32
    %dma_wait3A_742 = arith.constant 2 : i32
    %dma_wait3A_743 = arith.constant 0 : i32
    %dma_wait3A_744 = arith.constant 0 : i32
    %dma_wait3A_745 = tpu.memref_slice %arg8[%dma_wait3A_743, %dma_wait3A_744] : memref<128x64xf32, #tpu.memory_space<vmem>> -> memref<64x64xf32, #tpu.memory_space<vmem>>
    %dma_wait3A_746 = arith.constant 0 : i32
    %dma_wait3A_747 = tpu.memref_slice %arg5[%dma_wait3A_741, %dma_wait3A_746] : memref<200x128xi32, #tpu.memory_space<vmem>> -> memref<1x64xi32, #tpu.memory_space<vmem>>
    %dma_wait3A_748 = tpu.memref_squeeze %dma_wait3A_747 : memref<1x64xi32, #tpu.memory_space<vmem>> -> memref<64xi32, #tpu.memory_space<vmem>>
    %dma_wait3A_749 = arith.constant 0 : i32
    %dma_wait3A_750 = arith.constant 0 : i32
    %dma_wait3A_751 = tpu.memref_slice %arg3[%dma_wait3A_749, %dma_wait3A_750] : memref<2000000x64xf32, #tpu.memory_space<hbm>> -> memref<2000000x64xf32, #tpu.memory_space<hbm>>
    %dma_wait3A_752 = tpu.memref_slice %arg16[%dma_wait3A_742] : memref<5x!tpu.dma_semaphore, #tpu.memory_space<semaphore_mem>> -> memref<1x!tpu.dma_semaphore, #tpu.memory_space<semaphore_mem>>
    %dma_wait3A_753 = tpu.memref_squeeze %dma_wait3A_752 : memref<1x!tpu.dma_semaphore, #tpu.memory_space<semaphore_mem>> -> memref<!tpu.dma_semaphore, #tpu.memory_space<semaphore_mem>>
    tpu.wait_indirect_dma semaphore(%dma_wait3A_753 : memref<!tpu.dma_semaphore, #tpu.memory_space<semaphore_mem>>) src(%dma_wait3A_751 : memref<2000000x64xf32, #tpu.memory_space<hbm>>) dst(%dma_wait3A_745 : memref<64x64xf32, #tpu.memory_space<vmem>>)
    %dma_wait3A_754 = arith.constant 197 : i32
    %dma_wait3A_755 = arith.constant 2 : i32
    %dma_wait3A_756 = arith.constant 64 : i32
    %dma_wait3A_757 = arith.constant 0 : i32
    %dma_wait3A_758 = tpu.memref_slice %arg8[%dma_wait3A_756, %dma_wait3A_757] : memref<128x64xf32, #tpu.memory_space<vmem>> -> memref<64x64xf32, #tpu.memory_space<vmem>>
    %dma_wait3A_759 = arith.constant 64 : i32
    %dma_wait3A_760 = tpu.memref_slice %arg5[%dma_wait3A_754, %dma_wait3A_759] : memref<200x128xi32, #tpu.memory_space<vmem>> -> memref<1x64xi32, #tpu.memory_space<vmem>>
    %dma_wait3A_761 = tpu.memref_squeeze %dma_wait3A_760 : memref<1x64xi32, #tpu.memory_space<vmem>> -> memref<64xi32, #tpu.memory_space<vmem>>
    %dma_wait3A_762 = arith.constant 0 : i32
    %dma_wait3A_763 = arith.constant 0 : i32
    %dma_wait3A_764 = tpu.memref_slice %arg3[%dma_wait3A_762, %dma_wait3A_763] : memref<2000000x64xf32, #tpu.memory_space<hbm>> -> memref<2000000x64xf32, #tpu.memory_space<hbm>>
    %dma_wait3A_765 = tpu.memref_slice %arg16[%dma_wait3A_755] : memref<5x!tpu.dma_semaphore, #tpu.memory_space<semaphore_mem>> -> memref<1x!tpu.dma_semaphore, #tpu.memory_space<semaphore_mem>>
    %dma_wait3A_766 = tpu.memref_squeeze %dma_wait3A_765 : memref<1x!tpu.dma_semaphore, #tpu.memory_space<semaphore_mem>> -> memref<!tpu.dma_semaphore, #tpu.memory_space<semaphore_mem>>
    tpu.wait_indirect_dma semaphore(%dma_wait3A_766 : memref<!tpu.dma_semaphore, #tpu.memory_space<semaphore_mem>>) src(%dma_wait3A_764 : memref<2000000x64xf32, #tpu.memory_space<hbm>>) dst(%dma_wait3A_758 : memref<64x64xf32, #tpu.memory_space<vmem>>)
    %dma_wait3A_767 = arith.constant 192 : i32
    %dma_wait3A_768 = arith.constant 2 : i32
    %dma_wait3A_769 = arith.constant 0 : i32
    %dma_wait3A_770 = arith.constant 0 : i32
    %dma_wait3A_771 = arith.constant 0 : i32
    %dma_wait3A_772 = tpu.memref_slice %arg13[%dma_wait3A_769, %dma_wait3A_770, %dma_wait3A_771] : memref<8x8x129xf32, #tpu.memory_space<vmem>> -> memref<8x8x128xf32, #tpu.memory_space<vmem>>
    %dma_wait3A_773 = arith.constant 0 : i32
    %dma_wait3A_774 = arith.constant 0 : i32
    %dma_wait3A_775 = arith.constant 0 : i32
    %dma_wait3A_776 = tpu.memref_slice %arg4[%dma_wait3A_767, %dma_wait3A_773, %add3A, %dma_wait3A_774, %dma_wait3A_775] : memref<200x8x32x8x128xf32, #tpu.memory_space<hbm>> -> memref<1x8x1x8x128xf32, #tpu.memory_space<hbm>>
    %dma_wait3A_777 = tpu.memref_squeeze %dma_wait3A_776 : memref<1x8x1x8x128xf32, #tpu.memory_space<hbm>> -> memref<8x8x128xf32, #tpu.memory_space<hbm>>
    %dma_wait3A_778 = tpu.memref_slice %arg17[%dma_wait3A_768] : memref<5x!tpu.dma_semaphore, #tpu.memory_space<semaphore_mem>> -> memref<1x!tpu.dma_semaphore, #tpu.memory_space<semaphore_mem>>
    %dma_wait3A_779 = tpu.memref_squeeze %dma_wait3A_778 : memref<1x!tpu.dma_semaphore, #tpu.memory_space<semaphore_mem>> -> memref<!tpu.dma_semaphore, #tpu.memory_space<semaphore_mem>>
    %dma_wait3A_780 = arith.constant 0 : i32
    %dma_wait3A_781 = arith.constant 0 : i32
    %dma_wait3A_782 = arith.constant 0 : i32
    %dma_wait3A_783 = tpu.memref_slice %arg4[%dma_wait3A_767, %dma_wait3A_780, %add3A, %dma_wait3A_781, %dma_wait3A_782] : memref<200x8x32x8x128xf32, #tpu.memory_space<hbm>> -> memref<1x8x1x8x128xf32, #tpu.memory_space<hbm>>
    %dma_wait3A_784 = tpu.memref_squeeze %dma_wait3A_783 : memref<1x8x1x8x128xf32, #tpu.memory_space<hbm>> -> memref<8x8x128xf32, #tpu.memory_space<hbm>>
    %dma_wait3A_785 = arith.constant 0 : i32
    %dma_wait3A_786 = arith.constant 0 : i32
    %dma_wait3A_787 = arith.constant 0 : i32
    %dma_wait3A_788 = tpu.memref_slice %arg13[%dma_wait3A_785, %dma_wait3A_786, %dma_wait3A_787] : memref<8x8x129xf32, #tpu.memory_space<vmem>> -> memref<8x8x128xf32, #tpu.memory_space<vmem>>
    tpu.wait_dma2 semaphore(%dma_wait3A_779 : memref<!tpu.dma_semaphore, #tpu.memory_space<semaphore_mem>>) src(%dma_wait3A_788 : memref<8x8x128xf32, #tpu.memory_space<vmem>>) dst(%dma_wait3A_784 : memref<8x8x128xf32, #tpu.memory_space<hbm>>)
    %scan3A_789 = arith.constant 0 : i32
    %scan3A_790 = arith.constant 0 : i32
    %scan3A_791 = arith.constant 128 : i32
    %scan3A_792 = arith.addi %scan3A_790, %scan3A_791 : i32
    %scan3A_793 = arith.constant 1 : i32
    scf.for %scan3A_1079 = %scan3A_790 to %scan3A_792 step %scan3A_793  : i32 {
      %add3A_1080 = vector.broadcast %scan3A_1079 : i32 to vector<16xi32>
      %add3A_1081 = arith.addi %broadcast_in_dim3A_3, %add3A_1080 : vector<16xi32>
      %get3A = arith.index_cast %scan3A_1079 : i32 to index
      %get3A_1082 = arith.constant 0 : index
      %get3A_1083 = tpu.vector_load %arg8[%get3A, %get3A_1082] {strides = array<i32>} : memref<128x64xf32, #tpu.memory_space<vmem>>, vector<16xf32>,
      %mul3A_1084 = arith.constant 8.000000e+00 : f32
      %mul3A_1085 = vector.broadcast %mul3A_1084 : f32 to vector<16xf32>
      %mul3A_1086 = arith.mulf %get3A_1083, %mul3A_1085 : vector<16xf32>
      tpu.vector_store_idx %arg13[%shift_right_logical3A_8, %and3A_31, %add3A_1081], %mul3A_1086 : memref<8x8x129xf32, #tpu.memory_space<vmem>>[vector<16xi32>, vector<16xi32>, vector<16xi32>], vector<16xf32>,
      %get3A_1087 = arith.index_cast %scan3A_1079 : i32 to index
      %get3A_1088 = arith.constant 16 : index
      %get3A_1089 = tpu.vector_load %arg8[%get3A_1087, %get3A_1088] {strides = array<i32>} : memref<128x64xf32, #tpu.memory_space<vmem>>, vector<16xf32>,
      %mul3A_1090 = arith.constant 8.000000e+00 : f32
      %mul3A_1091 = vector.broadcast %mul3A_1090 : f32 to vector<16xf32>
      %mul3A_1092 = arith.mulf %get3A_1089, %mul3A_1091 : vector<16xf32>
      tpu.vector_store_idx %arg13[%shift_right_logical3A_14, %and3A_37, %add3A_1081], %mul3A_1092 : memref<8x8x129xf32, #tpu.memory_space<vmem>>[vector<16xi32>, vector<16xi32>, vector<16xi32>], vector<16xf32>,
      %get3A_1093 = arith.index_cast %scan3A_1079 : i32 to index
      %get3A_1094 = arith.constant 32 : index
      %get3A_1095 = tpu.vector_load %arg8[%get3A_1093, %get3A_1094] {strides = array<i32>} : memref<128x64xf32, #tpu.memory_space<vmem>>, vector<16xf32>,
      %mul3A_1096 = arith.constant 8.000000e+00 : f32
      %mul3A_1097 = vector.broadcast %mul3A_1096 : f32 to vector<16xf32>
      %mul3A_1098 = arith.mulf %get3A_1095, %mul3A_1097 : vector<16xf32>
      tpu.vector_store_idx %arg13[%shift_right_logical3A_20, %and3A_43, %add3A_1081], %mul3A_1098 : memref<8x8x129xf32, #tpu.memory_space<vmem>>[vector<16xi32>, vector<16xi32>, vector<16xi32>], vector<16xf32>,
      %get3A_1099 = arith.index_cast %scan3A_1079 : i32 to index
      %get3A_1100 = arith.constant 48 : index
      %get3A_1101 = tpu.vector_load %arg8[%get3A_1099, %get3A_1100] {strides = array<i32>} : memref<128x64xf32, #tpu.memory_space<vmem>>, vector<16xf32>,
      %mul3A_1102 = arith.constant 8.000000e+00 : f32
      %mul3A_1103 = vector.broadcast %mul3A_1102 : f32 to vector<16xf32>
      %mul3A_1104 = arith.mulf %get3A_1101, %mul3A_1103 : vector<16xf32>
      tpu.vector_store_idx %arg13[%shift_right_logical3A_26, %and3A_49, %add3A_1081], %mul3A_1104 : memref<8x8x129xf32, #tpu.memory_space<vmem>>[vector<16xi32>, vector<16xi32>, vector<16xi32>], vector<16xf32>,
    }
    %scan3A_794 = arith.constant 128 : i32
    %dma_start3A_795 = arith.constant 197 : i32
    %dma_start3A_796 = arith.constant 2 : i32
    %dma_start3A_797 = arith.constant 0 : i32
    %dma_start3A_798 = arith.constant 0 : i32
    %dma_start3A_799 = arith.constant 0 : i32
    %dma_start3A_800 = tpu.memref_slice %arg13[%dma_start3A_797, %dma_start3A_798, %dma_start3A_799] : memref<8x8x129xf32, #tpu.memory_space<vmem>> -> memref<8x8x128xf32, #tpu.memory_space<vmem>>
    %dma_start3A_801 = arith.constant 0 : i32
    %dma_start3A_802 = arith.constant 0 : i32
    %dma_start3A_803 = arith.constant 0 : i32
    %dma_start3A_804 = tpu.memref_slice %arg4[%dma_start3A_795, %dma_start3A_801, %add3A, %dma_start3A_802, %dma_start3A_803] : memref<200x8x32x8x128xf32, #tpu.memory_space<hbm>> -> memref<1x8x1x8x128xf32, #tpu.memory_space<hbm>>
    %dma_start3A_805 = tpu.memref_squeeze %dma_start3A_804 : memref<1x8x1x8x128xf32, #tpu.memory_space<hbm>> -> memref<8x8x128xf32, #tpu.memory_space<hbm>>
    %dma_start3A_806 = tpu.memref_slice %arg17[%dma_start3A_796] : memref<5x!tpu.dma_semaphore, #tpu.memory_space<semaphore_mem>> -> memref<1x!tpu.dma_semaphore, #tpu.memory_space<semaphore_mem>>
    %dma_start3A_807 = tpu.memref_squeeze %dma_start3A_806 : memref<1x!tpu.dma_semaphore, #tpu.memory_space<semaphore_mem>> -> memref<!tpu.dma_semaphore, #tpu.memory_space<semaphore_mem>>
    %dma_start3A_808 = arith.constant 0 : i32
    %dma_start3A_809 = arith.constant 0 : i32
    %dma_start3A_810 = arith.constant 0 : i32
    %dma_start3A_811 = tpu.memref_slice %arg4[%dma_start3A_795, %dma_start3A_808, %add3A, %dma_start3A_809, %dma_start3A_810] : memref<200x8x32x8x128xf32, #tpu.memory_space<hbm>> -> memref<1x8x1x8x128xf32, #tpu.memory_space<hbm>>
    %dma_start3A_812 = tpu.memref_squeeze %dma_start3A_811 : memref<1x8x1x8x128xf32, #tpu.memory_space<hbm>> -> memref<8x8x128xf32, #tpu.memory_space<hbm>>
    %dma_start3A_813 = arith.constant 0 : i32
    %dma_start3A_814 = arith.constant 0 : i32
    %dma_start3A_815 = arith.constant 0 : i32
    %dma_start3A_816 = tpu.memref_slice %arg13[%dma_start3A_813, %dma_start3A_814, %dma_start3A_815] : memref<8x8x129xf32, #tpu.memory_space<vmem>> -> memref<8x8x128xf32, #tpu.memory_space<vmem>>
    tpu.enqueue_dma source(%dma_start3A_816 : memref<8x8x128xf32, #tpu.memory_space<vmem>>) target(%dma_start3A_812 : memref<8x8x128xf32, #tpu.memory_space<hbm>>) target_semaphore(%dma_start3A_807 : memref<!tpu.dma_semaphore, #tpu.memory_space<semaphore_mem>>)
    %dma_wait3A_817 = arith.constant 198 : i32
    %dma_wait3A_818 = arith.constant 3 : i32
    %dma_wait3A_819 = arith.constant 0 : i32
    %dma_wait3A_820 = arith.constant 0 : i32
    %dma_wait3A_821 = tpu.memref_slice %arg9[%dma_wait3A_819, %dma_wait3A_820] : memref<128x64xf32, #tpu.memory_space<vmem>> -> memref<64x64xf32, #tpu.memory_space<vmem>>
    %dma_wait3A_822 = arith.constant 0 : i32
    %dma_wait3A_823 = tpu.memref_slice %arg5[%dma_wait3A_817, %dma_wait3A_822] : memref<200x128xi32, #tpu.memory_space<vmem>> -> memref<1x64xi32, #tpu.memory_space<vmem>>
    %dma_wait3A_824 = tpu.memref_squeeze %dma_wait3A_823 : memref<1x64xi32, #tpu.memory_space<vmem>> -> memref<64xi32, #tpu.memory_space<vmem>>
    %dma_wait3A_825 = arith.constant 0 : i32
    %dma_wait3A_826 = arith.constant 0 : i32
    %dma_wait3A_827 = tpu.memref_slice %arg3[%dma_wait3A_825, %dma_wait3A_826] : memref<2000000x64xf32, #tpu.memory_space<hbm>> -> memref<2000000x64xf32, #tpu.memory_space<hbm>>
    %dma_wait3A_828 = tpu.memref_slice %arg16[%dma_wait3A_818] : memref<5x!tpu.dma_semaphore, #tpu.memory_space<semaphore_mem>> -> memref<1x!tpu.dma_semaphore, #tpu.memory_space<semaphore_mem>>
    %dma_wait3A_829 = tpu.memref_squeeze %dma_wait3A_828 : memref<1x!tpu.dma_semaphore, #tpu.memory_space<semaphore_mem>> -> memref<!tpu.dma_semaphore, #tpu.memory_space<semaphore_mem>>
    tpu.wait_indirect_dma semaphore(%dma_wait3A_829 : memref<!tpu.dma_semaphore, #tpu.memory_space<semaphore_mem>>) src(%dma_wait3A_827 : memref<2000000x64xf32, #tpu.memory_space<hbm>>) dst(%dma_wait3A_821 : memref<64x64xf32, #tpu.memory_space<vmem>>)
    %dma_wait3A_830 = arith.constant 198 : i32
    %dma_wait3A_831 = arith.constant 3 : i32
    %dma_wait3A_832 = arith.constant 64 : i32
    %dma_wait3A_833 = arith.constant 0 : i32
    %dma_wait3A_834 = tpu.memref_slice %arg9[%dma_wait3A_832, %dma_wait3A_833] : memref<128x64xf32, #tpu.memory_space<vmem>> -> memref<64x64xf32, #tpu.memory_space<vmem>>
    %dma_wait3A_835 = arith.constant 64 : i32
    %dma_wait3A_836 = tpu.memref_slice %arg5[%dma_wait3A_830, %dma_wait3A_835] : memref<200x128xi32, #tpu.memory_space<vmem>> -> memref<1x64xi32, #tpu.memory_space<vmem>>
    %dma_wait3A_837 = tpu.memref_squeeze %dma_wait3A_836 : memref<1x64xi32, #tpu.memory_space<vmem>> -> memref<64xi32, #tpu.memory_space<vmem>>
    %dma_wait3A_838 = arith.constant 0 : i32
    %dma_wait3A_839 = arith.constant 0 : i32
    %dma_wait3A_840 = tpu.memref_slice %arg3[%dma_wait3A_838, %dma_wait3A_839] : memref<2000000x64xf32, #tpu.memory_space<hbm>> -> memref<2000000x64xf32, #tpu.memory_space<hbm>>
    %dma_wait3A_841 = tpu.memref_slice %arg16[%dma_wait3A_831] : memref<5x!tpu.dma_semaphore, #tpu.memory_space<semaphore_mem>> -> memref<1x!tpu.dma_semaphore, #tpu.memory_space<semaphore_mem>>
    %dma_wait3A_842 = tpu.memref_squeeze %dma_wait3A_841 : memref<1x!tpu.dma_semaphore, #tpu.memory_space<semaphore_mem>> -> memref<!tpu.dma_semaphore, #tpu.memory_space<semaphore_mem>>
    tpu.wait_indirect_dma semaphore(%dma_wait3A_842 : memref<!tpu.dma_semaphore, #tpu.memory_space<semaphore_mem>>) src(%dma_wait3A_840 : memref<2000000x64xf32, #tpu.memory_space<hbm>>) dst(%dma_wait3A_834 : memref<64x64xf32, #tpu.memory_space<vmem>>)
    %dma_wait3A_843 = arith.constant 193 : i32
    %dma_wait3A_844 = arith.constant 3 : i32
    %dma_wait3A_845 = arith.constant 0 : i32
    %dma_wait3A_846 = arith.constant 0 : i32
    %dma_wait3A_847 = arith.constant 0 : i32
    %dma_wait3A_848 = tpu.memref_slice %arg14[%dma_wait3A_845, %dma_wait3A_846, %dma_wait3A_847] : memref<8x8x129xf32, #tpu.memory_space<vmem>> -> memref<8x8x128xf32, #tpu.memory_space<vmem>>
    %dma_wait3A_849 = arith.constant 0 : i32
    %dma_wait3A_850 = arith.constant 0 : i32
    %dma_wait3A_851 = arith.constant 0 : i32
    %dma_wait3A_852 = tpu.memref_slice %arg4[%dma_wait3A_843, %dma_wait3A_849, %add3A, %dma_wait3A_850, %dma_wait3A_851] : memref<200x8x32x8x128xf32, #tpu.memory_space<hbm>> -> memref<1x8x1x8x128xf32, #tpu.memory_space<hbm>>
    %dma_wait3A_853 = tpu.memref_squeeze %dma_wait3A_852 : memref<1x8x1x8x128xf32, #tpu.memory_space<hbm>> -> memref<8x8x128xf32, #tpu.memory_space<hbm>>
    %dma_wait3A_854 = tpu.memref_slice %arg17[%dma_wait3A_844] : memref<5x!tpu.dma_semaphore, #tpu.memory_space<semaphore_mem>> -> memref<1x!tpu.dma_semaphore, #tpu.memory_space<semaphore_mem>>
    %dma_wait3A_855 = tpu.memref_squeeze %dma_wait3A_854 : memref<1x!tpu.dma_semaphore, #tpu.memory_space<semaphore_mem>> -> memref<!tpu.dma_semaphore, #tpu.memory_space<semaphore_mem>>
    %dma_wait3A_856 = arith.constant 0 : i32
    %dma_wait3A_857 = arith.constant 0 : i32
    %dma_wait3A_858 = arith.constant 0 : i32
    %dma_wait3A_859 = tpu.memref_slice %arg4[%dma_wait3A_843, %dma_wait3A_856, %add3A, %dma_wait3A_857, %dma_wait3A_858] : memref<200x8x32x8x128xf32, #tpu.memory_space<hbm>> -> memref<1x8x1x8x128xf32, #tpu.memory_space<hbm>>
    %dma_wait3A_860 = tpu.memref_squeeze %dma_wait3A_859 : memref<1x8x1x8x128xf32, #tpu.memory_space<hbm>> -> memref<8x8x128xf32, #tpu.memory_space<hbm>>
    %dma_wait3A_861 = arith.constant 0 : i32
    %dma_wait3A_862 = arith.constant 0 : i32
    %dma_wait3A_863 = arith.constant 0 : i32
    %dma_wait3A_864 = tpu.memref_slice %arg14[%dma_wait3A_861, %dma_wait3A_862, %dma_wait3A_863] : memref<8x8x129xf32, #tpu.memory_space<vmem>> -> memref<8x8x128xf32, #tpu.memory_space<vmem>>
    tpu.wait_dma2 semaphore(%dma_wait3A_855 : memref<!tpu.dma_semaphore, #tpu.memory_space<semaphore_mem>>) src(%dma_wait3A_864 : memref<8x8x128xf32, #tpu.memory_space<vmem>>) dst(%dma_wait3A_860 : memref<8x8x128xf32, #tpu.memory_space<hbm>>)
    %scan3A_865 = arith.constant 0 : i32
    %scan3A_866 = arith.constant 0 : i32
    %scan3A_867 = arith.constant 128 : i32
    %scan3A_868 = arith.addi %scan3A_866, %scan3A_867 : i32
    %scan3A_869 = arith.constant 1 : i32
    scf.for %scan3A_1079 = %scan3A_866 to %scan3A_868 step %scan3A_869  : i32 {
      %add3A_1080 = vector.broadcast %scan3A_1079 : i32 to vector<16xi32>
      %add3A_1081 = arith.addi %broadcast_in_dim3A_3, %add3A_1080 : vector<16xi32>
      %get3A = arith.index_cast %scan3A_1079 : i32 to index
      %get3A_1082 = arith.constant 0 : index
      %get3A_1083 = tpu.vector_load %arg9[%get3A, %get3A_1082] {strides = array<i32>} : memref<128x64xf32, #tpu.memory_space<vmem>>, vector<16xf32>,
      %mul3A_1084 = arith.constant 8.000000e+00 : f32
      %mul3A_1085 = vector.broadcast %mul3A_1084 : f32 to vector<16xf32>
      %mul3A_1086 = arith.mulf %get3A_1083, %mul3A_1085 : vector<16xf32>
      tpu.vector_store_idx %arg14[%shift_right_logical3A_8, %and3A_31, %add3A_1081], %mul3A_1086 : memref<8x8x129xf32, #tpu.memory_space<vmem>>[vector<16xi32>, vector<16xi32>, vector<16xi32>], vector<16xf32>,
      %get3A_1087 = arith.index_cast %scan3A_1079 : i32 to index
      %get3A_1088 = arith.constant 16 : index
      %get3A_1089 = tpu.vector_load %arg9[%get3A_1087, %get3A_1088] {strides = array<i32>} : memref<128x64xf32, #tpu.memory_space<vmem>>, vector<16xf32>,
      %mul3A_1090 = arith.constant 8.000000e+00 : f32
      %mul3A_1091 = vector.broadcast %mul3A_1090 : f32 to vector<16xf32>
      %mul3A_1092 = arith.mulf %get3A_1089, %mul3A_1091 : vector<16xf32>
      tpu.vector_store_idx %arg14[%shift_right_logical3A_14, %and3A_37, %add3A_1081], %mul3A_1092 : memref<8x8x129xf32, #tpu.memory_space<vmem>>[vector<16xi32>, vector<16xi32>, vector<16xi32>], vector<16xf32>,
      %get3A_1093 = arith.index_cast %scan3A_1079 : i32 to index
      %get3A_1094 = arith.constant 32 : index
      %get3A_1095 = tpu.vector_load %arg9[%get3A_1093, %get3A_1094] {strides = array<i32>} : memref<128x64xf32, #tpu.memory_space<vmem>>, vector<16xf32>,
      %mul3A_1096 = arith.constant 8.000000e+00 : f32
      %mul3A_1097 = vector.broadcast %mul3A_1096 : f32 to vector<16xf32>
      %mul3A_1098 = arith.mulf %get3A_1095, %mul3A_1097 : vector<16xf32>
      tpu.vector_store_idx %arg14[%shift_right_logical3A_20, %and3A_43, %add3A_1081], %mul3A_1098 : memref<8x8x129xf32, #tpu.memory_space<vmem>>[vector<16xi32>, vector<16xi32>, vector<16xi32>], vector<16xf32>,
      %get3A_1099 = arith.index_cast %scan3A_1079 : i32 to index
      %get3A_1100 = arith.constant 48 : index
      %get3A_1101 = tpu.vector_load %arg9[%get3A_1099, %get3A_1100] {strides = array<i32>} : memref<128x64xf32, #tpu.memory_space<vmem>>, vector<16xf32>,
      %mul3A_1102 = arith.constant 8.000000e+00 : f32
      %mul3A_1103 = vector.broadcast %mul3A_1102 : f32 to vector<16xf32>
      %mul3A_1104 = arith.mulf %get3A_1101, %mul3A_1103 : vector<16xf32>
      tpu.vector_store_idx %arg14[%shift_right_logical3A_26, %and3A_49, %add3A_1081], %mul3A_1104 : memref<8x8x129xf32, #tpu.memory_space<vmem>>[vector<16xi32>, vector<16xi32>, vector<16xi32>], vector<16xf32>,
    }
    %scan3A_870 = arith.constant 128 : i32
    %dma_start3A_871 = arith.constant 198 : i32
    %dma_start3A_872 = arith.constant 3 : i32
    %dma_start3A_873 = arith.constant 0 : i32
    %dma_start3A_874 = arith.constant 0 : i32
    %dma_start3A_875 = arith.constant 0 : i32
    %dma_start3A_876 = tpu.memref_slice %arg14[%dma_start3A_873, %dma_start3A_874, %dma_start3A_875] : memref<8x8x129xf32, #tpu.memory_space<vmem>> -> memref<8x8x128xf32, #tpu.memory_space<vmem>>
    %dma_start3A_877 = arith.constant 0 : i32
    %dma_start3A_878 = arith.constant 0 : i32
    %dma_start3A_879 = arith.constant 0 : i32
    %dma_start3A_880 = tpu.memref_slice %arg4[%dma_start3A_871, %dma_start3A_877, %add3A, %dma_start3A_878, %dma_start3A_879] : memref<200x8x32x8x128xf32, #tpu.memory_space<hbm>> -> memref<1x8x1x8x128xf32, #tpu.memory_space<hbm>>
    %dma_start3A_881 = tpu.memref_squeeze %dma_start3A_880 : memref<1x8x1x8x128xf32, #tpu.memory_space<hbm>> -> memref<8x8x128xf32, #tpu.memory_space<hbm>>
    %dma_start3A_882 = tpu.memref_slice %arg17[%dma_start3A_872] : memref<5x!tpu.dma_semaphore, #tpu.memory_space<semaphore_mem>> -> memref<1x!tpu.dma_semaphore, #tpu.memory_space<semaphore_mem>>
    %dma_start3A_883 = tpu.memref_squeeze %dma_start3A_882 : memref<1x!tpu.dma_semaphore, #tpu.memory_space<semaphore_mem>> -> memref<!tpu.dma_semaphore, #tpu.memory_space<semaphore_mem>>
    %dma_start3A_884 = arith.constant 0 : i32
    %dma_start3A_885 = arith.constant 0 : i32
    %dma_start3A_886 = arith.constant 0 : i32
    %dma_start3A_887 = tpu.memref_slice %arg4[%dma_start3A_871, %dma_start3A_884, %add3A, %dma_start3A_885, %dma_start3A_886] : memref<200x8x32x8x128xf32, #tpu.memory_space<hbm>> -> memref<1x8x1x8x128xf32, #tpu.memory_space<hbm>>
    %dma_start3A_888 = tpu.memref_squeeze %dma_start3A_887 : memref<1x8x1x8x128xf32, #tpu.memory_space<hbm>> -> memref<8x8x128xf32, #tpu.memory_space<hbm>>
    %dma_start3A_889 = arith.constant 0 : i32
    %dma_start3A_890 = arith.constant 0 : i32
    %dma_start3A_891 = arith.constant 0 : i32
    %dma_start3A_892 = tpu.memref_slice %arg14[%dma_start3A_889, %dma_start3A_890, %dma_start3A_891] : memref<8x8x129xf32, #tpu.memory_space<vmem>> -> memref<8x8x128xf32, #tpu.memory_space<vmem>>
    tpu.enqueue_dma source(%dma_start3A_892 : memref<8x8x128xf32, #tpu.memory_space<vmem>>) target(%dma_start3A_888 : memref<8x8x128xf32, #tpu.memory_space<hbm>>) target_semaphore(%dma_start3A_883 : memref<!tpu.dma_semaphore, #tpu.memory_space<semaphore_mem>>)
    %dma_wait3A_893 = arith.constant 199 : i32
    %dma_wait3A_894 = arith.constant 4 : i32
    %dma_wait3A_895 = arith.constant 0 : i32
    %dma_wait3A_896 = arith.constant 0 : i32
    %dma_wait3A_897 = tpu.memref_slice %arg10[%dma_wait3A_895, %dma_wait3A_896] : memref<128x64xf32, #tpu.memory_space<vmem>> -> memref<64x64xf32, #tpu.memory_space<vmem>>
    %dma_wait3A_898 = arith.constant 0 : i32
    %dma_wait3A_899 = tpu.memref_slice %arg5[%dma_wait3A_893, %dma_wait3A_898] : memref<200x128xi32, #tpu.memory_space<vmem>> -> memref<1x64xi32, #tpu.memory_space<vmem>>
    %dma_wait3A_900 = tpu.memref_squeeze %dma_wait3A_899 : memref<1x64xi32, #tpu.memory_space<vmem>> -> memref<64xi32, #tpu.memory_space<vmem>>
    %dma_wait3A_901 = arith.constant 0 : i32
    %dma_wait3A_902 = arith.constant 0 : i32
    %dma_wait3A_903 = tpu.memref_slice %arg3[%dma_wait3A_901, %dma_wait3A_902] : memref<2000000x64xf32, #tpu.memory_space<hbm>> -> memref<2000000x64xf32, #tpu.memory_space<hbm>>
    %dma_wait3A_904 = tpu.memref_slice %arg16[%dma_wait3A_894] : memref<5x!tpu.dma_semaphore, #tpu.memory_space<semaphore_mem>> -> memref<1x!tpu.dma_semaphore, #tpu.memory_space<semaphore_mem>>
    %dma_wait3A_905 = tpu.memref_squeeze %dma_wait3A_904 : memref<1x!tpu.dma_semaphore, #tpu.memory_space<semaphore_mem>> -> memref<!tpu.dma_semaphore, #tpu.memory_space<semaphore_mem>>
    tpu.wait_indirect_dma semaphore(%dma_wait3A_905 : memref<!tpu.dma_semaphore, #tpu.memory_space<semaphore_mem>>) src(%dma_wait3A_903 : memref<2000000x64xf32, #tpu.memory_space<hbm>>) dst(%dma_wait3A_897 : memref<64x64xf32, #tpu.memory_space<vmem>>)
    %dma_wait3A_906 = arith.constant 199 : i32
    %dma_wait3A_907 = arith.constant 4 : i32
    %dma_wait3A_908 = arith.constant 64 : i32
    %dma_wait3A_909 = arith.constant 0 : i32
    %dma_wait3A_910 = tpu.memref_slice %arg10[%dma_wait3A_908, %dma_wait3A_909] : memref<128x64xf32, #tpu.memory_space<vmem>> -> memref<64x64xf32, #tpu.memory_space<vmem>>
    %dma_wait3A_911 = arith.constant 64 : i32
    %dma_wait3A_912 = tpu.memref_slice %arg5[%dma_wait3A_906, %dma_wait3A_911] : memref<200x128xi32, #tpu.memory_space<vmem>> -> memref<1x64xi32, #tpu.memory_space<vmem>>
    %dma_wait3A_913 = tpu.memref_squeeze %dma_wait3A_912 : memref<1x64xi32, #tpu.memory_space<vmem>> -> memref<64xi32, #tpu.memory_space<vmem>>
    %dma_wait3A_914 = arith.constant 0 : i32
    %dma_wait3A_915 = arith.constant 0 : i32
    %dma_wait3A_916 = tpu.memref_slice %arg3[%dma_wait3A_914, %dma_wait3A_915] : memref<2000000x64xf32, #tpu.memory_space<hbm>> -> memref<2000000x64xf32, #tpu.memory_space<hbm>>
    %dma_wait3A_917 = tpu.memref_slice %arg16[%dma_wait3A_907] : memref<5x!tpu.dma_semaphore, #tpu.memory_space<semaphore_mem>> -> memref<1x!tpu.dma_semaphore, #tpu.memory_space<semaphore_mem>>
    %dma_wait3A_918 = tpu.memref_squeeze %dma_wait3A_917 : memref<1x!tpu.dma_semaphore, #tpu.memory_space<semaphore_mem>> -> memref<!tpu.dma_semaphore, #tpu.memory_space<semaphore_mem>>
    tpu.wait_indirect_dma semaphore(%dma_wait3A_918 : memref<!tpu.dma_semaphore, #tpu.memory_space<semaphore_mem>>) src(%dma_wait3A_916 : memref<2000000x64xf32, #tpu.memory_space<hbm>>) dst(%dma_wait3A_910 : memref<64x64xf32, #tpu.memory_space<vmem>>)
    %dma_wait3A_919 = arith.constant 194 : i32
    %dma_wait3A_920 = arith.constant 4 : i32
    %dma_wait3A_921 = arith.constant 0 : i32
    %dma_wait3A_922 = arith.constant 0 : i32
    %dma_wait3A_923 = arith.constant 0 : i32
    %dma_wait3A_924 = tpu.memref_slice %arg15[%dma_wait3A_921, %dma_wait3A_922, %dma_wait3A_923] : memref<8x8x129xf32, #tpu.memory_space<vmem>> -> memref<8x8x128xf32, #tpu.memory_space<vmem>>
    %dma_wait3A_925 = arith.constant 0 : i32
    %dma_wait3A_926 = arith.constant 0 : i32
    %dma_wait3A_927 = arith.constant 0 : i32
    %dma_wait3A_928 = tpu.memref_slice %arg4[%dma_wait3A_919, %dma_wait3A_925, %add3A, %dma_wait3A_926, %dma_wait3A_927] : memref<200x8x32x8x128xf32, #tpu.memory_space<hbm>> -> memref<1x8x1x8x128xf32, #tpu.memory_space<hbm>>
    %dma_wait3A_929 = tpu.memref_squeeze %dma_wait3A_928 : memref<1x8x1x8x128xf32, #tpu.memory_space<hbm>> -> memref<8x8x128xf32, #tpu.memory_space<hbm>>
    %dma_wait3A_930 = tpu.memref_slice %arg17[%dma_wait3A_920] : memref<5x!tpu.dma_semaphore, #tpu.memory_space<semaphore_mem>> -> memref<1x!tpu.dma_semaphore, #tpu.memory_space<semaphore_mem>>
    %dma_wait3A_931 = tpu.memref_squeeze %dma_wait3A_930 : memref<1x!tpu.dma_semaphore, #tpu.memory_space<semaphore_mem>> -> memref<!tpu.dma_semaphore, #tpu.memory_space<semaphore_mem>>
    %dma_wait3A_932 = arith.constant 0 : i32
    %dma_wait3A_933 = arith.constant 0 : i32
    %dma_wait3A_934 = arith.constant 0 : i32
    %dma_wait3A_935 = tpu.memref_slice %arg4[%dma_wait3A_919, %dma_wait3A_932, %add3A, %dma_wait3A_933, %dma_wait3A_934] : memref<200x8x32x8x128xf32, #tpu.memory_space<hbm>> -> memref<1x8x1x8x128xf32, #tpu.memory_space<hbm>>
    %dma_wait3A_936 = tpu.memref_squeeze %dma_wait3A_935 : memref<1x8x1x8x128xf32, #tpu.memory_space<hbm>> -> memref<8x8x128xf32, #tpu.memory_space<hbm>>
    %dma_wait3A_937 = arith.constant 0 : i32
    %dma_wait3A_938 = arith.constant 0 : i32
    %dma_wait3A_939 = arith.constant 0 : i32
    %dma_wait3A_940 = tpu.memref_slice %arg15[%dma_wait3A_937, %dma_wait3A_938, %dma_wait3A_939] : memref<8x8x129xf32, #tpu.memory_space<vmem>> -> memref<8x8x128xf32, #tpu.memory_space<vmem>>
    tpu.wait_dma2 semaphore(%dma_wait3A_931 : memref<!tpu.dma_semaphore, #tpu.memory_space<semaphore_mem>>) src(%dma_wait3A_940 : memref<8x8x128xf32, #tpu.memory_space<vmem>>) dst(%dma_wait3A_936 : memref<8x8x128xf32, #tpu.memory_space<hbm>>)
    %scan3A_941 = arith.constant 0 : i32
    %scan3A_942 = arith.constant 0 : i32
    %scan3A_943 = arith.constant 128 : i32
    %scan3A_944 = arith.addi %scan3A_942, %scan3A_943 : i32
    %scan3A_945 = arith.constant 1 : i32
    scf.for %scan3A_1079 = %scan3A_942 to %scan3A_944 step %scan3A_945  : i32 {
      %add3A_1080 = vector.broadcast %scan3A_1079 : i32 to vector<16xi32>
      %add3A_1081 = arith.addi %broadcast_in_dim3A_3, %add3A_1080 : vector<16xi32>
      %get3A = arith.index_cast %scan3A_1079 : i32 to index
      %get3A_1082 = arith.constant 0 : index
      %get3A_1083 = tpu.vector_load %arg10[%get3A, %get3A_1082] {strides = array<i32>} : memref<128x64xf32, #tpu.memory_space<vmem>>, vector<16xf32>,
      %mul3A_1084 = arith.constant 8.000000e+00 : f32
      %mul3A_1085 = vector.broadcast %mul3A_1084 : f32 to vector<16xf32>
      %mul3A_1086 = arith.mulf %get3A_1083, %mul3A_1085 : vector<16xf32>
      tpu.vector_store_idx %arg15[%shift_right_logical3A_8, %and3A_31, %add3A_1081], %mul3A_1086 : memref<8x8x129xf32, #tpu.memory_space<vmem>>[vector<16xi32>, vector<16xi32>, vector<16xi32>], vector<16xf32>,
      %get3A_1087 = arith.index_cast %scan3A_1079 : i32 to index
      %get3A_1088 = arith.constant 16 : index
      %get3A_1089 = tpu.vector_load %arg10[%get3A_1087, %get3A_1088] {strides = array<i32>} : memref<128x64xf32, #tpu.memory_space<vmem>>, vector<16xf32>,
      %mul3A_1090 = arith.constant 8.000000e+00 : f32
      %mul3A_1091 = vector.broadcast %mul3A_1090 : f32 to vector<16xf32>
      %mul3A_1092 = arith.mulf %get3A_1089, %mul3A_1091 : vector<16xf32>
      tpu.vector_store_idx %arg15[%shift_right_logical3A_14, %and3A_37, %add3A_1081], %mul3A_1092 : memref<8x8x129xf32, #tpu.memory_space<vmem>>[vector<16xi32>, vector<16xi32>, vector<16xi32>], vector<16xf32>,
      %get3A_1093 = arith.index_cast %scan3A_1079 : i32 to index
      %get3A_1094 = arith.constant 32 : index
      %get3A_1095 = tpu.vector_load %arg10[%get3A_1093, %get3A_1094] {strides = array<i32>} : memref<128x64xf32, #tpu.memory_space<vmem>>, vector<16xf32>,
      %mul3A_1096 = arith.constant 8.000000e+00 : f32
      %mul3A_1097 = vector.broadcast %mul3A_1096 : f32 to vector<16xf32>
      %mul3A_1098 = arith.mulf %get3A_1095, %mul3A_1097 : vector<16xf32>
      tpu.vector_store_idx %arg15[%shift_right_logical3A_20, %and3A_43, %add3A_1081], %mul3A_1098 : memref<8x8x129xf32, #tpu.memory_space<vmem>>[vector<16xi32>, vector<16xi32>, vector<16xi32>], vector<16xf32>,
      %get3A_1099 = arith.index_cast %scan3A_1079 : i32 to index
      %get3A_1100 = arith.constant 48 : index
      %get3A_1101 = tpu.vector_load %arg10[%get3A_1099, %get3A_1100] {strides = array<i32>} : memref<128x64xf32, #tpu.memory_space<vmem>>, vector<16xf32>,
      %mul3A_1102 = arith.constant 8.000000e+00 : f32
      %mul3A_1103 = vector.broadcast %mul3A_1102 : f32 to vector<16xf32>
      %mul3A_1104 = arith.mulf %get3A_1101, %mul3A_1103 : vector<16xf32>
      tpu.vector_store_idx %arg15[%shift_right_logical3A_26, %and3A_49, %add3A_1081], %mul3A_1104 : memref<8x8x129xf32, #tpu.memory_space<vmem>>[vector<16xi32>, vector<16xi32>, vector<16xi32>], vector<16xf32>,
    }
    %scan3A_946 = arith.constant 128 : i32
    %dma_start3A_947 = arith.constant 199 : i32
    %dma_start3A_948 = arith.constant 4 : i32
    %dma_start3A_949 = arith.constant 0 : i32
    %dma_start3A_950 = arith.constant 0 : i32
    %dma_start3A_951 = arith.constant 0 : i32
    %dma_start3A_952 = tpu.memref_slice %arg15[%dma_start3A_949, %dma_start3A_950, %dma_start3A_951] : memref<8x8x129xf32, #tpu.memory_space<vmem>> -> memref<8x8x128xf32, #tpu.memory_space<vmem>>
    %dma_start3A_953 = arith.constant 0 : i32
    %dma_start3A_954 = arith.constant 0 : i32
    %dma_start3A_955 = arith.constant 0 : i32
    %dma_start3A_956 = tpu.memref_slice %arg4[%dma_start3A_947, %dma_start3A_953, %add3A, %dma_start3A_954, %dma_start3A_955] : memref<200x8x32x8x128xf32, #tpu.memory_space<hbm>> -> memref<1x8x1x8x128xf32, #tpu.memory_space<hbm>>
    %dma_start3A_957 = tpu.memref_squeeze %dma_start3A_956 : memref<1x8x1x8x128xf32, #tpu.memory_space<hbm>> -> memref<8x8x128xf32, #tpu.memory_space<hbm>>
    %dma_start3A_958 = tpu.memref_slice %arg17[%dma_start3A_948] : memref<5x!tpu.dma_semaphore, #tpu.memory_space<semaphore_mem>> -> memref<1x!tpu.dma_semaphore, #tpu.memory_space<semaphore_mem>>
    %dma_start3A_959 = tpu.memref_squeeze %dma_start3A_958 : memref<1x!tpu.dma_semaphore, #tpu.memory_space<semaphore_mem>> -> memref<!tpu.dma_semaphore, #tpu.memory_space<semaphore_mem>>
    %dma_start3A_960 = arith.constant 0 : i32
    %dma_start3A_961 = arith.constant 0 : i32
    %dma_start3A_962 = arith.constant 0 : i32
    %dma_start3A_963 = tpu.memref_slice %arg4[%dma_start3A_947, %dma_start3A_960, %add3A, %dma_start3A_961, %dma_start3A_962] : memref<200x8x32x8x128xf32, #tpu.memory_space<hbm>> -> memref<1x8x1x8x128xf32, #tpu.memory_space<hbm>>
    %dma_start3A_964 = tpu.memref_squeeze %dma_start3A_963 : memref<1x8x1x8x128xf32, #tpu.memory_space<hbm>> -> memref<8x8x128xf32, #tpu.memory_space<hbm>>
    %dma_start3A_965 = arith.constant 0 : i32
    %dma_start3A_966 = arith.constant 0 : i32
    %dma_start3A_967 = arith.constant 0 : i32
    %dma_start3A_968 = tpu.memref_slice %arg15[%dma_start3A_965, %dma_start3A_966, %dma_start3A_967] : memref<8x8x129xf32, #tpu.memory_space<vmem>> -> memref<8x8x128xf32, #tpu.memory_space<vmem>>
    tpu.enqueue_dma source(%dma_start3A_968 : memref<8x8x128xf32, #tpu.memory_space<vmem>>) target(%dma_start3A_964 : memref<8x8x128xf32, #tpu.memory_space<hbm>>) target_semaphore(%dma_start3A_959 : memref<!tpu.dma_semaphore, #tpu.memory_space<semaphore_mem>>)
    %dma_wait3A_969 = arith.constant 195 : i32
    %dma_wait3A_970 = arith.constant 0 : i32
    %dma_wait3A_971 = arith.constant 0 : i32
    %dma_wait3A_972 = arith.constant 0 : i32
    %dma_wait3A_973 = arith.constant 0 : i32
    %dma_wait3A_974 = tpu.memref_slice %arg11[%dma_wait3A_971, %dma_wait3A_972, %dma_wait3A_973] : memref<8x8x129xf32, #tpu.memory_space<vmem>> -> memref<8x8x128xf32, #tpu.memory_space<vmem>>
    %dma_wait3A_975 = arith.constant 0 : i32
    %dma_wait3A_976 = arith.constant 0 : i32
    %dma_wait3A_977 = arith.constant 0 : i32
    %dma_wait3A_978 = tpu.memref_slice %arg4[%dma_wait3A_969, %dma_wait3A_975, %add3A, %dma_wait3A_976, %dma_wait3A_977] : memref<200x8x32x8x128xf32, #tpu.memory_space<hbm>> -> memref<1x8x1x8x128xf32, #tpu.memory_space<hbm>>
    %dma_wait3A_979 = tpu.memref_squeeze %dma_wait3A_978 : memref<1x8x1x8x128xf32, #tpu.memory_space<hbm>> -> memref<8x8x128xf32, #tpu.memory_space<hbm>>
    %dma_wait3A_980 = tpu.memref_slice %arg17[%dma_wait3A_970] : memref<5x!tpu.dma_semaphore, #tpu.memory_space<semaphore_mem>> -> memref<1x!tpu.dma_semaphore, #tpu.memory_space<semaphore_mem>>
    %dma_wait3A_981 = tpu.memref_squeeze %dma_wait3A_980 : memref<1x!tpu.dma_semaphore, #tpu.memory_space<semaphore_mem>> -> memref<!tpu.dma_semaphore, #tpu.memory_space<semaphore_mem>>
    %dma_wait3A_982 = arith.constant 0 : i32
    %dma_wait3A_983 = arith.constant 0 : i32
    %dma_wait3A_984 = arith.constant 0 : i32
    %dma_wait3A_985 = tpu.memref_slice %arg4[%dma_wait3A_969, %dma_wait3A_982, %add3A, %dma_wait3A_983, %dma_wait3A_984] : memref<200x8x32x8x128xf32, #tpu.memory_space<hbm>> -> memref<1x8x1x8x128xf32, #tpu.memory_space<hbm>>
    %dma_wait3A_986 = tpu.memref_squeeze %dma_wait3A_985 : memref<1x8x1x8x128xf32, #tpu.memory_space<hbm>> -> memref<8x8x128xf32, #tpu.memory_space<hbm>>
    %dma_wait3A_987 = arith.constant 0 : i32
    %dma_wait3A_988 = arith.constant 0 : i32
    %dma_wait3A_989 = arith.constant 0 : i32
    %dma_wait3A_990 = tpu.memref_slice %arg11[%dma_wait3A_987, %dma_wait3A_988, %dma_wait3A_989] : memref<8x8x129xf32, #tpu.memory_space<vmem>> -> memref<8x8x128xf32, #tpu.memory_space<vmem>>
    tpu.wait_dma2 semaphore(%dma_wait3A_981 : memref<!tpu.dma_semaphore, #tpu.memory_space<semaphore_mem>>) src(%dma_wait3A_990 : memref<8x8x128xf32, #tpu.memory_space<vmem>>) dst(%dma_wait3A_986 : memref<8x8x128xf32, #tpu.memory_space<hbm>>)
    %dma_wait3A_991 = arith.constant 196 : i32
    %dma_wait3A_992 = arith.constant 1 : i32
    %dma_wait3A_993 = arith.constant 0 : i32
    %dma_wait3A_994 = arith.constant 0 : i32
    %dma_wait3A_995 = arith.constant 0 : i32
    %dma_wait3A_996 = tpu.memref_slice %arg12[%dma_wait3A_993, %dma_wait3A_994, %dma_wait3A_995] : memref<8x8x129xf32, #tpu.memory_space<vmem>> -> memref<8x8x128xf32, #tpu.memory_space<vmem>>
    %dma_wait3A_997 = arith.constant 0 : i32
    %dma_wait3A_998 = arith.constant 0 : i32
    %dma_wait3A_999 = arith.constant 0 : i32
    %dma_wait3A_1000 = tpu.memref_slice %arg4[%dma_wait3A_991, %dma_wait3A_997, %add3A, %dma_wait3A_998, %dma_wait3A_999] : memref<200x8x32x8x128xf32, #tpu.memory_space<hbm>> -> memref<1x8x1x8x128xf32, #tpu.memory_space<hbm>>
    %dma_wait3A_1001 = tpu.memref_squeeze %dma_wait3A_1000 : memref<1x8x1x8x128xf32, #tpu.memory_space<hbm>> -> memref<8x8x128xf32, #tpu.memory_space<hbm>>
    %dma_wait3A_1002 = tpu.memref_slice %arg17[%dma_wait3A_992] : memref<5x!tpu.dma_semaphore, #tpu.memory_space<semaphore_mem>> -> memref<1x!tpu.dma_semaphore, #tpu.memory_space<semaphore_mem>>
    %dma_wait3A_1003 = tpu.memref_squeeze %dma_wait3A_1002 : memref<1x!tpu.dma_semaphore, #tpu.memory_space<semaphore_mem>> -> memref<!tpu.dma_semaphore, #tpu.memory_space<semaphore_mem>>
    %dma_wait3A_1004 = arith.constant 0 : i32
    %dma_wait3A_1005 = arith.constant 0 : i32
    %dma_wait3A_1006 = arith.constant 0 : i32
    %dma_wait3A_1007 = tpu.memref_slice %arg4[%dma_wait3A_991, %dma_wait3A_1004, %add3A, %dma_wait3A_1005, %dma_wait3A_1006] : memref<200x8x32x8x128xf32, #tpu.memory_space<hbm>> -> memref<1x8x1x8x128xf32, #tpu.memory_space<hbm>>
    %dma_wait3A_1008 = tpu.memref_squeeze %dma_wait3A_1007 : memref<1x8x1x8x128xf32, #tpu.memory_space<hbm>> -> memref<8x8x128xf32, #tpu.memory_space<hbm>>
    %dma_wait3A_1009 = arith.constant 0 : i32
    %dma_wait3A_1010 = arith.constant 0 : i32
    %dma_wait3A_1011 = arith.constant 0 : i32
    %dma_wait3A_1012 = tpu.memref_slice %arg12[%dma_wait3A_1009, %dma_wait3A_1010, %dma_wait3A_1011] : memref<8x8x129xf32, #tpu.memory_space<vmem>> -> memref<8x8x128xf32, #tpu.memory_space<vmem>>
    tpu.wait_dma2 semaphore(%dma_wait3A_1003 : memref<!tpu.dma_semaphore, #tpu.memory_space<semaphore_mem>>) src(%dma_wait3A_1012 : memref<8x8x128xf32, #tpu.memory_space<vmem>>) dst(%dma_wait3A_1008 : memref<8x8x128xf32, #tpu.memory_space<hbm>>)
    %dma_wait3A_1013 = arith.constant 197 : i32
    %dma_wait3A_1014 = arith.constant 2 : i32
    %dma_wait3A_1015 = arith.constant 0 : i32
    %dma_wait3A_1016 = arith.constant 0 : i32
    %dma_wait3A_1017 = arith.constant 0 : i32
    %dma_wait3A_1018 = tpu.memref_slice %arg13[%dma_wait3A_1015, %dma_wait3A_1016, %dma_wait3A_1017] : memref<8x8x129xf32, #tpu.memory_space<vmem>> -> memref<8x8x128xf32, #tpu.memory_space<vmem>>
    %dma_wait3A_1019 = arith.constant 0 : i32
    %dma_wait3A_1020 = arith.constant 0 : i32
    %dma_wait3A_1021 = arith.constant 0 : i32
    %dma_wait3A_1022 = tpu.memref_slice %arg4[%dma_wait3A_1013, %dma_wait3A_1019, %add3A, %dma_wait3A_1020, %dma_wait3A_1021] : memref<200x8x32x8x128xf32, #tpu.memory_space<hbm>> -> memref<1x8x1x8x128xf32, #tpu.memory_space<hbm>>
    %dma_wait3A_1023 = tpu.memref_squeeze %dma_wait3A_1022 : memref<1x8x1x8x128xf32, #tpu.memory_space<hbm>> -> memref<8x8x128xf32, #tpu.memory_space<hbm>>
    %dma_wait3A_1024 = tpu.memref_slice %arg17[%dma_wait3A_1014] : memref<5x!tpu.dma_semaphore, #tpu.memory_space<semaphore_mem>> -> memref<1x!tpu.dma_semaphore, #tpu.memory_space<semaphore_mem>>
    %dma_wait3A_1025 = tpu.memref_squeeze %dma_wait3A_1024 : memref<1x!tpu.dma_semaphore, #tpu.memory_space<semaphore_mem>> -> memref<!tpu.dma_semaphore, #tpu.memory_space<semaphore_mem>>
    %dma_wait3A_1026 = arith.constant 0 : i32
    %dma_wait3A_1027 = arith.constant 0 : i32
    %dma_wait3A_1028 = arith.constant 0 : i32
    %dma_wait3A_1029 = tpu.memref_slice %arg4[%dma_wait3A_1013, %dma_wait3A_1026, %add3A, %dma_wait3A_1027, %dma_wait3A_1028] : memref<200x8x32x8x128xf32, #tpu.memory_space<hbm>> -> memref<1x8x1x8x128xf32, #tpu.memory_space<hbm>>
    %dma_wait3A_1030 = tpu.memref_squeeze %dma_wait3A_1029 : memref<1x8x1x8x128xf32, #tpu.memory_space<hbm>> -> memref<8x8x128xf32, #tpu.memory_space<hbm>>
    %dma_wait3A_1031 = arith.constant 0 : i32
    %dma_wait3A_1032 = arith.constant 0 : i32
    %dma_wait3A_1033 = arith.constant 0 : i32
    %dma_wait3A_1034 = tpu.memref_slice %arg13[%dma_wait3A_1031, %dma_wait3A_1032, %dma_wait3A_1033] : memref<8x8x129xf32, #tpu.memory_space<vmem>> -> memref<8x8x128xf32, #tpu.memory_space<vmem>>
    tpu.wait_dma2 semaphore(%dma_wait3A_1025 : memref<!tpu.dma_semaphore, #tpu.memory_space<semaphore_mem>>) src(%dma_wait3A_1034 : memref<8x8x128xf32, #tpu.memory_space<vmem>>) dst(%dma_wait3A_1030 : memref<8x8x128xf32, #tpu.memory_space<hbm>>)
    %dma_wait3A_1035 = arith.constant 198 : i32
    %dma_wait3A_1036 = arith.constant 3 : i32
    %dma_wait3A_1037 = arith.constant 0 : i32
    %dma_wait3A_1038 = arith.constant 0 : i32
    %dma_wait3A_1039 = arith.constant 0 : i32
    %dma_wait3A_1040 = tpu.memref_slice %arg14[%dma_wait3A_1037, %dma_wait3A_1038, %dma_wait3A_1039] : memref<8x8x129xf32, #tpu.memory_space<vmem>> -> memref<8x8x128xf32, #tpu.memory_space<vmem>>
    %dma_wait3A_1041 = arith.constant 0 : i32
    %dma_wait3A_1042 = arith.constant 0 : i32
    %dma_wait3A_1043 = arith.constant 0 : i32
    %dma_wait3A_1044 = tpu.memref_slice %arg4[%dma_wait3A_1035, %dma_wait3A_1041, %add3A, %dma_wait3A_1042, %dma_wait3A_1043] : memref<200x8x32x8x128xf32, #tpu.memory_space<hbm>> -> memref<1x8x1x8x128xf32, #tpu.memory_space<hbm>>
    %dma_wait3A_1045 = tpu.memref_squeeze %dma_wait3A_1044 : memref<1x8x1x8x128xf32, #tpu.memory_space<hbm>> -> memref<8x8x128xf32, #tpu.memory_space<hbm>>
    %dma_wait3A_1046 = tpu.memref_slice %arg17[%dma_wait3A_1036] : memref<5x!tpu.dma_semaphore, #tpu.memory_space<semaphore_mem>> -> memref<1x!tpu.dma_semaphore, #tpu.memory_space<semaphore_mem>>
    %dma_wait3A_1047 = tpu.memref_squeeze %dma_wait3A_1046 : memref<1x!tpu.dma_semaphore, #tpu.memory_space<semaphore_mem>> -> memref<!tpu.dma_semaphore, #tpu.memory_space<semaphore_mem>>
    %dma_wait3A_1048 = arith.constant 0 : i32
    %dma_wait3A_1049 = arith.constant 0 : i32
    %dma_wait3A_1050 = arith.constant 0 : i32
    %dma_wait3A_1051 = tpu.memref_slice %arg4[%dma_wait3A_1035, %dma_wait3A_1048, %add3A, %dma_wait3A_1049, %dma_wait3A_1050] : memref<200x8x32x8x128xf32, #tpu.memory_space<hbm>> -> memref<1x8x1x8x128xf32, #tpu.memory_space<hbm>>
    %dma_wait3A_1052 = tpu.memref_squeeze %dma_wait3A_1051 : memref<1x8x1x8x128xf32, #tpu.memory_space<hbm>> -> memref<8x8x128xf32, #tpu.memory_space<hbm>>
    %dma_wait3A_1053 = arith.constant 0 : i32
    %dma_wait3A_1054 = arith.constant 0 : i32
    %dma_wait3A_1055 = arith.constant 0 : i32
    %dma_wait3A_1056 = tpu.memref_slice %arg14[%dma_wait3A_1053, %dma_wait3A_1054, %dma_wait3A_1055] : memref<8x8x129xf32, #tpu.memory_space<vmem>> -> memref<8x8x128xf32, #tpu.memory_space<vmem>>
    tpu.wait_dma2 semaphore(%dma_wait3A_1047 : memref<!tpu.dma_semaphore, #tpu.memory_space<semaphore_mem>>) src(%dma_wait3A_1056 : memref<8x8x128xf32, #tpu.memory_space<vmem>>) dst(%dma_wait3A_1052 : memref<8x8x128xf32, #tpu.memory_space<hbm>>)
    %dma_wait3A_1057 = arith.constant 199 : i32
    %dma_wait3A_1058 = arith.constant 4 : i32
    %dma_wait3A_1059 = arith.constant 0 : i32
    %dma_wait3A_1060 = arith.constant 0 : i32
    %dma_wait3A_1061 = arith.constant 0 : i32
    %dma_wait3A_1062 = tpu.memref_slice %arg15[%dma_wait3A_1059, %dma_wait3A_1060, %dma_wait3A_1061] : memref<8x8x129xf32, #tpu.memory_space<vmem>> -> memref<8x8x128xf32, #tpu.memory_space<vmem>>
    %dma_wait3A_1063 = arith.constant 0 : i32
    %dma_wait3A_1064 = arith.constant 0 : i32
    %dma_wait3A_1065 = arith.constant 0 : i32
    %dma_wait3A_1066 = tpu.memref_slice %arg4[%dma_wait3A_1057, %dma_wait3A_1063, %add3A, %dma_wait3A_1064, %dma_wait3A_1065] : memref<200x8x32x8x128xf32, #tpu.memory_space<hbm>> -> memref<1x8x1x8x128xf32, #tpu.memory_space<hbm>>
    %dma_wait3A_1067 = tpu.memref_squeeze %dma_wait3A_1066 : memref<1x8x1x8x128xf32, #tpu.memory_space<hbm>> -> memref<8x8x128xf32, #tpu.memory_space<hbm>>
    %dma_wait3A_1068 = tpu.memref_slice %arg17[%dma_wait3A_1058] : memref<5x!tpu.dma_semaphore, #tpu.memory_space<semaphore_mem>> -> memref<1x!tpu.dma_semaphore, #tpu.memory_space<semaphore_mem>>
    %dma_wait3A_1069 = tpu.memref_squeeze %dma_wait3A_1068 : memref<1x!tpu.dma_semaphore, #tpu.memory_space<semaphore_mem>> -> memref<!tpu.dma_semaphore, #tpu.memory_space<semaphore_mem>>
    %dma_wait3A_1070 = arith.constant 0 : i32
    %dma_wait3A_1071 = arith.constant 0 : i32
    %dma_wait3A_1072 = arith.constant 0 : i32
    %dma_wait3A_1073 = tpu.memref_slice %arg4[%dma_wait3A_1057, %dma_wait3A_1070, %add3A, %dma_wait3A_1071, %dma_wait3A_1072] : memref<200x8x32x8x128xf32, #tpu.memory_space<hbm>> -> memref<1x8x1x8x128xf32, #tpu.memory_space<hbm>>
    %dma_wait3A_1074 = tpu.memref_squeeze %dma_wait3A_1073 : memref<1x8x1x8x128xf32, #tpu.memory_space<hbm>> -> memref<8x8x128xf32, #tpu.memory_space<hbm>>
    %dma_wait3A_1075 = arith.constant 0 : i32
    %dma_wait3A_1076 = arith.constant 0 : i32
    %dma_wait3A_1077 = arith.constant 0 : i32
    %dma_wait3A_1078 = tpu.memref_slice %arg15[%dma_wait3A_1075, %dma_wait3A_1076, %dma_wait3A_1077] : memref<8x8x129xf32, #tpu.memory_space<vmem>> -> memref<8x8x128xf32, #tpu.memory_space<vmem>>
    tpu.wait_dma2 semaphore(%dma_wait3A_1069 : memref<!tpu.dma_semaphore, #tpu.memory_space<semaphore_mem>>) src(%dma_wait3A_1078 : memref<8x8x128xf32, #tpu.memory_space<vmem>>) dst(%dma_wait3A_1074 : memref<8x8x128xf32, #tpu.memory_space<hbm>>)
    return
  }
}

</mosaic_0001>

<sc_bundles>
// kernel: kernel.3.cloned.1.call-start
scs
__scs_entry_jumppad:
0x0: {  	(pc) =	sbr.rel $0x88, $3  }
0x1: {  	(tag) =	ssettag $0x0;
	lr =	simm.s32 $0x1  }
0x2: {  	[smem:$0x3F9F] =	sst lr;
	_ =	strace $0xD0000000  }
0x3: {  	_ = 	snop  }
0x4: {  	_ = 	snop  }
0x5: {  	_ = 	snop  }
0x6: {  	_ = 	snop  }
0x7: {  	_ = 	snop  }
__scs_overlays_trampoline_lowered:
0x8: {  	[smem:$0x3FAE] =	sst s0  }
0x9: {  	[smem:$0x3FAF] =	sst s1  }
0xa: {  	[smem:$0x3FB0] =	sst s2  }
0xb: {  	[smem:$0x3FB1] =	sst s3  }
0xc: {  	[smem:$0x3FB2] =	sst s4  }
0xd: {  	[smem:$0x3FB3] =	sst s5  }
0xe: {  	[smem:$0x3FB4] =	sst s6  }
0xf: {  	[smem:$0x3FB5] =	sst s7  }
0x10: {  	[smem:$0x3FB6] =	sst s8  }
0x11: {  	[smem:$0x3FB7] =	sst s9;
	s0 =	simm.s32 @!p0 $0x0  }
0x12: {  	s1 =	sld [smem:$0x3F9D];
	s0 =	simm.s32 @p0 $0x1  }
0x13: {  	[smem:$0x3FB8] =	sst s0;
	s0 =	simm.s32 @!p1 $0x0  }
0x14: {  	s2 =	sld [smem:$0x3F9C];
	s0 =	simm.s32 @p1 $0x1  }
0x15: {  	[smem:$0x3FB9] =	sst s0;
	s0 =	simm.s32 @!p2 $0x0  }
0x16: {  	s3 =	sld [smem:$0x3FDB];
	s0 =	simm.s32 @p2 $0x1  }
0x17: {  	s4 =	simm.s32 $0x1BF5;
	[smem:$0x3FBB] =	sst s0  }
0x18: {  	s0 =	sld [smem:$0x3F9E];
	_ =	swait.ge [sflag:s4], $0x0  }
0x19: {  	s7 =	sld [smem:$0x3F9F]  }
0x1a: {  	s8 =	sadd.s32 $0xFFFFE003, lr  }
0x1b: {  	s9 =	sadd.s32 $0xFFFFFEF7, lr;
	s5 =	simm.s32 $0xFFFFFFFF;
	p2 =	slt.u32 s8, $0xFFFFF086  }
0x1c: {  	p1 =	slt.u32 s9, $0xF7A;
	s5 =	simm.s32 @!p2 $0x0  }
0x1d: {  	s5 =	simm.s32 @p1 $0x1;
	p0 =	seq.s32 s7, s2  }
0x1e: {  	s7 =	smul.u32 @!p0 $0xF7A, s2;
	p2 =	seq.s32 @!p0 s5, $0x0  }
0x1f: {  	s9 =	smul.u32 $0xF7A, s1;
	s8 =	simm.s32 @!p0 $0x1BF5;
	p2 =	por !p2, p0  }
0x20: {  	[sflag:s8] =	ssyncset.s32 @!p0 $0xFFFFF086;
	s6 =	sadd.s32 @!p0 s3, s7;
	s7 =	simm.s32 @!p0 $0x108  }
0x21: {  	s3 =	sadd.s32 s3, s9;
	s6 =	sadd.s32 @!p0 $0x88, s6;
	s7 =	simm.s32 @p2 $0x1082  }
0x22: {  	[simem:s7], [sflag:s8] =	dma.local @!p0 [hbm:s6], $0xF7A  }
0x23: {  	s9 =	sor.u32 $0xD0000000, s2;
	s6 =	simm.s32 $0x108;
	_ =	swait.ge @!p0 [sflag:s8], $0x0  }
0x24: {  	s3 =	sadd.s32 $0x88, s3;
	s6 =	simm.s32 @!p1 $0x1082;
	[sflag:s4] =	ssyncset.s32 $0xFFFFF086  }
0x25: {  	[simem:s6], [sflag:s4] =	dma.local [hbm:s3], $0xF7A  }
0x26: {  	[smem:$0x3F9F] =	sst s1;
	(tag) =	ssettag s2;
	_ =	strace s9  }
0x27: {  	s1 =	sld [smem:$0x3FAF]  }
0x28: {  	s2 =	sld [smem:$0x3FB0]  }
0x29: {  	s4 =	sld [smem:$0x3FB2]  }
0x2a: {  	p0 =	seq.s32 s5, $0x0;
	s5 =	sld [smem:$0x3FB3]  }
0x2b: {  	s6 =	sld [smem:$0x3FB4]  }
0x2c: {  	s7 =	sld [smem:$0x3FB5]  }
0x2d: {  	s3 =	simm.s32 $0x108;
	s8 =	sld [smem:$0x3FB6]  }
0x2e: {  	s3 =	simm.s32 @!p0 $0x1082;
	s9 =	sld [smem:$0x3FB7]  }
0x2f: {  	lr =	sadd.s32 s0, s3;
	s0 =	sld [smem:$0x3FAE]  }
0x30: {  	s3 =	sld [smem:$0x3FB1]  }
0x31: {  	[smem:$0x3FBA] =	sst s10  }
0x32: {  	s10 =	sld [smem:$0x3FB8];
	_ =	sdelay $0x3  }
0x33: {  	p0 =	seq.s32 s10, $0x1;
	s10 =	sld [smem:$0x3FBA];
	_ =	sdelay $0x3  }
0x34: {  	[smem:$0x3FBA] =	sst s10  }
0x35: {  	s10 =	sld [smem:$0x3FB9];
	_ =	sdelay $0x3  }
0x36: {  	p1 =	seq.s32 s10, $0x1;
	s10 =	sld [smem:$0x3FBA];
	_ =	sdelay $0x3  }
0x37: {  	[smem:$0x3FBA] =	sst s10  }
0x38: {  	s10 =	sld [smem:$0x3FBB]  }
0x39: {  	_ = 	snop;
	(pc) =	sbr.ind lr, $3  }
0x3a: {  	_ = 	snop  }
0x3b: {  	_ = 	snop  }
0x3c: {  	p2 =	seq.s32 s10, $0x1;
	s10 =	sld [smem:$0x3FBA]  }
0x3d: {  	_ =	shalt  }
0x3e: {  	_ =	shalt  }
0x3f: {  	_ =	shalt  }
0x40: {  	_ =	shalt  }
0x41: {  	_ =	shalt  }
0x42: {  	_ =	shalt  }
0x43: {  	_ =	shalt  }
0x44: {  	_ =	shalt  }
0x45: {  	_ =	shalt  }
0x46: {  	_ =	shalt  }
0x47: {  	_ =	shalt  }
0x48: {  	_ =	shalt  }
0x49: {  	_ =	shalt  }
0x4a: {  	_ =	shalt  }
0x4b: {  	_ =	shalt  }
0x4c: {  	_ =	shalt  }
0x4d: {  	_ =	shalt  }
0x4e: {  	_ =	shalt  }
0x4f: {  	_ =	shalt  }
0x50: {  	_ =	shalt  }
0x51: {  	_ =	shalt  }
0x52: {  	_ =	shalt  }
0x53: {  	_ =	shalt  }
0x54: {  	_ =	shalt  }
0x55: {  	_ =	shalt  }
0x56: {  	_ =	shalt  }
0x57: {  	_ =	shalt  }
0x58: {  	_ =	shalt  }
0x59: {  	_ =	shalt  }
0x5a: {  	_ =	shalt  }
0x5b: {  	_ =	shalt  }
0x5c: {  	_ =	shalt  }
0x5d: {  	_ =	shalt  }
0x5e: {  	_ =	shalt  }
0x5f: {  	_ =	shalt  }
0x60: {  	_ =	shalt  }
0x61: {  	_ =	shalt  }
0x62: {  	_ =	shalt  }
0x63: {  	_ =	shalt  }
0x64: {  	_ =	shalt  }
0x65: {  	_ =	shalt  }
0x66: {  	_ =	shalt  }
0x67: {  	_ =	shalt  }
0x68: {  	_ =	shalt  }
0x69: {  	_ =	shalt  }
0x6a: {  	_ =	shalt  }
0x6b: {  	_ =	shalt  }
0x6c: {  	_ =	shalt  }
0x6d: {  	_ =	shalt  }
0x6e: {  	_ =	shalt  }
0x6f: {  	_ =	shalt  }
0x70: {  	_ =	shalt  }
0x71: {  	_ =	shalt  }
0x72: {  	_ =	shalt  }
0x73: {  	_ =	shalt  }
0x74: {  	_ =	shalt  }
0x75: {  	_ =	shalt  }
0x76: {  	_ =	shalt  }
0x77: {  	_ =	shalt  }
0x78: {  	_ =	shalt  }
0x79: {  	_ =	shalt  }
0x7a: {  	_ =	shalt  }
0x7b: {  	_ =	shalt  }
0x7c: {  	_ =	shalt  }
0x7d: {  	_ =	shalt  }
0x7e: {  	_ =	shalt  }
0x7f: {  	_ =	shalt  }
0x80: {  	_ =	shalt  }
0x81: {  	_ =	shalt  }
0x82: {  	_ =	shalt  }
0x83: {  	_ =	shalt  }
0x84: {  	_ =	shalt  }
0x85: {  	_ =	shalt  }
0x86: {  	_ =	shalt  }
0x87: {  	_ =	shalt  }
.Lfunc_end0:
.L_simem_size_0:
called_computation.1_lowered:
.L_overlay_start_0:
0x88: {  	s2 =	sld [smem:$0x3FD9]  }
0x89: {  	s3 =	sld [smem:$0x3FFE];
	_ =	sdelay $0x1  }
0x8a: {  	s1 =	srdreg.scid  }
0x8b: {  	s0 =	sand.u32 $0x1, s1  }
0x8c: {  	s17 =	sshll.u32 s0, $0xA;
	s2 =	sadd.s32 s3, s2  }
0x8d: {  	s2 =	sadd.s32 s2, s17  }
0x8e: {  	[smem:$0x3FC6] =	sst s2  }
0x8f: {  	_ = 	snop  }
0x90: {  	s2 =	sld [smem:$0x3FD0];
	(tm) =	ssettm $0x1  }
0x91: {  	s18 =	sld [smem:$0x3FFB];
	_ =	sdelay $0x3  }
0x92: {  	_ =	strace s18  }
0x93: {  	s3 =	sld [smem:$0x3FFC];
	_ =	sdelay $0x3  }
0x94: {  	_ =	strace s3  }
0x95: {  	s3 =	sld [smem:$0x3FFD];
	_ =	sdelay $0x3  }
0x96: {  	_ =	strace s3  }
0x97: {  	_ =	strace $0x8FFFFFFF  }
0x98: {  	s19 =	sld [smem:$0x3FDB];
	_ =	sdelay $0x1  }
0x99: {  	s4 =	simm.s32 $_scs_section_size  }
0x9a: {  	s5 =	simm.s32 $_size__tile_overlayer_lowered;
	s6 =	simm.s32 $_tile_overlayer_lowered  }
0x9b: {  	s22 =	simm.s32 $0x1BFF;
	s21 =	sshll.u32 s6, $0x1;
	s3 =	sadd.s32 s4, s19  }
0x9c: {  	s7 =	simm.s32 $0x0;
	s20 =	sshll.u32 s5, $0x1;
	s5 =	sadd.s32 s21, s3  }
0x9d: {  	[timem:s7], [sflag:s22] =	dma.local [hbm:s5], s20  }
0x9e: {  	_ =	swait.ge [sflag:s22], s20  }
0x9f: {  	s4 =	ssub.s32 $0x0, s20;
	[sflag:s22] =	ssyncset.done $0x0  }
0xa0: {  	[sflag:s22] =	ssyncadd.s32 s4;
	_ =	sdelay $0x1  }
0xa1: {  	s23 =	simm.s32 $0x1B8B  }
0xa2: {  	_ =	swait.ge [sflag:s23], $0x1  }
0xa3: {  	[sflag:s23] =	ssyncset.done $0x0  }
0xa4: {  	s25 =	simm.s32 $0x1B8E;
	s24 =	sld [smem:$0x3FFE];
	[sflag:s23] =	ssyncadd.s32 $0xFFFFFFFF  }
0xa5: {  	s26 =	simm.s32 $execute0_lowered;
	[smem:$0x3FD2] =	sst s25  }
0xa6: {  	s5 =	sshll.u32 s26, $0x1;
	_ =	strace $0x80000049;
	[dreg:$0x1] =	wrdreg $0xFFFFFFFF  }
0xa7: {  	s28 =	simm.s32 $_size_execute0_lowered;
	s3 =	sadd.s32 s3, s5;
	[dreg:$0x0] =	wrdreg $0x0  }
0xa8: {  	s5 =	sshll.u32 s28, $0x1;
	[dreg:$0x2] =	wrdreg s3  }
0xa9: {  	[dreg:$0x3] =	wrdreg s5  }
0xaa: {  	[dreg:$0x4] =	wrdreg $0xC0  }
0xab: {  	_ =	task [dreg:s7], $0x5FFFF  }
0xac: {  	[dreg:$0x1] =	wrdreg $0xFFFFFFFF  }
0xad: {  	[dreg:$0x0] =	wrdreg $0x60  }
0xae: {  	[dreg:$0x2] =	wrdreg s24  }
0xaf: {  	[dreg:$0x3] =	wrdreg s2  }
0xb0: {  	[dreg:$0x4] =	wrdreg $0x9  }
0xb1: {  	_ =	task.clear_ibuf [dreg:s7], $0x5FFFF;
	_ =	strace $0x90000049  }
0xb2: {  	s29 =	simm.s32 $0x9;
	_ =	strace $0x8000004B  }
0xb3: {  	_ =	swait.ge [sflag:s29], $0x1  }
0xb4: {  	[sflag:s29] =	ssyncadd.s32 $0xFFFFFFFF  }
0xb5: {  	_ =	strace $0x9000004B  }
0xb6: {  	_ =	sfence  }
0xb7: {  	s30 =	sld [smem:$0x0];
	_ =	sdelay $0x2  }
0xb8: {  	s31 =	sshll.u32 s1, $0xD;
	s1 =	sshrl.u32 s1, $0x2  }
0xb9: {  	s3 =	sand.u32 $0x4000, s31;
	s1 =	sadd.s32 s1, s30  }
0xba: {  	s0 =	sor.u32 s3, s0;
	s1 =	sshll.u32 s1, $0x11  }
0xbb: {  	s0 =	sor.u32 s1, s0  }
0xbc: {  	s0 =	sadd.s32 $0x8F2B, s0  }
0xbd: {  	[sflag:s0] =	ssyncadd.remote.s32 $0x1  }
0xbe: {  	_ =	sfence.sel $0xFFFF  }
0xbf: {  	[dreg:$0x0] =	wrdreg $0xFFFFFFFF;
	(pc) =	sbr.abs _section_cstart, $3  }
0xc0: {  	[dreg:$0x1] =	wrdreg $0xFFFFFFFF  }
0xc1: {  	_ =	task.clear_ibuf [dreg:s7], $0x2FFFF;
	_ =	strace $0x9FFFFFFF  }
0xc2: {  	(tm) =	ssettm $0x7FFFFFFF  }
0xc3: {  	_ =	shalt  }
tec
execute0_lowered:
.L_overlay_start_1:
0x0: {  	(tag) =	ssettag $0x1  }
0x1: {  	s0 =	rddreg [dreg:$0x0]  }
0x2: {  	s2 =	rddreg [dreg:$0x1];
	s1 =	srdreg.scid  }
0x3: {  	s4 =	stileid.u32;
	s3 =	simm.s32 $0x0;
	s12 =	simm.s32 $0x80  }
0x4: {  	s9 =	simm.s32 $0x12600;
	s1 =	sand.u32 $0x1, s1;
	s4 =	sshll.u32 s4, $0x1  }
0x5: {  	s10 =	simm.s32 $0x3;
	s11 =	simm.s32 $0x14800;
	s5 =	sor.u32 s1, s4  }
0x6: {  	s16 =	simm.s32 $0x4;
	s4 =	sshll.u32 s5, $0x4;
	s8 =	sshll.u32 s5, $0x7  }
0x7: {  	[smem:$0x7FF] =	sst s3;
	s6 =	sadd.s32 s4, s0;
	s18 =	sadd.s32 s2, s8  }
0x8: {  	_ =	strace $0x8000004A;
	s6 =	sadd.s32 $0xF42E00, s6;
	[dreg:$0x3] =	wrdreg s18  }
0x9: {  	s1 =	ssub.s32 $0x2, s1;
	s19 =	sadd.s32 $0x8000, s18;
	[dreg:$0x4] =	wrdreg s6  }
0xa: {  	s7 =	sshrl.u32 s1, $0x1;
	s20 =	sadd.s32 $0x10000, s18;
	[dreg:$0x5] =	wrdreg s19  }
0xb: {  	s17 =	ssub.s32 s1, s7;
	s21 =	sadd.s32 $0x18000, s18;
	[dreg:$0x6] =	wrdreg s20  }
0xc: {  	s7 =	sshll.u32 s5, $0xA;
	s22 =	sadd.s32 $0x20000, s18;
	[dreg:$0x7] =	wrdreg s21  }
0xd: {  	s28 =	simm.s32 $0x9;
	s23 =	sor.u32 $0x40000, s7;
	[dreg:$0x8] =	wrdreg s22  }
0xe: {  	s29 =	simm.s32 $0xA;
	s24 =	sor.u32 $0x80000, s7;
	[dreg:$0x9] =	wrdreg s23  }
0xf: {  	s4 =	sadd.s32 $0xF5BE00, s0;
	s25 =	sadd.s32 $0x618000, s18;
	[dreg:$0xa] =	wrdreg s24  }
0x10: {  	s8 =	simm.s32 $0x2;
	s26 =	sadd.s32 $0x620000, s18;
	[dreg:$0xb] =	wrdreg s25  }
0x11: {  	s5 =	simm.s32 $0x7;
	s30 =	sadd.s32 $0x628000, s18;
	[dreg:$0xc] =	wrdreg s26  }
0x12: {  	s14 =	sor.u32 $0xC0000, s7;
	s31 =	sadd.s32 $0x630000, s18;
	[dreg:$0xd] =	wrdreg s30  }
0x13: {  	s15 =	sor.u32 $0x100000, s7;
	s1 =	sadd.s32 $0x638000, s18;
	[dreg:$0xe] =	wrdreg s31  }
0x14: {  	v0 =	vlaneseq.u32;
	s0 =	smax.u32 s17, $0x1;
	s17 =	simm.s32 $0x16A00;
	[dreg:$0xf] =	wrdreg s1  }
0x15: {  	v0 =	vmul.u32 $0x88, v0;
	s18 =	simm.s32 $0x5;
	[dreg:$0x10] =	wrdreg s0;
	s25 =	simm.s32 $0x40  }
0x16: {  	s21 =	simm.s32 $0x1;
	s24 =	simm.s32 $0x10400;
	s19 =	simm.s32 $0x18C00  }
0x17: {  	v1 =	vadd.s32 $0x880, v0;
	v2 =	vadd.s32 $0x1100, v0;
	v3 =	vadd.s32 $0x1980, v0;
	s20 =	simm.s32 $0x6;
	s26 =	simm.s32 $0x8;
	s1 =	simm.s32 $0x0  }
.LBB2_1:
0x18: {  	[dreg:$0x11] =	wrdreg s1  }
0x19: {  	s0 =	rddreg [dreg:$0x4];
	s30 =	simm.s32 $0x1000;
	s31 =	simm.s32 $0xB  }
0x1a: {  	[tilespmem:s3], [sflag:$0xB] =	stream.strided.gather [hbm4b:s0+s12], $0x6400, s30, s12, $0x38;
	[tilespmem:$0x1AE00] =	vst v63  }
0x1b: {  	_ =	swait.ge [sflag:s31], $0x6400  }
0x1c: {  	[sflag:s31] =	ssyncset.done $0x0  }
0x1d: {  	s1 =	simm.s32 $0x0;
	[sflag:s31] =	ssyncadd.s32 $0xFFFF9C00  }
0x1e: {  	v5 =	vld [tilespmem:s1+$0x0]  }
0x1f: {  	v6 =	vld [tilespmem:s1+$0x10]  }
0x20: {  	v8 =	vld [tilespmem:s1+$0x20]  }
0x21: {  	v7 =	vld [tilespmem:s1+$0x30]  }
0x22: {  	v4 =	vld [tilespmem:s1+$0x40]  }
0x23: {  	vm0 =	veq.s32 v5, $0x0;
	v9 =	vshll.u32 v5, $0x1;
	v5 =	vld [tilespmem:s1+$0x50]  }
0x24: {  	s0 =	simm.s32 $0x200;
	v10 =	vshll.u32 v6, $0x1;
	v9 =	vsel vm0, $0x1, v9;
	vm0 =	veq.s32 v6, $0x0;
	v6 =	vld [tilespmem:s1+$0x60]  }
.LBB2_2:
0x25: {  	s6 =	sshra.s32 s0, $0x2;
	p0 =	sne.s32 s0, $0x18E00;
	[tilespmem:s1+$0x0] =	vst v9;
	v9 =	vsel vm0, $0x1, v10;
	vm0 =	veq.s32 v8, $0x0;
	v8 =	vshll.u32 v8, $0x1;
	v10 =	vld [tilespmem:s1+$0x70]  }
0x26: {  	v11 =	vld [tilespmem:s6+$0x0];
	[tilespmem:s1+$0x10] =	vst v9;
	v8 =	vsel vm0, $0x1, v8;
	vm0 =	veq.s32 v7, $0x0;
	v7 =	vshll.u32 v7, $0x1  }
0x27: {  	v12 =	vld [tilespmem:s6+$0x10];
	[tilespmem:s1+$0x20] =	vst v8;
	v7 =	vsel vm0, $0x1, v7;
	vm0 =	veq.s32 v4, $0x0;
	v4 =	vshll.u32 v4, $0x1  }
.Ltmp0:
0x28: {  	v8 =	vld [tilespmem:s6+$0x20];
	[tilespmem:s1+$0x30] =	vst v7;
	v4 =	vsel vm0, $0x1, v4;
	vm0 =	veq.s32 v5, $0x0;
	v5 =	vshll.u32 v5, $0x1;
	(pc) =	sbr.rel @p0 .LBB2_2-.Ltmp0, $4  }
0x29: {  	v7 =	vld [tilespmem:s6+$0x30];
	[tilespmem:s1+$0x40] =	vst v4;
	v5 =	vsel vm0, $0x1, v5;
	vm0 =	veq.s32 v6, $0x0;
	v6 =	vshll.u32 v6, $0x1  }
0x2a: {  	v4 =	vld [tilespmem:s6+$0x40];
	[tilespmem:s1+$0x50] =	vst v5;
	v6 =	vsel vm0, $0x1, v6;
	vm0 =	veq.s32 v10, $0x0;
	v9 =	vshll.u32 v10, $0x1  }
0x2b: {  	vm1 =	veq.s32 v11, $0x0;
	v10 =	vshll.u32 v11, $0x1;
	v5 =	vld [tilespmem:s6+$0x50];
	[tilespmem:s1+$0x60] =	vst v6;
	v11 =	vsel vm0, $0x1, v9  }
0x2c: {  	s0 =	sadd.s32 $0x200, s0;
	v9 =	vsel vm1, $0x1, v10;
	vm0 =	veq.s32 v12, $0x0;
	v10 =	vshll.u32 v12, $0x1;
	v6 =	vld [tilespmem:s6+$0x60];
	[tilespmem:s1+$0x70] =	vst v11;
	s1 =	smov.u32 s6  }
0x2d: {  	[tilespmem:s1+$0x0] =	vst v9;
	v61 =	vsel vm0, $0x1, v10;
	vm10 =	veq.s32 v8, $0x0;
	v62 =	vshll.u32 v8, $0x1;
	v63 =	vld [tilespmem:s1+$0x70]  }
0x2e: {  	[tilespmem:s1+$0x10] =	vst v61;
	v8 =	vsel vm10, $0x1, v62;
	vm11 =	veq.s32 v7, $0x0;
	v7 =	vshll.u32 v7, $0x1  }
0x2f: {  	[tilespmem:s1+$0x20] =	vst v8;
	v7 =	vsel vm11, $0x1, v7;
	vm12 =	veq.s32 v4, $0x0;
	v4 =	vshll.u32 v4, $0x1  }
0x30: {  	[tilespmem:s1+$0x30] =	vst v7;
	v4 =	vsel vm12, $0x1, v4;
	vm13 =	veq.s32 v5, $0x0;
	v5 =	vshll.u32 v5, $0x1  }
0x31: {  	[tilespmem:s1+$0x40] =	vst v4;
	v4 =	vsel vm13, $0x1, v5;
	vm14 =	veq.s32 v6, $0x0;
	v5 =	vshll.u32 v6, $0x1  }
0x32: {  	[tilespmem:s1+$0x50] =	vst v4;
	v4 =	vsel vm14, $0x1, v5;
	vm15 =	veq.s32 v63, $0x0;
	v5 =	vshll.u32 v63, $0x1  }
0x33: {  	[tilespmem:s1+$0x60] =	vst v4;
	v4 =	vsel vm15, $0x1, v5  }
0x34: {  	s0 =	simm.s32 $0x0;
	s22 =	simm.s32 $0x6400;
	[tilespmem:s1+$0x70] =	vst v4  }
0x35: {  	[tilespmem:s22], [sflag:$0x1] =	stream.indirect.gather [hbm4b:s4+s25], $0x40, s0, s25, $0xb8;
	[tilespmem:$0x1AE00] =	vst v63  }
0x36: {  	s23 =	simm.s32 $0x7400  }
0x37: {  	[tilespmem:s23], [sflag:$0x1] =	stream.indirect.gather [hbm4b:s4+s25], $0x40, s25, s25, $0xb8;
	[tilespmem:$0x1AE00] =	vst v63  }
0x38: {  	s30 =	simm.s32 $0x8400  }
0x39: {  	[tilespmem:s30], [sflag:$0x2] =	stream.indirect.gather [hbm4b:s4+s25], $0x40, s12, s25, $0xb8;
	[tilespmem:$0x1AE00] =	vst v63  }
0x3a: {  	s31 =	simm.s32 $0xC0;
	s6 =	simm.s32 $0x9400  }
0x3b: {  	[tilespmem:s6], [sflag:$0x2] =	stream.indirect.gather [hbm4b:s4+s25], $0x40, s31, s25, $0xb8;
	[tilespmem:$0x1AE00] =	vst v63  }
0x3c: {  	s13 =	simm.s32 $0xA400;
	s12 =	simm.s32 $0x100  }
0x3d: {  	[tilespmem:s13], [sflag:$0x3] =	stream.indirect.gather [hbm4b:s4+s25], $0x40, s12, s25, $0xb8;
	[tilespmem:$0x1AE00] =	vst v63  }
0x3e: {  	s22 =	simm.s32 $0x140;
	s23 =	simm.s32 $0xB400  }
0x3f: {  	[tilespmem:s23], [sflag:$0x3] =	stream.indirect.gather [hbm4b:s4+s25], $0x40, s22, s25, $0xb8;
	[tilespmem:$0x1AE00] =	vst v63  }
0x40: {  	s30 =	simm.s32 $0x180;
	s31 =	simm.s32 $0xC400  }
0x41: {  	[tilespmem:s31], [sflag:$0x4] =	stream.indirect.gather [hbm4b:s4+s25], $0x40, s30, s25, $0xb8;
	[tilespmem:$0x1AE00] =	vst v63  }
0x42: {  	s12 =	simm.s32 $0x1C0;
	s13 =	simm.s32 $0xD400  }
0x43: {  	[tilespmem:s13], [sflag:$0x4] =	stream.indirect.gather [hbm4b:s4+s25], $0x40, s12, s25, $0xb8;
	[tilespmem:$0x1AE00] =	vst v63  }
0x44: {  	s22 =	simm.s32 $0x200;
	s23 =	simm.s32 $0xE400  }
0x45: {  	[tilespmem:s23], [sflag:$0x5] =	stream.indirect.gather [hbm4b:s4+s25], $0x40, s22, s25, $0xb8;
	[tilespmem:$0x1AE00] =	vst v63  }
0x46: {  	s30 =	simm.s32 $0x240;
	s31 =	simm.s32 $0xF400  }
0x47: {  	[tilespmem:s31], [sflag:$0x5] =	stream.indirect.gather [hbm4b:s4+s25], $0x40, s30, s25, $0xb8;
	[tilespmem:$0x1AE00] =	vst v63  }
0x48: {  	_ =	swait.ge [sflag:s21], $0x1000  }
0x49: {  	[sflag:s21] =	ssyncset.done $0x0  }
0x4a: {  	[sflag:s21] =	ssyncadd.s32 $0xFFFFF000  }
0x4b: {  	_ =	swait.ge [sflag:s21], $0x1000  }
0x4c: {  	[sflag:s21] =	ssyncset.done $0x0  }
0x4d: {  	s1 =	simm.s32 $0x6420;
	[sflag:s21] =	ssyncadd.s32 $0xFFFFF000  }
0x4e: {  	v4 =	vmov s0;
	v5 =	vld [tilespmem:s1+$0xFFFFFFE0]  }
0x4f: {  	v4 =	vand.u32 $0x7F, v4  }
0x50: {  	v6 =	vadd.s32 v0, v4;
	_ =	sdelay $0x2  }
0x51: {  	v5 =	vmul.f32 $8.000000000e+00, v5;
	_ =	sdelay $0x1  }
0x52: {  	[tilespmem:v6+s24+$0x0] =	vst.idx.msk $0xffff, v5  }
0x53: {  	v5 =	vld [tilespmem:s1+$0xFFFFFFF0];
	_ =	sdelay $0x1  }
0x54: {  	v6 =	vadd.s32 v1, v4;
	_ =	sdelay $0x2  }
0x55: {  	v5 =	vmul.f32 $8.000000000e+00, v5;
	_ =	sdelay $0x1  }
0x56: {  	[tilespmem:v6+s24+$0x0] =	vst.idx.msk $0xffff, v5  }
0x57: {  	v5 =	vld [tilespmem:s1+$0x0];
	_ =	sdelay $0x1  }
0x58: {  	v6 =	vadd.s32 v2, v4;
	_ =	sdelay $0x2  }
0x59: {  	v5 =	vmul.f32 $8.000000000e+00, v5;
	_ =	sdelay $0x1  }
0x5a: {  	[tilespmem:v6+s24+$0x0] =	vst.idx.msk $0xffff, v5  }
0x5b: {  	v5 =	vld [tilespmem:s1+$0x10];
	_ =	sdelay $0x1  }
0x5c: {  	v4 =	vadd.s32 v3, v4;
	_ =	sdelay $0x2  }
0x5d: {  	s0 =	simm.s32 $0x1;
	v5 =	vmul.f32 $8.000000000e+00, v5  }
.LBB2_4:
0x5e: {  	p0 =	sne.s32 s0, $0x7F  }
0x5f: {  	s1 =	sadd.s32 $0x40, s1;
	s6 =	smov.u32 s0;
	s0 =	sadd.s32 $0x1, s0;
	[tilespmem:v4+s24+$0x0] =	vst.idx.msk $0xffff, v5  }
0x60: {  	v4 =	vmov s6;
	v5 =	vld [tilespmem:s1+$0xFFFFFFE0]  }
0x61: {  	v4 =	vand.u32 $0x7F, v4  }
0x62: {  	v6 =	vadd.s32 v0, v4;
	_ =	sdelay $0x2  }
0x63: {  	v5 =	vmul.f32 $8.000000000e+00, v5;
	_ =	sdelay $0x1  }
0x64: {  	[tilespmem:v6+s24+$0x0] =	vst.idx.msk $0xffff, v5  }
0x65: {  	v5 =	vld [tilespmem:s1+$0xFFFFFFF0];
	_ =	sdelay $0x1  }
0x66: {  	v6 =	vadd.s32 v1, v4;
	_ =	sdelay $0x2  }
0x67: {  	v5 =	vmul.f32 $8.000000000e+00, v5;
	_ =	sdelay $0x1  }
0x68: {  	[tilespmem:v6+s24+$0x0] =	vst.idx.msk $0xffff, v5  }
0x69: {  	v5 =	vld [tilespmem:s1+$0x0];
	_ =	sdelay $0x1  }
0x6a: {  	v6 =	vadd.s32 v2, v4;
	_ =	sdelay $0x2  }
0x6b: {  	v5 =	vmul.f32 $8.000000000e+00, v5;
	_ =	sdelay $0x1  }
0x6c: {  	[tilespmem:v6+s24+$0x0] =	vst.idx.msk $0xffff, v5  }
0x6d: {  	v5 =	vld [tilespmem:s1+$0x10]  }
.Ltmp1:
0x6e: {  	(pc) =	sbr.rel @p0 .LBB2_4-.Ltmp1, $2  }
0x6f: {  	v4 =	vadd.s32 v3, v4;
	_ =	sdelay $0x2  }
0x70: {  	v5 =	vmul.f32 $8.000000000e+00, v5  }
0x71: {  	_ =	sdelay $0x3  }
0x72: {  	s0 =	simm.s32 $0x10400;
	s12 =	rddreg [dreg:$0x3];
	[tilespmem:v4+s24+$0x0] =	vst.idx.msk $0xffff, v5  }
0x73: {  	[hbm4b:s12+s3] =	stream.linear.scatter [tilespmem:s0], [sflag:$0x6], $0x80, $0x38;
	[tilespmem:$0x1AE00] =	vst v63  }
0x74: {  	s13 =	simm.s32 $0x10488;
	s1 =	sadd.s32 $0x10, s12  }
0x75: {  	[hbm4b:s1+s3] =	stream.linear.scatter [tilespmem:s13], [sflag:$0x6], $0x80, $0x38;
	[tilespmem:$0x1AE00] =	vst v63  }
0x76: {  	s22 =	simm.s32 $0x10510;
	s30 =	simm.s32 $0x10598;
	s23 =	sadd.s32 $0x20, s12  }
0x77: {  	[hbm4b:s23+s3] =	stream.linear.scatter [tilespmem:s22], [sflag:$0x6], $0x80, $0x38;
	[tilespmem:$0x1AE00] =	vst v63  }
0x78: {  	s6 =	simm.s32 $0x10620;
	s31 =	sadd.s32 $0x30, s12;
	s0 =	simm.s32 $0x2200  }
0x79: {  	[hbm4b:s31+s3] =	stream.linear.scatter [tilespmem:s30], [sflag:$0x6], $0x80, $0x38;
	[tilespmem:$0x1AE00] =	vst v63  }
0x7a: {  	s13 =	sadd.s32 $0x40, s12;
	s1 =	simm.s32 $0x440;
	s22 =	simm.s32 $0x106A8  }
0x7b: {  	[hbm4b:s13+s3] =	stream.linear.scatter [tilespmem:s6], [sflag:$0x6], $0x80, $0x38;
	[tilespmem:$0x1AE00] =	vst v63  }
0x7c: {  	s23 =	sadd.s32 $0x50, s12;
	s30 =	simm.s32 $0x10730;
	s31 =	sadd.s32 $0x60, s12  }
0x7d: {  	[hbm4b:s23+s3] =	stream.linear.scatter [tilespmem:s22], [sflag:$0x6], $0x80, $0x38;
	[tilespmem:$0x1AE00] =	vst v63  }
0x7e: {  	s6 =	sadd.s32 $0x70, s12;
	s22 =	simm.s32 $0x107B8;
	s23 =	sadd.s32 $0x1000, s12  }
0x7f: {  	[hbm4b:s31+s3] =	stream.linear.scatter [tilespmem:s30], [sflag:$0x6], $0x80, $0x38;
	[tilespmem:$0x1AE00] =	vst v63  }
.LBB2_6:
0x80: {  	[hbm4b:s6+s3] =	stream.linear.scatter [tilespmem:s22], [sflag:$0x6], $0x80, $0x38;
	[tilespmem:$0x1AE00] =	vst v63  }
0x81: {  	s6 =	smov.u32 s1;
	s1 =	smov.u32 s0  }
0x82: {  	s12 =	sadd.s32 $0x1100, s0;
	s1 =	sshra.s32 s1, $0x2;
	s22 =	sadd.s32 $0x10400, s6  }
0x83: {  	[hbm4b:s23+s3] =	stream.linear.scatter [tilespmem:s22], [sflag:$0x6], $0x80, $0x38;
	[tilespmem:$0x1AE00] =	vst v63  }
0x84: {  	p0 =	sne.s32 s0, $0x7700;
	s0 =	sadd.s32 $0x10488, s6;
	s22 =	sadd.s32 $0x10, s23  }
0x85: {  	[hbm4b:s22+s3] =	stream.linear.scatter [tilespmem:s0], [sflag:$0x6], $0x80, $0x38;
	[tilespmem:$0x1AE00] =	vst v63  }
0x86: {  	s0 =	sadd.s32 $0x10510, s6;
	s22 =	sadd.s32 $0x20, s23  }
0x87: {  	[hbm4b:s22+s3] =	stream.linear.scatter [tilespmem:s0], [sflag:$0x6], $0x80, $0x38;
	[tilespmem:$0x1AE00] =	vst v63  }
0x88: {  	s0 =	sadd.s32 $0x10598, s6;
	s22 =	sadd.s32 $0x30, s23  }
0x89: {  	[hbm4b:s22+s3] =	stream.linear.scatter [tilespmem:s0], [sflag:$0x6], $0x80, $0x38;
	[tilespmem:$0x1AE00] =	vst v63  }
0x8a: {  	s0 =	sadd.s32 $0x10620, s6;
	s22 =	sadd.s32 $0x40, s23  }
0x8b: {  	[hbm4b:s22+s3] =	stream.linear.scatter [tilespmem:s0], [sflag:$0x6], $0x80, $0x38;
	[tilespmem:$0x1AE00] =	vst v63  }
0x8c: {  	s0 =	sadd.s32 $0x106A8, s6;
	s22 =	sadd.s32 $0x50, s23  }
0x8d: {  	[hbm4b:s22+s3] =	stream.linear.scatter [tilespmem:s0], [sflag:$0x6], $0x80, $0x38;
	[tilespmem:$0x1AE00] =	vst v63  }
.Ltmp2:
0x8e: {  	_ = 	snop;
	(pc) =	sbr.rel @p0 .LBB2_6-.Ltmp2, $4  }
0x8f: {  	s0 =	sadd.s32 $0x10730, s6;
	s22 =	sadd.s32 $0x60, s23  }
0x90: {  	[hbm4b:s22+s3] =	stream.linear.scatter [tilespmem:s0], [sflag:$0x6], $0x80, $0x38;
	[tilespmem:$0x1AE00] =	vst v63  }
0x91: {  	s22 =	sadd.s32 $0x107B8, s6  }
0x92: {  	s6 =	sadd.s32 $0x70, s23;
	s23 =	sadd.s32 $0x1000, s23;
	s0 =	smov.u32 s12  }
0x93: {  	[hbm4b:s6+s3] =	stream.linear.scatter [tilespmem:s22], [sflag:$0x6], $0x80, $0x38;
	[tilespmem:$0x1AE00] =	vst v63  }
0x94: {  	s0 =	sadd.s32 $0x10400, s1  }
0x95: {  	[hbm4b:s23+s3] =	stream.linear.scatter [tilespmem:s0], [sflag:$0x6], $0x80, $0x38;
	[tilespmem:$0x1AE00] =	vst v63  }
0x96: {  	s6 =	sadd.s32 $0x10488, s1;
	s12 =	sadd.s32 $0x10, s23  }
0x97: {  	[hbm4b:s12+s3] =	stream.linear.scatter [tilespmem:s6], [sflag:$0x6], $0x80, $0x38;
	[tilespmem:$0x1AE00] =	vst v63  }
0x98: {  	s13 =	sadd.s32 $0x10510, s1;
	s22 =	sadd.s32 $0x20, s23  }
0x99: {  	[hbm4b:s22+s3] =	stream.linear.scatter [tilespmem:s13], [sflag:$0x6], $0x80, $0x38;
	[tilespmem:$0x1AE00] =	vst v63  }
0x9a: {  	s30 =	sadd.s32 $0x10598, s1;
	s31 =	sadd.s32 $0x30, s23  }
0x9b: {  	[hbm4b:s31+s3] =	stream.linear.scatter [tilespmem:s30], [sflag:$0x6], $0x80, $0x38;
	[tilespmem:$0x1AE00] =	vst v63  }
0x9c: {  	s6 =	sadd.s32 $0x10620, s1;
	s12 =	sadd.s32 $0x40, s23  }
0x9d: {  	[hbm4b:s12+s3] =	stream.linear.scatter [tilespmem:s6], [sflag:$0x6], $0x80, $0x38;
	[tilespmem:$0x1AE00] =	vst v63  }
0x9e: {  	s13 =	sadd.s32 $0x106A8, s1;
	s22 =	sadd.s32 $0x50, s23  }
0x9f: {  	[hbm4b:s22+s3] =	stream.linear.scatter [tilespmem:s13], [sflag:$0x6], $0x80, $0x38;
	[tilespmem:$0x1AE00] =	vst v63  }
0xa0: {  	s30 =	sadd.s32 $0x10730, s1;
	s31 =	sadd.s32 $0x60, s23  }
0xa1: {  	[hbm4b:s31+s3] =	stream.linear.scatter [tilespmem:s30], [sflag:$0x6], $0x80, $0x38;
	[tilespmem:$0x1AE00] =	vst v63  }
0xa2: {  	s6 =	sadd.s32 $0x107B8, s1;
	s12 =	sadd.s32 $0x70, s23  }
0xa3: {  	[hbm4b:s12+s3] =	stream.linear.scatter [tilespmem:s6], [sflag:$0x6], $0x80, $0x38;
	[tilespmem:$0x1AE00] =	vst v63  }
0xa4: {  	s13 =	simm.s32 $0x6400;
	s22 =	simm.s32 $0x280  }
0xa5: {  	[tilespmem:s13], [sflag:$0x1] =	stream.indirect.gather [hbm4b:s4+s25], $0x40, s22, s25, $0xb8;
	[tilespmem:$0x1AE00] =	vst v63  }
0xa6: {  	s23 =	simm.s32 $0x7400;
	s30 =	simm.s32 $0x2C0  }
0xa7: {  	[tilespmem:s23], [sflag:$0x1] =	stream.indirect.gather [hbm4b:s4+s25], $0x40, s30, s25, $0xb8;
	[tilespmem:$0x1AE00] =	vst v63  }
0xa8: {  	_ =	swait.ge [sflag:s8], $0x1000  }
0xa9: {  	[sflag:s8] =	ssyncset.done $0x0  }
0xaa: {  	[sflag:s8] =	ssyncadd.s32 $0xFFFFF000  }
0xab: {  	_ =	swait.ge [sflag:s8], $0x1000  }
0xac: {  	[sflag:s8] =	ssyncset.done $0x0  }
0xad: {  	s1 =	simm.s32 $0x8420;
	s31 =	simm.s32 $0x0;
	[sflag:s8] =	ssyncadd.s32 $0xFFFFF000  }
0xae: {  	v4 =	vmov s31;
	v5 =	vld [tilespmem:s1+$0xFFFFFFE0]  }
0xaf: {  	v4 =	vand.u32 $0x7F, v4  }
0xb0: {  	v6 =	vadd.s32 v0, v4;
	_ =	sdelay $0x2  }
0xb1: {  	v5 =	vmul.f32 $8.000000000e+00, v5;
	_ =	sdelay $0x1  }
0xb2: {  	[tilespmem:v6+s9+$0x0] =	vst.idx.msk $0xffff, v5  }
0xb3: {  	v5 =	vld [tilespmem:s1+$0xFFFFFFF0];
	_ =	sdelay $0x1  }
0xb4: {  	v6 =	vadd.s32 v1, v4;
	_ =	sdelay $0x2  }
0xb5: {  	v5 =	vmul.f32 $8.000000000e+00, v5;
	_ =	sdelay $0x1  }
0xb6: {  	[tilespmem:v6+s9+$0x0] =	vst.idx.msk $0xffff, v5  }
0xb7: {  	v5 =	vld [tilespmem:s1+$0x0];
	_ =	sdelay $0x1  }
0xb8: {  	v6 =	vadd.s32 v2, v4;
	_ =	sdelay $0x2  }
0xb9: {  	v5 =	vmul.f32 $8.000000000e+00, v5;
	_ =	sdelay $0x1  }
0xba: {  	[tilespmem:v6+s9+$0x0] =	vst.idx.msk $0xffff, v5  }
0xbb: {  	v5 =	vld [tilespmem:s1+$0x10];
	_ =	sdelay $0x1  }
0xbc: {  	v4 =	vadd.s32 v3, v4;
	_ =	sdelay $0x2  }
0xbd: {  	s0 =	simm.s32 $0x1;
	v5 =	vmul.f32 $8.000000000e+00, v5  }
.LBB2_8:
0xbe: {  	p0 =	sne.s32 s0, $0x7F  }
0xbf: {  	s1 =	sadd.s32 $0x40, s1;
	s6 =	smov.u32 s0;
	s0 =	sadd.s32 $0x1, s0;
	[tilespmem:v4+s9+$0x0] =	vst.idx.msk $0xffff, v5  }
0xc0: {  	v4 =	vmov s6;
	v5 =	vld [tilespmem:s1+$0xFFFFFFE0]  }
0xc1: {  	v4 =	vand.u32 $0x7F, v4  }
0xc2: {  	v6 =	vadd.s32 v0, v4;
	_ =	sdelay $0x2  }
0xc3: {  	v5 =	vmul.f32 $8.000000000e+00, v5;
	_ =	sdelay $0x1  }
0xc4: {  	[tilespmem:v6+s9+$0x0] =	vst.idx.msk $0xffff, v5  }
0xc5: {  	v5 =	vld [tilespmem:s1+$0xFFFFFFF0];
	_ =	sdelay $0x1  }
0xc6: {  	v6 =	vadd.s32 v1, v4;
	_ =	sdelay $0x2  }
0xc7: {  	v5 =	vmul.f32 $8.000000000e+00, v5;
	_ =	sdelay $0x1  }
0xc8: {  	[tilespmem:v6+s9+$0x0] =	vst.idx.msk $0xffff, v5  }
0xc9: {  	v5 =	vld [tilespmem:s1+$0x0];
	_ =	sdelay $0x1  }
0xca: {  	v6 =	vadd.s32 v2, v4;
	_ =	sdelay $0x2  }
0xcb: {  	v5 =	vmul.f32 $8.000000000e+00, v5;
	_ =	sdelay $0x1  }
0xcc: {  	[tilespmem:v6+s9+$0x0] =	vst.idx.msk $0xffff, v5  }
0xcd: {  	v5 =	vld [tilespmem:s1+$0x10]  }
.Ltmp3:
0xce: {  	(pc) =	sbr.rel @p0 .LBB2_8-.Ltmp3, $2  }
0xcf: {  	v4 =	vadd.s32 v3, v4;
	_ =	sdelay $0x2  }
0xd0: {  	v5 =	vmul.f32 $8.000000000e+00, v5  }
0xd1: {  	_ =	sdelay $0x3  }
0xd2: {  	s0 =	simm.s32 $0x12600;
	s12 =	rddreg [dreg:$0x5];
	[tilespmem:v4+s9+$0x0] =	vst.idx.msk $0xffff, v5  }
0xd3: {  	[hbm4b:s12+s3] =	stream.linear.scatter [tilespmem:s0], [sflag:$0x7], $0x80, $0x38;
	[tilespmem:$0x1AE00] =	vst v63  }
0xd4: {  	s13 =	simm.s32 $0x12688;
	s1 =	sadd.s32 $0x10, s12  }
0xd5: {  	[hbm4b:s1+s3] =	stream.linear.scatter [tilespmem:s13], [sflag:$0x7], $0x80, $0x38;
	[tilespmem:$0x1AE00] =	vst v63  }
0xd6: {  	s22 =	simm.s32 $0x12710;
	s30 =	simm.s32 $0x12798;
	s23 =	sadd.s32 $0x20, s12  }
0xd7: {  	[hbm4b:s23+s3] =	stream.linear.scatter [tilespmem:s22], [sflag:$0x7], $0x80, $0x38;
	[tilespmem:$0x1AE00] =	vst v63  }
0xd8: {  	s6 =	simm.s32 $0x12820;
	s31 =	sadd.s32 $0x30, s12;
	s0 =	simm.s32 $0x2200  }
0xd9: {  	[hbm4b:s31+s3] =	stream.linear.scatter [tilespmem:s30], [sflag:$0x7], $0x80, $0x38;
	[tilespmem:$0x1AE00] =	vst v63  }
0xda: {  	s13 =	sadd.s32 $0x40, s12;
	s1 =	simm.s32 $0x440;
	s22 =	simm.s32 $0x128A8  }
0xdb: {  	[hbm4b:s13+s3] =	stream.linear.scatter [tilespmem:s6], [sflag:$0x7], $0x80, $0x38;
	[tilespmem:$0x1AE00] =	vst v63  }
0xdc: {  	s23 =	sadd.s32 $0x50, s12;
	s30 =	simm.s32 $0x12930;
	s31 =	sadd.s32 $0x60, s12  }
0xdd: {  	[hbm4b:s23+s3] =	stream.linear.scatter [tilespmem:s22], [sflag:$0x7], $0x80, $0x38;
	[tilespmem:$0x1AE00] =	vst v63  }
0xde: {  	s6 =	sadd.s32 $0x70, s12;
	s22 =	simm.s32 $0x129B8;
	s23 =	sadd.s32 $0x1000, s12  }
0xdf: {  	[hbm4b:s31+s3] =	stream.linear.scatter [tilespmem:s30], [sflag:$0x7], $0x80, $0x38;
	[tilespmem:$0x1AE00] =	vst v63  }
.LBB2_10:
0xe0: {  	[hbm4b:s6+s3] =	stream.linear.scatter [tilespmem:s22], [sflag:$0x7], $0x80, $0x38;
	[tilespmem:$0x1AE00] =	vst v63  }
0xe1: {  	s6 =	smov.u32 s1;
	s1 =	smov.u32 s0  }
0xe2: {  	s12 =	sadd.s32 $0x1100, s0;
	s1 =	sshra.s32 s1, $0x2;
	s22 =	sadd.s32 $0x12600, s6  }
0xe3: {  	[hbm4b:s23+s3] =	stream.linear.scatter [tilespmem:s22], [sflag:$0x7], $0x80, $0x38;
	[tilespmem:$0x1AE00] =	vst v63  }
0xe4: {  	p0 =	sne.s32 s0, $0x7700;
	s0 =	sadd.s32 $0x12688, s6;
	s22 =	sadd.s32 $0x10, s23  }
0xe5: {  	[hbm4b:s22+s3] =	stream.linear.scatter [tilespmem:s0], [sflag:$0x7], $0x80, $0x38;
	[tilespmem:$0x1AE00] =	vst v63  }
0xe6: {  	s0 =	sadd.s32 $0x12710, s6;
	s22 =	sadd.s32 $0x20, s23  }
0xe7: {  	[hbm4b:s22+s3] =	stream.linear.scatter [tilespmem:s0], [sflag:$0x7], $0x80, $0x38;
	[tilespmem:$0x1AE00] =	vst v63  }
0xe8: {  	s0 =	sadd.s32 $0x12798, s6;
	s22 =	sadd.s32 $0x30, s23  }
0xe9: {  	[hbm4b:s22+s3] =	stream.linear.scatter [tilespmem:s0], [sflag:$0x7], $0x80, $0x38;
	[tilespmem:$0x1AE00] =	vst v63  }
0xea: {  	s0 =	sadd.s32 $0x12820, s6;
	s22 =	sadd.s32 $0x40, s23  }
0xeb: {  	[hbm4b:s22+s3] =	stream.linear.scatter [tilespmem:s0], [sflag:$0x7], $0x80, $0x38;
	[tilespmem:$0x1AE00] =	vst v63  }
0xec: {  	s0 =	sadd.s32 $0x128A8, s6;
	s22 =	sadd.s32 $0x50, s23  }
0xed: {  	[hbm4b:s22+s3] =	stream.linear.scatter [tilespmem:s0], [sflag:$0x7], $0x80, $0x38;
	[tilespmem:$0x1AE00] =	vst v63  }
.Ltmp4:
0xee: {  	_ = 	snop;
	(pc) =	sbr.rel @p0 .LBB2_10-.Ltmp4, $4  }
0xef: {  	s0 =	sadd.s32 $0x12930, s6;
	s22 =	sadd.s32 $0x60, s23  }
0xf0: {  	[hbm4b:s22+s3] =	stream.linear.scatter [tilespmem:s0], [sflag:$0x7], $0x80, $0x38;
	[tilespmem:$0x1AE00] =	vst v63  }
0xf1: {  	s22 =	sadd.s32 $0x129B8, s6  }
0xf2: {  	s6 =	sadd.s32 $0x70, s23;
	s23 =	sadd.s32 $0x1000, s23;
	s0 =	smov.u32 s12  }
0xf3: {  	[hbm4b:s6+s3] =	stream.linear.scatter [tilespmem:s22], [sflag:$0x7], $0x80, $0x38;
	[tilespmem:$0x1AE00] =	vst v63  }
0xf4: {  	s0 =	sadd.s32 $0x12600, s1  }
0xf5: {  	[hbm4b:s23+s3] =	stream.linear.scatter [tilespmem:s0], [sflag:$0x7], $0x80, $0x38;
	[tilespmem:$0x1AE00] =	vst v63  }
0xf6: {  	s6 =	sadd.s32 $0x12688, s1;
	s12 =	sadd.s32 $0x10, s23  }
0xf7: {  	[hbm4b:s12+s3] =	stream.linear.scatter [tilespmem:s6], [sflag:$0x7], $0x80, $0x38;
	[tilespmem:$0x1AE00] =	vst v63  }
0xf8: {  	s13 =	sadd.s32 $0x12710, s1;
	s22 =	sadd.s32 $0x20, s23  }
0xf9: {  	[hbm4b:s22+s3] =	stream.linear.scatter [tilespmem:s13], [sflag:$0x7], $0x80, $0x38;
	[tilespmem:$0x1AE00] =	vst v63  }
0xfa: {  	s30 =	sadd.s32 $0x12798, s1;
	s31 =	sadd.s32 $0x30, s23  }
0xfb: {  	[hbm4b:s31+s3] =	stream.linear.scatter [tilespmem:s30], [sflag:$0x7], $0x80, $0x38;
	[tilespmem:$0x1AE00] =	vst v63  }
0xfc: {  	s6 =	sadd.s32 $0x12820, s1;
	s12 =	sadd.s32 $0x40, s23  }
0xfd: {  	[hbm4b:s12+s3] =	stream.linear.scatter [tilespmem:s6], [sflag:$0x7], $0x80, $0x38;
	[tilespmem:$0x1AE00] =	vst v63  }
0xfe: {  	s13 =	sadd.s32 $0x128A8, s1;
	s22 =	sadd.s32 $0x50, s23  }
0xff: {  	[hbm4b:s22+s3] =	stream.linear.scatter [tilespmem:s13], [sflag:$0x7], $0x80, $0x38;
	[tilespmem:$0x1AE00] =	vst v63  }
0x100: {  	s30 =	sadd.s32 $0x12930, s1;
	s31 =	sadd.s32 $0x60, s23  }
0x101: {  	[hbm4b:s31+s3] =	stream.linear.scatter [tilespmem:s30], [sflag:$0x7], $0x80, $0x38;
	[tilespmem:$0x1AE00] =	vst v63  }
0x102: {  	s6 =	sadd.s32 $0x129B8, s1;
	s12 =	sadd.s32 $0x70, s23  }
0x103: {  	[hbm4b:s12+s3] =	stream.linear.scatter [tilespmem:s6], [sflag:$0x7], $0x80, $0x38;
	[tilespmem:$0x1AE00] =	vst v63  }
0x104: {  	s13 =	simm.s32 $0x8400;
	s22 =	simm.s32 $0x300  }
0x105: {  	[tilespmem:s13], [sflag:$0x2] =	stream.indirect.gather [hbm4b:s4+s25], $0x40, s22, s25, $0xb8;
	[tilespmem:$0x1AE00] =	vst v63  }
0x106: {  	s23 =	simm.s32 $0x9400;
	s30 =	simm.s32 $0x340  }
0x107: {  	[tilespmem:s23], [sflag:$0x2] =	stream.indirect.gather [hbm4b:s4+s25], $0x40, s30, s25, $0xb8;
	[tilespmem:$0x1AE00] =	vst v63  }
0x108: {  	_ =	swait.ge [sflag:s10], $0x1000  }
0x109: {  	[sflag:s10] =	ssyncset.done $0x0  }
0x10a: {  	[sflag:s10] =	ssyncadd.s32 $0xFFFFF000  }
0x10b: {  	_ =	swait.ge [sflag:s10], $0x1000  }
0x10c: {  	[sflag:s10] =	ssyncset.done $0x0  }
0x10d: {  	s1 =	simm.s32 $0xA420;
	s31 =	simm.s32 $0x0;
	[sflag:s10] =	ssyncadd.s32 $0xFFFFF000  }
0x10e: {  	v4 =	vmov s31;
	v5 =	vld [tilespmem:s1+$0xFFFFFFE0]  }
0x10f: {  	v4 =	vand.u32 $0x7F, v4  }
0x110: {  	v6 =	vadd.s32 v0, v4;
	_ =	sdelay $0x2  }
0x111: {  	v5 =	vmul.f32 $8.000000000e+00, v5;
	_ =	sdelay $0x1  }
0x112: {  	[tilespmem:v6+s11+$0x0] =	vst.idx.msk $0xffff, v5  }
0x113: {  	v5 =	vld [tilespmem:s1+$0xFFFFFFF0];
	_ =	sdelay $0x1  }
0x114: {  	v6 =	vadd.s32 v1, v4;
	_ =	sdelay $0x2  }
0x115: {  	v5 =	vmul.f32 $8.000000000e+00, v5;
	_ =	sdelay $0x1  }
0x116: {  	[tilespmem:v6+s11+$0x0] =	vst.idx.msk $0xffff, v5  }
0x117: {  	v5 =	vld [tilespmem:s1+$0x0];
	_ =	sdelay $0x1  }
0x118: {  	v6 =	vadd.s32 v2, v4;
	_ =	sdelay $0x2  }
0x119: {  	v5 =	vmul.f32 $8.000000000e+00, v5;
	_ =	sdelay $0x1  }
0x11a: {  	[tilespmem:v6+s11+$0x0] =	vst.idx.msk $0xffff, v5  }
0x11b: {  	v5 =	vld [tilespmem:s1+$0x10];
	_ =	sdelay $0x1  }
0x11c: {  	v4 =	vadd.s32 v3, v4;
	_ =	sdelay $0x2  }
0x11d: {  	s0 =	simm.s32 $0x1;
	v5 =	vmul.f32 $8.000000000e+00, v5  }
.LBB2_12:
0x11e: {  	p0 =	sne.s32 s0, $0x7F  }
0x11f: {  	s1 =	sadd.s32 $0x40, s1;
	s6 =	smov.u32 s0;
	s0 =	sadd.s32 $0x1, s0;
	[tilespmem:v4+s11+$0x0] =	vst.idx.msk $0xffff, v5  }
0x120: {  	v4 =	vmov s6;
	v5 =	vld [tilespmem:s1+$0xFFFFFFE0]  }
0x121: {  	v4 =	vand.u32 $0x7F, v4  }
0x122: {  	v6 =	vadd.s32 v0, v4;
	_ =	sdelay $0x2  }
0x123: {  	v5 =	vmul.f32 $8.000000000e+00, v5;
	_ =	sdelay $0x1  }
0x124: {  	[tilespmem:v6+s11+$0x0] =	vst.idx.msk $0xffff, v5  }
0x125: {  	v5 =	vld [tilespmem:s1+$0xFFFFFFF0];
	_ =	sdelay $0x1  }
0x126: {  	v6 =	vadd.s32 v1, v4;
	_ =	sdelay $0x2  }
0x127: {  	v5 =	vmul.f32 $8.000000000e+00, v5;
	_ =	sdelay $0x1  }
0x128: {  	[tilespmem:v6+s11+$0x0] =	vst.idx.msk $0xffff, v5  }
0x129: {  	v5 =	vld [tilespmem:s1+$0x0];
	_ =	sdelay $0x1  }
0x12a: {  	v6 =	vadd.s32 v2, v4;
	_ =	sdelay $0x2  }
0x12b: {  	v5 =	vmul.f32 $8.000000000e+00, v5;
	_ =	sdelay $0x1  }
0x12c: {  	[tilespmem:v6+s11+$0x0] =	vst.idx.msk $0xffff, v5  }
0x12d: {  	v5 =	vld [tilespmem:s1+$0x10]  }
.Ltmp5:
0x12e: {  	(pc) =	sbr.rel @p0 .LBB2_12-.Ltmp5, $2  }
0x12f: {  	v4 =	vadd.s32 v3, v4;
	_ =	sdelay $0x2  }
0x130: {  	v5 =	vmul.f32 $8.000000000e+00, v5  }
0x131: {  	_ =	sdelay $0x3  }
0x132: {  	s0 =	simm.s32 $0x14800;
	s12 =	rddreg [dreg:$0x6];
	[tilespmem:v4+s11+$0x0] =	vst.idx.msk $0xffff, v5  }
0x133: {  	[hbm4b:s12+s3] =	stream.linear.scatter [tilespmem:s0], [sflag:$0x8], $0x80, $0x38;
	[tilespmem:$0x1AE00] =	vst v63  }
0x134: {  	s13 =	simm.s32 $0x14888;
	s1 =	sadd.s32 $0x10, s12  }
0x135: {  	[hbm4b:s1+s3] =	stream.linear.scatter [tilespmem:s13], [sflag:$0x8], $0x80, $0x38;
	[tilespmem:$0x1AE00] =	vst v63  }
0x136: {  	s22 =	simm.s32 $0x14910;
	s30 =	simm.s32 $0x14998;
	s23 =	sadd.s32 $0x20, s12  }
0x137: {  	[hbm4b:s23+s3] =	stream.linear.scatter [tilespmem:s22], [sflag:$0x8], $0x80, $0x38;
	[tilespmem:$0x1AE00] =	vst v63  }
0x138: {  	s6 =	simm.s32 $0x14A20;
	s31 =	sadd.s32 $0x30, s12;
	s0 =	simm.s32 $0x2200  }
0x139: {  	[hbm4b:s31+s3] =	stream.linear.scatter [tilespmem:s30], [sflag:$0x8], $0x80, $0x38;
	[tilespmem:$0x1AE00] =	vst v63  }
0x13a: {  	s13 =	sadd.s32 $0x40, s12;
	s1 =	simm.s32 $0x440;
	s22 =	simm.s32 $0x14AA8  }
0x13b: {  	[hbm4b:s13+s3] =	stream.linear.scatter [tilespmem:s6], [sflag:$0x8], $0x80, $0x38;
	[tilespmem:$0x1AE00] =	vst v63  }
0x13c: {  	s23 =	sadd.s32 $0x50, s12;
	s30 =	simm.s32 $0x14B30;
	s31 =	sadd.s32 $0x60, s12  }
0x13d: {  	[hbm4b:s23+s3] =	stream.linear.scatter [tilespmem:s22], [sflag:$0x8], $0x80, $0x38;
	[tilespmem:$0x1AE00] =	vst v63  }
0x13e: {  	s6 =	sadd.s32 $0x70, s12;
	s22 =	simm.s32 $0x14BB8;
	s23 =	sadd.s32 $0x1000, s12  }
0x13f: {  	[hbm4b:s31+s3] =	stream.linear.scatter [tilespmem:s30], [sflag:$0x8], $0x80, $0x38;
	[tilespmem:$0x1AE00] =	vst v63  }
.LBB2_14:
0x140: {  	[hbm4b:s6+s3] =	stream.linear.scatter [tilespmem:s22], [sflag:$0x8], $0x80, $0x38;
	[tilespmem:$0x1AE00] =	vst v63  }
0x141: {  	s6 =	smov.u32 s1;
	s1 =	smov.u32 s0  }
0x142: {  	s12 =	sadd.s32 $0x1100, s0;
	s1 =	sshra.s32 s1, $0x2;
	s22 =	sadd.s32 $0x14800, s6  }
0x143: {  	[hbm4b:s23+s3] =	stream.linear.scatter [tilespmem:s22], [sflag:$0x8], $0x80, $0x38;
	[tilespmem:$0x1AE00] =	vst v63  }
0x144: {  	p0 =	sne.s32 s0, $0x7700;
	s0 =	sadd.s32 $0x14888, s6;
	s22 =	sadd.s32 $0x10, s23  }
0x145: {  	[hbm4b:s22+s3] =	stream.linear.scatter [tilespmem:s0], [sflag:$0x8], $0x80, $0x38;
	[tilespmem:$0x1AE00] =	vst v63  }
0x146: {  	s0 =	sadd.s32 $0x14910, s6;
	s22 =	sadd.s32 $0x20, s23  }
0x147: {  	[hbm4b:s22+s3] =	stream.linear.scatter [tilespmem:s0], [sflag:$0x8], $0x80, $0x38;
	[tilespmem:$0x1AE00] =	vst v63  }
0x148: {  	s0 =	sadd.s32 $0x14998, s6;
	s22 =	sadd.s32 $0x30, s23  }
0x149: {  	[hbm4b:s22+s3] =	stream.linear.scatter [tilespmem:s0], [sflag:$0x8], $0x80, $0x38;
	[tilespmem:$0x1AE00] =	vst v63  }
0x14a: {  	s0 =	sadd.s32 $0x14A20, s6;
	s22 =	sadd.s32 $0x40, s23  }
0x14b: {  	[hbm4b:s22+s3] =	stream.linear.scatter [tilespmem:s0], [sflag:$0x8], $0x80, $0x38;
	[tilespmem:$0x1AE00] =	vst v63  }
0x14c: {  	s0 =	sadd.s32 $0x14AA8, s6;
	s22 =	sadd.s32 $0x50, s23  }
0x14d: {  	[hbm4b:s22+s3] =	stream.linear.scatter [tilespmem:s0], [sflag:$0x8], $0x80, $0x38;
	[tilespmem:$0x1AE00] =	vst v63  }
.Ltmp6:
0x14e: {  	_ = 	snop;
	(pc) =	sbr.rel @p0 .LBB2_14-.Ltmp6, $4  }
0x14f: {  	s0 =	sadd.s32 $0x14B30, s6;
	s22 =	sadd.s32 $0x60, s23  }
0x150: {  	[hbm4b:s22+s3] =	stream.linear.scatter [tilespmem:s0], [sflag:$0x8], $0x80, $0x38;
	[tilespmem:$0x1AE00] =	vst v63  }
0x151: {  	s22 =	sadd.s32 $0x14BB8, s6  }
0x152: {  	s6 =	sadd.s32 $0x70, s23;
	s23 =	sadd.s32 $0x1000, s23;
	s0 =	smov.u32 s12  }
0x153: {  	[hbm4b:s6+s3] =	stream.linear.scatter [tilespmem:s22], [sflag:$0x8], $0x80, $0x38;
	[tilespmem:$0x1AE00] =	vst v63  }
0x154: {  	s0 =	sadd.s32 $0x14800, s1  }
0x155: {  	[hbm4b:s23+s3] =	stream.linear.scatter [tilespmem:s0], [sflag:$0x8], $0x80, $0x38;
	[tilespmem:$0x1AE00] =	vst v63  }
0x156: {  	s6 =	sadd.s32 $0x14888, s1;
	s12 =	sadd.s32 $0x10, s23  }
0x157: {  	[hbm4b:s12+s3] =	stream.linear.scatter [tilespmem:s6], [sflag:$0x8], $0x80, $0x38;
	[tilespmem:$0x1AE00] =	vst v63  }
0x158: {  	s13 =	sadd.s32 $0x14910, s1;
	s22 =	sadd.s32 $0x20, s23  }
0x159: {  	[hbm4b:s22+s3] =	stream.linear.scatter [tilespmem:s13], [sflag:$0x8], $0x80, $0x38;
	[tilespmem:$0x1AE00] =	vst v63  }
0x15a: {  	s30 =	sadd.s32 $0x14998, s1;
	s31 =	sadd.s32 $0x30, s23  }
0x15b: {  	[hbm4b:s31+s3] =	stream.linear.scatter [tilespmem:s30], [sflag:$0x8], $0x80, $0x38;
	[tilespmem:$0x1AE00] =	vst v63  }
0x15c: {  	s6 =	sadd.s32 $0x14A20, s1;
	s12 =	sadd.s32 $0x40, s23  }
0x15d: {  	[hbm4b:s12+s3] =	stream.linear.scatter [tilespmem:s6], [sflag:$0x8], $0x80, $0x38;
	[tilespmem:$0x1AE00] =	vst v63  }
0x15e: {  	s13 =	sadd.s32 $0x14AA8, s1;
	s22 =	sadd.s32 $0x50, s23  }
0x15f: {  	[hbm4b:s22+s3] =	stream.linear.scatter [tilespmem:s13], [sflag:$0x8], $0x80, $0x38;
	[tilespmem:$0x1AE00] =	vst v63  }
0x160: {  	s30 =	sadd.s32 $0x14B30, s1;
	s31 =	sadd.s32 $0x60, s23  }
0x161: {  	[hbm4b:s31+s3] =	stream.linear.scatter [tilespmem:s30], [sflag:$0x8], $0x80, $0x38;
	[tilespmem:$0x1AE00] =	vst v63  }
0x162: {  	s6 =	sadd.s32 $0x14BB8, s1;
	s12 =	sadd.s32 $0x70, s23  }
0x163: {  	[hbm4b:s12+s3] =	stream.linear.scatter [tilespmem:s6], [sflag:$0x8], $0x80, $0x38;
	[tilespmem:$0x1AE00] =	vst v63  }
0x164: {  	s13 =	simm.s32 $0xA400;
	s22 =	simm.s32 $0x380  }
0x165: {  	[tilespmem:s13], [sflag:$0x3] =	stream.indirect.gather [hbm4b:s4+s25], $0x40, s22, s25, $0xb8;
	[tilespmem:$0x1AE00] =	vst v63  }
0x166: {  	s23 =	simm.s32 $0xB400;
	s30 =	simm.s32 $0x3C0  }
0x167: {  	[tilespmem:s23], [sflag:$0x3] =	stream.indirect.gather [hbm4b:s4+s25], $0x40, s30, s25, $0xb8;
	[tilespmem:$0x1AE00] =	vst v63  }
0x168: {  	_ =	swait.ge [sflag:s16], $0x1000  }
0x169: {  	[sflag:s16] =	ssyncset.done $0x0  }
0x16a: {  	[sflag:s16] =	ssyncadd.s32 $0xFFFFF000  }
0x16b: {  	_ =	swait.ge [sflag:s16], $0x1000  }
0x16c: {  	[sflag:s16] =	ssyncset.done $0x0  }
0x16d: {  	s1 =	simm.s32 $0xC420;
	s31 =	simm.s32 $0x0;
	[sflag:s16] =	ssyncadd.s32 $0xFFFFF000  }
0x16e: {  	v4 =	vmov s31;
	v5 =	vld [tilespmem:s1+$0xFFFFFFE0]  }
0x16f: {  	v4 =	vand.u32 $0x7F, v4  }
0x170: {  	v6 =	vadd.s32 v0, v4;
	_ =	sdelay $0x2  }
0x171: {  	v5 =	vmul.f32 $8.000000000e+00, v5;
	_ =	sdelay $0x1  }
0x172: {  	[tilespmem:v6+s17+$0x0] =	vst.idx.msk $0xffff, v5  }
0x173: {  	v5 =	vld [tilespmem:s1+$0xFFFFFFF0];
	_ =	sdelay $0x1  }
0x174: {  	v6 =	vadd.s32 v1, v4;
	_ =	sdelay $0x2  }
0x175: {  	v5 =	vmul.f32 $8.000000000e+00, v5;
	_ =	sdelay $0x1  }
0x176: {  	[tilespmem:v6+s17+$0x0] =	vst.idx.msk $0xffff, v5  }
0x177: {  	v5 =	vld [tilespmem:s1+$0x0];
	_ =	sdelay $0x1  }
0x178: {  	v6 =	vadd.s32 v2, v4;
	_ =	sdelay $0x2  }
0x179: {  	v5 =	vmul.f32 $8.000000000e+00, v5;
	_ =	sdelay $0x1  }
0x17a: {  	[tilespmem:v6+s17+$0x0] =	vst.idx.msk $0xffff, v5  }
0x17b: {  	v5 =	vld [tilespmem:s1+$0x10];
	_ =	sdelay $0x1  }
0x17c: {  	v4 =	vadd.s32 v3, v4;
	_ =	sdelay $0x2  }
0x17d: {  	s0 =	simm.s32 $0x1;
	v5 =	vmul.f32 $8.000000000e+00, v5  }
.LBB2_16:
0x17e: {  	p0 =	sne.s32 s0, $0x7F  }
0x17f: {  	s1 =	sadd.s32 $0x40, s1;
	s6 =	smov.u32 s0;
	s0 =	sadd.s32 $0x1, s0;
	[tilespmem:v4+s17+$0x0] =	vst.idx.msk $0xffff, v5  }
0x180: {  	v4 =	vmov s6;
	v5 =	vld [tilespmem:s1+$0xFFFFFFE0]  }
0x181: {  	v4 =	vand.u32 $0x7F, v4  }
0x182: {  	v6 =	vadd.s32 v0, v4;
	_ =	sdelay $0x2  }
0x183: {  	v5 =	vmul.f32 $8.000000000e+00, v5;
	_ =	sdelay $0x1  }
0x184: {  	[tilespmem:v6+s17+$0x0] =	vst.idx.msk $0xffff, v5  }
0x185: {  	v5 =	vld [tilespmem:s1+$0xFFFFFFF0];
	_ =	sdelay $0x1  }
0x186: {  	v6 =	vadd.s32 v1, v4;
	_ =	sdelay $0x2  }
0x187: {  	v5 =	vmul.f32 $8.000000000e+00, v5;
	_ =	sdelay $0x1  }
0x188: {  	[tilespmem:v6+s17+$0x0] =	vst.idx.msk $0xffff, v5  }
0x189: {  	v5 =	vld [tilespmem:s1+$0x0];
	_ =	sdelay $0x1  }
0x18a: {  	v6 =	vadd.s32 v2, v4;
	_ =	sdelay $0x2  }
0x18b: {  	v5 =	vmul.f32 $8.000000000e+00, v5;
	_ =	sdelay $0x1  }
0x18c: {  	[tilespmem:v6+s17+$0x0] =	vst.idx.msk $0xffff, v5  }
0x18d: {  	v5 =	vld [tilespmem:s1+$0x10]  }
.Ltmp7:
0x18e: {  	(pc) =	sbr.rel @p0 .LBB2_16-.Ltmp7, $2  }
0x18f: {  	v4 =	vadd.s32 v3, v4;
	_ =	sdelay $0x2  }
0x190: {  	v5 =	vmul.f32 $8.000000000e+00, v5  }
0x191: {  	_ =	sdelay $0x3  }
0x192: {  	s0 =	simm.s32 $0x16A00;
	s12 =	rddreg [dreg:$0x7];
	[tilespmem:v4+s17+$0x0] =	vst.idx.msk $0xffff, v5  }
0x193: {  	[hbm4b:s12+s3] =	stream.linear.scatter [tilespmem:s0], [sflag:$0x9], $0x80, $0x38;
	[tilespmem:$0x1AE00] =	vst v63  }
0x194: {  	s13 =	simm.s32 $0x16A88;
	s1 =	sadd.s32 $0x10, s12  }
0x195: {  	[hbm4b:s1+s3] =	stream.linear.scatter [tilespmem:s13], [sflag:$0x9], $0x80, $0x38;
	[tilespmem:$0x1AE00] =	vst v63  }
0x196: {  	s22 =	simm.s32 $0x16B10;
	s30 =	simm.s32 $0x16B98;
	s23 =	sadd.s32 $0x20, s12  }
0x197: {  	[hbm4b:s23+s3] =	stream.linear.scatter [tilespmem:s22], [sflag:$0x9], $0x80, $0x38;
	[tilespmem:$0x1AE00] =	vst v63  }
0x198: {  	s6 =	simm.s32 $0x16C20;
	s31 =	sadd.s32 $0x30, s12;
	s0 =	simm.s32 $0x2200  }
0x199: {  	[hbm4b:s31+s3] =	stream.linear.scatter [tilespmem:s30], [sflag:$0x9], $0x80, $0x38;
	[tilespmem:$0x1AE00] =	vst v63  }
0x19a: {  	s13 =	sadd.s32 $0x40, s12;
	s1 =	simm.s32 $0x440;
	s22 =	simm.s32 $0x16CA8  }
0x19b: {  	[hbm4b:s13+s3] =	stream.linear.scatter [tilespmem:s6], [sflag:$0x9], $0x80, $0x38;
	[tilespmem:$0x1AE00] =	vst v63  }
0x19c: {  	s23 =	sadd.s32 $0x50, s12;
	s30 =	simm.s32 $0x16D30;
	s31 =	sadd.s32 $0x60, s12  }
0x19d: {  	[hbm4b:s23+s3] =	stream.linear.scatter [tilespmem:s22], [sflag:$0x9], $0x80, $0x38;
	[tilespmem:$0x1AE00] =	vst v63  }
0x19e: {  	s6 =	sadd.s32 $0x70, s12;
	s22 =	simm.s32 $0x16DB8;
	s23 =	sadd.s32 $0x1000, s12  }
0x19f: {  	[hbm4b:s31+s3] =	stream.linear.scatter [tilespmem:s30], [sflag:$0x9], $0x80, $0x38;
	[tilespmem:$0x1AE00] =	vst v63  }
.LBB2_18:
0x1a0: {  	[hbm4b:s6+s3] =	stream.linear.scatter [tilespmem:s22], [sflag:$0x9], $0x80, $0x38;
	[tilespmem:$0x1AE00] =	vst v63  }
0x1a1: {  	s6 =	smov.u32 s1;
	s1 =	smov.u32 s0  }
0x1a2: {  	s12 =	sadd.s32 $0x1100, s0;
	s1 =	sshra.s32 s1, $0x2;
	s22 =	sadd.s32 $0x16A00, s6  }
0x1a3: {  	[hbm4b:s23+s3] =	stream.linear.scatter [tilespmem:s22], [sflag:$0x9], $0x80, $0x38;
	[tilespmem:$0x1AE00] =	vst v63  }
0x1a4: {  	p0 =	sne.s32 s0, $0x7700;
	s0 =	sadd.s32 $0x16A88, s6;
	s22 =	sadd.s32 $0x10, s23  }
0x1a5: {  	[hbm4b:s22+s3] =	stream.linear.scatter [tilespmem:s0], [sflag:$0x9], $0x80, $0x38;
	[tilespmem:$0x1AE00] =	vst v63  }
0x1a6: {  	s0 =	sadd.s32 $0x16B10, s6;
	s22 =	sadd.s32 $0x20, s23  }
0x1a7: {  	[hbm4b:s22+s3] =	stream.linear.scatter [tilespmem:s0], [sflag:$0x9], $0x80, $0x38;
	[tilespmem:$0x1AE00] =	vst v63  }
0x1a8: {  	s0 =	sadd.s32 $0x16B98, s6;
	s22 =	sadd.s32 $0x30, s23  }
0x1a9: {  	[hbm4b:s22+s3] =	stream.linear.scatter [tilespmem:s0], [sflag:$0x9], $0x80, $0x38;
	[tilespmem:$0x1AE00] =	vst v63  }
0x1aa: {  	s0 =	sadd.s32 $0x16C20, s6;
	s22 =	sadd.s32 $0x40, s23  }
0x1ab: {  	[hbm4b:s22+s3] =	stream.linear.scatter [tilespmem:s0], [sflag:$0x9], $0x80, $0x38;
	[tilespmem:$0x1AE00] =	vst v63  }
0x1ac: {  	s0 =	sadd.s32 $0x16CA8, s6;
	s22 =	sadd.s32 $0x50, s23  }
0x1ad: {  	[hbm4b:s22+s3] =	stream.linear.scatter [tilespmem:s0], [sflag:$0x9], $0x80, $0x38;
	[tilespmem:$0x1AE00] =	vst v63  }
.Ltmp8:
0x1ae: {  	_ = 	snop;
	(pc) =	sbr.rel @p0 .LBB2_18-.Ltmp8, $4  }
0x1af: {  	s0 =	sadd.s32 $0x16D30, s6;
	s22 =	sadd.s32 $0x60, s23  }
0x1b0: {  	[hbm4b:s22+s3] =	stream.linear.scatter [tilespmem:s0], [sflag:$0x9], $0x80, $0x38;
	[tilespmem:$0x1AE00] =	vst v63  }
0x1b1: {  	s22 =	sadd.s32 $0x16DB8, s6  }
0x1b2: {  	s6 =	sadd.s32 $0x70, s23;
	s23 =	sadd.s32 $0x1000, s23;
	s0 =	smov.u32 s12  }
0x1b3: {  	[hbm4b:s6+s3] =	stream.linear.scatter [tilespmem:s22], [sflag:$0x9], $0x80, $0x38;
	[tilespmem:$0x1AE00] =	vst v63  }
0x1b4: {  	s0 =	sadd.s32 $0x16A00, s1  }
0x1b5: {  	[hbm4b:s23+s3] =	stream.linear.scatter [tilespmem:s0], [sflag:$0x9], $0x80, $0x38;
	[tilespmem:$0x1AE00] =	vst v63  }
0x1b6: {  	s6 =	sadd.s32 $0x16A88, s1;
	s12 =	sadd.s32 $0x10, s23  }
0x1b7: {  	[hbm4b:s12+s3] =	stream.linear.scatter [tilespmem:s6], [sflag:$0x9], $0x80, $0x38;
	[tilespmem:$0x1AE00] =	vst v63  }
0x1b8: {  	s13 =	sadd.s32 $0x16B10, s1;
	s22 =	sadd.s32 $0x20, s23  }
0x1b9: {  	[hbm4b:s22+s3] =	stream.linear.scatter [tilespmem:s13], [sflag:$0x9], $0x80, $0x38;
	[tilespmem:$0x1AE00] =	vst v63  }
0x1ba: {  	s30 =	sadd.s32 $0x16B98, s1;
	s31 =	sadd.s32 $0x30, s23  }
0x1bb: {  	[hbm4b:s31+s3] =	stream.linear.scatter [tilespmem:s30], [sflag:$0x9], $0x80, $0x38;
	[tilespmem:$0x1AE00] =	vst v63  }
0x1bc: {  	s6 =	sadd.s32 $0x16C20, s1;
	s12 =	sadd.s32 $0x40, s23  }
0x1bd: {  	[hbm4b:s12+s3] =	stream.linear.scatter [tilespmem:s6], [sflag:$0x9], $0x80, $0x38;
	[tilespmem:$0x1AE00] =	vst v63  }
0x1be: {  	s13 =	sadd.s32 $0x16CA8, s1;
	s22 =	sadd.s32 $0x50, s23  }
0x1bf: {  	[hbm4b:s22+s3] =	stream.linear.scatter [tilespmem:s13], [sflag:$0x9], $0x80, $0x38;
	[tilespmem:$0x1AE00] =	vst v63  }
0x1c0: {  	s30 =	sadd.s32 $0x16D30, s1;
	s31 =	sadd.s32 $0x60, s23  }
0x1c1: {  	[hbm4b:s31+s3] =	stream.linear.scatter [tilespmem:s30], [sflag:$0x9], $0x80, $0x38;
	[tilespmem:$0x1AE00] =	vst v63  }
0x1c2: {  	s6 =	sadd.s32 $0x16DB8, s1;
	s12 =	sadd.s32 $0x70, s23  }
0x1c3: {  	[hbm4b:s12+s3] =	stream.linear.scatter [tilespmem:s6], [sflag:$0x9], $0x80, $0x38;
	[tilespmem:$0x1AE00] =	vst v63  }
0x1c4: {  	s13 =	simm.s32 $0xC400;
	s22 =	simm.s32 $0x400  }
0x1c5: {  	[tilespmem:s13], [sflag:$0x4] =	stream.indirect.gather [hbm4b:s4+s25], $0x40, s22, s25, $0xb8;
	[tilespmem:$0x1AE00] =	vst v63  }
0x1c6: {  	s23 =	simm.s32 $0xD400;
	s30 =	simm.s32 $0x440  }
0x1c7: {  	[tilespmem:s23], [sflag:$0x4] =	stream.indirect.gather [hbm4b:s4+s25], $0x40, s30, s25, $0xb8;
	[tilespmem:$0x1AE00] =	vst v63  }
0x1c8: {  	_ =	swait.ge [sflag:s18], $0x1000  }
0x1c9: {  	[sflag:s18] =	ssyncset.done $0x0  }
0x1ca: {  	[sflag:s18] =	ssyncadd.s32 $0xFFFFF000  }
0x1cb: {  	_ =	swait.ge [sflag:s18], $0x1000  }
0x1cc: {  	[sflag:s18] =	ssyncset.done $0x0  }
0x1cd: {  	s1 =	simm.s32 $0xE420;
	s31 =	simm.s32 $0x0;
	[sflag:s18] =	ssyncadd.s32 $0xFFFFF000  }
0x1ce: {  	v4 =	vmov s31;
	v5 =	vld [tilespmem:s1+$0xFFFFFFE0]  }
0x1cf: {  	v4 =	vand.u32 $0x7F, v4  }
0x1d0: {  	v6 =	vadd.s32 v0, v4;
	_ =	sdelay $0x2  }
0x1d1: {  	v5 =	vmul.f32 $8.000000000e+00, v5;
	_ =	sdelay $0x1  }
0x1d2: {  	[tilespmem:v6+s19+$0x0] =	vst.idx.msk $0xffff, v5  }
0x1d3: {  	v5 =	vld [tilespmem:s1+$0xFFFFFFF0];
	_ =	sdelay $0x1  }
0x1d4: {  	v6 =	vadd.s32 v1, v4;
	_ =	sdelay $0x2  }
0x1d5: {  	v5 =	vmul.f32 $8.000000000e+00, v5;
	_ =	sdelay $0x1  }
0x1d6: {  	[tilespmem:v6+s19+$0x0] =	vst.idx.msk $0xffff, v5  }
0x1d7: {  	v5 =	vld [tilespmem:s1+$0x0];
	_ =	sdelay $0x1  }
0x1d8: {  	v6 =	vadd.s32 v2, v4;
	_ =	sdelay $0x2  }
0x1d9: {  	v5 =	vmul.f32 $8.000000000e+00, v5;
	_ =	sdelay $0x1  }
0x1da: {  	[tilespmem:v6+s19+$0x0] =	vst.idx.msk $0xffff, v5  }
0x1db: {  	v5 =	vld [tilespmem:s1+$0x10];
	_ =	sdelay $0x1  }
0x1dc: {  	v4 =	vadd.s32 v3, v4;
	_ =	sdelay $0x2  }
0x1dd: {  	s0 =	simm.s32 $0x1;
	v5 =	vmul.f32 $8.000000000e+00, v5  }
.LBB2_20:
0x1de: {  	p0 =	sne.s32 s0, $0x7F  }
0x1df: {  	s1 =	sadd.s32 $0x40, s1;
	s6 =	smov.u32 s0;
	s0 =	sadd.s32 $0x1, s0;
	[tilespmem:v4+s19+$0x0] =	vst.idx.msk $0xffff, v5  }
0x1e0: {  	v4 =	vmov s6;
	v5 =	vld [tilespmem:s1+$0xFFFFFFE0]  }
0x1e1: {  	v4 =	vand.u32 $0x7F, v4  }
0x1e2: {  	v6 =	vadd.s32 v0, v4;
	_ =	sdelay $0x2  }
0x1e3: {  	v5 =	vmul.f32 $8.000000000e+00, v5;
	_ =	sdelay $0x1  }
0x1e4: {  	[tilespmem:v6+s19+$0x0] =	vst.idx.msk $0xffff, v5  }
0x1e5: {  	v5 =	vld [tilespmem:s1+$0xFFFFFFF0];
	_ =	sdelay $0x1  }
0x1e6: {  	v6 =	vadd.s32 v1, v4;
	_ =	sdelay $0x2  }
0x1e7: {  	v5 =	vmul.f32 $8.000000000e+00, v5;
	_ =	sdelay $0x1  }
0x1e8: {  	[tilespmem:v6+s19+$0x0] =	vst.idx.msk $0xffff, v5  }
0x1e9: {  	v5 =	vld [tilespmem:s1+$0x0];
	_ =	sdelay $0x1  }
0x1ea: {  	v6 =	vadd.s32 v2, v4;
	_ =	sdelay $0x2  }
0x1eb: {  	v5 =	vmul.f32 $8.000000000e+00, v5;
	_ =	sdelay $0x1  }
0x1ec: {  	[tilespmem:v6+s19+$0x0] =	vst.idx.msk $0xffff, v5  }
0x1ed: {  	v5 =	vld [tilespmem:s1+$0x10]  }
.Ltmp9:
0x1ee: {  	(pc) =	sbr.rel @p0 .LBB2_20-.Ltmp9, $2  }
0x1ef: {  	v4 =	vadd.s32 v3, v4;
	_ =	sdelay $0x2  }
0x1f0: {  	v5 =	vmul.f32 $8.000000000e+00, v5  }
0x1f1: {  	_ =	sdelay $0x3  }
0x1f2: {  	s0 =	simm.s32 $0x18C00;
	s12 =	rddreg [dreg:$0x8];
	[tilespmem:v4+s19+$0x0] =	vst.idx.msk $0xffff, v5  }
0x1f3: {  	[hbm4b:s12+s3] =	stream.linear.scatter [tilespmem:s0], [sflag:$0xA], $0x80, $0x38;
	[tilespmem:$0x1AE00] =	vst v63  }
0x1f4: {  	s13 =	simm.s32 $0x18C88;
	s1 =	sadd.s32 $0x10, s12  }
0x1f5: {  	[hbm4b:s1+s3] =	stream.linear.scatter [tilespmem:s13], [sflag:$0xA], $0x80, $0x38;
	[tilespmem:$0x1AE00] =	vst v63  }
0x1f6: {  	s22 =	simm.s32 $0x18D10;
	s30 =	simm.s32 $0x18D98;
	s23 =	sadd.s32 $0x20, s12  }
0x1f7: {  	[hbm4b:s23+s3] =	stream.linear.scatter [tilespmem:s22], [sflag:$0xA], $0x80, $0x38;
	[tilespmem:$0x1AE00] =	vst v63  }
0x1f8: {  	s6 =	simm.s32 $0x18E20;
	s31 =	sadd.s32 $0x30, s12;
	s0 =	simm.s32 $0x2200  }
0x1f9: {  	[hbm4b:s31+s3] =	stream.linear.scatter [tilespmem:s30], [sflag:$0xA], $0x80, $0x38;
	[tilespmem:$0x1AE00] =	vst v63  }
0x1fa: {  	s13 =	sadd.s32 $0x40, s12;
	s1 =	simm.s32 $0x440;
	s22 =	simm.s32 $0x18EA8  }
0x1fb: {  	[hbm4b:s13+s3] =	stream.linear.scatter [tilespmem:s6], [sflag:$0xA], $0x80, $0x38;
	[tilespmem:$0x1AE00] =	vst v63  }
0x1fc: {  	s23 =	sadd.s32 $0x50, s12;
	s30 =	simm.s32 $0x18F30;
	s31 =	sadd.s32 $0x60, s12  }
0x1fd: {  	[hbm4b:s23+s3] =	stream.linear.scatter [tilespmem:s22], [sflag:$0xA], $0x80, $0x38;
	[tilespmem:$0x1AE00] =	vst v63  }
0x1fe: {  	s6 =	sadd.s32 $0x70, s12;
	s22 =	simm.s32 $0x18FB8;
	s23 =	sadd.s32 $0x1000, s12  }
0x1ff: {  	[hbm4b:s31+s3] =	stream.linear.scatter [tilespmem:s30], [sflag:$0xA], $0x80, $0x38;
	[tilespmem:$0x1AE00] =	vst v63  }
.LBB2_22:
0x200: {  	[hbm4b:s6+s3] =	stream.linear.scatter [tilespmem:s22], [sflag:$0xA], $0x80, $0x38;
	[tilespmem:$0x1AE00] =	vst v63  }
0x201: {  	s6 =	smov.u32 s1;
	s1 =	smov.u32 s0  }
0x202: {  	s12 =	sadd.s32 $0x1100, s0;
	s1 =	sshra.s32 s1, $0x2;
	s22 =	sadd.s32 $0x18C00, s6  }
0x203: {  	[hbm4b:s23+s3] =	stream.linear.scatter [tilespmem:s22], [sflag:$0xA], $0x80, $0x38;
	[tilespmem:$0x1AE00] =	vst v63  }
0x204: {  	p0 =	sne.s32 s0, $0x7700;
	s0 =	sadd.s32 $0x18C88, s6;
	s22 =	sadd.s32 $0x10, s23  }
0x205: {  	[hbm4b:s22+s3] =	stream.linear.scatter [tilespmem:s0], [sflag:$0xA], $0x80, $0x38;
	[tilespmem:$0x1AE00] =	vst v63  }
0x206: {  	s0 =	sadd.s32 $0x18D10, s6;
	s22 =	sadd.s32 $0x20, s23  }
0x207: {  	[hbm4b:s22+s3] =	stream.linear.scatter [tilespmem:s0], [sflag:$0xA], $0x80, $0x38;
	[tilespmem:$0x1AE00] =	vst v63  }
0x208: {  	s0 =	sadd.s32 $0x18D98, s6;
	s22 =	sadd.s32 $0x30, s23  }
0x209: {  	[hbm4b:s22+s3] =	stream.linear.scatter [tilespmem:s0], [sflag:$0xA], $0x80, $0x38;
	[tilespmem:$0x1AE00] =	vst v63  }
0x20a: {  	s0 =	sadd.s32 $0x18E20, s6;
	s22 =	sadd.s32 $0x40, s23  }
0x20b: {  	[hbm4b:s22+s3] =	stream.linear.scatter [tilespmem:s0], [sflag:$0xA], $0x80, $0x38;
	[tilespmem:$0x1AE00] =	vst v63  }
0x20c: {  	s0 =	sadd.s32 $0x18EA8, s6;
	s22 =	sadd.s32 $0x50, s23  }
0x20d: {  	[hbm4b:s22+s3] =	stream.linear.scatter [tilespmem:s0], [sflag:$0xA], $0x80, $0x38;
	[tilespmem:$0x1AE00] =	vst v63  }
.Ltmp10:
0x20e: {  	_ = 	snop;
	(pc) =	sbr.rel @p0 .LBB2_22-.Ltmp10, $4  }
0x20f: {  	s0 =	sadd.s32 $0x18F30, s6;
	s22 =	sadd.s32 $0x60, s23  }
0x210: {  	[hbm4b:s22+s3] =	stream.linear.scatter [tilespmem:s0], [sflag:$0xA], $0x80, $0x38;
	[tilespmem:$0x1AE00] =	vst v63  }
0x211: {  	s22 =	sadd.s32 $0x18FB8, s6  }
0x212: {  	s6 =	sadd.s32 $0x70, s23;
	s23 =	sadd.s32 $0x1000, s23;
	s0 =	smov.u32 s12  }
0x213: {  	[hbm4b:s6+s3] =	stream.linear.scatter [tilespmem:s22], [sflag:$0xA], $0x80, $0x38;
	[tilespmem:$0x1AE00] =	vst v63  }
0x214: {  	s0 =	sadd.s32 $0x18C00, s1  }
0x215: {  	[hbm4b:s23+s3] =	stream.linear.scatter [tilespmem:s0], [sflag:$0xA], $0x80, $0x38;
	[tilespmem:$0x1AE00] =	vst v63  }
0x216: {  	s12 =	sadd.s32 $0x18C88, s1;
	s13 =	sadd.s32 $0x10, s23  }
0x217: {  	[hbm4b:s13+s3] =	stream.linear.scatter [tilespmem:s12], [sflag:$0xA], $0x80, $0x38;
	[tilespmem:$0x1AE00] =	vst v63  }
0x218: {  	s22 =	sadd.s32 $0x18D10, s1;
	s30 =	sadd.s32 $0x20, s23  }
0x219: {  	[hbm4b:s30+s3] =	stream.linear.scatter [tilespmem:s22], [sflag:$0xA], $0x80, $0x38;
	[tilespmem:$0x1AE00] =	vst v63  }
0x21a: {  	s12 =	sadd.s32 $0x18D98, s1;
	s13 =	sadd.s32 $0x30, s23  }
0x21b: {  	[hbm4b:s13+s3] =	stream.linear.scatter [tilespmem:s12], [sflag:$0xA], $0x80, $0x38;
	[tilespmem:$0x1AE00] =	vst v63  }
0x21c: {  	s22 =	sadd.s32 $0x18E20, s1;
	s30 =	sadd.s32 $0x40, s23  }
0x21d: {  	[hbm4b:s30+s3] =	stream.linear.scatter [tilespmem:s22], [sflag:$0xA], $0x80, $0x38;
	[tilespmem:$0x1AE00] =	vst v63  }
0x21e: {  	s12 =	sadd.s32 $0x18EA8, s1;
	s13 =	sadd.s32 $0x50, s23  }
0x21f: {  	[hbm4b:s13+s3] =	stream.linear.scatter [tilespmem:s12], [sflag:$0xA], $0x80, $0x38;
	[tilespmem:$0x1AE00] =	vst v63  }
0x220: {  	s22 =	sadd.s32 $0x18F30, s1;
	s30 =	sadd.s32 $0x60, s23  }
0x221: {  	[hbm4b:s30+s3] =	stream.linear.scatter [tilespmem:s22], [sflag:$0xA], $0x80, $0x38;
	[tilespmem:$0x1AE00] =	vst v63  }
0x222: {  	s6 =	sadd.s32 $0x18FB8, s1;
	s12 =	sadd.s32 $0x70, s23  }
0x223: {  	[hbm4b:s12+s3] =	stream.linear.scatter [tilespmem:s6], [sflag:$0xA], $0x80, $0x38;
	[tilespmem:$0x1AE00] =	vst v63  }
0x224: {  	s13 =	simm.s32 $0xE400;
	s22 =	simm.s32 $0x480  }
0x225: {  	[tilespmem:s13], [sflag:$0x5] =	stream.indirect.gather [hbm4b:s4+s25], $0x40, s22, s25, $0xb8;
	[tilespmem:$0x1AE00] =	vst v63  }
0x226: {  	s31 =	simm.s32 $0x1;
	s23 =	simm.s32 $0xF400;
	s30 =	simm.s32 $0x4C0  }
0x227: {  	[tilespmem:s23], [sflag:$0x5] =	stream.indirect.gather [hbm4b:s4+s25], $0x40, s30, s25, $0xb8;
	[tilespmem:$0x1AE00] =	vst v63  }
.LBB2_24:
0x228: {  	_ =	swait.ge [sflag:s21], $0x1000  }
0x229: {  	[sflag:s21] =	ssyncset.done $0x0  }
0x22a: {  	[sflag:s21] =	ssyncadd.s32 $0xFFFFF000  }
0x22b: {  	_ =	swait.ge [sflag:s21], $0x1000  }
0x22c: {  	[sflag:s21] =	ssyncset.done $0x0  }
0x22d: {  	[sflag:s21] =	ssyncadd.s32 $0xFFFFF000  }
0x22e: {  	_ =	swait.ge [sflag:s20], $0x2000  }
0x22f: {  	[sflag:s20] =	ssyncset.done $0x0  }
0x230: {  	s0 =	simm.s32 $0x0;
	s1 =	simm.s32 $0x6420;
	[sflag:s20] =	ssyncadd.s32 $0xFFFFE000  }
0x231: {  	v4 =	vmov s0;
	v5 =	vld [tilespmem:s1+$0xFFFFFFE0]  }
0x232: {  	v4 =	vand.u32 $0x7F, v4  }
0x233: {  	v6 =	vadd.s32 v0, v4;
	_ =	sdelay $0x2  }
0x234: {  	v5 =	vmul.f32 $8.000000000e+00, v5;
	_ =	sdelay $0x1  }
0x235: {  	[tilespmem:v6+s24+$0x0] =	vst.idx.msk $0xffff, v5  }
0x236: {  	v5 =	vld [tilespmem:s1+$0xFFFFFFF0];
	_ =	sdelay $0x1  }
0x237: {  	v6 =	vadd.s32 v1, v4;
	_ =	sdelay $0x2  }
0x238: {  	v5 =	vmul.f32 $8.000000000e+00, v5;
	_ =	sdelay $0x1  }
0x239: {  	[tilespmem:v6+s24+$0x0] =	vst.idx.msk $0xffff, v5  }
0x23a: {  	v5 =	vld [tilespmem:s1+$0x0];
	_ =	sdelay $0x1  }
0x23b: {  	v6 =	vadd.s32 v2, v4;
	_ =	sdelay $0x2  }
0x23c: {  	v5 =	vmul.f32 $8.000000000e+00, v5;
	_ =	sdelay $0x1  }
0x23d: {  	[tilespmem:v6+s24+$0x0] =	vst.idx.msk $0xffff, v5  }
0x23e: {  	v5 =	vld [tilespmem:s1+$0x10];
	_ =	sdelay $0x1  }
0x23f: {  	v4 =	vadd.s32 v3, v4;
	_ =	sdelay $0x2  }
0x240: {  	s0 =	simm.s32 $0x1;
	v5 =	vmul.f32 $8.000000000e+00, v5  }
.LBB2_25:
0x241: {  	p0 =	sne.s32 s0, $0x7F  }
0x242: {  	s1 =	sadd.s32 $0x40, s1;
	s6 =	smov.u32 s0;
	s0 =	sadd.s32 $0x1, s0;
	[tilespmem:v4+s24+$0x0] =	vst.idx.msk $0xffff, v5  }
0x243: {  	v4 =	vmov s6;
	v5 =	vld [tilespmem:s1+$0xFFFFFFE0]  }
0x244: {  	v4 =	vand.u32 $0x7F, v4  }
0x245: {  	v6 =	vadd.s32 v0, v4;
	_ =	sdelay $0x2  }
0x246: {  	v5 =	vmul.f32 $8.000000000e+00, v5;
	_ =	sdelay $0x1  }
0x247: {  	[tilespmem:v6+s24+$0x0] =	vst.idx.msk $0xffff, v5  }
0x248: {  	v5 =	vld [tilespmem:s1+$0xFFFFFFF0];
	_ =	sdelay $0x1  }
0x249: {  	v6 =	vadd.s32 v1, v4;
	_ =	sdelay $0x2  }
0x24a: {  	v5 =	vmul.f32 $8.000000000e+00, v5;
	_ =	sdelay $0x1  }
0x24b: {  	[tilespmem:v6+s24+$0x0] =	vst.idx.msk $0xffff, v5  }
0x24c: {  	v5 =	vld [tilespmem:s1+$0x0];
	_ =	sdelay $0x1  }
0x24d: {  	v6 =	vadd.s32 v2, v4;
	_ =	sdelay $0x2  }
0x24e: {  	v5 =	vmul.f32 $8.000000000e+00, v5;
	_ =	sdelay $0x1  }
0x24f: {  	[tilespmem:v6+s24+$0x0] =	vst.idx.msk $0xffff, v5  }
0x250: {  	v5 =	vld [tilespmem:s1+$0x10]  }
.Ltmp11:
0x251: {  	(pc) =	sbr.rel @p0 .LBB2_25-.Ltmp11, $2  }
0x252: {  	v4 =	vadd.s32 v3, v4;
	_ =	sdelay $0x2  }
0x253: {  	v5 =	vmul.f32 $8.000000000e+00, v5  }
0x254: {  	s1 =	smul.u32 $0x140000, s31;
	_ =	sdelay $0x1  }
0x255: {  	s0 =	sor.u32 s7, s1  }
0x256: {  	s0 =	sshrl.u32 s0, $0x3  }
0x257: {  	s6 =	simm.s32 $0x10400;
	[tilespmem:v4+s24+$0x0] =	vst.idx.msk $0xffff, v5;
	s12 =	sadd.s32 s2, s0  }
0x258: {  	[hbm4b:s12+s3] =	stream.linear.scatter [tilespmem:s6], [sflag:$0x6], $0x80, $0x38;
	[tilespmem:$0x1AE00] =	vst v63  }
0x259: {  	s13 =	simm.s32 $0x10488;
	s6 =	sadd.s32 $0x10, s12  }
0x25a: {  	[hbm4b:s6+s3] =	stream.linear.scatter [tilespmem:s13], [sflag:$0x6], $0x80, $0x38;
	[tilespmem:$0x1AE00] =	vst v63  }
0x25b: {  	s22 =	simm.s32 $0x10510;
	s23 =	sadd.s32 $0x20, s12  }
0x25c: {  	[hbm4b:s23+s3] =	stream.linear.scatter [tilespmem:s22], [sflag:$0x6], $0x80, $0x38;
	[tilespmem:$0x1AE00] =	vst v63  }
0x25d: {  	s6 =	simm.s32 $0x10598;
	s13 =	sadd.s32 $0x30, s12  }
0x25e: {  	[hbm4b:s13+s3] =	stream.linear.scatter [tilespmem:s6], [sflag:$0x6], $0x80, $0x38;
	[tilespmem:$0x1AE00] =	vst v63  }
0x25f: {  	s22 =	simm.s32 $0x10620;
	s23 =	sadd.s32 $0x40, s12  }
0x260: {  	[hbm4b:s23+s3] =	stream.linear.scatter [tilespmem:s22], [sflag:$0x6], $0x80, $0x38;
	[tilespmem:$0x1AE00] =	vst v63  }
0x261: {  	s0 =	simm.s32 $0x2200;
	s6 =	simm.s32 $0x106A8;
	s13 =	sadd.s32 $0x50, s12  }
0x262: {  	[hbm4b:s13+s3] =	stream.linear.scatter [tilespmem:s6], [sflag:$0x6], $0x80, $0x38;
	[tilespmem:$0x1AE00] =	vst v63  }
0x263: {  	s30 =	sadd.s32 $0x1000, s12;
	s22 =	simm.s32 $0x10730;
	s23 =	sadd.s32 $0x60, s12  }
0x264: {  	[hbm4b:s23+s3] =	stream.linear.scatter [tilespmem:s22], [sflag:$0x6], $0x80, $0x38;
	[tilespmem:$0x1AE00] =	vst v63  }
0x265: {  	s6 =	sadd.s32 $0x70, s12;
	s23 =	simm.s32 $0x440;
	s22 =	simm.s32 $0x107B8  }
.LBB2_27:
0x266: {  	[hbm4b:s6+s3] =	stream.linear.scatter [tilespmem:s22], [sflag:$0x6], $0x80, $0x38;
	[tilespmem:$0x1AE00] =	vst v63  }
0x267: {  	s6 =	smov.u32 s23;
	s12 =	smov.u32 s0  }
0x268: {  	s23 =	sshra.s32 s12, $0x2;
	s12 =	sadd.s32 $0x1100, s0;
	s22 =	sadd.s32 $0x10400, s6  }
0x269: {  	[hbm4b:s30+s3] =	stream.linear.scatter [tilespmem:s22], [sflag:$0x6], $0x80, $0x38;
	[tilespmem:$0x1AE00] =	vst v63  }
0x26a: {  	p0 =	sne.s32 s0, $0x7700;
	s0 =	sadd.s32 $0x10488, s6;
	s22 =	sadd.s32 $0x10, s30  }
0x26b: {  	[hbm4b:s22+s3] =	stream.linear.scatter [tilespmem:s0], [sflag:$0x6], $0x80, $0x38;
	[tilespmem:$0x1AE00] =	vst v63  }
0x26c: {  	s0 =	sadd.s32 $0x10510, s6;
	s22 =	sadd.s32 $0x20, s30  }
0x26d: {  	[hbm4b:s22+s3] =	stream.linear.scatter [tilespmem:s0], [sflag:$0x6], $0x80, $0x38;
	[tilespmem:$0x1AE00] =	vst v63  }
0x26e: {  	s0 =	sadd.s32 $0x10598, s6;
	s22 =	sadd.s32 $0x30, s30  }
0x26f: {  	[hbm4b:s22+s3] =	stream.linear.scatter [tilespmem:s0], [sflag:$0x6], $0x80, $0x38;
	[tilespmem:$0x1AE00] =	vst v63  }
0x270: {  	s0 =	sadd.s32 $0x10620, s6;
	s22 =	sadd.s32 $0x40, s30  }
0x271: {  	[hbm4b:s22+s3] =	stream.linear.scatter [tilespmem:s0], [sflag:$0x6], $0x80, $0x38;
	[tilespmem:$0x1AE00] =	vst v63  }
0x272: {  	s0 =	sadd.s32 $0x106A8, s6;
	s22 =	sadd.s32 $0x50, s30  }
0x273: {  	[hbm4b:s22+s3] =	stream.linear.scatter [tilespmem:s0], [sflag:$0x6], $0x80, $0x38;
	[tilespmem:$0x1AE00] =	vst v63  }
.Ltmp12:
0x274: {  	_ = 	snop;
	(pc) =	sbr.rel @p0 .LBB2_27-.Ltmp12, $4  }
0x275: {  	s0 =	sadd.s32 $0x10730, s6;
	s22 =	sadd.s32 $0x60, s30  }
0x276: {  	[hbm4b:s22+s3] =	stream.linear.scatter [tilespmem:s0], [sflag:$0x6], $0x80, $0x38;
	[tilespmem:$0x1AE00] =	vst v63  }
0x277: {  	s22 =	sadd.s32 $0x107B8, s6  }
0x278: {  	s6 =	sadd.s32 $0x70, s30;
	s30 =	sadd.s32 $0x1000, s30;
	s0 =	smov.u32 s12  }
0x279: {  	[hbm4b:s6+s3] =	stream.linear.scatter [tilespmem:s22], [sflag:$0x6], $0x80, $0x38;
	[tilespmem:$0x1AE00] =	vst v63  }
0x27a: {  	s0 =	sadd.s32 $0x10400, s23  }
0x27b: {  	[hbm4b:s30+s3] =	stream.linear.scatter [tilespmem:s0], [sflag:$0x6], $0x80, $0x38;
	[tilespmem:$0x1AE00] =	vst v63  }
0x27c: {  	s6 =	sadd.s32 $0x10488, s23;
	s12 =	sadd.s32 $0x10, s30  }
0x27d: {  	[hbm4b:s12+s3] =	stream.linear.scatter [tilespmem:s6], [sflag:$0x6], $0x80, $0x38;
	[tilespmem:$0x1AE00] =	vst v63  }
0x27e: {  	s13 =	sadd.s32 $0x10510, s23;
	s22 =	sadd.s32 $0x20, s30  }
0x27f: {  	[hbm4b:s22+s3] =	stream.linear.scatter [tilespmem:s13], [sflag:$0x6], $0x80, $0x38;
	[tilespmem:$0x1AE00] =	vst v63  }
0x280: {  	s6 =	sadd.s32 $0x10598, s23;
	s12 =	sadd.s32 $0x30, s30  }
0x281: {  	[hbm4b:s12+s3] =	stream.linear.scatter [tilespmem:s6], [sflag:$0x6], $0x80, $0x38;
	[tilespmem:$0x1AE00] =	vst v63  }
0x282: {  	s13 =	sadd.s32 $0x10620, s23;
	s22 =	sadd.s32 $0x40, s30  }
0x283: {  	[hbm4b:s22+s3] =	stream.linear.scatter [tilespmem:s13], [sflag:$0x6], $0x80, $0x38;
	[tilespmem:$0x1AE00] =	vst v63  }
0x284: {  	s6 =	sadd.s32 $0x106A8, s23;
	s12 =	sadd.s32 $0x50, s30  }
0x285: {  	[hbm4b:s12+s3] =	stream.linear.scatter [tilespmem:s6], [sflag:$0x6], $0x80, $0x38;
	[tilespmem:$0x1AE00] =	vst v63  }
0x286: {  	s13 =	sadd.s32 $0x10730, s23;
	s22 =	sadd.s32 $0x60, s30;
	s12 =	smul.u32 $0xA00, s31  }
0x287: {  	[hbm4b:s22+s3] =	stream.linear.scatter [tilespmem:s13], [sflag:$0x6], $0x80, $0x38;
	[tilespmem:$0x1AE00] =	vst v63  }
0x288: {  	s6 =	sadd.s32 $0x107B8, s23;
	s13 =	sadd.s32 $0x70, s30;
	s30 =	sshra.s32 s12, $0x2  }
0x289: {  	[hbm4b:s13+s3] =	stream.linear.scatter [tilespmem:s6], [sflag:$0x6], $0x80, $0x38;
	[tilespmem:$0x1AE00] =	vst v63  }
0x28a: {  	s23 =	simm.s32 $0x6400;
	s22 =	sadd.s32 $0x280, s30  }
0x28b: {  	[tilespmem:s23], [sflag:$0x1] =	stream.indirect.gather [hbm4b:s4+s25], $0x40, s22, s25, $0xb8;
	[tilespmem:$0x1AE00] =	vst v63  }
0x28c: {  	s12 =	sadd.s32 $0x2C0, s30;
	s13 =	simm.s32 $0x7400  }
0x28d: {  	[tilespmem:s13], [sflag:$0x1] =	stream.indirect.gather [hbm4b:s4+s25], $0x40, s12, s25, $0xb8;
	[tilespmem:$0x1AE00] =	vst v63  }
0x28e: {  	_ =	swait.ge [sflag:s8], $0x1000  }
0x28f: {  	[sflag:s8] =	ssyncset.done $0x0  }
0x290: {  	[sflag:s8] =	ssyncadd.s32 $0xFFFFF000  }
0x291: {  	_ =	swait.ge [sflag:s8], $0x1000  }
0x292: {  	[sflag:s8] =	ssyncset.done $0x0  }
0x293: {  	[sflag:s8] =	ssyncadd.s32 $0xFFFFF000  }
0x294: {  	_ =	swait.ge [sflag:s5], $0x2000  }
0x295: {  	[sflag:s5] =	ssyncset.done $0x0  }
0x296: {  	s22 =	simm.s32 $0x0;
	s23 =	simm.s32 $0x8420;
	[sflag:s5] =	ssyncadd.s32 $0xFFFFE000  }
0x297: {  	v4 =	vmov s22;
	v5 =	vld [tilespmem:s23+$0xFFFFFFE0]  }
0x298: {  	v4 =	vand.u32 $0x7F, v4  }
0x299: {  	v6 =	vadd.s32 v0, v4;
	_ =	sdelay $0x2  }
0x29a: {  	v5 =	vmul.f32 $8.000000000e+00, v5;
	_ =	sdelay $0x1  }
0x29b: {  	[tilespmem:v6+s9+$0x0] =	vst.idx.msk $0xffff, v5  }
0x29c: {  	v5 =	vld [tilespmem:s23+$0xFFFFFFF0];
	_ =	sdelay $0x1  }
0x29d: {  	v6 =	vadd.s32 v1, v4;
	_ =	sdelay $0x2  }
0x29e: {  	v5 =	vmul.f32 $8.000000000e+00, v5;
	_ =	sdelay $0x1  }
0x29f: {  	[tilespmem:v6+s9+$0x0] =	vst.idx.msk $0xffff, v5  }
0x2a0: {  	v5 =	vld [tilespmem:s23+$0x0];
	_ =	sdelay $0x1  }
0x2a1: {  	v6 =	vadd.s32 v2, v4;
	_ =	sdelay $0x2  }
0x2a2: {  	v5 =	vmul.f32 $8.000000000e+00, v5;
	_ =	sdelay $0x1  }
0x2a3: {  	[tilespmem:v6+s9+$0x0] =	vst.idx.msk $0xffff, v5  }
0x2a4: {  	v5 =	vld [tilespmem:s23+$0x10];
	_ =	sdelay $0x1  }
0x2a5: {  	v4 =	vadd.s32 v3, v4;
	_ =	sdelay $0x2  }
0x2a6: {  	s0 =	simm.s32 $0x1;
	v5 =	vmul.f32 $8.000000000e+00, v5  }
.LBB2_29:
0x2a7: {  	p0 =	sne.s32 s0, $0x7F  }
0x2a8: {  	s23 =	sadd.s32 $0x40, s23;
	s6 =	smov.u32 s0;
	s0 =	sadd.s32 $0x1, s0;
	[tilespmem:v4+s9+$0x0] =	vst.idx.msk $0xffff, v5  }
0x2a9: {  	v4 =	vmov s6;
	v5 =	vld [tilespmem:s23+$0xFFFFFFE0]  }
0x2aa: {  	v4 =	vand.u32 $0x7F, v4  }
0x2ab: {  	v6 =	vadd.s32 v0, v4;
	_ =	sdelay $0x2  }
0x2ac: {  	v5 =	vmul.f32 $8.000000000e+00, v5;
	_ =	sdelay $0x1  }
0x2ad: {  	[tilespmem:v6+s9+$0x0] =	vst.idx.msk $0xffff, v5  }
0x2ae: {  	v5 =	vld [tilespmem:s23+$0xFFFFFFF0];
	_ =	sdelay $0x1  }
0x2af: {  	v6 =	vadd.s32 v1, v4;
	_ =	sdelay $0x2  }
0x2b0: {  	v5 =	vmul.f32 $8.000000000e+00, v5;
	_ =	sdelay $0x1  }
0x2b1: {  	[tilespmem:v6+s9+$0x0] =	vst.idx.msk $0xffff, v5  }
0x2b2: {  	v5 =	vld [tilespmem:s23+$0x0];
	_ =	sdelay $0x1  }
0x2b3: {  	v6 =	vadd.s32 v2, v4;
	_ =	sdelay $0x2  }
0x2b4: {  	v5 =	vmul.f32 $8.000000000e+00, v5;
	_ =	sdelay $0x1  }
0x2b5: {  	[tilespmem:v6+s9+$0x0] =	vst.idx.msk $0xffff, v5  }
0x2b6: {  	v5 =	vld [tilespmem:s23+$0x10]  }
.Ltmp13:
0x2b7: {  	(pc) =	sbr.rel @p0 .LBB2_29-.Ltmp13, $2  }
0x2b8: {  	v4 =	vadd.s32 v3, v4;
	_ =	sdelay $0x2  }
0x2b9: {  	v5 =	vmul.f32 $8.000000000e+00, v5  }
0x2ba: {  	_ = 	snop  }
0x2bb: {  	s0 =	rddreg [dreg:$0x9]  }
0x2bc: {  	s0 =	sadd.s32 s0, s1  }
0x2bd: {  	s0 =	sshrl.u32 s0, $0x3  }
0x2be: {  	s6 =	simm.s32 $0x12600;
	[tilespmem:v4+s9+$0x0] =	vst.idx.msk $0xffff, v5;
	s0 =	sadd.s32 s2, s0  }
0x2bf: {  	[hbm4b:s0+s3] =	stream.linear.scatter [tilespmem:s6], [sflag:$0x7], $0x80, $0x38;
	[tilespmem:$0x1AE00] =	vst v63  }
0x2c0: {  	s13 =	simm.s32 $0x12688;
	s12 =	sadd.s32 $0x10, s0  }
0x2c1: {  	[hbm4b:s12+s3] =	stream.linear.scatter [tilespmem:s13], [sflag:$0x7], $0x80, $0x38;
	[tilespmem:$0x1AE00] =	vst v63  }
0x2c2: {  	s22 =	simm.s32 $0x12710;
	s23 =	sadd.s32 $0x20, s0  }
0x2c3: {  	[hbm4b:s23+s3] =	stream.linear.scatter [tilespmem:s22], [sflag:$0x7], $0x80, $0x38;
	[tilespmem:$0x1AE00] =	vst v63  }
0x2c4: {  	s12 =	simm.s32 $0x12798;
	s13 =	sadd.s32 $0x30, s0  }
0x2c5: {  	[hbm4b:s13+s3] =	stream.linear.scatter [tilespmem:s12], [sflag:$0x7], $0x80, $0x38;
	[tilespmem:$0x1AE00] =	vst v63  }
0x2c6: {  	s22 =	simm.s32 $0x12820;
	s23 =	sadd.s32 $0x40, s0  }
0x2c7: {  	[hbm4b:s23+s3] =	stream.linear.scatter [tilespmem:s22], [sflag:$0x7], $0x80, $0x38;
	[tilespmem:$0x1AE00] =	vst v63  }
0x2c8: {  	s6 =	simm.s32 $0x129B8;
	s12 =	simm.s32 $0x128A8;
	s13 =	sadd.s32 $0x50, s0  }
0x2c9: {  	[hbm4b:s13+s3] =	stream.linear.scatter [tilespmem:s12], [sflag:$0x7], $0x80, $0x38;
	[tilespmem:$0x1AE00] =	vst v63  }
0x2ca: {  	s22 =	simm.s32 $0x12930;
	s23 =	sadd.s32 $0x60, s0;
	s12 =	sadd.s32 $0x70, s0  }
0x2cb: {  	[hbm4b:s23+s3] =	stream.linear.scatter [tilespmem:s22], [sflag:$0x7], $0x80, $0x38;
	[tilespmem:$0x1AE00] =	vst v63  }
0x2cc: {  	s0 =	sadd.s32 $0x1000, s0;
	s23 =	simm.s32 $0x440;
	s22 =	simm.s32 $0x2200  }
.LBB2_31:
0x2cd: {  	[hbm4b:s12+s3] =	stream.linear.scatter [tilespmem:s6], [sflag:$0x7], $0x80, $0x38;
	[tilespmem:$0x1AE00] =	vst v63  }
0x2ce: {  	s6 =	smov.u32 s23;
	s12 =	smov.u32 s22  }
0x2cf: {  	s13 =	sadd.s32 $0x1100, s22;
	s23 =	sshra.s32 s12, $0x2;
	s12 =	sadd.s32 $0x12600, s6  }
0x2d0: {  	[hbm4b:s0+s3] =	stream.linear.scatter [tilespmem:s12], [sflag:$0x7], $0x80, $0x38;
	[tilespmem:$0x1AE00] =	vst v63  }
0x2d1: {  	p0 =	sne.s32 s22, $0x7700;
	s22 =	sadd.s32 $0x10, s0;
	s12 =	sadd.s32 $0x12688, s6  }
0x2d2: {  	[hbm4b:s22+s3] =	stream.linear.scatter [tilespmem:s12], [sflag:$0x7], $0x80, $0x38;
	[tilespmem:$0x1AE00] =	vst v63  }
0x2d3: {  	s12 =	sadd.s32 $0x12710, s6;
	s22 =	sadd.s32 $0x20, s0  }
0x2d4: {  	[hbm4b:s22+s3] =	stream.linear.scatter [tilespmem:s12], [sflag:$0x7], $0x80, $0x38;
	[tilespmem:$0x1AE00] =	vst v63  }
0x2d5: {  	s12 =	sadd.s32 $0x12798, s6;
	s22 =	sadd.s32 $0x30, s0  }
0x2d6: {  	[hbm4b:s22+s3] =	stream.linear.scatter [tilespmem:s12], [sflag:$0x7], $0x80, $0x38;
	[tilespmem:$0x1AE00] =	vst v63  }
0x2d7: {  	s12 =	sadd.s32 $0x12820, s6;
	s22 =	sadd.s32 $0x40, s0  }
0x2d8: {  	[hbm4b:s22+s3] =	stream.linear.scatter [tilespmem:s12], [sflag:$0x7], $0x80, $0x38;
	[tilespmem:$0x1AE00] =	vst v63  }
.Ltmp14:
0x2d9: {  	s12 =	sadd.s32 $0x128A8, s6;
	s22 =	sadd.s32 $0x50, s0;
	(pc) =	sbr.rel @p0 .LBB2_31-.Ltmp14, $4  }
0x2da: {  	[hbm4b:s22+s3] =	stream.linear.scatter [tilespmem:s12], [sflag:$0x7], $0x80, $0x38;
	[tilespmem:$0x1AE00] =	vst v63  }
0x2db: {  	s12 =	sadd.s32 $0x12930, s6;
	s22 =	sadd.s32 $0x60, s0;
	s6 =	sadd.s32 $0x129B8, s6  }
0x2dc: {  	[hbm4b:s22+s3] =	stream.linear.scatter [tilespmem:s12], [sflag:$0x7], $0x80, $0x38;
	[tilespmem:$0x1AE00] =	vst v63  }
0x2dd: {  	s12 =	sadd.s32 $0x70, s0;
	s0 =	sadd.s32 $0x1000, s0;
	s22 =	smov.u32 s13  }
0x2de: {  	[hbm4b:s12+s3] =	stream.linear.scatter [tilespmem:s6], [sflag:$0x7], $0x80, $0x38;
	[tilespmem:$0x1AE00] =	vst v63  }
0x2df: {  	s12 =	sadd.s32 $0x12600, s23  }
0x2e0: {  	[hbm4b:s0+s3] =	stream.linear.scatter [tilespmem:s12], [sflag:$0x7], $0x80, $0x38;
	[tilespmem:$0x1AE00] =	vst v63  }
0x2e1: {  	s13 =	sadd.s32 $0x12688, s23;
	s22 =	sadd.s32 $0x10, s0  }
0x2e2: {  	[hbm4b:s22+s3] =	stream.linear.scatter [tilespmem:s13], [sflag:$0x7], $0x80, $0x38;
	[tilespmem:$0x1AE00] =	vst v63  }
0x2e3: {  	s13 =	sadd.s32 $0x12710, s23;
	s22 =	sadd.s32 $0x20, s0  }
0x2e4: {  	[hbm4b:s22+s3] =	stream.linear.scatter [tilespmem:s13], [sflag:$0x7], $0x80, $0x38;
	[tilespmem:$0x1AE00] =	vst v63  }
0x2e5: {  	s13 =	sadd.s32 $0x12798, s23;
	s22 =	sadd.s32 $0x30, s0  }
0x2e6: {  	[hbm4b:s22+s3] =	stream.linear.scatter [tilespmem:s13], [sflag:$0x7], $0x80, $0x38;
	[tilespmem:$0x1AE00] =	vst v63  }
0x2e7: {  	s13 =	sadd.s32 $0x12820, s23;
	s22 =	sadd.s32 $0x40, s0  }
0x2e8: {  	[hbm4b:s22+s3] =	stream.linear.scatter [tilespmem:s13], [sflag:$0x7], $0x80, $0x38;
	[tilespmem:$0x1AE00] =	vst v63  }
0x2e9: {  	s13 =	sadd.s32 $0x128A8, s23;
	s22 =	sadd.s32 $0x50, s0  }
0x2ea: {  	[hbm4b:s22+s3] =	stream.linear.scatter [tilespmem:s13], [sflag:$0x7], $0x80, $0x38;
	[tilespmem:$0x1AE00] =	vst v63  }
0x2eb: {  	s13 =	sadd.s32 $0x12930, s23;
	s22 =	sadd.s32 $0x60, s0  }
0x2ec: {  	[hbm4b:s22+s3] =	stream.linear.scatter [tilespmem:s13], [sflag:$0x7], $0x80, $0x38;
	[tilespmem:$0x1AE00] =	vst v63  }
0x2ed: {  	s12 =	sadd.s32 $0x129B8, s23;
	s13 =	sadd.s32 $0x70, s0  }
0x2ee: {  	[hbm4b:s13+s3] =	stream.linear.scatter [tilespmem:s12], [sflag:$0x7], $0x80, $0x38;
	[tilespmem:$0x1AE00] =	vst v63  }
0x2ef: {  	s23 =	simm.s32 $0x8400;
	s22 =	sadd.s32 $0x300, s30  }
0x2f0: {  	[tilespmem:s23], [sflag:$0x2] =	stream.indirect.gather [hbm4b:s4+s25], $0x40, s22, s25, $0xb8;
	[tilespmem:$0x1AE00] =	vst v63  }
0x2f1: {  	s12 =	sadd.s32 $0x340, s30;
	s13 =	simm.s32 $0x9400  }
0x2f2: {  	[tilespmem:s13], [sflag:$0x2] =	stream.indirect.gather [hbm4b:s4+s25], $0x40, s12, s25, $0xb8;
	[tilespmem:$0x1AE00] =	vst v63  }
0x2f3: {  	_ =	swait.ge [sflag:s10], $0x1000  }
0x2f4: {  	[sflag:s10] =	ssyncset.done $0x0  }
0x2f5: {  	[sflag:s10] =	ssyncadd.s32 $0xFFFFF000  }
0x2f6: {  	_ =	swait.ge [sflag:s10], $0x1000  }
0x2f7: {  	[sflag:s10] =	ssyncset.done $0x0  }
0x2f8: {  	[sflag:s10] =	ssyncadd.s32 $0xFFFFF000  }
0x2f9: {  	_ =	swait.ge [sflag:s26], $0x2000  }
0x2fa: {  	[sflag:s26] =	ssyncset.done $0x0  }
0x2fb: {  	s22 =	simm.s32 $0x0;
	s23 =	simm.s32 $0xA420;
	[sflag:s26] =	ssyncadd.s32 $0xFFFFE000  }
0x2fc: {  	v4 =	vmov s22;
	v5 =	vld [tilespmem:s23+$0xFFFFFFE0]  }
0x2fd: {  	v4 =	vand.u32 $0x7F, v4  }
0x2fe: {  	v6 =	vadd.s32 v0, v4;
	_ =	sdelay $0x2  }
0x2ff: {  	v5 =	vmul.f32 $8.000000000e+00, v5;
	_ =	sdelay $0x1  }
0x300: {  	[tilespmem:v6+s11+$0x0] =	vst.idx.msk $0xffff, v5  }
0x301: {  	v5 =	vld [tilespmem:s23+$0xFFFFFFF0];
	_ =	sdelay $0x1  }
0x302: {  	v6 =	vadd.s32 v1, v4;
	_ =	sdelay $0x2  }
0x303: {  	v5 =	vmul.f32 $8.000000000e+00, v5;
	_ =	sdelay $0x1  }
0x304: {  	[tilespmem:v6+s11+$0x0] =	vst.idx.msk $0xffff, v5  }
0x305: {  	v5 =	vld [tilespmem:s23+$0x0];
	_ =	sdelay $0x1  }
0x306: {  	v6 =	vadd.s32 v2, v4;
	_ =	sdelay $0x2  }
0x307: {  	v5 =	vmul.f32 $8.000000000e+00, v5;
	_ =	sdelay $0x1  }
0x308: {  	[tilespmem:v6+s11+$0x0] =	vst.idx.msk $0xffff, v5  }
0x309: {  	v5 =	vld [tilespmem:s23+$0x10];
	_ =	sdelay $0x1  }
0x30a: {  	v4 =	vadd.s32 v3, v4;
	_ =	sdelay $0x2  }
0x30b: {  	s0 =	simm.s32 $0x1;
	v5 =	vmul.f32 $8.000000000e+00, v5  }
.LBB2_33:
0x30c: {  	p0 =	sne.s32 s0, $0x7F  }
0x30d: {  	s23 =	sadd.s32 $0x40, s23;
	s6 =	smov.u32 s0;
	s0 =	sadd.s32 $0x1, s0;
	[tilespmem:v4+s11+$0x0] =	vst.idx.msk $0xffff, v5  }
0x30e: {  	v4 =	vmov s6;
	v5 =	vld [tilespmem:s23+$0xFFFFFFE0]  }
0x30f: {  	v4 =	vand.u32 $0x7F, v4  }
0x310: {  	v6 =	vadd.s32 v0, v4;
	_ =	sdelay $0x2  }
0x311: {  	v5 =	vmul.f32 $8.000000000e+00, v5;
	_ =	sdelay $0x1  }
0x312: {  	[tilespmem:v6+s11+$0x0] =	vst.idx.msk $0xffff, v5  }
0x313: {  	v5 =	vld [tilespmem:s23+$0xFFFFFFF0];
	_ =	sdelay $0x1  }
0x314: {  	v6 =	vadd.s32 v1, v4;
	_ =	sdelay $0x2  }
0x315: {  	v5 =	vmul.f32 $8.000000000e+00, v5;
	_ =	sdelay $0x1  }
0x316: {  	[tilespmem:v6+s11+$0x0] =	vst.idx.msk $0xffff, v5  }
0x317: {  	v5 =	vld [tilespmem:s23+$0x0];
	_ =	sdelay $0x1  }
0x318: {  	v6 =	vadd.s32 v2, v4;
	_ =	sdelay $0x2  }
0x319: {  	v5 =	vmul.f32 $8.000000000e+00, v5;
	_ =	sdelay $0x1  }
0x31a: {  	[tilespmem:v6+s11+$0x0] =	vst.idx.msk $0xffff, v5  }
0x31b: {  	v5 =	vld [tilespmem:s23+$0x10]  }
.Ltmp15:
0x31c: {  	(pc) =	sbr.rel @p0 .LBB2_33-.Ltmp15, $2  }
0x31d: {  	v4 =	vadd.s32 v3, v4;
	_ =	sdelay $0x2  }
0x31e: {  	v5 =	vmul.f32 $8.000000000e+00, v5  }
0x31f: {  	_ = 	snop  }
0x320: {  	s0 =	rddreg [dreg:$0xa]  }
0x321: {  	s0 =	sadd.s32 s0, s1  }
0x322: {  	s0 =	sshrl.u32 s0, $0x3  }
0x323: {  	s6 =	simm.s32 $0x14800;
	[tilespmem:v4+s11+$0x0] =	vst.idx.msk $0xffff, v5;
	s13 =	sadd.s32 s2, s0  }
0x324: {  	[hbm4b:s13+s3] =	stream.linear.scatter [tilespmem:s6], [sflag:$0x8], $0x80, $0x38;
	[tilespmem:$0x1AE00] =	vst v63  }
0x325: {  	s12 =	simm.s32 $0x14888;
	s6 =	sadd.s32 $0x10, s13  }
0x326: {  	[hbm4b:s6+s3] =	stream.linear.scatter [tilespmem:s12], [sflag:$0x8], $0x80, $0x38;
	[tilespmem:$0x1AE00] =	vst v63  }
0x327: {  	s22 =	simm.s32 $0x14910;
	s23 =	sadd.s32 $0x20, s13  }
0x328: {  	[hbm4b:s23+s3] =	stream.linear.scatter [tilespmem:s22], [sflag:$0x8], $0x80, $0x38;
	[tilespmem:$0x1AE00] =	vst v63  }
0x329: {  	s6 =	simm.s32 $0x14998;
	s12 =	sadd.s32 $0x30, s13  }
0x32a: {  	[hbm4b:s12+s3] =	stream.linear.scatter [tilespmem:s6], [sflag:$0x8], $0x80, $0x38;
	[tilespmem:$0x1AE00] =	vst v63  }
0x32b: {  	s22 =	simm.s32 $0x14A20;
	s23 =	sadd.s32 $0x40, s13  }
0x32c: {  	[hbm4b:s23+s3] =	stream.linear.scatter [tilespmem:s22], [sflag:$0x8], $0x80, $0x38;
	[tilespmem:$0x1AE00] =	vst v63  }
0x32d: {  	s0 =	simm.s32 $0x440;
	s6 =	simm.s32 $0x14AA8;
	s12 =	sadd.s32 $0x50, s13  }
0x32e: {  	[hbm4b:s12+s3] =	stream.linear.scatter [tilespmem:s6], [sflag:$0x8], $0x80, $0x38;
	[tilespmem:$0x1AE00] =	vst v63  }
0x32f: {  	s22 =	simm.s32 $0x14B30;
	s23 =	sadd.s32 $0x60, s13;
	s6 =	simm.s32 $0x14BB8  }
0x330: {  	[hbm4b:s23+s3] =	stream.linear.scatter [tilespmem:s22], [sflag:$0x8], $0x80, $0x38;
	[tilespmem:$0x1AE00] =	vst v63  }
0x331: {  	s12 =	sadd.s32 $0x70, s13;
	s22 =	simm.s32 $0x2200;
	s23 =	sadd.s32 $0x1000, s13  }
.LBB2_35:
0x332: {  	[hbm4b:s12+s3] =	stream.linear.scatter [tilespmem:s6], [sflag:$0x8], $0x80, $0x38;
	[tilespmem:$0x1AE00] =	vst v63  }
0x333: {  	s6 =	smov.u32 s0;
	s0 =	smov.u32 s22  }
0x334: {  	s13 =	sadd.s32 $0x1100, s22;
	s0 =	sshra.s32 s0, $0x2;
	s12 =	sadd.s32 $0x14800, s6  }
0x335: {  	[hbm4b:s23+s3] =	stream.linear.scatter [tilespmem:s12], [sflag:$0x8], $0x80, $0x38;
	[tilespmem:$0x1AE00] =	vst v63  }
0x336: {  	p0 =	sne.s32 s22, $0x7700;
	s22 =	sadd.s32 $0x10, s23;
	s12 =	sadd.s32 $0x14888, s6  }
0x337: {  	[hbm4b:s22+s3] =	stream.linear.scatter [tilespmem:s12], [sflag:$0x8], $0x80, $0x38;
	[tilespmem:$0x1AE00] =	vst v63  }
0x338: {  	s12 =	sadd.s32 $0x14910, s6;
	s22 =	sadd.s32 $0x20, s23  }
0x339: {  	[hbm4b:s22+s3] =	stream.linear.scatter [tilespmem:s12], [sflag:$0x8], $0x80, $0x38;
	[tilespmem:$0x1AE00] =	vst v63  }
0x33a: {  	s12 =	sadd.s32 $0x14998, s6;
	s22 =	sadd.s32 $0x30, s23  }
0x33b: {  	[hbm4b:s22+s3] =	stream.linear.scatter [tilespmem:s12], [sflag:$0x8], $0x80, $0x38;
	[tilespmem:$0x1AE00] =	vst v63  }
0x33c: {  	s12 =	sadd.s32 $0x14A20, s6;
	s22 =	sadd.s32 $0x40, s23  }
0x33d: {  	[hbm4b:s22+s3] =	stream.linear.scatter [tilespmem:s12], [sflag:$0x8], $0x80, $0x38;
	[tilespmem:$0x1AE00] =	vst v63  }
.Ltmp16:
0x33e: {  	s12 =	sadd.s32 $0x14AA8, s6;
	s22 =	sadd.s32 $0x50, s23;
	(pc) =	sbr.rel @p0 .LBB2_35-.Ltmp16, $4  }
0x33f: {  	[hbm4b:s22+s3] =	stream.linear.scatter [tilespmem:s12], [sflag:$0x8], $0x80, $0x38;
	[tilespmem:$0x1AE00] =	vst v63  }
0x340: {  	s12 =	sadd.s32 $0x14B30, s6;
	s22 =	sadd.s32 $0x60, s23;
	s6 =	sadd.s32 $0x14BB8, s6  }
0x341: {  	[hbm4b:s22+s3] =	stream.linear.scatter [tilespmem:s12], [sflag:$0x8], $0x80, $0x38;
	[tilespmem:$0x1AE00] =	vst v63  }
0x342: {  	s12 =	sadd.s32 $0x70, s23;
	s23 =	sadd.s32 $0x1000, s23;
	s22 =	smov.u32 s13  }
0x343: {  	[hbm4b:s12+s3] =	stream.linear.scatter [tilespmem:s6], [sflag:$0x8], $0x80, $0x38;
	[tilespmem:$0x1AE00] =	vst v63  }
0x344: {  	s12 =	sadd.s32 $0x14800, s0  }
0x345: {  	[hbm4b:s23+s3] =	stream.linear.scatter [tilespmem:s12], [sflag:$0x8], $0x80, $0x38;
	[tilespmem:$0x1AE00] =	vst v63  }
0x346: {  	s13 =	sadd.s32 $0x14888, s0;
	s22 =	sadd.s32 $0x10, s23  }
0x347: {  	[hbm4b:s22+s3] =	stream.linear.scatter [tilespmem:s13], [sflag:$0x8], $0x80, $0x38;
	[tilespmem:$0x1AE00] =	vst v63  }
0x348: {  	s13 =	sadd.s32 $0x14910, s0;
	s22 =	sadd.s32 $0x20, s23  }
0x349: {  	[hbm4b:s22+s3] =	stream.linear.scatter [tilespmem:s13], [sflag:$0x8], $0x80, $0x38;
	[tilespmem:$0x1AE00] =	vst v63  }
0x34a: {  	s13 =	sadd.s32 $0x14998, s0;
	s22 =	sadd.s32 $0x30, s23  }
0x34b: {  	[hbm4b:s22+s3] =	stream.linear.scatter [tilespmem:s13], [sflag:$0x8], $0x80, $0x38;
	[tilespmem:$0x1AE00] =	vst v63  }
0x34c: {  	s13 =	sadd.s32 $0x14A20, s0;
	s22 =	sadd.s32 $0x40, s23  }
0x34d: {  	[hbm4b:s22+s3] =	stream.linear.scatter [tilespmem:s13], [sflag:$0x8], $0x80, $0x38;
	[tilespmem:$0x1AE00] =	vst v63  }
0x34e: {  	s13 =	sadd.s32 $0x14AA8, s0;
	s22 =	sadd.s32 $0x50, s23  }
0x34f: {  	[hbm4b:s22+s3] =	stream.linear.scatter [tilespmem:s13], [sflag:$0x8], $0x80, $0x38;
	[tilespmem:$0x1AE00] =	vst v63  }
0x350: {  	s13 =	sadd.s32 $0x14B30, s0;
	s22 =	sadd.s32 $0x60, s23  }
0x351: {  	[hbm4b:s22+s3] =	stream.linear.scatter [tilespmem:s13], [sflag:$0x8], $0x80, $0x38;
	[tilespmem:$0x1AE00] =	vst v63  }
0x352: {  	s12 =	sadd.s32 $0x14BB8, s0;
	s13 =	sadd.s32 $0x70, s23  }
0x353: {  	[hbm4b:s13+s3] =	stream.linear.scatter [tilespmem:s12], [sflag:$0x8], $0x80, $0x38;
	[tilespmem:$0x1AE00] =	vst v63  }
0x354: {  	s22 =	sadd.s32 $0x380, s30;
	s23 =	simm.s32 $0xA400  }
0x355: {  	[tilespmem:s23], [sflag:$0x3] =	stream.indirect.gather [hbm4b:s4+s25], $0x40, s22, s25, $0xb8;
	[tilespmem:$0x1AE00] =	vst v63  }
0x356: {  	s12 =	sadd.s32 $0x3C0, s30;
	s13 =	simm.s32 $0xB400  }
0x357: {  	[tilespmem:s13], [sflag:$0x3] =	stream.indirect.gather [hbm4b:s4+s25], $0x40, s12, s25, $0xb8;
	[tilespmem:$0x1AE00] =	vst v63  }
0x358: {  	_ =	swait.ge [sflag:s16], $0x1000  }
0x359: {  	[sflag:s16] =	ssyncset.done $0x0  }
0x35a: {  	[sflag:s16] =	ssyncadd.s32 $0xFFFFF000  }
0x35b: {  	_ =	swait.ge [sflag:s16], $0x1000  }
0x35c: {  	[sflag:s16] =	ssyncset.done $0x0  }
0x35d: {  	[sflag:s16] =	ssyncadd.s32 $0xFFFFF000  }
0x35e: {  	_ =	swait.ge [sflag:s28], $0x2000  }
0x35f: {  	[sflag:s28] =	ssyncset.done $0x0  }
0x360: {  	s22 =	simm.s32 $0x0;
	s23 =	simm.s32 $0xC420;
	[sflag:s28] =	ssyncadd.s32 $0xFFFFE000  }
0x361: {  	v4 =	vmov s22;
	v5 =	vld [tilespmem:s23+$0xFFFFFFE0]  }
0x362: {  	v4 =	vand.u32 $0x7F, v4  }
0x363: {  	v6 =	vadd.s32 v0, v4;
	_ =	sdelay $0x2  }
0x364: {  	v5 =	vmul.f32 $8.000000000e+00, v5;
	_ =	sdelay $0x1  }
0x365: {  	[tilespmem:v6+s17+$0x0] =	vst.idx.msk $0xffff, v5  }
0x366: {  	v5 =	vld [tilespmem:s23+$0xFFFFFFF0];
	_ =	sdelay $0x1  }
0x367: {  	v6 =	vadd.s32 v1, v4;
	_ =	sdelay $0x2  }
0x368: {  	v5 =	vmul.f32 $8.000000000e+00, v5;
	_ =	sdelay $0x1  }
0x369: {  	[tilespmem:v6+s17+$0x0] =	vst.idx.msk $0xffff, v5  }
0x36a: {  	v5 =	vld [tilespmem:s23+$0x0];
	_ =	sdelay $0x1  }
0x36b: {  	v6 =	vadd.s32 v2, v4;
	_ =	sdelay $0x2  }
0x36c: {  	v5 =	vmul.f32 $8.000000000e+00, v5;
	_ =	sdelay $0x1  }
0x36d: {  	[tilespmem:v6+s17+$0x0] =	vst.idx.msk $0xffff, v5  }
0x36e: {  	v5 =	vld [tilespmem:s23+$0x10];
	_ =	sdelay $0x1  }
0x36f: {  	v4 =	vadd.s32 v3, v4;
	_ =	sdelay $0x2  }
0x370: {  	s0 =	simm.s32 $0x1;
	v5 =	vmul.f32 $8.000000000e+00, v5  }
.LBB2_37:
0x371: {  	p0 =	sne.s32 s0, $0x7F  }
0x372: {  	s23 =	sadd.s32 $0x40, s23;
	s6 =	smov.u32 s0;
	s0 =	sadd.s32 $0x1, s0;
	[tilespmem:v4+s17+$0x0] =	vst.idx.msk $0xffff, v5  }
0x373: {  	v4 =	vmov s6;
	v5 =	vld [tilespmem:s23+$0xFFFFFFE0]  }
0x374: {  	v4 =	vand.u32 $0x7F, v4  }
0x375: {  	v6 =	vadd.s32 v0, v4;
	_ =	sdelay $0x2  }
0x376: {  	v5 =	vmul.f32 $8.000000000e+00, v5;
	_ =	sdelay $0x1  }
0x377: {  	[tilespmem:v6+s17+$0x0] =	vst.idx.msk $0xffff, v5  }
0x378: {  	v5 =	vld [tilespmem:s23+$0xFFFFFFF0];
	_ =	sdelay $0x1  }
0x379: {  	v6 =	vadd.s32 v1, v4;
	_ =	sdelay $0x2  }
0x37a: {  	v5 =	vmul.f32 $8.000000000e+00, v5;
	_ =	sdelay $0x1  }
0x37b: {  	[tilespmem:v6+s17+$0x0] =	vst.idx.msk $0xffff, v5  }
0x37c: {  	v5 =	vld [tilespmem:s23+$0x0];
	_ =	sdelay $0x1  }
0x37d: {  	v6 =	vadd.s32 v2, v4;
	_ =	sdelay $0x2  }
0x37e: {  	v5 =	vmul.f32 $8.000000000e+00, v5;
	_ =	sdelay $0x1  }
0x37f: {  	[tilespmem:v6+s17+$0x0] =	vst.idx.msk $0xffff, v5  }
0x380: {  	v5 =	vld [tilespmem:s23+$0x10]  }
.Ltmp17:
0x381: {  	(pc) =	sbr.rel @p0 .LBB2_37-.Ltmp17, $2  }
0x382: {  	v4 =	vadd.s32 v3, v4;
	_ =	sdelay $0x2  }
0x383: {  	v5 =	vmul.f32 $8.000000000e+00, v5  }
0x384: {  	_ =	sdelay $0x1  }
0x385: {  	s0 =	sadd.s32 s14, s1  }
0x386: {  	s0 =	sshrl.u32 s0, $0x3  }
0x387: {  	s6 =	simm.s32 $0x16A00;
	[tilespmem:v4+s17+$0x0] =	vst.idx.msk $0xffff, v5;
	s13 =	sadd.s32 s2, s0  }
0x388: {  	[hbm4b:s13+s3] =	stream.linear.scatter [tilespmem:s6], [sflag:$0x9], $0x80, $0x38;
	[tilespmem:$0x1AE00] =	vst v63  }
0x389: {  	s12 =	simm.s32 $0x16A88;
	s6 =	sadd.s32 $0x10, s13  }
0x38a: {  	[hbm4b:s6+s3] =	stream.linear.scatter [tilespmem:s12], [sflag:$0x9], $0x80, $0x38;
	[tilespmem:$0x1AE00] =	vst v63  }
0x38b: {  	s22 =	simm.s32 $0x16B10;
	s23 =	sadd.s32 $0x20, s13  }
0x38c: {  	[hbm4b:s23+s3] =	stream.linear.scatter [tilespmem:s22], [sflag:$0x9], $0x80, $0x38;
	[tilespmem:$0x1AE00] =	vst v63  }
0x38d: {  	s6 =	simm.s32 $0x16B98;
	s12 =	sadd.s32 $0x30, s13  }
0x38e: {  	[hbm4b:s12+s3] =	stream.linear.scatter [tilespmem:s6], [sflag:$0x9], $0x80, $0x38;
	[tilespmem:$0x1AE00] =	vst v63  }
0x38f: {  	s22 =	simm.s32 $0x16C20;
	s23 =	sadd.s32 $0x40, s13  }
0x390: {  	[hbm4b:s23+s3] =	stream.linear.scatter [tilespmem:s22], [sflag:$0x9], $0x80, $0x38;
	[tilespmem:$0x1AE00] =	vst v63  }
0x391: {  	s0 =	simm.s32 $0x440;
	s6 =	simm.s32 $0x16CA8;
	s12 =	sadd.s32 $0x50, s13  }
0x392: {  	[hbm4b:s12+s3] =	stream.linear.scatter [tilespmem:s6], [sflag:$0x9], $0x80, $0x38;
	[tilespmem:$0x1AE00] =	vst v63  }
0x393: {  	s22 =	simm.s32 $0x16D30;
	s23 =	sadd.s32 $0x60, s13;
	s6 =	simm.s32 $0x16DB8  }
0x394: {  	[hbm4b:s23+s3] =	stream.linear.scatter [tilespmem:s22], [sflag:$0x9], $0x80, $0x38;
	[tilespmem:$0x1AE00] =	vst v63  }
0x395: {  	s12 =	sadd.s32 $0x70, s13;
	s22 =	simm.s32 $0x2200;
	s23 =	sadd.s32 $0x1000, s13  }
.LBB2_39:
0x396: {  	[hbm4b:s12+s3] =	stream.linear.scatter [tilespmem:s6], [sflag:$0x9], $0x80, $0x38;
	[tilespmem:$0x1AE00] =	vst v63  }
0x397: {  	s6 =	smov.u32 s0;
	s0 =	smov.u32 s22  }
0x398: {  	s13 =	sadd.s32 $0x1100, s22;
	s0 =	sshra.s32 s0, $0x2;
	s12 =	sadd.s32 $0x16A00, s6  }
0x399: {  	[hbm4b:s23+s3] =	stream.linear.scatter [tilespmem:s12], [sflag:$0x9], $0x80, $0x38;
	[tilespmem:$0x1AE00] =	vst v63  }
0x39a: {  	p0 =	sne.s32 s22, $0x7700;
	s22 =	sadd.s32 $0x10, s23;
	s12 =	sadd.s32 $0x16A88, s6  }
0x39b: {  	[hbm4b:s22+s3] =	stream.linear.scatter [tilespmem:s12], [sflag:$0x9], $0x80, $0x38;
	[tilespmem:$0x1AE00] =	vst v63  }
0x39c: {  	s12 =	sadd.s32 $0x16B10, s6;
	s22 =	sadd.s32 $0x20, s23  }
0x39d: {  	[hbm4b:s22+s3] =	stream.linear.scatter [tilespmem:s12], [sflag:$0x9], $0x80, $0x38;
	[tilespmem:$0x1AE00] =	vst v63  }
0x39e: {  	s12 =	sadd.s32 $0x16B98, s6;
	s22 =	sadd.s32 $0x30, s23  }
0x39f: {  	[hbm4b:s22+s3] =	stream.linear.scatter [tilespmem:s12], [sflag:$0x9], $0x80, $0x38;
	[tilespmem:$0x1AE00] =	vst v63  }
0x3a0: {  	s12 =	sadd.s32 $0x16C20, s6;
	s22 =	sadd.s32 $0x40, s23  }
0x3a1: {  	[hbm4b:s22+s3] =	stream.linear.scatter [tilespmem:s12], [sflag:$0x9], $0x80, $0x38;
	[tilespmem:$0x1AE00] =	vst v63  }
.Ltmp18:
0x3a2: {  	s12 =	sadd.s32 $0x16CA8, s6;
	s22 =	sadd.s32 $0x50, s23;
	(pc) =	sbr.rel @p0 .LBB2_39-.Ltmp18, $4  }
0x3a3: {  	[hbm4b:s22+s3] =	stream.linear.scatter [tilespmem:s12], [sflag:$0x9], $0x80, $0x38;
	[tilespmem:$0x1AE00] =	vst v63  }
0x3a4: {  	s12 =	sadd.s32 $0x16D30, s6;
	s22 =	sadd.s32 $0x60, s23;
	s6 =	sadd.s32 $0x16DB8, s6  }
0x3a5: {  	[hbm4b:s22+s3] =	stream.linear.scatter [tilespmem:s12], [sflag:$0x9], $0x80, $0x38;
	[tilespmem:$0x1AE00] =	vst v63  }
0x3a6: {  	s12 =	sadd.s32 $0x70, s23;
	s23 =	sadd.s32 $0x1000, s23;
	s22 =	smov.u32 s13  }
0x3a7: {  	[hbm4b:s12+s3] =	stream.linear.scatter [tilespmem:s6], [sflag:$0x9], $0x80, $0x38;
	[tilespmem:$0x1AE00] =	vst v63  }
0x3a8: {  	s12 =	sadd.s32 $0x16A00, s0  }
0x3a9: {  	[hbm4b:s23+s3] =	stream.linear.scatter [tilespmem:s12], [sflag:$0x9], $0x80, $0x38;
	[tilespmem:$0x1AE00] =	vst v63  }
0x3aa: {  	s13 =	sadd.s32 $0x16A88, s0;
	s22 =	sadd.s32 $0x10, s23  }
0x3ab: {  	[hbm4b:s22+s3] =	stream.linear.scatter [tilespmem:s13], [sflag:$0x9], $0x80, $0x38;
	[tilespmem:$0x1AE00] =	vst v63  }
0x3ac: {  	s13 =	sadd.s32 $0x16B10, s0;
	s22 =	sadd.s32 $0x20, s23  }
0x3ad: {  	[hbm4b:s22+s3] =	stream.linear.scatter [tilespmem:s13], [sflag:$0x9], $0x80, $0x38;
	[tilespmem:$0x1AE00] =	vst v63  }
0x3ae: {  	s13 =	sadd.s32 $0x16B98, s0;
	s22 =	sadd.s32 $0x30, s23  }
0x3af: {  	[hbm4b:s22+s3] =	stream.linear.scatter [tilespmem:s13], [sflag:$0x9], $0x80, $0x38;
	[tilespmem:$0x1AE00] =	vst v63  }
0x3b0: {  	s13 =	sadd.s32 $0x16C20, s0;
	s22 =	sadd.s32 $0x40, s23  }
0x3b1: {  	[hbm4b:s22+s3] =	stream.linear.scatter [tilespmem:s13], [sflag:$0x9], $0x80, $0x38;
	[tilespmem:$0x1AE00] =	vst v63  }
0x3b2: {  	s13 =	sadd.s32 $0x16CA8, s0;
	s22 =	sadd.s32 $0x50, s23  }
0x3b3: {  	[hbm4b:s22+s3] =	stream.linear.scatter [tilespmem:s13], [sflag:$0x9], $0x80, $0x38;
	[tilespmem:$0x1AE00] =	vst v63  }
0x3b4: {  	s13 =	sadd.s32 $0x16D30, s0;
	s22 =	sadd.s32 $0x60, s23  }
0x3b5: {  	[hbm4b:s22+s3] =	stream.linear.scatter [tilespmem:s13], [sflag:$0x9], $0x80, $0x38;
	[tilespmem:$0x1AE00] =	vst v63  }
0x3b6: {  	s12 =	sadd.s32 $0x16DB8, s0;
	s13 =	sadd.s32 $0x70, s23  }
0x3b7: {  	[hbm4b:s13+s3] =	stream.linear.scatter [tilespmem:s12], [sflag:$0x9], $0x80, $0x38;
	[tilespmem:$0x1AE00] =	vst v63  }
0x3b8: {  	s22 =	sadd.s32 $0x400, s30;
	s23 =	simm.s32 $0xC400  }
0x3b9: {  	[tilespmem:s23], [sflag:$0x4] =	stream.indirect.gather [hbm4b:s4+s25], $0x40, s22, s25, $0xb8;
	[tilespmem:$0x1AE00] =	vst v63  }
0x3ba: {  	s12 =	sadd.s32 $0x440, s30;
	s13 =	simm.s32 $0xD400  }
0x3bb: {  	[tilespmem:s13], [sflag:$0x4] =	stream.indirect.gather [hbm4b:s4+s25], $0x40, s12, s25, $0xb8;
	[tilespmem:$0x1AE00] =	vst v63  }
0x3bc: {  	_ =	swait.ge [sflag:s18], $0x1000  }
0x3bd: {  	[sflag:s18] =	ssyncset.done $0x0  }
0x3be: {  	[sflag:s18] =	ssyncadd.s32 $0xFFFFF000  }
0x3bf: {  	_ =	swait.ge [sflag:s18], $0x1000  }
0x3c0: {  	[sflag:s18] =	ssyncset.done $0x0  }
0x3c1: {  	[sflag:s18] =	ssyncadd.s32 $0xFFFFF000  }
0x3c2: {  	_ =	swait.ge [sflag:s29], $0x2000  }
0x3c3: {  	[sflag:s29] =	ssyncset.done $0x0  }
0x3c4: {  	s22 =	simm.s32 $0x0;
	s23 =	simm.s32 $0xE420;
	[sflag:s29] =	ssyncadd.s32 $0xFFFFE000  }
0x3c5: {  	v4 =	vmov s22;
	v5 =	vld [tilespmem:s23+$0xFFFFFFE0]  }
0x3c6: {  	v4 =	vand.u32 $0x7F, v4  }
0x3c7: {  	v6 =	vadd.s32 v0, v4;
	_ =	sdelay $0x2  }
0x3c8: {  	v5 =	vmul.f32 $8.000000000e+00, v5;
	_ =	sdelay $0x1  }
0x3c9: {  	[tilespmem:v6+s19+$0x0] =	vst.idx.msk $0xffff, v5  }
0x3ca: {  	v5 =	vld [tilespmem:s23+$0xFFFFFFF0];
	_ =	sdelay $0x1  }
0x3cb: {  	v6 =	vadd.s32 v1, v4;
	_ =	sdelay $0x2  }
0x3cc: {  	v5 =	vmul.f32 $8.000000000e+00, v5;
	_ =	sdelay $0x1  }
0x3cd: {  	[tilespmem:v6+s19+$0x0] =	vst.idx.msk $0xffff, v5  }
0x3ce: {  	v5 =	vld [tilespmem:s23+$0x0];
	_ =	sdelay $0x1  }
0x3cf: {  	v6 =	vadd.s32 v2, v4;
	_ =	sdelay $0x2  }
0x3d0: {  	v5 =	vmul.f32 $8.000000000e+00, v5;
	_ =	sdelay $0x1  }
0x3d1: {  	[tilespmem:v6+s19+$0x0] =	vst.idx.msk $0xffff, v5  }
0x3d2: {  	v5 =	vld [tilespmem:s23+$0x10];
	_ =	sdelay $0x1  }
0x3d3: {  	v4 =	vadd.s32 v3, v4;
	_ =	sdelay $0x2  }
0x3d4: {  	s0 =	simm.s32 $0x1;
	v5 =	vmul.f32 $8.000000000e+00, v5  }
.LBB2_41:
0x3d5: {  	p0 =	sne.s32 s0, $0x7F  }
0x3d6: {  	s23 =	sadd.s32 $0x40, s23;
	s6 =	smov.u32 s0;
	s0 =	sadd.s32 $0x1, s0;
	[tilespmem:v4+s19+$0x0] =	vst.idx.msk $0xffff, v5  }
0x3d7: {  	v4 =	vmov s6;
	v5 =	vld [tilespmem:s23+$0xFFFFFFE0]  }
0x3d8: {  	v4 =	vand.u32 $0x7F, v4  }
0x3d9: {  	v6 =	vadd.s32 v0, v4;
	_ =	sdelay $0x2  }
0x3da: {  	v5 =	vmul.f32 $8.000000000e+00, v5;
	_ =	sdelay $0x1  }
0x3db: {  	[tilespmem:v6+s19+$0x0] =	vst.idx.msk $0xffff, v5  }
0x3dc: {  	v5 =	vld [tilespmem:s23+$0xFFFFFFF0];
	_ =	sdelay $0x1  }
0x3dd: {  	v6 =	vadd.s32 v1, v4;
	_ =	sdelay $0x2  }
0x3de: {  	v5 =	vmul.f32 $8.000000000e+00, v5;
	_ =	sdelay $0x1  }
0x3df: {  	[tilespmem:v6+s19+$0x0] =	vst.idx.msk $0xffff, v5  }
0x3e0: {  	v5 =	vld [tilespmem:s23+$0x0];
	_ =	sdelay $0x1  }
0x3e1: {  	v6 =	vadd.s32 v2, v4;
	_ =	sdelay $0x2  }
0x3e2: {  	v5 =	vmul.f32 $8.000000000e+00, v5;
	_ =	sdelay $0x1  }
0x3e3: {  	[tilespmem:v6+s19+$0x0] =	vst.idx.msk $0xffff, v5  }
0x3e4: {  	v5 =	vld [tilespmem:s23+$0x10]  }
.Ltmp19:
0x3e5: {  	(pc) =	sbr.rel @p0 .LBB2_41-.Ltmp19, $2  }
0x3e6: {  	v4 =	vadd.s32 v3, v4;
	_ =	sdelay $0x2  }
0x3e7: {  	v5 =	vmul.f32 $8.000000000e+00, v5  }
0x3e8: {  	_ =	sdelay $0x1  }
0x3e9: {  	s0 =	sadd.s32 s15, s1  }
0x3ea: {  	s0 =	sshrl.u32 s0, $0x3  }
0x3eb: {  	s12 =	simm.s32 $0x18C00;
	[tilespmem:v4+s19+$0x0] =	vst.idx.msk $0xffff, v5;
	s1 =	sadd.s32 s2, s0  }
0x3ec: {  	[hbm4b:s1+s3] =	stream.linear.scatter [tilespmem:s12], [sflag:$0xA], $0x80, $0x38;
	[tilespmem:$0x1AE00] =	vst v63  }
0x3ed: {  	s13 =	simm.s32 $0x18C88;
	s6 =	sadd.s32 $0x10, s1  }
0x3ee: {  	[hbm4b:s6+s3] =	stream.linear.scatter [tilespmem:s13], [sflag:$0xA], $0x80, $0x38;
	[tilespmem:$0x1AE00] =	vst v63  }
0x3ef: {  	s22 =	simm.s32 $0x18D10;
	s23 =	sadd.s32 $0x20, s1  }
0x3f0: {  	[hbm4b:s23+s3] =	stream.linear.scatter [tilespmem:s22], [sflag:$0xA], $0x80, $0x38;
	[tilespmem:$0x1AE00] =	vst v63  }
0x3f1: {  	s12 =	simm.s32 $0x18D98;
	s13 =	sadd.s32 $0x30, s1  }
0x3f2: {  	[hbm4b:s13+s3] =	stream.linear.scatter [tilespmem:s12], [sflag:$0xA], $0x80, $0x38;
	[tilespmem:$0x1AE00] =	vst v63  }
0x3f3: {  	s22 =	simm.s32 $0x18E20;
	s23 =	sadd.s32 $0x40, s1  }
0x3f4: {  	[hbm4b:s23+s3] =	stream.linear.scatter [tilespmem:s22], [sflag:$0xA], $0x80, $0x38;
	[tilespmem:$0x1AE00] =	vst v63  }
0x3f5: {  	s0 =	simm.s32 $0x440;
	s12 =	simm.s32 $0x18EA8;
	s13 =	sadd.s32 $0x50, s1  }
0x3f6: {  	[hbm4b:s13+s3] =	stream.linear.scatter [tilespmem:s12], [sflag:$0xA], $0x80, $0x38;
	[tilespmem:$0x1AE00] =	vst v63  }
0x3f7: {  	s6 =	simm.s32 $0x18FB8;
	s22 =	simm.s32 $0x18F30;
	s23 =	sadd.s32 $0x60, s1  }
0x3f8: {  	[hbm4b:s23+s3] =	stream.linear.scatter [tilespmem:s22], [sflag:$0xA], $0x80, $0x38;
	[tilespmem:$0x1AE00] =	vst v63  }
0x3f9: {  	s12 =	sadd.s32 $0x70, s1;
	s1 =	sadd.s32 $0x1000, s1;
	s22 =	simm.s32 $0x2200  }
.LBB2_43:
0x3fa: {  	[hbm4b:s12+s3] =	stream.linear.scatter [tilespmem:s6], [sflag:$0xA], $0x80, $0x38;
	[tilespmem:$0x1AE00] =	vst v63  }
0x3fb: {  	s6 =	smov.u32 s0;
	s0 =	smov.u32 s22  }
0x3fc: {  	s13 =	sadd.s32 $0x1100, s22;
	s0 =	sshra.s32 s0, $0x2;
	s12 =	sadd.s32 $0x18C00, s6  }
0x3fd: {  	[hbm4b:s1+s3] =	stream.linear.scatter [tilespmem:s12], [sflag:$0xA], $0x80, $0x38;
	[tilespmem:$0x1AE00] =	vst v63  }
0x3fe: {  	p0 =	sne.s32 s22, $0x7700;
	s22 =	sadd.s32 $0x10, s1;
	s12 =	sadd.s32 $0x18C88, s6  }
0x3ff: {  	[hbm4b:s22+s3] =	stream.linear.scatter [tilespmem:s12], [sflag:$0xA], $0x80, $0x38;
	[tilespmem:$0x1AE00] =	vst v63  }
0x400: {  	s12 =	sadd.s32 $0x18D10, s6;
	s22 =	sadd.s32 $0x20, s1  }
0x401: {  	[hbm4b:s22+s3] =	stream.linear.scatter [tilespmem:s12], [sflag:$0xA], $0x80, $0x38;
	[tilespmem:$0x1AE00] =	vst v63  }
0x402: {  	s12 =	sadd.s32 $0x18D98, s6;
	s22 =	sadd.s32 $0x30, s1  }
0x403: {  	[hbm4b:s22+s3] =	stream.linear.scatter [tilespmem:s12], [sflag:$0xA], $0x80, $0x38;
	[tilespmem:$0x1AE00] =	vst v63  }
0x404: {  	s12 =	sadd.s32 $0x18E20, s6;
	s22 =	sadd.s32 $0x40, s1  }
0x405: {  	[hbm4b:s22+s3] =	stream.linear.scatter [tilespmem:s12], [sflag:$0xA], $0x80, $0x38;
	[tilespmem:$0x1AE00] =	vst v63  }
.Ltmp20:
0x406: {  	s12 =	sadd.s32 $0x18EA8, s6;
	s22 =	sadd.s32 $0x50, s1;
	(pc) =	sbr.rel @p0 .LBB2_43-.Ltmp20, $4  }
0x407: {  	[hbm4b:s22+s3] =	stream.linear.scatter [tilespmem:s12], [sflag:$0xA], $0x80, $0x38;
	[tilespmem:$0x1AE00] =	vst v63  }
0x408: {  	s12 =	sadd.s32 $0x18F30, s6;
	s22 =	sadd.s32 $0x60, s1;
	s6 =	sadd.s32 $0x18FB8, s6  }
0x409: {  	[hbm4b:s22+s3] =	stream.linear.scatter [tilespmem:s12], [sflag:$0xA], $0x80, $0x38;
	[tilespmem:$0x1AE00] =	vst v63  }
0x40a: {  	s12 =	sadd.s32 $0x70, s1;
	s1 =	sadd.s32 $0x1000, s1;
	s22 =	smov.u32 s13  }
0x40b: {  	[hbm4b:s12+s3] =	stream.linear.scatter [tilespmem:s6], [sflag:$0xA], $0x80, $0x38;
	[tilespmem:$0x1AE00] =	vst v63  }
0x40c: {  	s23 =	sadd.s32 $0x18C00, s0  }
0x40d: {  	[hbm4b:s1+s3] =	stream.linear.scatter [tilespmem:s23], [sflag:$0xA], $0x80, $0x38;
	[tilespmem:$0x1AE00] =	vst v63  }
0x40e: {  	s12 =	sadd.s32 $0x18C88, s0;
	s13 =	sadd.s32 $0x10, s1  }
0x40f: {  	[hbm4b:s13+s3] =	stream.linear.scatter [tilespmem:s12], [sflag:$0xA], $0x80, $0x38;
	[tilespmem:$0x1AE00] =	vst v63  }
0x410: {  	s22 =	sadd.s32 $0x18D10, s0;
	s23 =	sadd.s32 $0x20, s1  }
0x411: {  	[hbm4b:s23+s3] =	stream.linear.scatter [tilespmem:s22], [sflag:$0xA], $0x80, $0x38;
	[tilespmem:$0x1AE00] =	vst v63  }
0x412: {  	s12 =	sadd.s32 $0x18D98, s0;
	s13 =	sadd.s32 $0x30, s1  }
0x413: {  	[hbm4b:s13+s3] =	stream.linear.scatter [tilespmem:s12], [sflag:$0xA], $0x80, $0x38;
	[tilespmem:$0x1AE00] =	vst v63  }
0x414: {  	s22 =	sadd.s32 $0x18E20, s0;
	s23 =	sadd.s32 $0x40, s1  }
0x415: {  	[hbm4b:s23+s3] =	stream.linear.scatter [tilespmem:s22], [sflag:$0xA], $0x80, $0x38;
	[tilespmem:$0x1AE00] =	vst v63  }
0x416: {  	s12 =	sadd.s32 $0x18EA8, s0;
	s13 =	sadd.s32 $0x50, s1  }
0x417: {  	[hbm4b:s13+s3] =	stream.linear.scatter [tilespmem:s12], [sflag:$0xA], $0x80, $0x38;
	[tilespmem:$0x1AE00] =	vst v63  }
0x418: {  	s31 =	sadd.s32 $0x1, s31;
	s22 =	sadd.s32 $0x18F30, s0;
	s23 =	sadd.s32 $0x60, s1  }
0x419: {  	[hbm4b:s23+s3] =	stream.linear.scatter [tilespmem:s22], [sflag:$0xA], $0x80, $0x38;
	[tilespmem:$0x1AE00] =	vst v63  }
0x41a: {  	s6 =	sadd.s32 $0x18FB8, s0;
	p0 =	sne.s32 s31, $0x27;
	s12 =	sadd.s32 $0x70, s1  }
0x41b: {  	[hbm4b:s12+s3] =	stream.linear.scatter [tilespmem:s6], [sflag:$0xA], $0x80, $0x38;
	[tilespmem:$0x1AE00] =	vst v63  }
.Ltmp21:
0x41c: {  	_ = 	snop;
	(pc) =	sbr.rel @p0 .LBB2_24-.Ltmp21, $4  }
0x41d: {  	s13 =	sadd.s32 $0x480, s30;
	s22 =	simm.s32 $0xE400  }
0x41e: {  	[tilespmem:s22], [sflag:$0x5] =	stream.indirect.gather [hbm4b:s4+s25], $0x40, s13, s25, $0xb8;
	[tilespmem:$0x1AE00] =	vst v63  }
0x41f: {  	s23 =	sadd.s32 $0x4C0, s30;
	s30 =	simm.s32 $0xF400  }
0x420: {  	[tilespmem:s30], [sflag:$0x5] =	stream.indirect.gather [hbm4b:s4+s25], $0x40, s23, s25, $0xb8;
	[tilespmem:$0x1AE00] =	vst v63  }
0x421: {  	_ =	swait.ge [sflag:s21], $0x1000  }
0x422: {  	[sflag:s21] =	ssyncset.done $0x0  }
0x423: {  	[sflag:s21] =	ssyncadd.s32 $0xFFFFF000  }
0x424: {  	_ =	swait.ge [sflag:s21], $0x1000  }
0x425: {  	[sflag:s21] =	ssyncset.done $0x0  }
0x426: {  	[sflag:s21] =	ssyncadd.s32 $0xFFFFF000  }
0x427: {  	_ =	swait.ge [sflag:s20], $0x2000  }
0x428: {  	[sflag:s20] =	ssyncset.done $0x0  }
0x429: {  	s0 =	simm.s32 $0x0;
	s1 =	simm.s32 $0x6420;
	[sflag:s20] =	ssyncadd.s32 $0xFFFFE000  }
0x42a: {  	v4 =	vmov s0;
	v5 =	vld [tilespmem:s1+$0xFFFFFFE0]  }
0x42b: {  	v4 =	vand.u32 $0x7F, v4  }
0x42c: {  	v6 =	vadd.s32 v0, v4;
	_ =	sdelay $0x2  }
0x42d: {  	v5 =	vmul.f32 $8.000000000e+00, v5;
	_ =	sdelay $0x1  }
0x42e: {  	[tilespmem:v6+s24+$0x0] =	vst.idx.msk $0xffff, v5  }
0x42f: {  	v5 =	vld [tilespmem:s1+$0xFFFFFFF0];
	_ =	sdelay $0x1  }
0x430: {  	v6 =	vadd.s32 v1, v4;
	_ =	sdelay $0x2  }
0x431: {  	v5 =	vmul.f32 $8.000000000e+00, v5;
	_ =	sdelay $0x1  }
0x432: {  	[tilespmem:v6+s24+$0x0] =	vst.idx.msk $0xffff, v5  }
0x433: {  	v5 =	vld [tilespmem:s1+$0x0];
	_ =	sdelay $0x1  }
0x434: {  	v6 =	vadd.s32 v2, v4;
	_ =	sdelay $0x2  }
0x435: {  	v5 =	vmul.f32 $8.000000000e+00, v5;
	_ =	sdelay $0x1  }
0x436: {  	[tilespmem:v6+s24+$0x0] =	vst.idx.msk $0xffff, v5  }
0x437: {  	v5 =	vld [tilespmem:s1+$0x10];
	_ =	sdelay $0x1  }
0x438: {  	v4 =	vadd.s32 v3, v4;
	_ =	sdelay $0x2  }
0x439: {  	s0 =	simm.s32 $0x1;
	v5 =	vmul.f32 $8.000000000e+00, v5  }
.LBB2_46:
0x43a: {  	p0 =	sne.s32 s0, $0x7F  }
0x43b: {  	s1 =	sadd.s32 $0x40, s1;
	s6 =	smov.u32 s0;
	s0 =	sadd.s32 $0x1, s0;
	[tilespmem:v4+s24+$0x0] =	vst.idx.msk $0xffff, v5  }
0x43c: {  	v4 =	vmov s6;
	v5 =	vld [tilespmem:s1+$0xFFFFFFE0]  }
0x43d: {  	v4 =	vand.u32 $0x7F, v4  }
0x43e: {  	v6 =	vadd.s32 v0, v4;
	_ =	sdelay $0x2  }
0x43f: {  	v5 =	vmul.f32 $8.000000000e+00, v5;
	_ =	sdelay $0x1  }
0x440: {  	[tilespmem:v6+s24+$0x0] =	vst.idx.msk $0xffff, v5  }
0x441: {  	v5 =	vld [tilespmem:s1+$0xFFFFFFF0];
	_ =	sdelay $0x1  }
0x442: {  	v6 =	vadd.s32 v1, v4;
	_ =	sdelay $0x2  }
0x443: {  	v5 =	vmul.f32 $8.000000000e+00, v5;
	_ =	sdelay $0x1  }
0x444: {  	[tilespmem:v6+s24+$0x0] =	vst.idx.msk $0xffff, v5  }
0x445: {  	v5 =	vld [tilespmem:s1+$0x0];
	_ =	sdelay $0x1  }
0x446: {  	v6 =	vadd.s32 v2, v4;
	_ =	sdelay $0x2  }
0x447: {  	v5 =	vmul.f32 $8.000000000e+00, v5;
	_ =	sdelay $0x1  }
0x448: {  	[tilespmem:v6+s24+$0x0] =	vst.idx.msk $0xffff, v5  }
0x449: {  	v5 =	vld [tilespmem:s1+$0x10]  }
.Ltmp22:
0x44a: {  	(pc) =	sbr.rel @p0 .LBB2_46-.Ltmp22, $2  }
0x44b: {  	v4 =	vadd.s32 v3, v4;
	_ =	sdelay $0x2  }
0x44c: {  	v5 =	vmul.f32 $8.000000000e+00, v5  }
0x44d: {  	_ =	sdelay $0x3  }
0x44e: {  	s0 =	simm.s32 $0x10400;
	s13 =	rddreg [dreg:$0xb];
	[tilespmem:v4+s24+$0x0] =	vst.idx.msk $0xffff, v5  }
0x44f: {  	[hbm4b:s13+s3] =	stream.linear.scatter [tilespmem:s0], [sflag:$0x6], $0x80, $0x38;
	[tilespmem:$0x1AE00] =	vst v63  }
0x450: {  	s12 =	simm.s32 $0x10488;
	s1 =	sadd.s32 $0x10, s13  }
0x451: {  	[hbm4b:s1+s3] =	stream.linear.scatter [tilespmem:s12], [sflag:$0x6], $0x80, $0x38;
	[tilespmem:$0x1AE00] =	vst v63  }
0x452: {  	s22 =	simm.s32 $0x10510;
	s30 =	simm.s32 $0x10598;
	s23 =	sadd.s32 $0x20, s13  }
0x453: {  	[hbm4b:s23+s3] =	stream.linear.scatter [tilespmem:s22], [sflag:$0x6], $0x80, $0x38;
	[tilespmem:$0x1AE00] =	vst v63  }
0x454: {  	s6 =	simm.s32 $0x10620;
	s31 =	sadd.s32 $0x30, s13;
	s0 =	simm.s32 $0x440  }
0x455: {  	[hbm4b:s31+s3] =	stream.linear.scatter [tilespmem:s30], [sflag:$0x6], $0x80, $0x38;
	[tilespmem:$0x1AE00] =	vst v63  }
0x456: {  	s12 =	sadd.s32 $0x40, s13;
	s1 =	sadd.s32 $0x1000, s13;
	s22 =	simm.s32 $0x106A8  }
0x457: {  	[hbm4b:s12+s3] =	stream.linear.scatter [tilespmem:s6], [sflag:$0x6], $0x80, $0x38;
	[tilespmem:$0x1AE00] =	vst v63  }
0x458: {  	s23 =	sadd.s32 $0x50, s13;
	s30 =	simm.s32 $0x10730;
	s31 =	sadd.s32 $0x60, s13  }
0x459: {  	[hbm4b:s23+s3] =	stream.linear.scatter [tilespmem:s22], [sflag:$0x6], $0x80, $0x38;
	[tilespmem:$0x1AE00] =	vst v63  }
0x45a: {  	s6 =	simm.s32 $0x107B8;
	s12 =	sadd.s32 $0x70, s13;
	s22 =	simm.s32 $0x2200  }
0x45b: {  	[hbm4b:s31+s3] =	stream.linear.scatter [tilespmem:s30], [sflag:$0x6], $0x80, $0x38;
	[tilespmem:$0x1AE00] =	vst v63  }
.LBB2_48:
0x45c: {  	[hbm4b:s12+s3] =	stream.linear.scatter [tilespmem:s6], [sflag:$0x6], $0x80, $0x38;
	[tilespmem:$0x1AE00] =	vst v63  }
0x45d: {  	s6 =	smov.u32 s0;
	s0 =	smov.u32 s22  }
0x45e: {  	s13 =	sadd.s32 $0x1100, s22;
	s0 =	sshra.s32 s0, $0x2;
	s12 =	sadd.s32 $0x10400, s6  }
0x45f: {  	[hbm4b:s1+s3] =	stream.linear.scatter [tilespmem:s12], [sflag:$0x6], $0x80, $0x38;
	[tilespmem:$0x1AE00] =	vst v63  }
0x460: {  	p0 =	sne.s32 s22, $0x7700;
	s22 =	sadd.s32 $0x10, s1;
	s12 =	sadd.s32 $0x10488, s6  }
0x461: {  	[hbm4b:s22+s3] =	stream.linear.scatter [tilespmem:s12], [sflag:$0x6], $0x80, $0x38;
	[tilespmem:$0x1AE00] =	vst v63  }
0x462: {  	s12 =	sadd.s32 $0x10510, s6;
	s22 =	sadd.s32 $0x20, s1  }
0x463: {  	[hbm4b:s22+s3] =	stream.linear.scatter [tilespmem:s12], [sflag:$0x6], $0x80, $0x38;
	[tilespmem:$0x1AE00] =	vst v63  }
0x464: {  	s12 =	sadd.s32 $0x10598, s6;
	s22 =	sadd.s32 $0x30, s1  }
0x465: {  	[hbm4b:s22+s3] =	stream.linear.scatter [tilespmem:s12], [sflag:$0x6], $0x80, $0x38;
	[tilespmem:$0x1AE00] =	vst v63  }
0x466: {  	s12 =	sadd.s32 $0x10620, s6;
	s22 =	sadd.s32 $0x40, s1  }
0x467: {  	[hbm4b:s22+s3] =	stream.linear.scatter [tilespmem:s12], [sflag:$0x6], $0x80, $0x38;
	[tilespmem:$0x1AE00] =	vst v63  }
.Ltmp23:
0x468: {  	s12 =	sadd.s32 $0x106A8, s6;
	s22 =	sadd.s32 $0x50, s1;
	(pc) =	sbr.rel @p0 .LBB2_48-.Ltmp23, $4  }
0x469: {  	[hbm4b:s22+s3] =	stream.linear.scatter [tilespmem:s12], [sflag:$0x6], $0x80, $0x38;
	[tilespmem:$0x1AE00] =	vst v63  }
0x46a: {  	s12 =	sadd.s32 $0x10730, s6;
	s22 =	sadd.s32 $0x60, s1;
	s6 =	sadd.s32 $0x107B8, s6  }
0x46b: {  	[hbm4b:s22+s3] =	stream.linear.scatter [tilespmem:s12], [sflag:$0x6], $0x80, $0x38;
	[tilespmem:$0x1AE00] =	vst v63  }
0x46c: {  	s12 =	sadd.s32 $0x70, s1;
	s1 =	sadd.s32 $0x1000, s1;
	s22 =	smov.u32 s13  }
0x46d: {  	[hbm4b:s12+s3] =	stream.linear.scatter [tilespmem:s6], [sflag:$0x6], $0x80, $0x38;
	[tilespmem:$0x1AE00] =	vst v63  }
0x46e: {  	s13 =	sadd.s32 $0x10400, s0  }
0x46f: {  	[hbm4b:s1+s3] =	stream.linear.scatter [tilespmem:s13], [sflag:$0x6], $0x80, $0x38;
	[tilespmem:$0x1AE00] =	vst v63  }
0x470: {  	s22 =	sadd.s32 $0x10488, s0;
	s23 =	sadd.s32 $0x10, s1  }
0x471: {  	[hbm4b:s23+s3] =	stream.linear.scatter [tilespmem:s22], [sflag:$0x6], $0x80, $0x38;
	[tilespmem:$0x1AE00] =	vst v63  }
0x472: {  	s30 =	sadd.s32 $0x10510, s0;
	s31 =	sadd.s32 $0x20, s1  }
0x473: {  	[hbm4b:s31+s3] =	stream.linear.scatter [tilespmem:s30], [sflag:$0x6], $0x80, $0x38;
	[tilespmem:$0x1AE00] =	vst v63  }
0x474: {  	s12 =	sadd.s32 $0x10598, s0;
	s13 =	sadd.s32 $0x30, s1  }
0x475: {  	[hbm4b:s13+s3] =	stream.linear.scatter [tilespmem:s12], [sflag:$0x6], $0x80, $0x38;
	[tilespmem:$0x1AE00] =	vst v63  }
0x476: {  	s22 =	sadd.s32 $0x10620, s0;
	s23 =	sadd.s32 $0x40, s1  }
0x477: {  	[hbm4b:s23+s3] =	stream.linear.scatter [tilespmem:s22], [sflag:$0x6], $0x80, $0x38;
	[tilespmem:$0x1AE00] =	vst v63  }
0x478: {  	s30 =	sadd.s32 $0x106A8, s0;
	s31 =	sadd.s32 $0x50, s1  }
0x479: {  	[hbm4b:s31+s3] =	stream.linear.scatter [tilespmem:s30], [sflag:$0x6], $0x80, $0x38;
	[tilespmem:$0x1AE00] =	vst v63  }
0x47a: {  	s13 =	sadd.s32 $0x10730, s0;
	s22 =	sadd.s32 $0x60, s1  }
0x47b: {  	[hbm4b:s22+s3] =	stream.linear.scatter [tilespmem:s13], [sflag:$0x6], $0x80, $0x38;
	[tilespmem:$0x1AE00] =	vst v63  }
0x47c: {  	s23 =	sadd.s32 $0x107B8, s0;
	s30 =	sadd.s32 $0x70, s1  }
0x47d: {  	[hbm4b:s30+s3] =	stream.linear.scatter [tilespmem:s23], [sflag:$0x6], $0x80, $0x38;
	[tilespmem:$0x1AE00] =	vst v63  }
0x47e: {  	_ =	swait.ge [sflag:s8], $0x1000  }
0x47f: {  	[sflag:s8] =	ssyncset.done $0x0  }
0x480: {  	[sflag:s8] =	ssyncadd.s32 $0xFFFFF000  }
0x481: {  	_ =	swait.ge [sflag:s8], $0x1000  }
0x482: {  	[sflag:s8] =	ssyncset.done $0x0  }
0x483: {  	[sflag:s8] =	ssyncadd.s32 $0xFFFFF000  }
0x484: {  	_ =	swait.ge [sflag:s5], $0x2000  }
0x485: {  	[sflag:s5] =	ssyncset.done $0x0  }
0x486: {  	s31 =	simm.s32 $0x0;
	s1 =	simm.s32 $0x8420;
	[sflag:s5] =	ssyncadd.s32 $0xFFFFE000  }
0x487: {  	v4 =	vmov s31;
	v5 =	vld [tilespmem:s1+$0xFFFFFFE0]  }
0x488: {  	v4 =	vand.u32 $0x7F, v4  }
0x489: {  	v6 =	vadd.s32 v0, v4;
	_ =	sdelay $0x2  }
0x48a: {  	v5 =	vmul.f32 $8.000000000e+00, v5;
	_ =	sdelay $0x1  }
0x48b: {  	[tilespmem:v6+s9+$0x0] =	vst.idx.msk $0xffff, v5  }
0x48c: {  	v5 =	vld [tilespmem:s1+$0xFFFFFFF0];
	_ =	sdelay $0x1  }
0x48d: {  	v6 =	vadd.s32 v1, v4;
	_ =	sdelay $0x2  }
0x48e: {  	v5 =	vmul.f32 $8.000000000e+00, v5;
	_ =	sdelay $0x1  }
0x48f: {  	[tilespmem:v6+s9+$0x0] =	vst.idx.msk $0xffff, v5  }
0x490: {  	v5 =	vld [tilespmem:s1+$0x0];
	_ =	sdelay $0x1  }
0x491: {  	v6 =	vadd.s32 v2, v4;
	_ =	sdelay $0x2  }
0x492: {  	v5 =	vmul.f32 $8.000000000e+00, v5;
	_ =	sdelay $0x1  }
0x493: {  	[tilespmem:v6+s9+$0x0] =	vst.idx.msk $0xffff, v5  }
0x494: {  	v5 =	vld [tilespmem:s1+$0x10];
	_ =	sdelay $0x1  }
0x495: {  	v4 =	vadd.s32 v3, v4;
	_ =	sdelay $0x2  }
0x496: {  	s0 =	simm.s32 $0x1;
	v5 =	vmul.f32 $8.000000000e+00, v5  }
.LBB2_50:
0x497: {  	p0 =	sne.s32 s0, $0x7F  }
0x498: {  	s1 =	sadd.s32 $0x40, s1;
	s6 =	smov.u32 s0;
	s0 =	sadd.s32 $0x1, s0;
	[tilespmem:v4+s9+$0x0] =	vst.idx.msk $0xffff, v5  }
0x499: {  	v4 =	vmov s6;
	v5 =	vld [tilespmem:s1+$0xFFFFFFE0]  }
0x49a: {  	v4 =	vand.u32 $0x7F, v4  }
0x49b: {  	v6 =	vadd.s32 v0, v4;
	_ =	sdelay $0x2  }
0x49c: {  	v5 =	vmul.f32 $8.000000000e+00, v5;
	_ =	sdelay $0x1  }
0x49d: {  	[tilespmem:v6+s9+$0x0] =	vst.idx.msk $0xffff, v5  }
0x49e: {  	v5 =	vld [tilespmem:s1+$0xFFFFFFF0];
	_ =	sdelay $0x1  }
0x49f: {  	v6 =	vadd.s32 v1, v4;
	_ =	sdelay $0x2  }
0x4a0: {  	v5 =	vmul.f32 $8.000000000e+00, v5;
	_ =	sdelay $0x1  }
0x4a1: {  	[tilespmem:v6+s9+$0x0] =	vst.idx.msk $0xffff, v5  }
0x4a2: {  	v5 =	vld [tilespmem:s1+$0x0];
	_ =	sdelay $0x1  }
0x4a3: {  	v6 =	vadd.s32 v2, v4;
	_ =	sdelay $0x2  }
0x4a4: {  	v5 =	vmul.f32 $8.000000000e+00, v5;
	_ =	sdelay $0x1  }
0x4a5: {  	[tilespmem:v6+s9+$0x0] =	vst.idx.msk $0xffff, v5  }
0x4a6: {  	v5 =	vld [tilespmem:s1+$0x10]  }
.Ltmp24:
0x4a7: {  	(pc) =	sbr.rel @p0 .LBB2_50-.Ltmp24, $2  }
0x4a8: {  	v4 =	vadd.s32 v3, v4;
	_ =	sdelay $0x2  }
0x4a9: {  	v5 =	vmul.f32 $8.000000000e+00, v5  }
0x4aa: {  	_ =	sdelay $0x3  }
0x4ab: {  	s0 =	simm.s32 $0x12600;
	s13 =	rddreg [dreg:$0xc];
	[tilespmem:v4+s9+$0x0] =	vst.idx.msk $0xffff, v5  }
0x4ac: {  	[hbm4b:s13+s3] =	stream.linear.scatter [tilespmem:s0], [sflag:$0x7], $0x80, $0x38;
	[tilespmem:$0x1AE00] =	vst v63  }
0x4ad: {  	s12 =	simm.s32 $0x12688;
	s1 =	sadd.s32 $0x10, s13  }
0x4ae: {  	[hbm4b:s1+s3] =	stream.linear.scatter [tilespmem:s12], [sflag:$0x7], $0x80, $0x38;
	[tilespmem:$0x1AE00] =	vst v63  }
0x4af: {  	s22 =	simm.s32 $0x12710;
	s30 =	simm.s32 $0x12798;
	s23 =	sadd.s32 $0x20, s13  }
0x4b0: {  	[hbm4b:s23+s3] =	stream.linear.scatter [tilespmem:s22], [sflag:$0x7], $0x80, $0x38;
	[tilespmem:$0x1AE00] =	vst v63  }
0x4b1: {  	s6 =	simm.s32 $0x12820;
	s31 =	sadd.s32 $0x30, s13;
	s0 =	simm.s32 $0x440  }
0x4b2: {  	[hbm4b:s31+s3] =	stream.linear.scatter [tilespmem:s30], [sflag:$0x7], $0x80, $0x38;
	[tilespmem:$0x1AE00] =	vst v63  }
0x4b3: {  	s12 =	sadd.s32 $0x40, s13;
	s1 =	sadd.s32 $0x1000, s13;
	s22 =	simm.s32 $0x128A8  }
0x4b4: {  	[hbm4b:s12+s3] =	stream.linear.scatter [tilespmem:s6], [sflag:$0x7], $0x80, $0x38;
	[tilespmem:$0x1AE00] =	vst v63  }
0x4b5: {  	s23 =	sadd.s32 $0x50, s13;
	s30 =	simm.s32 $0x12930;
	s31 =	sadd.s32 $0x60, s13  }
0x4b6: {  	[hbm4b:s23+s3] =	stream.linear.scatter [tilespmem:s22], [sflag:$0x7], $0x80, $0x38;
	[tilespmem:$0x1AE00] =	vst v63  }
0x4b7: {  	s6 =	simm.s32 $0x129B8;
	s12 =	sadd.s32 $0x70, s13;
	s22 =	simm.s32 $0x2200  }
0x4b8: {  	[hbm4b:s31+s3] =	stream.linear.scatter [tilespmem:s30], [sflag:$0x7], $0x80, $0x38;
	[tilespmem:$0x1AE00] =	vst v63  }
.LBB2_52:
0x4b9: {  	[hbm4b:s12+s3] =	stream.linear.scatter [tilespmem:s6], [sflag:$0x7], $0x80, $0x38;
	[tilespmem:$0x1AE00] =	vst v63  }
0x4ba: {  	s6 =	smov.u32 s0;
	s0 =	smov.u32 s22  }
0x4bb: {  	s13 =	sadd.s32 $0x1100, s22;
	s0 =	sshra.s32 s0, $0x2;
	s12 =	sadd.s32 $0x12600, s6  }
0x4bc: {  	[hbm4b:s1+s3] =	stream.linear.scatter [tilespmem:s12], [sflag:$0x7], $0x80, $0x38;
	[tilespmem:$0x1AE00] =	vst v63  }
0x4bd: {  	p0 =	sne.s32 s22, $0x7700;
	s22 =	sadd.s32 $0x10, s1;
	s12 =	sadd.s32 $0x12688, s6  }
0x4be: {  	[hbm4b:s22+s3] =	stream.linear.scatter [tilespmem:s12], [sflag:$0x7], $0x80, $0x38;
	[tilespmem:$0x1AE00] =	vst v63  }
0x4bf: {  	s12 =	sadd.s32 $0x12710, s6;
	s22 =	sadd.s32 $0x20, s1  }
0x4c0: {  	[hbm4b:s22+s3] =	stream.linear.scatter [tilespmem:s12], [sflag:$0x7], $0x80, $0x38;
	[tilespmem:$0x1AE00] =	vst v63  }
0x4c1: {  	s12 =	sadd.s32 $0x12798, s6;
	s22 =	sadd.s32 $0x30, s1  }
0x4c2: {  	[hbm4b:s22+s3] =	stream.linear.scatter [tilespmem:s12], [sflag:$0x7], $0x80, $0x38;
	[tilespmem:$0x1AE00] =	vst v63  }
0x4c3: {  	s12 =	sadd.s32 $0x12820, s6;
	s22 =	sadd.s32 $0x40, s1  }
0x4c4: {  	[hbm4b:s22+s3] =	stream.linear.scatter [tilespmem:s12], [sflag:$0x7], $0x80, $0x38;
	[tilespmem:$0x1AE00] =	vst v63  }
.Ltmp25:
0x4c5: {  	s12 =	sadd.s32 $0x128A8, s6;
	s22 =	sadd.s32 $0x50, s1;
	(pc) =	sbr.rel @p0 .LBB2_52-.Ltmp25, $4  }
0x4c6: {  	[hbm4b:s22+s3] =	stream.linear.scatter [tilespmem:s12], [sflag:$0x7], $0x80, $0x38;
	[tilespmem:$0x1AE00] =	vst v63  }
0x4c7: {  	s12 =	sadd.s32 $0x12930, s6;
	s22 =	sadd.s32 $0x60, s1;
	s6 =	sadd.s32 $0x129B8, s6  }
0x4c8: {  	[hbm4b:s22+s3] =	stream.linear.scatter [tilespmem:s12], [sflag:$0x7], $0x80, $0x38;
	[tilespmem:$0x1AE00] =	vst v63  }
0x4c9: {  	s12 =	sadd.s32 $0x70, s1;
	s1 =	sadd.s32 $0x1000, s1;
	s22 =	smov.u32 s13  }
0x4ca: {  	[hbm4b:s12+s3] =	stream.linear.scatter [tilespmem:s6], [sflag:$0x7], $0x80, $0x38;
	[tilespmem:$0x1AE00] =	vst v63  }
0x4cb: {  	s13 =	sadd.s32 $0x12600, s0  }
0x4cc: {  	[hbm4b:s1+s3] =	stream.linear.scatter [tilespmem:s13], [sflag:$0x7], $0x80, $0x38;
	[tilespmem:$0x1AE00] =	vst v63  }
0x4cd: {  	s22 =	sadd.s32 $0x12688, s0;
	s23 =	sadd.s32 $0x10, s1  }
0x4ce: {  	[hbm4b:s23+s3] =	stream.linear.scatter [tilespmem:s22], [sflag:$0x7], $0x80, $0x38;
	[tilespmem:$0x1AE00] =	vst v63  }
0x4cf: {  	s30 =	sadd.s32 $0x12710, s0;
	s31 =	sadd.s32 $0x20, s1  }
0x4d0: {  	[hbm4b:s31+s3] =	stream.linear.scatter [tilespmem:s30], [sflag:$0x7], $0x80, $0x38;
	[tilespmem:$0x1AE00] =	vst v63  }
0x4d1: {  	s12 =	sadd.s32 $0x12798, s0;
	s13 =	sadd.s32 $0x30, s1  }
0x4d2: {  	[hbm4b:s13+s3] =	stream.linear.scatter [tilespmem:s12], [sflag:$0x7], $0x80, $0x38;
	[tilespmem:$0x1AE00] =	vst v63  }
0x4d3: {  	s22 =	sadd.s32 $0x12820, s0;
	s23 =	sadd.s32 $0x40, s1  }
0x4d4: {  	[hbm4b:s23+s3] =	stream.linear.scatter [tilespmem:s22], [sflag:$0x7], $0x80, $0x38;
	[tilespmem:$0x1AE00] =	vst v63  }
0x4d5: {  	s30 =	sadd.s32 $0x128A8, s0;
	s31 =	sadd.s32 $0x50, s1  }
0x4d6: {  	[hbm4b:s31+s3] =	stream.linear.scatter [tilespmem:s30], [sflag:$0x7], $0x80, $0x38;
	[tilespmem:$0x1AE00] =	vst v63  }
0x4d7: {  	s13 =	sadd.s32 $0x12930, s0;
	s22 =	sadd.s32 $0x60, s1  }
0x4d8: {  	[hbm4b:s22+s3] =	stream.linear.scatter [tilespmem:s13], [sflag:$0x7], $0x80, $0x38;
	[tilespmem:$0x1AE00] =	vst v63  }
0x4d9: {  	s23 =	sadd.s32 $0x129B8, s0;
	s30 =	sadd.s32 $0x70, s1  }
0x4da: {  	[hbm4b:s30+s3] =	stream.linear.scatter [tilespmem:s23], [sflag:$0x7], $0x80, $0x38;
	[tilespmem:$0x1AE00] =	vst v63  }
0x4db: {  	_ =	swait.ge [sflag:s10], $0x1000  }
0x4dc: {  	[sflag:s10] =	ssyncset.done $0x0  }
0x4dd: {  	[sflag:s10] =	ssyncadd.s32 $0xFFFFF000  }
0x4de: {  	_ =	swait.ge [sflag:s10], $0x1000  }
0x4df: {  	[sflag:s10] =	ssyncset.done $0x0  }
0x4e0: {  	[sflag:s10] =	ssyncadd.s32 $0xFFFFF000  }
0x4e1: {  	_ =	swait.ge [sflag:s26], $0x2000  }
0x4e2: {  	[sflag:s26] =	ssyncset.done $0x0  }
0x4e3: {  	s31 =	simm.s32 $0x0;
	s1 =	simm.s32 $0xA420;
	[sflag:s26] =	ssyncadd.s32 $0xFFFFE000  }
0x4e4: {  	v4 =	vmov s31;
	v5 =	vld [tilespmem:s1+$0xFFFFFFE0]  }
0x4e5: {  	v4 =	vand.u32 $0x7F, v4  }
0x4e6: {  	v6 =	vadd.s32 v0, v4;
	_ =	sdelay $0x2  }
0x4e7: {  	v5 =	vmul.f32 $8.000000000e+00, v5;
	_ =	sdelay $0x1  }
0x4e8: {  	[tilespmem:v6+s11+$0x0] =	vst.idx.msk $0xffff, v5  }
0x4e9: {  	v5 =	vld [tilespmem:s1+$0xFFFFFFF0];
	_ =	sdelay $0x1  }
0x4ea: {  	v6 =	vadd.s32 v1, v4;
	_ =	sdelay $0x2  }
0x4eb: {  	v5 =	vmul.f32 $8.000000000e+00, v5;
	_ =	sdelay $0x1  }
0x4ec: {  	[tilespmem:v6+s11+$0x0] =	vst.idx.msk $0xffff, v5  }
0x4ed: {  	v5 =	vld [tilespmem:s1+$0x0];
	_ =	sdelay $0x1  }
0x4ee: {  	v6 =	vadd.s32 v2, v4;
	_ =	sdelay $0x2  }
0x4ef: {  	v5 =	vmul.f32 $8.000000000e+00, v5;
	_ =	sdelay $0x1  }
0x4f0: {  	[tilespmem:v6+s11+$0x0] =	vst.idx.msk $0xffff, v5  }
0x4f1: {  	v5 =	vld [tilespmem:s1+$0x10];
	_ =	sdelay $0x1  }
0x4f2: {  	v4 =	vadd.s32 v3, v4;
	_ =	sdelay $0x2  }
0x4f3: {  	s0 =	simm.s32 $0x1;
	v5 =	vmul.f32 $8.000000000e+00, v5  }
.LBB2_54:
0x4f4: {  	p0 =	sne.s32 s0, $0x7F  }
0x4f5: {  	s1 =	sadd.s32 $0x40, s1;
	s6 =	smov.u32 s0;
	s0 =	sadd.s32 $0x1, s0;
	[tilespmem:v4+s11+$0x0] =	vst.idx.msk $0xffff, v5  }
0x4f6: {  	v4 =	vmov s6;
	v5 =	vld [tilespmem:s1+$0xFFFFFFE0]  }
0x4f7: {  	v4 =	vand.u32 $0x7F, v4  }
0x4f8: {  	v6 =	vadd.s32 v0, v4;
	_ =	sdelay $0x2  }
0x4f9: {  	v5 =	vmul.f32 $8.000000000e+00, v5;
	_ =	sdelay $0x1  }
0x4fa: {  	[tilespmem:v6+s11+$0x0] =	vst.idx.msk $0xffff, v5  }
0x4fb: {  	v5 =	vld [tilespmem:s1+$0xFFFFFFF0];
	_ =	sdelay $0x1  }
0x4fc: {  	v6 =	vadd.s32 v1, v4;
	_ =	sdelay $0x2  }
0x4fd: {  	v5 =	vmul.f32 $8.000000000e+00, v5;
	_ =	sdelay $0x1  }
0x4fe: {  	[tilespmem:v6+s11+$0x0] =	vst.idx.msk $0xffff, v5  }
0x4ff: {  	v5 =	vld [tilespmem:s1+$0x0];
	_ =	sdelay $0x1  }
0x500: {  	v6 =	vadd.s32 v2, v4;
	_ =	sdelay $0x2  }
0x501: {  	v5 =	vmul.f32 $8.000000000e+00, v5;
	_ =	sdelay $0x1  }
0x502: {  	[tilespmem:v6+s11+$0x0] =	vst.idx.msk $0xffff, v5  }
0x503: {  	v5 =	vld [tilespmem:s1+$0x10]  }
.Ltmp26:
0x504: {  	(pc) =	sbr.rel @p0 .LBB2_54-.Ltmp26, $2  }
0x505: {  	v4 =	vadd.s32 v3, v4;
	_ =	sdelay $0x2  }
0x506: {  	v5 =	vmul.f32 $8.000000000e+00, v5  }
0x507: {  	_ =	sdelay $0x3  }
0x508: {  	s0 =	simm.s32 $0x14800;
	s13 =	rddreg [dreg:$0xd];
	[tilespmem:v4+s11+$0x0] =	vst.idx.msk $0xffff, v5  }
0x509: {  	[hbm4b:s13+s3] =	stream.linear.scatter [tilespmem:s0], [sflag:$0x8], $0x80, $0x38;
	[tilespmem:$0x1AE00] =	vst v63  }
0x50a: {  	s12 =	simm.s32 $0x14888;
	s1 =	sadd.s32 $0x10, s13  }
0x50b: {  	[hbm4b:s1+s3] =	stream.linear.scatter [tilespmem:s12], [sflag:$0x8], $0x80, $0x38;
	[tilespmem:$0x1AE00] =	vst v63  }
0x50c: {  	s22 =	simm.s32 $0x14910;
	s30 =	simm.s32 $0x14998;
	s23 =	sadd.s32 $0x20, s13  }
0x50d: {  	[hbm4b:s23+s3] =	stream.linear.scatter [tilespmem:s22], [sflag:$0x8], $0x80, $0x38;
	[tilespmem:$0x1AE00] =	vst v63  }
0x50e: {  	s6 =	simm.s32 $0x14A20;
	s31 =	sadd.s32 $0x30, s13;
	s0 =	simm.s32 $0x440  }
0x50f: {  	[hbm4b:s31+s3] =	stream.linear.scatter [tilespmem:s30], [sflag:$0x8], $0x80, $0x38;
	[tilespmem:$0x1AE00] =	vst v63  }
0x510: {  	s12 =	sadd.s32 $0x40, s13;
	s1 =	sadd.s32 $0x1000, s13;
	s22 =	simm.s32 $0x14AA8  }
0x511: {  	[hbm4b:s12+s3] =	stream.linear.scatter [tilespmem:s6], [sflag:$0x8], $0x80, $0x38;
	[tilespmem:$0x1AE00] =	vst v63  }
0x512: {  	s23 =	sadd.s32 $0x50, s13;
	s30 =	simm.s32 $0x14B30;
	s31 =	sadd.s32 $0x60, s13  }
0x513: {  	[hbm4b:s23+s3] =	stream.linear.scatter [tilespmem:s22], [sflag:$0x8], $0x80, $0x38;
	[tilespmem:$0x1AE00] =	vst v63  }
0x514: {  	s6 =	simm.s32 $0x14BB8;
	s12 =	sadd.s32 $0x70, s13;
	s22 =	simm.s32 $0x2200  }
0x515: {  	[hbm4b:s31+s3] =	stream.linear.scatter [tilespmem:s30], [sflag:$0x8], $0x80, $0x38;
	[tilespmem:$0x1AE00] =	vst v63  }
.LBB2_56:
0x516: {  	[hbm4b:s12+s3] =	stream.linear.scatter [tilespmem:s6], [sflag:$0x8], $0x80, $0x38;
	[tilespmem:$0x1AE00] =	vst v63  }
0x517: {  	s6 =	smov.u32 s0;
	s0 =	smov.u32 s22  }
0x518: {  	s13 =	sadd.s32 $0x1100, s22;
	s0 =	sshra.s32 s0, $0x2;
	s12 =	sadd.s32 $0x14800, s6  }
0x519: {  	[hbm4b:s1+s3] =	stream.linear.scatter [tilespmem:s12], [sflag:$0x8], $0x80, $0x38;
	[tilespmem:$0x1AE00] =	vst v63  }
0x51a: {  	p0 =	sne.s32 s22, $0x7700;
	s22 =	sadd.s32 $0x10, s1;
	s12 =	sadd.s32 $0x14888, s6  }
0x51b: {  	[hbm4b:s22+s3] =	stream.linear.scatter [tilespmem:s12], [sflag:$0x8], $0x80, $0x38;
	[tilespmem:$0x1AE00] =	vst v63  }
0x51c: {  	s12 =	sadd.s32 $0x14910, s6;
	s22 =	sadd.s32 $0x20, s1  }
0x51d: {  	[hbm4b:s22+s3] =	stream.linear.scatter [tilespmem:s12], [sflag:$0x8], $0x80, $0x38;
	[tilespmem:$0x1AE00] =	vst v63  }
0x51e: {  	s12 =	sadd.s32 $0x14998, s6;
	s22 =	sadd.s32 $0x30, s1  }
0x51f: {  	[hbm4b:s22+s3] =	stream.linear.scatter [tilespmem:s12], [sflag:$0x8], $0x80, $0x38;
	[tilespmem:$0x1AE00] =	vst v63  }
0x520: {  	s12 =	sadd.s32 $0x14A20, s6;
	s22 =	sadd.s32 $0x40, s1  }
0x521: {  	[hbm4b:s22+s3] =	stream.linear.scatter [tilespmem:s12], [sflag:$0x8], $0x80, $0x38;
	[tilespmem:$0x1AE00] =	vst v63  }
.Ltmp27:
0x522: {  	s12 =	sadd.s32 $0x14AA8, s6;
	s22 =	sadd.s32 $0x50, s1;
	(pc) =	sbr.rel @p0 .LBB2_56-.Ltmp27, $4  }
0x523: {  	[hbm4b:s22+s3] =	stream.linear.scatter [tilespmem:s12], [sflag:$0x8], $0x80, $0x38;
	[tilespmem:$0x1AE00] =	vst v63  }
0x524: {  	s12 =	sadd.s32 $0x14B30, s6;
	s22 =	sadd.s32 $0x60, s1;
	s6 =	sadd.s32 $0x14BB8, s6  }
0x525: {  	[hbm4b:s22+s3] =	stream.linear.scatter [tilespmem:s12], [sflag:$0x8], $0x80, $0x38;
	[tilespmem:$0x1AE00] =	vst v63  }
0x526: {  	s12 =	sadd.s32 $0x70, s1;
	s1 =	sadd.s32 $0x1000, s1;
	s22 =	smov.u32 s13  }
0x527: {  	[hbm4b:s12+s3] =	stream.linear.scatter [tilespmem:s6], [sflag:$0x8], $0x80, $0x38;
	[tilespmem:$0x1AE00] =	vst v63  }
0x528: {  	s13 =	sadd.s32 $0x14800, s0  }
0x529: {  	[hbm4b:s1+s3] =	stream.linear.scatter [tilespmem:s13], [sflag:$0x8], $0x80, $0x38;
	[tilespmem:$0x1AE00] =	vst v63  }
0x52a: {  	s22 =	sadd.s32 $0x14888, s0;
	s23 =	sadd.s32 $0x10, s1  }
0x52b: {  	[hbm4b:s23+s3] =	stream.linear.scatter [tilespmem:s22], [sflag:$0x8], $0x80, $0x38;
	[tilespmem:$0x1AE00] =	vst v63  }
0x52c: {  	s30 =	sadd.s32 $0x14910, s0;
	s31 =	sadd.s32 $0x20, s1  }
0x52d: {  	[hbm4b:s31+s3] =	stream.linear.scatter [tilespmem:s30], [sflag:$0x8], $0x80, $0x38;
	[tilespmem:$0x1AE00] =	vst v63  }
0x52e: {  	s12 =	sadd.s32 $0x14998, s0;
	s13 =	sadd.s32 $0x30, s1  }
0x52f: {  	[hbm4b:s13+s3] =	stream.linear.scatter [tilespmem:s12], [sflag:$0x8], $0x80, $0x38;
	[tilespmem:$0x1AE00] =	vst v63  }
0x530: {  	s22 =	sadd.s32 $0x14A20, s0;
	s23 =	sadd.s32 $0x40, s1  }
0x531: {  	[hbm4b:s23+s3] =	stream.linear.scatter [tilespmem:s22], [sflag:$0x8], $0x80, $0x38;
	[tilespmem:$0x1AE00] =	vst v63  }
0x532: {  	s30 =	sadd.s32 $0x14AA8, s0;
	s31 =	sadd.s32 $0x50, s1  }
0x533: {  	[hbm4b:s31+s3] =	stream.linear.scatter [tilespmem:s30], [sflag:$0x8], $0x80, $0x38;
	[tilespmem:$0x1AE00] =	vst v63  }
0x534: {  	s13 =	sadd.s32 $0x14B30, s0;
	s22 =	sadd.s32 $0x60, s1  }
0x535: {  	[hbm4b:s22+s3] =	stream.linear.scatter [tilespmem:s13], [sflag:$0x8], $0x80, $0x38;
	[tilespmem:$0x1AE00] =	vst v63  }
0x536: {  	s23 =	sadd.s32 $0x14BB8, s0;
	s30 =	sadd.s32 $0x70, s1  }
0x537: {  	[hbm4b:s30+s3] =	stream.linear.scatter [tilespmem:s23], [sflag:$0x8], $0x80, $0x38;
	[tilespmem:$0x1AE00] =	vst v63  }
0x538: {  	_ =	swait.ge [sflag:s16], $0x1000  }
0x539: {  	[sflag:s16] =	ssyncset.done $0x0  }
0x53a: {  	[sflag:s16] =	ssyncadd.s32 $0xFFFFF000  }
0x53b: {  	_ =	swait.ge [sflag:s16], $0x1000  }
0x53c: {  	[sflag:s16] =	ssyncset.done $0x0  }
0x53d: {  	[sflag:s16] =	ssyncadd.s32 $0xFFFFF000  }
0x53e: {  	_ =	swait.ge [sflag:s28], $0x2000  }
0x53f: {  	[sflag:s28] =	ssyncset.done $0x0  }
0x540: {  	s31 =	simm.s32 $0x0;
	s1 =	simm.s32 $0xC420;
	[sflag:s28] =	ssyncadd.s32 $0xFFFFE000  }
0x541: {  	v4 =	vmov s31;
	v5 =	vld [tilespmem:s1+$0xFFFFFFE0]  }
0x542: {  	v4 =	vand.u32 $0x7F, v4  }
0x543: {  	v6 =	vadd.s32 v0, v4;
	_ =	sdelay $0x2  }
0x544: {  	v5 =	vmul.f32 $8.000000000e+00, v5;
	_ =	sdelay $0x1  }
0x545: {  	[tilespmem:v6+s17+$0x0] =	vst.idx.msk $0xffff, v5  }
0x546: {  	v5 =	vld [tilespmem:s1+$0xFFFFFFF0];
	_ =	sdelay $0x1  }
0x547: {  	v6 =	vadd.s32 v1, v4;
	_ =	sdelay $0x2  }
0x548: {  	v5 =	vmul.f32 $8.000000000e+00, v5;
	_ =	sdelay $0x1  }
0x549: {  	[tilespmem:v6+s17+$0x0] =	vst.idx.msk $0xffff, v5  }
0x54a: {  	v5 =	vld [tilespmem:s1+$0x0];
	_ =	sdelay $0x1  }
0x54b: {  	v6 =	vadd.s32 v2, v4;
	_ =	sdelay $0x2  }
0x54c: {  	v5 =	vmul.f32 $8.000000000e+00, v5;
	_ =	sdelay $0x1  }
0x54d: {  	[tilespmem:v6+s17+$0x0] =	vst.idx.msk $0xffff, v5  }
0x54e: {  	v5 =	vld [tilespmem:s1+$0x10];
	_ =	sdelay $0x1  }
0x54f: {  	v4 =	vadd.s32 v3, v4;
	_ =	sdelay $0x2  }
0x550: {  	s0 =	simm.s32 $0x1;
	v5 =	vmul.f32 $8.000000000e+00, v5  }
.LBB2_58:
0x551: {  	p0 =	sne.s32 s0, $0x7F  }
0x552: {  	s1 =	sadd.s32 $0x40, s1;
	s6 =	smov.u32 s0;
	s0 =	sadd.s32 $0x1, s0;
	[tilespmem:v4+s17+$0x0] =	vst.idx.msk $0xffff, v5  }
0x553: {  	v4 =	vmov s6;
	v5 =	vld [tilespmem:s1+$0xFFFFFFE0]  }
0x554: {  	v4 =	vand.u32 $0x7F, v4  }
0x555: {  	v6 =	vadd.s32 v0, v4;
	_ =	sdelay $0x2  }
0x556: {  	v5 =	vmul.f32 $8.000000000e+00, v5;
	_ =	sdelay $0x1  }
0x557: {  	[tilespmem:v6+s17+$0x0] =	vst.idx.msk $0xffff, v5  }
0x558: {  	v5 =	vld [tilespmem:s1+$0xFFFFFFF0];
	_ =	sdelay $0x1  }
0x559: {  	v6 =	vadd.s32 v1, v4;
	_ =	sdelay $0x2  }
0x55a: {  	v5 =	vmul.f32 $8.000000000e+00, v5;
	_ =	sdelay $0x1  }
0x55b: {  	[tilespmem:v6+s17+$0x0] =	vst.idx.msk $0xffff, v5  }
0x55c: {  	v5 =	vld [tilespmem:s1+$0x0];
	_ =	sdelay $0x1  }
0x55d: {  	v6 =	vadd.s32 v2, v4;
	_ =	sdelay $0x2  }
0x55e: {  	v5 =	vmul.f32 $8.000000000e+00, v5;
	_ =	sdelay $0x1  }
0x55f: {  	[tilespmem:v6+s17+$0x0] =	vst.idx.msk $0xffff, v5  }
0x560: {  	v5 =	vld [tilespmem:s1+$0x10]  }
.Ltmp28:
0x561: {  	(pc) =	sbr.rel @p0 .LBB2_58-.Ltmp28, $2  }
0x562: {  	v4 =	vadd.s32 v3, v4;
	_ =	sdelay $0x2  }
0x563: {  	v5 =	vmul.f32 $8.000000000e+00, v5  }
0x564: {  	_ =	sdelay $0x3  }
0x565: {  	s0 =	simm.s32 $0x16A00;
	s13 =	rddreg [dreg:$0xe];
	[tilespmem:v4+s17+$0x0] =	vst.idx.msk $0xffff, v5  }
0x566: {  	[hbm4b:s13+s3] =	stream.linear.scatter [tilespmem:s0], [sflag:$0x9], $0x80, $0x38;
	[tilespmem:$0x1AE00] =	vst v63  }
0x567: {  	s12 =	simm.s32 $0x16A88;
	s1 =	sadd.s32 $0x10, s13  }
0x568: {  	[hbm4b:s1+s3] =	stream.linear.scatter [tilespmem:s12], [sflag:$0x9], $0x80, $0x38;
	[tilespmem:$0x1AE00] =	vst v63  }
0x569: {  	s22 =	simm.s32 $0x16B10;
	s30 =	simm.s32 $0x16B98;
	s23 =	sadd.s32 $0x20, s13  }
0x56a: {  	[hbm4b:s23+s3] =	stream.linear.scatter [tilespmem:s22], [sflag:$0x9], $0x80, $0x38;
	[tilespmem:$0x1AE00] =	vst v63  }
0x56b: {  	s6 =	simm.s32 $0x16C20;
	s31 =	sadd.s32 $0x30, s13;
	s0 =	simm.s32 $0x440  }
0x56c: {  	[hbm4b:s31+s3] =	stream.linear.scatter [tilespmem:s30], [sflag:$0x9], $0x80, $0x38;
	[tilespmem:$0x1AE00] =	vst v63  }
0x56d: {  	s12 =	sadd.s32 $0x40, s13;
	s1 =	sadd.s32 $0x1000, s13;
	s22 =	simm.s32 $0x16CA8  }
0x56e: {  	[hbm4b:s12+s3] =	stream.linear.scatter [tilespmem:s6], [sflag:$0x9], $0x80, $0x38;
	[tilespmem:$0x1AE00] =	vst v63  }
0x56f: {  	s23 =	sadd.s32 $0x50, s13;
	s30 =	simm.s32 $0x16D30;
	s31 =	sadd.s32 $0x60, s13  }
0x570: {  	[hbm4b:s23+s3] =	stream.linear.scatter [tilespmem:s22], [sflag:$0x9], $0x80, $0x38;
	[tilespmem:$0x1AE00] =	vst v63  }
0x571: {  	s6 =	simm.s32 $0x16DB8;
	s12 =	sadd.s32 $0x70, s13;
	s22 =	simm.s32 $0x2200  }
0x572: {  	[hbm4b:s31+s3] =	stream.linear.scatter [tilespmem:s30], [sflag:$0x9], $0x80, $0x38;
	[tilespmem:$0x1AE00] =	vst v63  }
.LBB2_60:
0x573: {  	[hbm4b:s12+s3] =	stream.linear.scatter [tilespmem:s6], [sflag:$0x9], $0x80, $0x38;
	[tilespmem:$0x1AE00] =	vst v63  }
0x574: {  	s6 =	smov.u32 s0;
	s0 =	smov.u32 s22  }
0x575: {  	s13 =	sadd.s32 $0x1100, s22;
	s0 =	sshra.s32 s0, $0x2;
	s12 =	sadd.s32 $0x16A00, s6  }
0x576: {  	[hbm4b:s1+s3] =	stream.linear.scatter [tilespmem:s12], [sflag:$0x9], $0x80, $0x38;
	[tilespmem:$0x1AE00] =	vst v63  }
0x577: {  	p0 =	sne.s32 s22, $0x7700;
	s22 =	sadd.s32 $0x10, s1;
	s12 =	sadd.s32 $0x16A88, s6  }
0x578: {  	[hbm4b:s22+s3] =	stream.linear.scatter [tilespmem:s12], [sflag:$0x9], $0x80, $0x38;
	[tilespmem:$0x1AE00] =	vst v63  }
0x579: {  	s12 =	sadd.s32 $0x16B10, s6;
	s22 =	sadd.s32 $0x20, s1  }
0x57a: {  	[hbm4b:s22+s3] =	stream.linear.scatter [tilespmem:s12], [sflag:$0x9], $0x80, $0x38;
	[tilespmem:$0x1AE00] =	vst v63  }
0x57b: {  	s12 =	sadd.s32 $0x16B98, s6;
	s22 =	sadd.s32 $0x30, s1  }
0x57c: {  	[hbm4b:s22+s3] =	stream.linear.scatter [tilespmem:s12], [sflag:$0x9], $0x80, $0x38;
	[tilespmem:$0x1AE00] =	vst v63  }
0x57d: {  	s12 =	sadd.s32 $0x16C20, s6;
	s22 =	sadd.s32 $0x40, s1  }
0x57e: {  	[hbm4b:s22+s3] =	stream.linear.scatter [tilespmem:s12], [sflag:$0x9], $0x80, $0x38;
	[tilespmem:$0x1AE00] =	vst v63  }
.Ltmp29:
0x57f: {  	s12 =	sadd.s32 $0x16CA8, s6;
	s22 =	sadd.s32 $0x50, s1;
	(pc) =	sbr.rel @p0 .LBB2_60-.Ltmp29, $4  }
0x580: {  	[hbm4b:s22+s3] =	stream.linear.scatter [tilespmem:s12], [sflag:$0x9], $0x80, $0x38;
	[tilespmem:$0x1AE00] =	vst v63  }
0x581: {  	s12 =	sadd.s32 $0x16D30, s6;
	s22 =	sadd.s32 $0x60, s1;
	s6 =	sadd.s32 $0x16DB8, s6  }
0x582: {  	[hbm4b:s22+s3] =	stream.linear.scatter [tilespmem:s12], [sflag:$0x9], $0x80, $0x38;
	[tilespmem:$0x1AE00] =	vst v63  }
0x583: {  	s12 =	sadd.s32 $0x70, s1;
	s1 =	sadd.s32 $0x1000, s1;
	s22 =	smov.u32 s13  }
0x584: {  	[hbm4b:s12+s3] =	stream.linear.scatter [tilespmem:s6], [sflag:$0x9], $0x80, $0x38;
	[tilespmem:$0x1AE00] =	vst v63  }
0x585: {  	s13 =	sadd.s32 $0x16A00, s0  }
0x586: {  	[hbm4b:s1+s3] =	stream.linear.scatter [tilespmem:s13], [sflag:$0x9], $0x80, $0x38;
	[tilespmem:$0x1AE00] =	vst v63  }
0x587: {  	s22 =	sadd.s32 $0x16A88, s0;
	s23 =	sadd.s32 $0x10, s1  }
0x588: {  	[hbm4b:s23+s3] =	stream.linear.scatter [tilespmem:s22], [sflag:$0x9], $0x80, $0x38;
	[tilespmem:$0x1AE00] =	vst v63  }
0x589: {  	s30 =	sadd.s32 $0x16B10, s0;
	s31 =	sadd.s32 $0x20, s1  }
0x58a: {  	[hbm4b:s31+s3] =	stream.linear.scatter [tilespmem:s30], [sflag:$0x9], $0x80, $0x38;
	[tilespmem:$0x1AE00] =	vst v63  }
0x58b: {  	s12 =	sadd.s32 $0x16B98, s0;
	s13 =	sadd.s32 $0x30, s1  }
0x58c: {  	[hbm4b:s13+s3] =	stream.linear.scatter [tilespmem:s12], [sflag:$0x9], $0x80, $0x38;
	[tilespmem:$0x1AE00] =	vst v63  }
0x58d: {  	s22 =	sadd.s32 $0x16C20, s0;
	s23 =	sadd.s32 $0x40, s1  }
0x58e: {  	[hbm4b:s23+s3] =	stream.linear.scatter [tilespmem:s22], [sflag:$0x9], $0x80, $0x38;
	[tilespmem:$0x1AE00] =	vst v63  }
0x58f: {  	s30 =	sadd.s32 $0x16CA8, s0;
	s31 =	sadd.s32 $0x50, s1  }
0x590: {  	[hbm4b:s31+s3] =	stream.linear.scatter [tilespmem:s30], [sflag:$0x9], $0x80, $0x38;
	[tilespmem:$0x1AE00] =	vst v63  }
0x591: {  	s13 =	sadd.s32 $0x16D30, s0;
	s22 =	sadd.s32 $0x60, s1  }
0x592: {  	[hbm4b:s22+s3] =	stream.linear.scatter [tilespmem:s13], [sflag:$0x9], $0x80, $0x38;
	[tilespmem:$0x1AE00] =	vst v63  }
0x593: {  	s23 =	sadd.s32 $0x16DB8, s0;
	s30 =	sadd.s32 $0x70, s1  }
0x594: {  	[hbm4b:s30+s3] =	stream.linear.scatter [tilespmem:s23], [sflag:$0x9], $0x80, $0x38;
	[tilespmem:$0x1AE00] =	vst v63  }
0x595: {  	_ =	swait.ge [sflag:s18], $0x1000  }
0x596: {  	[sflag:s18] =	ssyncset.done $0x0  }
0x597: {  	[sflag:s18] =	ssyncadd.s32 $0xFFFFF000  }
0x598: {  	_ =	swait.ge [sflag:s18], $0x1000  }
0x599: {  	[sflag:s18] =	ssyncset.done $0x0  }
0x59a: {  	[sflag:s18] =	ssyncadd.s32 $0xFFFFF000  }
0x59b: {  	_ =	swait.ge [sflag:s29], $0x2000  }
0x59c: {  	[sflag:s29] =	ssyncset.done $0x0  }
0x59d: {  	s31 =	simm.s32 $0x0;
	s1 =	simm.s32 $0xE420;
	[sflag:s29] =	ssyncadd.s32 $0xFFFFE000  }
0x59e: {  	v4 =	vmov s31;
	v5 =	vld [tilespmem:s1+$0xFFFFFFE0]  }
0x59f: {  	v4 =	vand.u32 $0x7F, v4  }
0x5a0: {  	v6 =	vadd.s32 v0, v4;
	_ =	sdelay $0x2  }
0x5a1: {  	v5 =	vmul.f32 $8.000000000e+00, v5;
	_ =	sdelay $0x1  }
0x5a2: {  	[tilespmem:v6+s19+$0x0] =	vst.idx.msk $0xffff, v5  }
0x5a3: {  	v5 =	vld [tilespmem:s1+$0xFFFFFFF0];
	_ =	sdelay $0x1  }
0x5a4: {  	v6 =	vadd.s32 v1, v4;
	_ =	sdelay $0x2  }
0x5a5: {  	v5 =	vmul.f32 $8.000000000e+00, v5;
	_ =	sdelay $0x1  }
0x5a6: {  	[tilespmem:v6+s19+$0x0] =	vst.idx.msk $0xffff, v5  }
0x5a7: {  	v5 =	vld [tilespmem:s1+$0x0];
	_ =	sdelay $0x1  }
0x5a8: {  	v6 =	vadd.s32 v2, v4;
	_ =	sdelay $0x2  }
0x5a9: {  	v5 =	vmul.f32 $8.000000000e+00, v5;
	_ =	sdelay $0x1  }
0x5aa: {  	[tilespmem:v6+s19+$0x0] =	vst.idx.msk $0xffff, v5  }
0x5ab: {  	v5 =	vld [tilespmem:s1+$0x10];
	_ =	sdelay $0x1  }
0x5ac: {  	v4 =	vadd.s32 v3, v4;
	_ =	sdelay $0x2  }
0x5ad: {  	s0 =	simm.s32 $0x1;
	v5 =	vmul.f32 $8.000000000e+00, v5  }
.LBB2_62:
0x5ae: {  	p0 =	sne.s32 s0, $0x7F  }
0x5af: {  	s1 =	sadd.s32 $0x40, s1;
	s6 =	smov.u32 s0;
	s0 =	sadd.s32 $0x1, s0;
	[tilespmem:v4+s19+$0x0] =	vst.idx.msk $0xffff, v5  }
0x5b0: {  	v4 =	vmov s6;
	v5 =	vld [tilespmem:s1+$0xFFFFFFE0]  }
0x5b1: {  	v4 =	vand.u32 $0x7F, v4  }
0x5b2: {  	v6 =	vadd.s32 v0, v4;
	_ =	sdelay $0x2  }
0x5b3: {  	v5 =	vmul.f32 $8.000000000e+00, v5;
	_ =	sdelay $0x1  }
0x5b4: {  	[tilespmem:v6+s19+$0x0] =	vst.idx.msk $0xffff, v5  }
0x5b5: {  	v5 =	vld [tilespmem:s1+$0xFFFFFFF0];
	_ =	sdelay $0x1  }
0x5b6: {  	v6 =	vadd.s32 v1, v4;
	_ =	sdelay $0x2  }
0x5b7: {  	v5 =	vmul.f32 $8.000000000e+00, v5;
	_ =	sdelay $0x1  }
0x5b8: {  	[tilespmem:v6+s19+$0x0] =	vst.idx.msk $0xffff, v5  }
0x5b9: {  	v5 =	vld [tilespmem:s1+$0x0];
	_ =	sdelay $0x1  }
0x5ba: {  	v6 =	vadd.s32 v2, v4;
	_ =	sdelay $0x2  }
0x5bb: {  	v5 =	vmul.f32 $8.000000000e+00, v5;
	_ =	sdelay $0x1  }
0x5bc: {  	[tilespmem:v6+s19+$0x0] =	vst.idx.msk $0xffff, v5  }
0x5bd: {  	v5 =	vld [tilespmem:s1+$0x10]  }
.Ltmp30:
0x5be: {  	(pc) =	sbr.rel @p0 .LBB2_62-.Ltmp30, $2  }
0x5bf: {  	v4 =	vadd.s32 v3, v4;
	_ =	sdelay $0x2  }
0x5c0: {  	v5 =	vmul.f32 $8.000000000e+00, v5  }
0x5c1: {  	_ =	sdelay $0x3  }
0x5c2: {  	s0 =	simm.s32 $0x18C00;
	s13 =	rddreg [dreg:$0xf];
	[tilespmem:v4+s19+$0x0] =	vst.idx.msk $0xffff, v5  }
0x5c3: {  	[hbm4b:s13+s3] =	stream.linear.scatter [tilespmem:s0], [sflag:$0xA], $0x80, $0x38;
	[tilespmem:$0x1AE00] =	vst v63  }
0x5c4: {  	s12 =	simm.s32 $0x18C88;
	s1 =	sadd.s32 $0x10, s13  }
0x5c5: {  	[hbm4b:s1+s3] =	stream.linear.scatter [tilespmem:s12], [sflag:$0xA], $0x80, $0x38;
	[tilespmem:$0x1AE00] =	vst v63  }
0x5c6: {  	s22 =	simm.s32 $0x18D10;
	s30 =	simm.s32 $0x18D98;
	s23 =	sadd.s32 $0x20, s13  }
0x5c7: {  	[hbm4b:s23+s3] =	stream.linear.scatter [tilespmem:s22], [sflag:$0xA], $0x80, $0x38;
	[tilespmem:$0x1AE00] =	vst v63  }
0x5c8: {  	s6 =	simm.s32 $0x18E20;
	s31 =	sadd.s32 $0x30, s13;
	s0 =	simm.s32 $0x440  }
0x5c9: {  	[hbm4b:s31+s3] =	stream.linear.scatter [tilespmem:s30], [sflag:$0xA], $0x80, $0x38;
	[tilespmem:$0x1AE00] =	vst v63  }
0x5ca: {  	s12 =	sadd.s32 $0x40, s13;
	s1 =	sadd.s32 $0x1000, s13;
	s22 =	simm.s32 $0x18EA8  }
0x5cb: {  	[hbm4b:s12+s3] =	stream.linear.scatter [tilespmem:s6], [sflag:$0xA], $0x80, $0x38;
	[tilespmem:$0x1AE00] =	vst v63  }
0x5cc: {  	s23 =	sadd.s32 $0x50, s13;
	s30 =	simm.s32 $0x18F30;
	s31 =	sadd.s32 $0x60, s13  }
0x5cd: {  	[hbm4b:s23+s3] =	stream.linear.scatter [tilespmem:s22], [sflag:$0xA], $0x80, $0x38;
	[tilespmem:$0x1AE00] =	vst v63  }
0x5ce: {  	s6 =	simm.s32 $0x18FB8;
	s12 =	sadd.s32 $0x70, s13;
	s22 =	simm.s32 $0x2200  }
0x5cf: {  	[hbm4b:s31+s3] =	stream.linear.scatter [tilespmem:s30], [sflag:$0xA], $0x80, $0x38;
	[tilespmem:$0x1AE00] =	vst v63  }
.LBB2_64:
0x5d0: {  	[hbm4b:s12+s3] =	stream.linear.scatter [tilespmem:s6], [sflag:$0xA], $0x80, $0x38;
	[tilespmem:$0x1AE00] =	vst v63  }
0x5d1: {  	s6 =	smov.u32 s0;
	s0 =	smov.u32 s22  }
0x5d2: {  	s13 =	sadd.s32 $0x1100, s22;
	s0 =	sshra.s32 s0, $0x2;
	s12 =	sadd.s32 $0x18C00, s6  }
0x5d3: {  	[hbm4b:s1+s3] =	stream.linear.scatter [tilespmem:s12], [sflag:$0xA], $0x80, $0x38;
	[tilespmem:$0x1AE00] =	vst v63  }
0x5d4: {  	p0 =	sne.s32 s22, $0x7700;
	s22 =	sadd.s32 $0x10, s1;
	s12 =	sadd.s32 $0x18C88, s6  }
0x5d5: {  	[hbm4b:s22+s3] =	stream.linear.scatter [tilespmem:s12], [sflag:$0xA], $0x80, $0x38;
	[tilespmem:$0x1AE00] =	vst v63  }
0x5d6: {  	s12 =	sadd.s32 $0x18D10, s6;
	s22 =	sadd.s32 $0x20, s1  }
0x5d7: {  	[hbm4b:s22+s3] =	stream.linear.scatter [tilespmem:s12], [sflag:$0xA], $0x80, $0x38;
	[tilespmem:$0x1AE00] =	vst v63  }
0x5d8: {  	s12 =	sadd.s32 $0x18D98, s6;
	s22 =	sadd.s32 $0x30, s1  }
0x5d9: {  	[hbm4b:s22+s3] =	stream.linear.scatter [tilespmem:s12], [sflag:$0xA], $0x80, $0x38;
	[tilespmem:$0x1AE00] =	vst v63  }
0x5da: {  	s12 =	sadd.s32 $0x18E20, s6;
	s22 =	sadd.s32 $0x40, s1  }
0x5db: {  	[hbm4b:s22+s3] =	stream.linear.scatter [tilespmem:s12], [sflag:$0xA], $0x80, $0x38;
	[tilespmem:$0x1AE00] =	vst v63  }
.Ltmp31:
0x5dc: {  	s12 =	sadd.s32 $0x18EA8, s6;
	s22 =	sadd.s32 $0x50, s1;
	(pc) =	sbr.rel @p0 .LBB2_64-.Ltmp31, $4  }
0x5dd: {  	[hbm4b:s22+s3] =	stream.linear.scatter [tilespmem:s12], [sflag:$0xA], $0x80, $0x38;
	[tilespmem:$0x1AE00] =	vst v63  }
0x5de: {  	s12 =	sadd.s32 $0x18F30, s6;
	s22 =	sadd.s32 $0x60, s1;
	s6 =	sadd.s32 $0x18FB8, s6  }
0x5df: {  	[hbm4b:s22+s3] =	stream.linear.scatter [tilespmem:s12], [sflag:$0xA], $0x80, $0x38;
	[tilespmem:$0x1AE00] =	vst v63  }
0x5e0: {  	s12 =	sadd.s32 $0x70, s1;
	s1 =	sadd.s32 $0x1000, s1;
	s22 =	smov.u32 s13  }
0x5e1: {  	[hbm4b:s12+s3] =	stream.linear.scatter [tilespmem:s6], [sflag:$0xA], $0x80, $0x38;
	[tilespmem:$0x1AE00] =	vst v63  }
0x5e2: {  	s13 =	sadd.s32 $0x18C00, s0  }
0x5e3: {  	[hbm4b:s1+s3] =	stream.linear.scatter [tilespmem:s13], [sflag:$0xA], $0x80, $0x38;
	[tilespmem:$0x1AE00] =	vst v63  }
0x5e4: {  	s22 =	sadd.s32 $0x18C88, s0;
	s23 =	sadd.s32 $0x10, s1  }
0x5e5: {  	[hbm4b:s23+s3] =	stream.linear.scatter [tilespmem:s22], [sflag:$0xA], $0x80, $0x38;
	[tilespmem:$0x1AE00] =	vst v63  }
0x5e6: {  	s30 =	sadd.s32 $0x18D10, s0;
	s31 =	sadd.s32 $0x20, s1  }
0x5e7: {  	[hbm4b:s31+s3] =	stream.linear.scatter [tilespmem:s30], [sflag:$0xA], $0x80, $0x38;
	[tilespmem:$0x1AE00] =	vst v63  }
0x5e8: {  	s12 =	sadd.s32 $0x18D98, s0;
	s13 =	sadd.s32 $0x30, s1  }
0x5e9: {  	[hbm4b:s13+s3] =	stream.linear.scatter [tilespmem:s12], [sflag:$0xA], $0x80, $0x38;
	[tilespmem:$0x1AE00] =	vst v63  }
0x5ea: {  	s22 =	sadd.s32 $0x18E20, s0;
	s23 =	sadd.s32 $0x40, s1  }
0x5eb: {  	[hbm4b:s23+s3] =	stream.linear.scatter [tilespmem:s22], [sflag:$0xA], $0x80, $0x38;
	[tilespmem:$0x1AE00] =	vst v63  }
0x5ec: {  	s30 =	sadd.s32 $0x18EA8, s0;
	s31 =	sadd.s32 $0x50, s1  }
0x5ed: {  	[hbm4b:s31+s3] =	stream.linear.scatter [tilespmem:s30], [sflag:$0xA], $0x80, $0x38;
	[tilespmem:$0x1AE00] =	vst v63  }
0x5ee: {  	s12 =	sadd.s32 $0x18F30, s0;
	s13 =	sadd.s32 $0x60, s1  }
0x5ef: {  	[hbm4b:s13+s3] =	stream.linear.scatter [tilespmem:s12], [sflag:$0xA], $0x80, $0x38;
	[tilespmem:$0x1AE00] =	vst v63  }
0x5f0: {  	s22 =	sadd.s32 $0x18FB8, s0;
	s23 =	sadd.s32 $0x70, s1  }
0x5f1: {  	[hbm4b:s23+s3] =	stream.linear.scatter [tilespmem:s22], [sflag:$0xA], $0x80, $0x38;
	[tilespmem:$0x1AE00] =	vst v63  }
0x5f2: {  	_ =	swait.ge [sflag:s20], $0x2000  }
0x5f3: {  	[sflag:s20] =	ssyncset.done $0x0  }
0x5f4: {  	[sflag:s20] =	ssyncadd.s32 $0xFFFFE000  }
0x5f5: {  	_ =	swait.ge [sflag:s5], $0x2000  }
0x5f6: {  	[sflag:s5] =	ssyncset.done $0x0  }
0x5f7: {  	[sflag:s5] =	ssyncadd.s32 $0xFFFFE000  }
0x5f8: {  	_ =	swait.ge [sflag:s26], $0x2000  }
0x5f9: {  	[sflag:s26] =	ssyncset.done $0x0  }
0x5fa: {  	[sflag:s26] =	ssyncadd.s32 $0xFFFFE000  }
0x5fb: {  	_ =	swait.ge [sflag:s28], $0x2000  }
0x5fc: {  	[sflag:s28] =	ssyncset.done $0x0  }
0x5fd: {  	[sflag:s28] =	ssyncadd.s32 $0xFFFFE000  }
0x5fe: {  	_ =	swait.ge [sflag:s29], $0x2000  }
0x5ff: {  	s30 =	rddreg [dreg:$0x11]  }
0x600: {  	s31 =	rddreg [dreg:$0x10];
	s1 =	sadd.s32 $0x1, s30  }
0x601: {  	p0 =	sne.s32 s1, s31  }
.Ltmp32:
0x602: {  	_ = 	snop;
	(pc) =	sbr.rel @p0 .LBB2_1-.Ltmp32, $3  }
0x603: {  	_ =	sdelay $0x1  }
0x604: {  	[sflag:s29] =	ssyncset.done $0x0  }
0x605: {  	s12 =	simm.s32 $0x80;
	[sflag:s29] =	ssyncadd.s32 $0xFFFFE000  }
0x606: {  	_ =	sfence.sel $0x180000  }
0x607: {  	[bflag:$0x0] =	sbarrier.arrive $0xFFFF  }
0x608: {  	_ =	strace $0x9000004A  }
0x609: {  	s0 =	stileid.u32;
	[bflag:$0x2] =	sbarrier.arrive $0xFFFF  }
0x60a: {  	p0 =	sne.s32 s0, $0x0;
	s0 =	rddreg [dreg:$0x2]  }
0x60b: {  	s0 =	sadd.s32 @!p0 $0x100000, s0  }
0x60c: {  	[sflag:s0] =	ssyncadd.tile.s32 @!p0 $0x1;
	_ =	shalt  }
.Lfunc_end2:
_tile_overlayer_lowered:
.L_overlay_start_2:
0x60d: {  	(tag) =	ssettag $0x2  }
0x60e: {  	s0 =	rddreg [dreg:$0x0];
	s2 =	stileid.u32  }
0x60f: {  	s1 =	rddreg [dreg:$0x1];
	p0 =	sne.s32 s2, $0x0  }
0x610: {  	s3 =	rddreg [dreg:$0x2];
	[bflag:$0x3] =	sbarrier.arrive $0xFFFF;
	s2 =	simm.s32 @!p0 $0x1C0B  }
0x611: {  	[timem:s3], [sflag:s2] =	dma.local @!p0 [hbm:s0], s1  }
0x612: {  	s0 =	simm.s32 @!p0 $0xB  }
0x613: {  	_ =	swait.ge @!p0 [sflag:s0], s1  }
0x614: {  	s1 =	ssub.s32 @!p0 $0x0, s1;
	[sflag:s0] =	ssyncset.done @!p0 $0x0  }
0x615: {  	[sflag:s0] =	ssyncadd.s32 @!p0 s1  }
0x616: {  	[bflag:$0x3] =	sbarrier.arrive $0xFFFF  }
0x617: {  	_ =	shalt  }

// kernel: sparse-core-data-format-call.cloned.1.call-start
scs
called_computation_lowered:
.L_overlay_start_0:
0x0: {  	s2 =	sld [smem:$0x3FD9]  }
0x1: {  	s3 =	sld [smem:$0x3FFE];
	_ =	sdelay $0x1  }
0x2: {  	s1 =	srdreg.scid  }
0x3: {  	s0 =	sand.u32 $0x1, s1  }
0x4: {  	s18 =	sshll.u32 s0, $0xA;
	s2 =	sadd.s32 s3, s2  }
0x5: {  	s2 =	sadd.s32 s2, s18  }
0x6: {  	[smem:$0x3FC6] =	sst s2  }
0x7: {  	_ = 	snop  }
0x8: {  	s2 =	sld [smem:$0x3FC8];
	(tm) =	ssettm $0x1  }
0x9: {  	s19 =	sld [smem:$0x3FFB];
	_ =	sdelay $0x3  }
0xa: {  	_ =	strace s19  }
0xb: {  	s3 =	sld [smem:$0x3FFC];
	_ =	sdelay $0x3  }
0xc: {  	_ =	strace s3  }
0xd: {  	s3 =	sld [smem:$0x3FFD];
	_ =	sdelay $0x3  }
0xe: {  	_ =	strace s3  }
0xf: {  	_ =	strace $0x8FFFFFFF  }
0x10: {  	s20 =	sld [smem:$0x3FDB];
	_ =	sdelay $0x1  }
0x11: {  	s4 =	simm.s32 $_scs_section_size  }
0x12: {  	s5 =	simm.s32 $_size__tile_overlayer_lowered;
	s6 =	simm.s32 $_tile_overlayer_lowered  }
0x13: {  	s23 =	simm.s32 $0x1BFF;
	s22 =	sshll.u32 s6, $0x1;
	s3 =	sadd.s32 s4, s20  }
0x14: {  	s7 =	simm.s32 $0x0;
	s21 =	sshll.u32 s5, $0x1;
	s5 =	sadd.s32 s22, s3  }
0x15: {  	[timem:s7], [sflag:s23] =	dma.local [hbm:s5], s21  }
0x16: {  	_ =	swait.ge [sflag:s23], s21  }
0x17: {  	s4 =	ssub.s32 $0x0, s21;
	[sflag:s23] =	ssyncset.done $0x0  }
0x18: {  	[sflag:s23] =	ssyncadd.s32 s4;
	_ =	sdelay $0x1  }
0x19: {  	s24 =	simm.s32 $0x1B8B  }
0x1a: {  	_ =	swait.ge [sflag:s24], $0x1  }
0x1b: {  	[sflag:s24] =	ssyncset.done $0x0  }
0x1c: {  	s26 =	simm.s32 $0x1B8E;
	s25 =	sld [smem:$0x3FFE];
	[sflag:s24] =	ssyncadd.s32 $0xFFFFFFFF  }
0x1d: {  	s27 =	simm.s32 $execute0_lowered;
	[smem:$0x3FD2] =	sst s26  }
0x1e: {  	s5 =	sshll.u32 s27, $0x1;
	_ =	strace $0x80000046;
	[dreg:$0x1] =	wrdreg $0xFFFFFFFF  }
0x1f: {  	s28 =	simm.s32 $_size_execute0_lowered;
	s3 =	sadd.s32 s3, s5;
	[dreg:$0x0] =	wrdreg $0x0  }
0x20: {  	s5 =	sshll.u32 s28, $0x1;
	[dreg:$0x2] =	wrdreg s3  }
0x21: {  	[dreg:$0x3] =	wrdreg s5  }
0x22: {  	[dreg:$0x4] =	wrdreg $0xC0  }
0x23: {  	_ =	task [dreg:s7], $0x5FFFF  }
0x24: {  	[dreg:$0x1] =	wrdreg $0xFFFFFFFF  }
0x25: {  	[dreg:$0x0] =	wrdreg $0x60  }
0x26: {  	[dreg:$0x2] =	wrdreg s2  }
0x27: {  	[dreg:$0x3] =	wrdreg s25  }
0x28: {  	[dreg:$0x4] =	wrdreg $0x9  }
0x29: {  	_ =	task.clear_ibuf [dreg:s7], $0x5FFFF;
	_ =	strace $0x90000046  }
0x2a: {  	s29 =	simm.s32 $0x9;
	_ =	strace $0x80000048  }
0x2b: {  	_ =	swait.ge [sflag:s29], $0x1  }
0x2c: {  	[sflag:s29] =	ssyncadd.s32 $0xFFFFFFFF  }
0x2d: {  	_ =	strace $0x90000048  }
0x2e: {  	_ =	sfence  }
0x2f: {  	s30 =	sld [smem:$0x0];
	_ =	sdelay $0x2  }
0x30: {  	s31 =	sshll.u32 s1, $0xD;
	s1 =	sshrl.u32 s1, $0x2  }
0x31: {  	s3 =	sand.u32 $0x4000, s31;
	s1 =	sadd.s32 s1, s30  }
0x32: {  	s0 =	sor.u32 s3, s0;
	s1 =	sshll.u32 s1, $0x11  }
0x33: {  	s0 =	sor.u32 s1, s0  }
0x34: {  	s0 =	sadd.s32 $0x8F2B, s0  }
0x35: {  	[sflag:s0] =	ssyncadd.remote.s32 $0x1  }
0x36: {  	_ =	sfence.sel $0xFFFF  }
0x37: {  	[dreg:$0x0] =	wrdreg $0xFFFFFFFF;
	(pc) =	sbr.abs _section_cstart, $3  }
0x38: {  	[dreg:$0x1] =	wrdreg $0xFFFFFFFF  }
0x39: {  	_ =	task.clear_ibuf [dreg:s7], $0x2FFFF;
	_ =	strace $0x9FFFFFFF  }
0x3a: {  	(tm) =	ssettm $0x7FFFFFFF  }
0x3b: {  	_ =	shalt  }
tec
execute0_lowered:
.L_overlay_start_1:
0x0: {  	(tag) =	ssettag $0x1  }
0x1: {  	s0 =	srdreg.scid;
	s2 =	rddreg [dreg:$0x0]  }
0x2: {  	s5 =	rddreg [dreg:$0x1];
	s1 =	stileid.u32  }
0x3: {  	s4 =	simm.s32 $0x1;
	s6 =	simm.s32 $0x2;
	s15 =	simm.s32 $0x0  }
0x4: {  	p0 =	por $0x0, $0x0;
	s8 =	simm.s32 $0x80;
	s0 =	sshll.u32 s0, $0x4  }
0x5: {  	s14 =	simm.s32 $0x0;
	s9 =	simm.s32 $0x0;
	s3 =	sand.u32 $0x10, s0  }
.Ltmp0:
0x6: {  	s10 =	simm.s32 $0x0;
	s3 =	sor.u32 s1, s3;
	(pc) =	sbr.rel .LBB1_1-.Ltmp0, $4  }
0x7: {  	s0 =	rddreg [dreg:$0x2];
	_ =	strace $0x80000047;
	s3 =	sshll.u32 s3, $0x7  }
0x8: {  	s12 =	simm.s32 $0x0;
	[sflag:s4] =	ssyncpa.u1 $0x0;
	s7 =	ssub.s32 $0xF4200, s3  }
0x9: {  	s13 =	simm.s32 $0x0;
	[sflag:s6] =	ssyncpa.u1 $0x0;
	s6 =	sshrl.u32 s7, $0xC  }
0xa: {  	s5 =	sadd.s32 $0xA00, s5;
	s11 =	smov.u32 s3;
	s7 =	sadd.s32 $0x2, s6  }
.LBB1_5:
0xb: {  	p1 =	slt.u32 s13, $0x2  }
0xc: {  	s17 =	smov.u32 s15;
	p2 =	sgt.s32 @!p1 s15, $0xF41C0;
	s16 =	sshra.s32 @!p1 s15, $0x1F  }
0xd: {  	p3 =	sgt.s32 @!p1 s14, $0x40;
	s18 =	sshra.s32 @!p1 s14, $0x1F;
	p2 =	por !p2, p1  }
0xe: {  	s15 =	sand.u32 @!p1 s16, s15;
	p3 =	por !p3, p1;
	s16 =	smov.u32 s14  }
0xf: {  	s14 =	sand.u32 @!p1 s18, s14;
	s17 =	simm.s32 @p2 $0xF41C0;
	s16 =	simm.s32 @p3 $0x40  }
0x10: {  	s15 =	ssub.s32 @!p1 s17, s15;
	s14 =	ssub.s32 @!p1 s16, s14  }
0x11: {  	s18 =	smov.u32 s12;
	s16 =	sadd.s32 @!p1 $0xFFF0BE40, s15;
	s17 =	sadd.s32 @!p1 $0xFFFFFFC0, s14  }
0x12: {  	s15 =	ssub.s32 @!p1 $0xF4240, s15;
	p2 =	sgt.s32 @!p1 s16, $0x7F;
	p3 =	sgt.s32 @!p1 s17, $0x3F  }
0x13: {  	s14 =	ssub.s32 @!p1 $0x80, s14;
	p2 =	por !p2, p1;
	p3 =	por !p3, p1  }
0x14: {  	s16 =	sadd.s32 $0x1000, s11;
	s15 =	simm.s32 @!p2 $0x0;
	s14 =	simm.s32 @!p3 $0x0  }
0x15: {  	p2 =	sgt.s32 s16, $0xF423F;
	s14 =	smul.u32 @!p1 s14, s15;
	s15 =	sadd.s32 $0x40, s12  }
0x16: {  	s18 =	smov.u32 @p2 s15  }
0x17: {  	s16 =	smov.u32 @p2 s3;
	p2 =	sgt.s32 s18, $0x3F  }
0x18: {  	s18 =	simm.s32 @p2 $0x0;
	p2 =	sne.s32 s13, s7  }
.Ltmp1:
0x19: {  	p0 =	por !p0, !p0;
	s17 =	simm.s32 @!p1 $0x2;
	(pc) =	sbr.rel @!p2 .LBB1_6-.Ltmp1, $4  }
0x1a: {  	s15 =	smov.u32 s9;
	s9 =	smov.u32 s11;
	s14 =	sand.u32 @!p1 $0x3FFFFFFF, s14  }
0x1b: {  	s11 =	smov.u32 s16;
	_ =	swait.ge @!p1 [sflag:s17], s14;
	s19 =	ssub.s32 @!p1 $0x0, s14  }
0x1c: {  	s14 =	smov.u32 s10;
	s13 =	sadd.s32 $0x1, s13;
	[sflag:s17] =	ssyncset.done @!p1 $0x0  }
0x1d: {  	s10 =	smov.u32 s12;
	s12 =	smov.u32 s18;
	[sflag:s17] =	ssyncadd.s32 @!p1 s19  }
.LBB1_1:
0x1e: {  	p1 =	sgt.u32 s13, s6  }
0x1f: {  	s16 =	sshrl.u32 @!p1 s12, $0x3  }
0x20: {  	s17 =	sshll.u32 @!p1 s11, $0x3;
	s16 =	smul.u32 @!p1 $0x7A1400, s16  }
0x21: {  	s18 =	sshll.u32 @!p1 s12, $0x7;
	s17 =	sand.u32 @!p1 $0xFFFFFC00, s17  }
0x22: {  	s16 =	sadd.s32 @!p1 s16, s17;
	s17 =	sand.u32 @!p1 $0x380, s18  }
0x23: {  	s18 =	sand.u32 @!p1 $0x7F, s11;
	s16 =	sor.u32 @!p1 s17, s16  }
0x24: {  	s17 =	sor.u32 @!p1 s18, s16  }
0x25: {  	s18 =	smulhi.u32 @!p1 $0x218D6287, s17;
	_ =	sdelay $0x1  }
0x26: {  	s16 =	smulhi.u32 @!p1 $0x218D6287, s16;
	s18 =	sshrl.u32 @!p1 s18, $0x11  }
0x27: {  	s18 =	smul.u32 @!p1 $0xF4280, s18  }
0x28: {  	s19 =	sxor.u32 @!p1 $0xFFFFFFFF, s13;
	s16 =	sshrl.u32 @!p1 s16, $0x11  }
0x29: {  	s19 =	sshll.u32 @!p1 s19, $0xD;
	s16 =	sand.u32 @!p1 $0x3F, s16;
	s17 =	ssub.s32 @!p1 s17, s18  }
0x2a: {  	s16 =	smul.u32 @!p1 $0x1E850, s16;
	s18 =	sshrl.u32 @!p1 s17, $0x3;
	s17 =	sand.u32 @!p1 $0x7, s17  }
0x2b: {  	s19 =	sand.u32 @!p1 $0x2000, s19;
	s18 =	sadd.s32 @!p1 s2, s18;
	s17 =	sshll.u32 @!p1 s17, $0x12  }
0x2c: {  	s16 =	sadd.s32 @!p1 s16, s18;
	s17 =	sor.u32 @!p1 $0x400, s17;
	s18 =	simm.s32 @!p1 $0x7A1400  }
0x2d: {  	[tilespmem:s19], [sflag:$0x1] =	stream.strided.gather @!p1 [hbm4b:s16+s17], $0x2000, s18, s17, $0x38;
	[tilespmem:$0x8100] =	vst v63  }
0x2e: {  	p1 =	seq.s32 s13, $0x0  }
0x2f: {  	p2 =	sge.u32 @!p1 s13, s7  }
0x30: {  	p1 =	por p1, p2  }
.Ltmp2:
0x31: {  	_ = 	snop;
	(pc) =	sbr.rel @p1 .LBB1_5-.Ltmp2, $1  }
0x32: {  	_ =	sdelay $0x3  }
0x33: {  	s16 =	simm.s32 $0x1  }
0x34: {  	_ =	swait.ge [sflag:s4], $0x2000;
	s16 =	simm.s32 @!p0 $0x0  }
0x35: {  	[sflag:s4] =	ssyncset.done $0x0;
	s17 =	sshll.u32 s16, $0xD  }
0x36: {  	[sflag:s4] =	ssyncadd.s32 $0xFFFFE000;
	s17 =	sor.u32 $0x40, s17  }
0x37: {  	s16 =	smul.u32 $0x8200, s16;
	v0 =	vld [tilespmem:s17+$0x30]  }
0x38: {  	v1 =	vld [tilespmem:s17+$0xFFFFFFD0]  }
0x39: {  	s16 =	sshrl.u32 s16, $0x2;
	v5 =	vld [tilespmem:s17+$0xFFFFFFE0]  }
0x3a: {  	v6 =	vld [tilespmem:s17+$0xFFFFFFF0];
	s19 =	sor.u32 $0x4000, s16  }
0x3b: {  	s31 =	sand.u32 $0x1, s13;
	v4 =	vld [tilespmem:s17+$0x0];
	s18 =	sadd.s32 $0x0, s19  }
0x3c: {  	v3 =	vld [tilespmem:s17+$0x10];
	s16 =	smul.u32 $0x8200, s31;
	[tilespmem:s18+$0x1C70 ss:$0x41] =	vst.msk $0xffff, v0  }
0x3d: {  	v2 =	vld [tilespmem:s17+$0x20];
	[tilespmem:s18+$0x410 ss:$0x41] =	vst.msk $0xffff, v1  }
0x3e: {  	s16 =	sshrl.u32 s16, $0x2;
	v1 =	vld [tilespmem:s17+$0xFFFFFFC0];
	[tilespmem:s18+$0x820 ss:$0x41] =	vst.msk $0xffff, v5;
	s17 =	sadd.s32 $0x80, s17  }
0x3f: {  	s20 =	simm.s32 $0x4;
	s21 =	simm.s32 $0x8;
	s16 =	sor.u32 $0x4000, s16;
	[tilespmem:s18+$0xC30 ss:$0x41] =	vst.msk $0xffff, v6;
	v0 =	vld [tilespmem:s17+$0x30]  }
.LBB1_3:
0x40: {  	p1 =	sne.s32 s21, $0xFC;
	v5 =	vld [tilespmem:s17+$0xFFFFFFD0];
	[tilespmem:s18+$0x1040 ss:$0x41] =	vst.msk $0xffff, v4  }
0x41: {  	v6 =	vld [tilespmem:s17+$0xFFFFFFE0];
	[tilespmem:s18+$0x1450 ss:$0x41] =	vst.msk $0xffff, v3  }
0x42: {  	s22 =	sshra.s32 s20, $0x2;
	s20 =	smov.u32 s21;
	v7 =	vld [tilespmem:s17+$0xFFFFFFF0];
	[tilespmem:s18+$0x1860 ss:$0x41] =	vst.msk $0xffff, v2  }
.Ltmp3:
0x43: {  	v4 =	vld [tilespmem:s17+$0x0];
	[tilespmem:s18+$0x0 ss:$0x41] =	vst.msk $0xffff, v1;
	s18 =	sadd.s32 s22, s19;
	(pc) =	sbr.rel @p1 .LBB1_3-.Ltmp3, $4  }
0x44: {  	v3 =	vld [tilespmem:s17+$0x10];
	[tilespmem:s18+$0x1C70 ss:$0x41] =	vst.msk $0xffff, v0  }
0x45: {  	[tilespmem:s18+$0x410 ss:$0x41] =	vst.msk $0xffff, v5;
	v2 =	vld [tilespmem:s17+$0x20]  }
0x46: {  	v1 =	vld [tilespmem:s17+$0xFFFFFFC0];
	[tilespmem:s18+$0x820 ss:$0x41] =	vst.msk $0xffff, v6;
	s17 =	sadd.s32 $0x80, s17  }
0x47: {  	s21 =	sadd.s32 $0x4, s21;
	v0 =	vld [tilespmem:s17+$0x30];
	[tilespmem:s18+$0xC30 ss:$0x41] =	vst.msk $0xffff, v7  }
0x48: {  	s21 =	sshll.u32 s9, $0x7;
	s22 =	sshll.u32 s10, $0x3;
	s20 =	sshra.s32 s20, $0x2  }
0x49: {  	p1 =	sgt.s32 s9, $0xF41C0;
	s30 =	sshra.s32 s9, $0x1F;
	s25 =	sshra.s32 s10, $0x1F  }
0x4a: {  	v5 =	vld [tilespmem:s17+$0xFFFFFFD0];
	s28 =	sshrl.u32 s10, $0x3;
	s23 =	sand.u32 $0xFFFFFC00, s21;
	s22 =	sand.u32 $0xFFFFFC00, s22  }
0x4b: {  	[tilespmem:s18+$0x1040 ss:$0x41] =	vst.msk $0xffff, v4;
	v58 =	vld [tilespmem:s17+$0xFFFFFFE0];
	s21 =	sand.u32 $0x380, s21;
	s19 =	sadd.s32 s20, s19;
	s22 =	sadd.s32 s22, s23  }
0x4c: {  	v59 =	vld [tilespmem:s17+$0xFFFFFFF0];
	[tilespmem:s18+$0x1450 ss:$0x41] =	vst.msk $0xffff, v3;
	s29 =	sor.u32 s21, s22;
	s21 =	smov.u32 s9;
	s22 =	sand.u32 s30, s9  }
0x4d: {  	v60 =	vld [tilespmem:s17+$0x0];
	[tilespmem:s18+$0x1860 ss:$0x41] =	vst.msk $0xffff, v2;
	s30 =	sand.u32 $0x7, s10;
	s20 =	sshrl.u32 s29, $0x7;
	s21 =	simm.s32 @!p1 $0xF41C0  }
0x4e: {  	v61 =	vld [tilespmem:s17+$0x10];
	[tilespmem:s18+$0x0 ss:$0x41] =	vst.msk $0xffff, v1;
	p1 =	sgt.s32 s10, $0x40;
	s24 =	ssub.s32 s21, s22;
	s21 =	smov.u32 s10  }
0x4f: {  	v62 =	vld [tilespmem:s17+$0x20];
	[tilespmem:s19+$0x1C70 ss:$0x41] =	vst.msk $0xffff, v0;
	s31 =	smulhi.u32 $0x218DEF5, s20;
	s22 =	sand.u32 s25, s10;
	s21 =	simm.s32 @!p1 $0x40  }
0x50: {  	v63 =	vld [tilespmem:s17+$0xFFFFFFC0];
	[tilespmem:s19+$0x410 ss:$0x41] =	vst.msk $0xffff, v5;
	s26 =	sadd.s32 $0xFFF0BE40, s24;
	s17 =	ssub.s32 $0xF4240, s24;
	s21 =	ssub.s32 s21, s22  }
0x51: {  	[tilespmem:s19+$0x820 ss:$0x41] =	vst.msk $0xffff, v58;
	s23 =	sshrl.u32 s31, $0xD;
	p1 =	sgt.s32 s26, $0x7F;
	s27 =	sadd.s32 $0xFFFFFFC0, s21  }
0x52: {  	[tilespmem:s19+$0xC30 ss:$0x41] =	vst.msk $0xffff, v59;
	s23 =	smul.u32 $0xF4240, s23;
	s18 =	ssub.s32 $0x80, s21;
	p2 =	sgt.s32 s27, $0x3F  }
.Ltmp4:
0x53: {  	[tilespmem:s19+$0x1040 ss:$0x41] =	vst.msk $0xffff, v60;
	s17 =	simm.s32 @p1 $0x0;
	s18 =	simm.s32 @p2 $0x0;
	(pc) =	sbr.rel .LBB1_5-.Ltmp4, $4  }
0x54: {  	s29 =	sand.u32 $0xF, s28;
	[tilespmem:s19+$0x1450 ss:$0x41] =	vst.msk $0xffff, v61;
	s20 =	ssub.s32 s20, s23;
	s17 =	smul.u32 s18, s17  }
0x55: {  	[tilespmem:s19+$0x1860 ss:$0x41] =	vst.msk $0xffff, v62;
	s21 =	sshll.u32 s30, $0x12;
	s20 =	sshll.u32 s20, $0x4;
	s18 =	sadd.s32 s5, s29  }
0x56: {  	[tilespmem:s19+$0x0 ss:$0x41] =	vst.msk $0xffff, v63;
	s31 =	sor.u32 $0x40, s21;
	s18 =	sadd.s32 s20, s18;
	s17 =	sand.u32 $0x3FFFFFFF, s17  }
0x57: {  	[hbm4b:s18+s31] =	stream.strided.scatter [tilespmem:s16], [sflag:$0x2], s17, s8, s31, $0x18;
	[tilespmem:$0x8100] =	vst v63  }
.LBB1_6:
0x58: {  	_ =	sfence.sel $0x180000  }
0x59: {  	s2 =	simm.s32 $0x1;
	[bflag:$0x0] =	sbarrier.arrive $0xFFFF  }
0x5a: {  	s31 =	simm.s32 $0x2;
	[sflag:s2] =	ssyncpa.u1 $0x1  }
0x5b: {  	[sflag:s31] =	ssyncpa.u1 $0x1  }
0x5c: {  	p0 =	sne.s32 s1, $0x0;
	_ =	strace $0x90000047  }
0x5d: {  	s0 =	sadd.s32 @!p0 $0x100000, s0;
	[bflag:$0x2] =	sbarrier.arrive $0xFFFF  }
0x5e: {  	[sflag:s0] =	ssyncadd.tile.s32 @!p0 $0x1;
	_ =	shalt  }
.Lfunc_end1:
_tile_overlayer_lowered:
.L_overlay_start_2:
0x5f: {  	(tag) =	ssettag $0x2  }
0x60: {  	s0 =	rddreg [dreg:$0x0];
	s2 =	stileid.u32  }
0x61: {  	s1 =	rddreg [dreg:$0x1];
	p0 =	sne.s32 s2, $0x0  }
0x62: {  	s3 =	rddreg [dreg:$0x2];
	[bflag:$0x3] =	sbarrier.arrive $0xFFFF;
	s2 =	simm.s32 @!p0 $0x1C01  }
0x63: {  	[timem:s3], [sflag:s2] =	dma.local @!p0 [hbm:s0], s1  }
0x64: {  	s0 =	simm.s32 @!p0 $0x1  }
0x65: {  	_ =	swait.ge @!p0 [sflag:s0], s1  }
0x66: {  	s1 =	ssub.s32 @!p0 $0x0, s1;
	[sflag:s0] =	ssyncset.done @!p0 $0x0  }
0x67: {  	[sflag:s0] =	ssyncadd.s32 @!p0 s1  }
0x68: {  	[bflag:$0x3] =	sbarrier.arrive $0xFFFF  }
0x69: {  	_ =	shalt  }

</sc_bundles>
